<compile_context>
chip_gen: v7x
topology: tpu7x:2x2x1
jax: 0.10.2.dev20260603
libtpu: 0.0.44.dev20260713+nightly
codegen_flags: <defaults>
</compile_context>

<pallas_src>
import functools

import jax
import jax.numpy as jnp
from jax import lax
from jax.experimental import pallas as pl
from jax.experimental.pallas import tpu as pltpu
from jax.experimental.pallas import tpu_sc as plsc

N = 10000
D = 128
DH = D // 2
W1 = 96
W2 = 16
HID = 200
E = 320000
F32 = jnp.float32
BF16 = jnp.bfloat16

NP = 10240
C = 128
NC, NS = 2, 16
NW = NC * NS
EP = 327680
NCHUNK = EP // C
CH1 = NCHUNK // NS
CH2 = NCHUNK // NW
RPT = NP // NS
ZB = RPT // C
NSLOT = 5

_mesh = plsc.VectorSubcoreMesh(core_axis_name="c", subcore_axis_name="s")


def _ring(nchunks, ec, chunk0, table, accs, epair, rows, isem, gsem, ssem):
    def idx(ci, b):
        pltpu.async_copy(ec.at[chunk0 + ci], epair[b], isem[b])

    def gather(ci, b):
        pltpu.make_async_copy(ec.at[chunk0 + ci], epair[b], isem[b]).wait()
        pltpu.async_copy(table.at[epair[b].at[0]], rows[b], gsem[b])

    def drain_scatter(b):
        acc = accs[b % len(accs)]
        pltpu.make_async_copy(rows[b], acc.at[epair[b].at[1]], ssem[b]).wait()

    def visit(k, j, drain):
        b = j % NSLOT
        acc = accs[b % len(accs)]
        pltpu.make_async_copy(table.at[epair[b].at[0]], rows[b], gsem[b]).wait()
        pltpu.async_copy(rows[b], acc.at[epair[b].at[1]], ssem[b], add=True)
        if not isinstance(k, int) or k + 3 < nchunks:
            if drain:
                drain_scatter((j + 3) % NSLOT)
            idx(k + 3, (j + 3) % NSLOT)
        if not isinstance(k, int) or k + 2 < nchunks:
            gather(k + 2, (j + 2) % NSLOT)

    for k in range(NSLOT):
        visit(k, k, k >= 2)

    @pl.loop(NSLOT, nchunks - NSLOT, step=NSLOT)
    def _(k0):
        for j in range(NSLOT):
            visit(k0 + j, j, True)

    for k in range(nchunks - NSLOT, nchunks):
        visit(k, k % NSLOT, k + 3 < nchunks)
    for b in range(NSLOT):
        drain_scatter(b)


def _prologue(ec, chunk0, table, zrows, accs, r0, epair, rows, isem, gsem):
    for j in range(3):
        pltpu.async_copy(ec.at[chunk0 + j], epair[j], isem[j])
    pltpu.sync_copy(zrows, rows[0])

    for acc in accs:
        @pl.loop(0, ZB)
        def _(j, acc=acc):
            pltpu.sync_copy(rows[0], acc.at[pl.ds(r0 + j * C, C), :])

    for j in range(2):
        pltpu.make_async_copy(ec.at[chunk0 + j], epair[j], isem[j]).wait()
        pltpu.async_copy(table.at[epair[j].at[0]], rows[j], gsem[j])


@functools.partial(
    pl.kernel,
    out_type=[jax.ShapeDtypeStruct((NP, W1), BF16),
              jax.ShapeDtypeStruct((NP, W1), BF16),
              jax.ShapeDtypeStruct((NP, W1), BF16),
              jax.ShapeDtypeStruct((NP, W1), BF16)],
    mesh=_mesh,
    compiler_params=pltpu.CompilerParams(use_tc_tiling_on_sc=False),
    scratch_types=[[pltpu.VMEM((2, C), jnp.int32)] * NSLOT,
                   [pltpu.VMEM((C, W1), BF16)] * NSLOT,
                   pltpu.VMEM_SHARED((NP, W1), BF16),
                   pltpu.VMEM_SHARED((NP, W1), BF16),
                   [pltpu.SemaphoreType.DMA] * NSLOT,
                   [pltpu.SemaphoreType.DMA] * NSLOT,
                   [pltpu.SemaphoreType.DMA] * NSLOT])
def _sc_l1(xcat, epairs, zrows,
           aggL0, aggL1, aggR0, aggR1,
           epair, rows, acc_a, acc_b, isem, gsem, ssem):
    c = lax.axis_index("c")
    s = lax.axis_index("s")
    r0 = s * RPT
    ec = epairs.at[c]
    chunk0 = s * CH1
    accs = (acc_a, acc_b)

    _prologue(ec, chunk0, xcat, zrows, accs, r0, epair, rows, isem, gsem)
    plsc.subcore_barrier()
    _ring(CH1, ec, chunk0, xcat, accs, epair, rows, isem, gsem, ssem)
    plsc.subcore_barrier()

    @pl.when(c == 0)
    def _():
        pltpu.sync_copy(acc_a.at[pl.ds(r0, RPT), :], aggL0.at[pl.ds(r0, RPT), :])
        pltpu.sync_copy(acc_b.at[pl.ds(r0, RPT), :], aggL1.at[pl.ds(r0, RPT), :])

    @pl.when(c == 1)
    def _():
        pltpu.sync_copy(acc_a.at[pl.ds(r0, RPT), :], aggR0.at[pl.ds(r0, RPT), :])
        pltpu.sync_copy(acc_b.at[pl.ds(r0, RPT), :], aggR1.at[pl.ds(r0, RPT), :])


@functools.partial(
    pl.kernel,
    out_type=[jax.ShapeDtypeStruct((NP, W2), F32),
              jax.ShapeDtypeStruct((NP, W2), F32)],
    mesh=_mesh,
    compiler_params=pltpu.CompilerParams(use_tc_tiling_on_sc=False),
    scratch_types=[[pltpu.VMEM((2, C), jnp.int32)] * NSLOT,
                   [pltpu.VMEM((C, W2), F32)] * NSLOT,
                   pltpu.VMEM_SHARED((NP, W2), F32),
                   [pltpu.SemaphoreType.DMA] * NSLOT,
                   [pltpu.SemaphoreType.DMA] * NSLOT,
                   [pltpu.SemaphoreType.DMA] * NSLOT])
def _sc_l2(z16, epairs, zrows,
           sumA, sumB,
           epair, rows, acc_s, isem, gsem, ssem):
    c = lax.axis_index("c")
    s = lax.axis_index("s")
    r0 = s * RPT
    ec = epairs.at[0]
    chunk0 = (c * NS + s) * CH2

    _prologue(ec, chunk0, z16, zrows, (acc_s,), r0, epair, rows, isem, gsem)
    plsc.subcore_barrier()
    _ring(CH2, ec, chunk0, z16, (acc_s,), epair, rows, isem, gsem, ssem)
    plsc.subcore_barrier()

    @pl.when(c == 0)
    def _():
        pltpu.sync_copy(acc_s.at[pl.ds(r0, RPT), :], sumA.at[pl.ds(r0, RPT), :])

    @pl.when(c == 1)
    def _():
        pltpu.sync_copy(acc_s.at[pl.ds(r0, RPT), :], sumB.at[pl.ds(r0, RPT), :])


BLK = 2048
_G = NP // BLK


def _tc1_body(aggL0, aggL1, aggR0, aggR1, xr, wl1tL, wl1tR, wr1t, bl1,
              wl2t, wr2t, bl2, z_out, r2b_out, inv_out):
    aggL = aggL0[...].astype(F32) + aggL1[...].astype(F32)
    aggR = aggR0[...].astype(F32) + aggR1[...].astype(F32)
    inv = 1.0 / jnp.maximum(aggL[..., DH:DH + 1], 1.0)
    aL = aggL[..., :DH] * inv
    aR = aggR[..., :DH] * inv
    h = (jnp.dot(aL, wl1tL[...], preferred_element_type=F32)
         + jnp.dot(aR, wl1tR[...], preferred_element_type=F32)
         + bl1[...]
         + jnp.dot(xr[...], wr1t[...], preferred_element_type=F32))
    h = jnp.maximum(h, 0.0)
    i = pl.program_id(0)
    rows = lax.broadcasted_iota(jnp.int32, (BLK, 1), 0) + i * BLK
    z = jnp.dot(h, wl2t[...], preferred_element_type=F32)
    z_out[...] = jnp.where(rows < N, z, 0.0)
    r2b_out[...] = jnp.dot(h, wr2t[...], preferred_element_type=F32) + bl2[...]
    inv_out[...] = inv


def _tc2_body(a2A, a2B, inv, r2b, out):
    m2 = (a2A[..., :2] + a2B[..., :2]) * inv[...]
    out[...] = jnp.maximum(m2 + r2b[...], 0.0)


def kernel(x, edge_index, Wl1, bl1, Wr1, Wl2, bl2, Wr2):
    xp = jnp.zeros((NP, D), F32).at[:N].set(x)
    xcat = (jnp.zeros((2 * NP, W1), BF16)
            .at[:NP, :DH].set(xp[:, :DH].astype(BF16))
            .at[NP:, :DH].set(xp[:, DH:].astype(BF16))
            .at[:, DH].set(1.0))
    src = jnp.concatenate([edge_index[0], jnp.zeros((EP - E,), jnp.int32)])
    dst = jnp.concatenate([edge_index[1], jnp.full((EP - E,), N, jnp.int32)])
    src3 = src.reshape(NCHUNK, C)
    dst3 = dst.reshape(NCHUNK, C)
    epairs = jnp.stack([jnp.stack([src3, dst3], axis=1),
                        jnp.stack([src3 + NP, dst3], axis=1)])
    zrows1 = jnp.zeros((C, W1), BF16)
    zrows2 = jnp.zeros((C, W2), F32)

    aggL0, aggL1, aggR0, aggR1 = _sc_l1(xcat, epairs, zrows1)

    wl1t = Wl1.T
    wl2t = jnp.zeros((HID, W2), F32).at[:, :2].set(Wl2.T)
    row_spec = lambda w: pl.BlockSpec((BLK, w), lambda i: (i, 0))
    full_spec = lambda a, b: pl.BlockSpec((a, b), lambda i: (0, 0))

    z16, r2b, inv = pl.pallas_call(
        _tc1_body,
        grid=(_G,),
        in_specs=[row_spec(W1), row_spec(W1), row_spec(W1), row_spec(W1),
                  row_spec(D),
                  full_spec(DH, HID), full_spec(DH, HID), full_spec(D, HID),
                  full_spec(1, HID), full_spec(HID, W2), full_spec(HID, 2),
                  full_spec(1, 2)],
        out_specs=[row_spec(W2), row_spec(2), row_spec(1)],
        out_shape=[jax.ShapeDtypeStruct((NP, W2), F32),
                   jax.ShapeDtypeStruct((NP, 2), F32),
                   jax.ShapeDtypeStruct((NP, 1), F32)],
    )(aggL0, aggL1, aggR0, aggR1, xp, wl1t[:DH], wl1t[DH:], Wr1.T,
      bl1.reshape(1, HID), wl2t, Wr2.T, bl2.reshape(1, 2))

    a2A, a2B = _sc_l2(z16, epairs, zrows2)

    out = pl.pallas_call(
        _tc2_body,
        grid=(_G,),
        in_specs=[row_spec(W2), row_spec(W2), row_spec(1), row_spec(2)],
        out_specs=row_spec(2),
        out_shape=jax.ShapeDtypeStruct((NP, 2), F32),
    )(a2A, a2B, inv, r2b)

    return out[:N]

# --- scband reference (transcript-rebuilt; emitter-appended) ---
"""Pipeline reference for scband-l2-sageconv-84859963834413 (READ-ONLY COPY).

The authoritative reference and input builder live on the scoring server;
editing this copy changes nothing except your own understanding.
"""

import jax, jax.numpy as jnp
import numpy as np

N = 10000
E = 320000
D_IN = 128
HID = 200  # MAX_CHANNELS(100) * out_channels(2)
D_OUT = 2


def setup_inputs(seed: int = 0) -> dict:
    key = jax.random.key(seed)
    ks = jax.random.split(key, 9)
    x = jax.random.normal(ks[0], (N, D_IN), dtype=jnp.float32)
    edge_index = jax.random.randint(ks[1], (2, E), 0, N, dtype=jnp.int32)
    # SAGEConv params: lin_l (neighbor aggregation, with bias), lin_r (root, no bias)
    Wl1 = jax.random.normal(ks[2], (HID, D_IN), dtype=jnp.float32) * (1.0 / np.sqrt(D_IN))
    bl1 = jnp.zeros((HID,), dtype=jnp.float32)
    Wr1 = jax.random.normal(ks[3], (HID, D_IN), dtype=jnp.float32) * (1.0 / np.sqrt(D_IN))
    Wl2 = jax.random.normal(ks[4], (D_OUT, HID), dtype=jnp.float32) * (1.0 / np.sqrt(HID))
    bl2 = jnp.zeros((D_OUT,), dtype=jnp.float32)
    Wr2 = jax.random.normal(ks[5], (D_OUT, HID), dtype=jnp.float32) * (1.0 / np.sqrt(HID))
    return {"x": x, "edge_index": edge_index, "Wl1": Wl1, "bl1": bl1, "Wr1": Wr1,
            "Wl2": Wl2, "bl2": bl2, "Wr2": Wr2}


def _sage_conv(x, edge_index, Wl, bl, Wr):
    # PyG SAGEConv with mean aggregation:
    # out = lin_l(mean_{j in N(i)} x_j) + lin_r(x_i)
    src = edge_index[0]
    dst = edge_index[1]
    msg = jnp.take(x, src, axis=0)              # gather  [E, d]
    agg = jax.ops.segment_sum(msg, dst, num_segments=N)  # scatter-add [N, d]
    deg = jax.ops.segment_sum(jnp.ones((E,), jnp.float32), dst, num_segments=N)
    agg = agg / jnp.clip(deg, 1.0)[:, None]     # mean
    return agg @ Wl.T + bl + x @ Wr.T


def reference(x, edge_index, Wl1, bl1, Wr1, Wl2, bl2, Wr2):
    h = jax.nn.relu(_sage_conv(x, edge_index, Wl1, bl1, Wr1))
    # Dropout(p=0.1) in eval mode == identity
    out = jax.nn.relu(_sage_conv(h, edge_index, Wl2, bl2, Wr2))
    return out

if __name__ == "__main__":
    import jax
    _d = setup_inputs()
    print(jax.jit(kernel)(*tuple(_d.values())))

</pallas_src>

<mosaic_0001>
#map = affine_map<(d0, d1) -> (0, 0)>
#map1 = affine_map<(d0, d1) -> (0, 0, 0, 0)>
module attributes {stable_mosaic.version = 14 : i64} {
  func.func @_sc_l1(%arg0: i32, %arg1: i32, %arg2: memref<20480x96xbf16, #tpu.memory_space<hbm>>, %arg3: memref<2x2560x2x128xi32, #tpu.memory_space<hbm>>, %arg4: memref<128x96xbf16, #tpu.memory_space<hbm>>, %arg5: memref<10240x96xbf16, #tpu.memory_space<hbm>>, %arg6: memref<10240x96xbf16, #tpu.memory_space<hbm>>, %arg7: memref<10240x96xbf16, #tpu.memory_space<hbm>>, %arg8: memref<10240x96xbf16, #tpu.memory_space<hbm>>, %arg9: memref<2x128xi32, #tpu.memory_space<vmem>>, %arg10: memref<2x128xi32, #tpu.memory_space<vmem>>, %arg11: memref<2x128xi32, #tpu.memory_space<vmem>>, %arg12: memref<2x128xi32, #tpu.memory_space<vmem>>, %arg13: memref<2x128xi32, #tpu.memory_space<vmem>>, %arg14: memref<128x96xbf16, #tpu.memory_space<vmem>>, %arg15: memref<128x96xbf16, #tpu.memory_space<vmem>>, %arg16: memref<128x96xbf16, #tpu.memory_space<vmem>>, %arg17: memref<128x96xbf16, #tpu.memory_space<vmem>>, %arg18: memref<128x96xbf16, #tpu.memory_space<vmem>>, %arg19: memref<10240x96xbf16, #tpu.memory_space<vmem_shared>>, %arg20: memref<10240x96xbf16, #tpu.memory_space<vmem_shared>>, %arg21: memref<!tpu.dma_semaphore, #tpu.memory_space<semaphore_mem>>, %arg22: memref<!tpu.dma_semaphore, #tpu.memory_space<semaphore_mem>>, %arg23: memref<!tpu.dma_semaphore, #tpu.memory_space<semaphore_mem>>, %arg24: memref<!tpu.dma_semaphore, #tpu.memory_space<semaphore_mem>>, %arg25: memref<!tpu.dma_semaphore, #tpu.memory_space<semaphore_mem>>, %arg26: memref<!tpu.dma_semaphore, #tpu.memory_space<semaphore_mem>>, %arg27: memref<!tpu.dma_semaphore, #tpu.memory_space<semaphore_mem>>, %arg28: memref<!tpu.dma_semaphore, #tpu.memory_space<semaphore_mem>>, %arg29: memref<!tpu.dma_semaphore, #tpu.memory_space<semaphore_mem>>, %arg30: memref<!tpu.dma_semaphore, #tpu.memory_space<semaphore_mem>>, %arg31: memref<!tpu.dma_semaphore, #tpu.memory_space<semaphore_mem>>, %arg32: memref<!tpu.dma_semaphore, #tpu.memory_space<semaphore_mem>>, %arg33: memref<!tpu.dma_semaphore, #tpu.memory_space<semaphore_mem>>, %arg34: memref<!tpu.dma_semaphore, #tpu.memory_space<semaphore_mem>>, %arg35: memref<!tpu.dma_semaphore, #tpu.memory_space<semaphore_mem>>) attributes {dimension_semantics = [#tpu.dimension_semantics<core_parallel>, #tpu.dimension_semantics<subcore_parallel>], iteration_bounds = array<i64: 2, 16>, scalar_prefetch = 0 : i64, scratch_operands = 27 : i64, tpu.core_type = #tpu.core_type<sc_vector_subcore>, window_params = [{transform_indices = #map}, {transform_indices = #map1}, {transform_indices = #map}, {transform_indices = #map}, {transform_indices = #map}, {transform_indices = #map}, {transform_indices = #map}]} {
    %mul3A = arith.constant 640 : i32
    %mul3A_0 = arith.muli %arg1, %mul3A : i32
    %mul3A_1 = arith.constant 160 : i32
    %mul3A_2 = arith.muli %arg1, %mul3A_1 : i32
    %add3A = arith.constant 0 : i32
    %add3A_3 = arith.addi %mul3A_2, %add3A : i32
    %dma_start3A = arith.constant 0 : i32
    %dma_start3A_4 = arith.constant 0 : i32
    %dma_start3A_5 = arith.constant 0 : i32
    %dma_start3A_6 = tpu.memref_slice %arg3[%arg0, %dma_start3A, %dma_start3A_4, %dma_start3A_5] : memref<2x2560x2x128xi32, #tpu.memory_space<hbm>> -> memref<1x2560x2x128xi32, #tpu.memory_space<hbm>>
    %dma_start3A_7 = tpu.memref_squeeze %dma_start3A_6 : memref<1x2560x2x128xi32, #tpu.memory_space<hbm>> -> memref<2560x2x128xi32, #tpu.memory_space<hbm>>
    %dma_start3A_8 = arith.constant 0 : i32
    %dma_start3A_9 = arith.constant 0 : i32
    %dma_start3A_10 = tpu.memref_slice %dma_start3A_7[%add3A_3, %dma_start3A_8, %dma_start3A_9] : memref<2560x2x128xi32, #tpu.memory_space<hbm>> -> memref<1x2x128xi32, #tpu.memory_space<hbm>>
    %dma_start3A_11 = tpu.memref_squeeze %dma_start3A_10 : memref<1x2x128xi32, #tpu.memory_space<hbm>> -> memref<2x128xi32, #tpu.memory_space<hbm>>
    %dma_start3A_12 = arith.constant 0 : i32
    %dma_start3A_13 = arith.constant 0 : i32
    %dma_start3A_14 = arith.constant 0 : i32
    %dma_start3A_15 = tpu.memref_slice %arg3[%arg0, %dma_start3A_12, %dma_start3A_13, %dma_start3A_14] : memref<2x2560x2x128xi32, #tpu.memory_space<hbm>> -> memref<1x2560x2x128xi32, #tpu.memory_space<hbm>>
    %dma_start3A_16 = tpu.memref_squeeze %dma_start3A_15 : memref<1x2560x2x128xi32, #tpu.memory_space<hbm>> -> memref<2560x2x128xi32, #tpu.memory_space<hbm>>
    %dma_start3A_17 = arith.constant 0 : i32
    %dma_start3A_18 = arith.constant 0 : i32
    %dma_start3A_19 = tpu.memref_slice %dma_start3A_16[%add3A_3, %dma_start3A_17, %dma_start3A_18] : memref<2560x2x128xi32, #tpu.memory_space<hbm>> -> memref<1x2x128xi32, #tpu.memory_space<hbm>>
    %dma_start3A_20 = tpu.memref_squeeze %dma_start3A_19 : memref<1x2x128xi32, #tpu.memory_space<hbm>> -> memref<2x128xi32, #tpu.memory_space<hbm>>
    tpu.enqueue_dma source(%dma_start3A_20 : memref<2x128xi32, #tpu.memory_space<hbm>>) target(%arg9 : memref<2x128xi32, #tpu.memory_space<vmem>>) target_semaphore(%arg21 : memref<!tpu.dma_semaphore, #tpu.memory_space<semaphore_mem>>)
    %add3A_21 = arith.constant 1 : i32
    %add3A_22 = arith.addi %mul3A_2, %add3A_21 : i32
    %dma_start3A_23 = arith.constant 0 : i32
    %dma_start3A_24 = arith.constant 0 : i32
    %dma_start3A_25 = arith.constant 0 : i32
    %dma_start3A_26 = tpu.memref_slice %arg3[%arg0, %dma_start3A_23, %dma_start3A_24, %dma_start3A_25] : memref<2x2560x2x128xi32, #tpu.memory_space<hbm>> -> memref<1x2560x2x128xi32, #tpu.memory_space<hbm>>
    %dma_start3A_27 = tpu.memref_squeeze %dma_start3A_26 : memref<1x2560x2x128xi32, #tpu.memory_space<hbm>> -> memref<2560x2x128xi32, #tpu.memory_space<hbm>>
    %dma_start3A_28 = arith.constant 0 : i32
    %dma_start3A_29 = arith.constant 0 : i32
    %dma_start3A_30 = tpu.memref_slice %dma_start3A_27[%add3A_22, %dma_start3A_28, %dma_start3A_29] : memref<2560x2x128xi32, #tpu.memory_space<hbm>> -> memref<1x2x128xi32, #tpu.memory_space<hbm>>
    %dma_start3A_31 = tpu.memref_squeeze %dma_start3A_30 : memref<1x2x128xi32, #tpu.memory_space<hbm>> -> memref<2x128xi32, #tpu.memory_space<hbm>>
    %dma_start3A_32 = arith.constant 0 : i32
    %dma_start3A_33 = arith.constant 0 : i32
    %dma_start3A_34 = arith.constant 0 : i32
    %dma_start3A_35 = tpu.memref_slice %arg3[%arg0, %dma_start3A_32, %dma_start3A_33, %dma_start3A_34] : memref<2x2560x2x128xi32, #tpu.memory_space<hbm>> -> memref<1x2560x2x128xi32, #tpu.memory_space<hbm>>
    %dma_start3A_36 = tpu.memref_squeeze %dma_start3A_35 : memref<1x2560x2x128xi32, #tpu.memory_space<hbm>> -> memref<2560x2x128xi32, #tpu.memory_space<hbm>>
    %dma_start3A_37 = arith.constant 0 : i32
    %dma_start3A_38 = arith.constant 0 : i32
    %dma_start3A_39 = tpu.memref_slice %dma_start3A_36[%add3A_22, %dma_start3A_37, %dma_start3A_38] : memref<2560x2x128xi32, #tpu.memory_space<hbm>> -> memref<1x2x128xi32, #tpu.memory_space<hbm>>
    %dma_start3A_40 = tpu.memref_squeeze %dma_start3A_39 : memref<1x2x128xi32, #tpu.memory_space<hbm>> -> memref<2x128xi32, #tpu.memory_space<hbm>>
    tpu.enqueue_dma source(%dma_start3A_40 : memref<2x128xi32, #tpu.memory_space<hbm>>) target(%arg10 : memref<2x128xi32, #tpu.memory_space<vmem>>) target_semaphore(%arg22 : memref<!tpu.dma_semaphore, #tpu.memory_space<semaphore_mem>>)
    %add3A_41 = arith.constant 2 : i32
    %add3A_42 = arith.addi %mul3A_2, %add3A_41 : i32
    %dma_start3A_43 = arith.constant 0 : i32
    %dma_start3A_44 = arith.constant 0 : i32
    %dma_start3A_45 = arith.constant 0 : i32
    %dma_start3A_46 = tpu.memref_slice %arg3[%arg0, %dma_start3A_43, %dma_start3A_44, %dma_start3A_45] : memref<2x2560x2x128xi32, #tpu.memory_space<hbm>> -> memref<1x2560x2x128xi32, #tpu.memory_space<hbm>>
    %dma_start3A_47 = tpu.memref_squeeze %dma_start3A_46 : memref<1x2560x2x128xi32, #tpu.memory_space<hbm>> -> memref<2560x2x128xi32, #tpu.memory_space<hbm>>
    %dma_start3A_48 = arith.constant 0 : i32
    %dma_start3A_49 = arith.constant 0 : i32
    %dma_start3A_50 = tpu.memref_slice %dma_start3A_47[%add3A_42, %dma_start3A_48, %dma_start3A_49] : memref<2560x2x128xi32, #tpu.memory_space<hbm>> -> memref<1x2x128xi32, #tpu.memory_space<hbm>>
    %dma_start3A_51 = tpu.memref_squeeze %dma_start3A_50 : memref<1x2x128xi32, #tpu.memory_space<hbm>> -> memref<2x128xi32, #tpu.memory_space<hbm>>
    %dma_start3A_52 = arith.constant 0 : i32
    %dma_start3A_53 = arith.constant 0 : i32
    %dma_start3A_54 = arith.constant 0 : i32
    %dma_start3A_55 = tpu.memref_slice %arg3[%arg0, %dma_start3A_52, %dma_start3A_53, %dma_start3A_54] : memref<2x2560x2x128xi32, #tpu.memory_space<hbm>> -> memref<1x2560x2x128xi32, #tpu.memory_space<hbm>>
    %dma_start3A_56 = tpu.memref_squeeze %dma_start3A_55 : memref<1x2560x2x128xi32, #tpu.memory_space<hbm>> -> memref<2560x2x128xi32, #tpu.memory_space<hbm>>
    %dma_start3A_57 = arith.constant 0 : i32
    %dma_start3A_58 = arith.constant 0 : i32
    %dma_start3A_59 = tpu.memref_slice %dma_start3A_56[%add3A_42, %dma_start3A_57, %dma_start3A_58] : memref<2560x2x128xi32, #tpu.memory_space<hbm>> -> memref<1x2x128xi32, #tpu.memory_space<hbm>>
    %dma_start3A_60 = tpu.memref_squeeze %dma_start3A_59 : memref<1x2x128xi32, #tpu.memory_space<hbm>> -> memref<2x128xi32, #tpu.memory_space<hbm>>
    tpu.enqueue_dma source(%dma_start3A_60 : memref<2x128xi32, #tpu.memory_space<hbm>>) target(%arg11 : memref<2x128xi32, #tpu.memory_space<vmem>>) target_semaphore(%arg23 : memref<!tpu.dma_semaphore, #tpu.memory_space<semaphore_mem>>)
    "tpu.region"() ({
      %run_scoped3A = tpu.sem_alloc : memref<!tpu.dma_semaphore, #tpu.memory_space<semaphore_mem>>
      tpu.enqueue_dma source(%arg4 : memref<128x96xbf16, #tpu.memory_space<hbm>>) target(%arg14 : memref<128x96xbf16, #tpu.memory_space<vmem>>) target_semaphore(%run_scoped3A : memref<!tpu.dma_semaphore, #tpu.memory_space<semaphore_mem>>)
      tpu.wait_dma2 semaphore(%run_scoped3A : memref<!tpu.dma_semaphore, #tpu.memory_space<semaphore_mem>>) src(%arg4 : memref<128x96xbf16, #tpu.memory_space<hbm>>) dst(%arg14 : memref<128x96xbf16, #tpu.memory_space<vmem>>)
      tpu.yield
    }) : () -> ()
    %scan3A = arith.constant 0 : i32
    %scan3A_61 = arith.constant 5 : i32
    %scan3A_62 = arith.addi %scan3A, %scan3A_61 : i32
    %scan3A_63 = arith.constant 1 : i32
    scf.for %scan3A_702 = %scan3A to %scan3A_62 step %scan3A_63  : i32 {
      %mul3A_703 = arith.constant 1 : i32
      %mul3A_704 = arith.muli %scan3A_702, %mul3A_703 : i32
      %add3A_705 = arith.constant 0 : i32
      %add3A_706 = arith.addi %add3A_705, %mul3A_704 : i32
      %mul3A_707 = arith.constant 128 : i32
      %mul3A_708 = arith.muli %add3A_706, %mul3A_707 : i32
      %add3A_709 = arith.addi %mul3A_0, %mul3A_708 : i32
      "tpu.region"() ({
        %run_scoped3A = tpu.sem_alloc : memref<!tpu.dma_semaphore, #tpu.memory_space<semaphore_mem>>
        %dma_start3A_710 = arith.constant 0 : i32
        %dma_start3A_711 = tpu.memref_slice %arg19[%add3A_709, %dma_start3A_710] : memref<10240x96xbf16, #tpu.memory_space<vmem_shared>> -> memref<128x96xbf16, #tpu.memory_space<vmem_shared>>
        %dma_start3A_712 = arith.constant 0 : i32
        %dma_start3A_713 = tpu.memref_slice %arg19[%add3A_709, %dma_start3A_712] : memref<10240x96xbf16, #tpu.memory_space<vmem_shared>> -> memref<128x96xbf16, #tpu.memory_space<vmem_shared>>
        tpu.enqueue_dma source(%arg14 : memref<128x96xbf16, #tpu.memory_space<vmem>>) target(%dma_start3A_713 : memref<128x96xbf16, #tpu.memory_space<vmem_shared>>) target_semaphore(%run_scoped3A : memref<!tpu.dma_semaphore, #tpu.memory_space<semaphore_mem>>)
        %dma_wait3A_714 = arith.constant 0 : i32
        %dma_wait3A_715 = tpu.memref_slice %arg19[%add3A_709, %dma_wait3A_714] : memref<10240x96xbf16, #tpu.memory_space<vmem_shared>> -> memref<128x96xbf16, #tpu.memory_space<vmem_shared>>
        %dma_wait3A_716 = arith.constant 0 : i32
        %dma_wait3A_717 = tpu.memref_slice %arg19[%add3A_709, %dma_wait3A_716] : memref<10240x96xbf16, #tpu.memory_space<vmem_shared>> -> memref<128x96xbf16, #tpu.memory_space<vmem_shared>>
        tpu.wait_dma2 semaphore(%run_scoped3A : memref<!tpu.dma_semaphore, #tpu.memory_space<semaphore_mem>>) src(%arg14 : memref<128x96xbf16, #tpu.memory_space<vmem>>) dst(%dma_wait3A_717 : memref<128x96xbf16, #tpu.memory_space<vmem_shared>>)
        tpu.yield
      }) : () -> ()
    }
    %scan3A_64 = arith.constant 5 : i32
    %scan3A_65 = arith.constant 0 : i32
    %scan3A_66 = arith.constant 5 : i32
    %scan3A_67 = arith.addi %scan3A_65, %scan3A_66 : i32
    %scan3A_68 = arith.constant 1 : i32
    scf.for %scan3A_702 = %scan3A_65 to %scan3A_67 step %scan3A_68  : i32 {
      %mul3A_703 = arith.constant 1 : i32
      %mul3A_704 = arith.muli %scan3A_702, %mul3A_703 : i32
      %add3A_705 = arith.constant 0 : i32
      %add3A_706 = arith.addi %add3A_705, %mul3A_704 : i32
      %mul3A_707 = arith.constant 128 : i32
      %mul3A_708 = arith.muli %add3A_706, %mul3A_707 : i32
      %add3A_709 = arith.addi %mul3A_0, %mul3A_708 : i32
      "tpu.region"() ({
        %run_scoped3A = tpu.sem_alloc : memref<!tpu.dma_semaphore, #tpu.memory_space<semaphore_mem>>
        %dma_start3A_710 = arith.constant 0 : i32
        %dma_start3A_711 = tpu.memref_slice %arg20[%add3A_709, %dma_start3A_710] : memref<10240x96xbf16, #tpu.memory_space<vmem_shared>> -> memref<128x96xbf16, #tpu.memory_space<vmem_shared>>
        %dma_start3A_712 = arith.constant 0 : i32
        %dma_start3A_713 = tpu.memref_slice %arg20[%add3A_709, %dma_start3A_712] : memref<10240x96xbf16, #tpu.memory_space<vmem_shared>> -> memref<128x96xbf16, #tpu.memory_space<vmem_shared>>
        tpu.enqueue_dma source(%arg14 : memref<128x96xbf16, #tpu.memory_space<vmem>>) target(%dma_start3A_713 : memref<128x96xbf16, #tpu.memory_space<vmem_shared>>) target_semaphore(%run_scoped3A : memref<!tpu.dma_semaphore, #tpu.memory_space<semaphore_mem>>)
        %dma_wait3A_714 = arith.constant 0 : i32
        %dma_wait3A_715 = tpu.memref_slice %arg20[%add3A_709, %dma_wait3A_714] : memref<10240x96xbf16, #tpu.memory_space<vmem_shared>> -> memref<128x96xbf16, #tpu.memory_space<vmem_shared>>
        %dma_wait3A_716 = arith.constant 0 : i32
        %dma_wait3A_717 = tpu.memref_slice %arg20[%add3A_709, %dma_wait3A_716] : memref<10240x96xbf16, #tpu.memory_space<vmem_shared>> -> memref<128x96xbf16, #tpu.memory_space<vmem_shared>>
        tpu.wait_dma2 semaphore(%run_scoped3A : memref<!tpu.dma_semaphore, #tpu.memory_space<semaphore_mem>>) src(%arg14 : memref<128x96xbf16, #tpu.memory_space<vmem>>) dst(%dma_wait3A_717 : memref<128x96xbf16, #tpu.memory_space<vmem_shared>>)
        tpu.yield
      }) : () -> ()
    }
    %scan3A_69 = arith.constant 5 : i32
    %add3A_70 = arith.constant 0 : i32
    %add3A_71 = arith.addi %mul3A_2, %add3A_70 : i32
    %dma_wait3A = arith.constant 0 : i32
    %dma_wait3A_72 = arith.constant 0 : i32
    %dma_wait3A_73 = arith.constant 0 : i32
    %dma_wait3A_74 = tpu.memref_slice %arg3[%arg0, %dma_wait3A, %dma_wait3A_72, %dma_wait3A_73] : memref<2x2560x2x128xi32, #tpu.memory_space<hbm>> -> memref<1x2560x2x128xi32, #tpu.memory_space<hbm>>
    %dma_wait3A_75 = tpu.memref_squeeze %dma_wait3A_74 : memref<1x2560x2x128xi32, #tpu.memory_space<hbm>> -> memref<2560x2x128xi32, #tpu.memory_space<hbm>>
    %dma_wait3A_76 = arith.constant 0 : i32
    %dma_wait3A_77 = arith.constant 0 : i32
    %dma_wait3A_78 = tpu.memref_slice %dma_wait3A_75[%add3A_71, %dma_wait3A_76, %dma_wait3A_77] : memref<2560x2x128xi32, #tpu.memory_space<hbm>> -> memref<1x2x128xi32, #tpu.memory_space<hbm>>
    %dma_wait3A_79 = tpu.memref_squeeze %dma_wait3A_78 : memref<1x2x128xi32, #tpu.memory_space<hbm>> -> memref<2x128xi32, #tpu.memory_space<hbm>>
    %dma_wait3A_80 = arith.constant 0 : i32
    %dma_wait3A_81 = arith.constant 0 : i32
    %dma_wait3A_82 = arith.constant 0 : i32
    %dma_wait3A_83 = tpu.memref_slice %arg3[%arg0, %dma_wait3A_80, %dma_wait3A_81, %dma_wait3A_82] : memref<2x2560x2x128xi32, #tpu.memory_space<hbm>> -> memref<1x2560x2x128xi32, #tpu.memory_space<hbm>>
    %dma_wait3A_84 = tpu.memref_squeeze %dma_wait3A_83 : memref<1x2560x2x128xi32, #tpu.memory_space<hbm>> -> memref<2560x2x128xi32, #tpu.memory_space<hbm>>
    %dma_wait3A_85 = arith.constant 0 : i32
    %dma_wait3A_86 = arith.constant 0 : i32
    %dma_wait3A_87 = tpu.memref_slice %dma_wait3A_84[%add3A_71, %dma_wait3A_85, %dma_wait3A_86] : memref<2560x2x128xi32, #tpu.memory_space<hbm>> -> memref<1x2x128xi32, #tpu.memory_space<hbm>>
    %dma_wait3A_88 = tpu.memref_squeeze %dma_wait3A_87 : memref<1x2x128xi32, #tpu.memory_space<hbm>> -> memref<2x128xi32, #tpu.memory_space<hbm>>
    tpu.wait_dma2 semaphore(%arg21 : memref<!tpu.dma_semaphore, #tpu.memory_space<semaphore_mem>>) src(%dma_wait3A_88 : memref<2x128xi32, #tpu.memory_space<hbm>>) dst(%arg9 : memref<2x128xi32, #tpu.memory_space<vmem>>)
    %dma_start3A_89 = arith.constant 0 : i32
    %dma_start3A_90 = arith.constant 0 : i32
    %dma_start3A_91 = tpu.memref_slice %arg9[%dma_start3A_89, %dma_start3A_90] : memref<2x128xi32, #tpu.memory_space<vmem>> -> memref<1x128xi32, #tpu.memory_space<vmem>>
    %dma_start3A_92 = tpu.memref_squeeze %dma_start3A_91 : memref<1x128xi32, #tpu.memory_space<vmem>> -> memref<128xi32, #tpu.memory_space<vmem>>
    %dma_start3A_93 = arith.constant 0 : i32
    %dma_start3A_94 = arith.constant 0 : i32
    %dma_start3A_95 = tpu.memref_slice %arg2[%dma_start3A_93, %dma_start3A_94] : memref<20480x96xbf16, #tpu.memory_space<hbm>> -> memref<20480x96xbf16, #tpu.memory_space<hbm>>
    tpu.enqueue_indirect_dma source(%dma_start3A_95 : memref<20480x96xbf16, #tpu.memory_space<hbm>>) target(%arg14 : memref<128x96xbf16, #tpu.memory_space<vmem>>) offsets(%dma_start3A_92 : memref<128xi32, #tpu.memory_space<vmem>>) semaphore(%arg26 : memref<!tpu.dma_semaphore, #tpu.memory_space<semaphore_mem>>)
    %add3A_96 = arith.constant 1 : i32
    %add3A_97 = arith.addi %mul3A_2, %add3A_96 : i32
    %dma_wait3A_98 = arith.constant 0 : i32
    %dma_wait3A_99 = arith.constant 0 : i32
    %dma_wait3A_100 = arith.constant 0 : i32
    %dma_wait3A_101 = tpu.memref_slice %arg3[%arg0, %dma_wait3A_98, %dma_wait3A_99, %dma_wait3A_100] : memref<2x2560x2x128xi32, #tpu.memory_space<hbm>> -> memref<1x2560x2x128xi32, #tpu.memory_space<hbm>>
    %dma_wait3A_102 = tpu.memref_squeeze %dma_wait3A_101 : memref<1x2560x2x128xi32, #tpu.memory_space<hbm>> -> memref<2560x2x128xi32, #tpu.memory_space<hbm>>
    %dma_wait3A_103 = arith.constant 0 : i32
    %dma_wait3A_104 = arith.constant 0 : i32
    %dma_wait3A_105 = tpu.memref_slice %dma_wait3A_102[%add3A_97, %dma_wait3A_103, %dma_wait3A_104] : memref<2560x2x128xi32, #tpu.memory_space<hbm>> -> memref<1x2x128xi32, #tpu.memory_space<hbm>>
    %dma_wait3A_106 = tpu.memref_squeeze %dma_wait3A_105 : memref<1x2x128xi32, #tpu.memory_space<hbm>> -> memref<2x128xi32, #tpu.memory_space<hbm>>
    %dma_wait3A_107 = arith.constant 0 : i32
    %dma_wait3A_108 = arith.constant 0 : i32
    %dma_wait3A_109 = arith.constant 0 : i32
    %dma_wait3A_110 = tpu.memref_slice %arg3[%arg0, %dma_wait3A_107, %dma_wait3A_108, %dma_wait3A_109] : memref<2x2560x2x128xi32, #tpu.memory_space<hbm>> -> memref<1x2560x2x128xi32, #tpu.memory_space<hbm>>
    %dma_wait3A_111 = tpu.memref_squeeze %dma_wait3A_110 : memref<1x2560x2x128xi32, #tpu.memory_space<hbm>> -> memref<2560x2x128xi32, #tpu.memory_space<hbm>>
    %dma_wait3A_112 = arith.constant 0 : i32
    %dma_wait3A_113 = arith.constant 0 : i32
    %dma_wait3A_114 = tpu.memref_slice %dma_wait3A_111[%add3A_97, %dma_wait3A_112, %dma_wait3A_113] : memref<2560x2x128xi32, #tpu.memory_space<hbm>> -> memref<1x2x128xi32, #tpu.memory_space<hbm>>
    %dma_wait3A_115 = tpu.memref_squeeze %dma_wait3A_114 : memref<1x2x128xi32, #tpu.memory_space<hbm>> -> memref<2x128xi32, #tpu.memory_space<hbm>>
    tpu.wait_dma2 semaphore(%arg22 : memref<!tpu.dma_semaphore, #tpu.memory_space<semaphore_mem>>) src(%dma_wait3A_115 : memref<2x128xi32, #tpu.memory_space<hbm>>) dst(%arg10 : memref<2x128xi32, #tpu.memory_space<vmem>>)
    %dma_start3A_116 = arith.constant 0 : i32
    %dma_start3A_117 = arith.constant 0 : i32
    %dma_start3A_118 = tpu.memref_slice %arg10[%dma_start3A_116, %dma_start3A_117] : memref<2x128xi32, #tpu.memory_space<vmem>> -> memref<1x128xi32, #tpu.memory_space<vmem>>
    %dma_start3A_119 = tpu.memref_squeeze %dma_start3A_118 : memref<1x128xi32, #tpu.memory_space<vmem>> -> memref<128xi32, #tpu.memory_space<vmem>>
    %dma_start3A_120 = arith.constant 0 : i32
    %dma_start3A_121 = arith.constant 0 : i32
    %dma_start3A_122 = tpu.memref_slice %arg2[%dma_start3A_120, %dma_start3A_121] : memref<20480x96xbf16, #tpu.memory_space<hbm>> -> memref<20480x96xbf16, #tpu.memory_space<hbm>>
    tpu.enqueue_indirect_dma source(%dma_start3A_122 : memref<20480x96xbf16, #tpu.memory_space<hbm>>) target(%arg15 : memref<128x96xbf16, #tpu.memory_space<vmem>>) offsets(%dma_start3A_119 : memref<128xi32, #tpu.memory_space<vmem>>) semaphore(%arg27 : memref<!tpu.dma_semaphore, #tpu.memory_space<semaphore_mem>>)
    %barrier3A = arith.constant 0 : index
    tpu.barrier barrier_id(%barrier3A)
    %dma_wait3A_123 = arith.constant 0 : i32
    %dma_wait3A_124 = arith.constant 0 : i32
    %dma_wait3A_125 = tpu.memref_slice %arg9[%dma_wait3A_123, %dma_wait3A_124] : memref<2x128xi32, #tpu.memory_space<vmem>> -> memref<1x128xi32, #tpu.memory_space<vmem>>
    %dma_wait3A_126 = tpu.memref_squeeze %dma_wait3A_125 : memref<1x128xi32, #tpu.memory_space<vmem>> -> memref<128xi32, #tpu.memory_space<vmem>>
    %dma_wait3A_127 = arith.constant 0 : i32
    %dma_wait3A_128 = arith.constant 0 : i32
    %dma_wait3A_129 = tpu.memref_slice %arg2[%dma_wait3A_127, %dma_wait3A_128] : memref<20480x96xbf16, #tpu.memory_space<hbm>> -> memref<20480x96xbf16, #tpu.memory_space<hbm>>
    tpu.wait_indirect_dma semaphore(%arg26 : memref<!tpu.dma_semaphore, #tpu.memory_space<semaphore_mem>>) src(%dma_wait3A_129 : memref<20480x96xbf16, #tpu.memory_space<hbm>>) dst(%arg14 : memref<128x96xbf16, #tpu.memory_space<vmem>>)
    %dma_start3A_130 = arith.constant 1 : i32
    %dma_start3A_131 = arith.constant 0 : i32
    %dma_start3A_132 = tpu.memref_slice %arg9[%dma_start3A_130, %dma_start3A_131] : memref<2x128xi32, #tpu.memory_space<vmem>> -> memref<1x128xi32, #tpu.memory_space<vmem>>
    %dma_start3A_133 = tpu.memref_squeeze %dma_start3A_132 : memref<1x128xi32, #tpu.memory_space<vmem>> -> memref<128xi32, #tpu.memory_space<vmem>>
    %dma_start3A_134 = arith.constant 0 : i32
    %dma_start3A_135 = arith.constant 0 : i32
    %dma_start3A_136 = tpu.memref_slice %arg19[%dma_start3A_134, %dma_start3A_135] : memref<10240x96xbf16, #tpu.memory_space<vmem_shared>> -> memref<10240x96xbf16, #tpu.memory_space<vmem_shared>>
    tpu.enqueue_indirect_dma source(%arg14 : memref<128x96xbf16, #tpu.memory_space<vmem>>) target(%dma_start3A_136 : memref<10240x96xbf16, #tpu.memory_space<vmem_shared>>) offsets(%dma_start3A_133 : memref<128xi32, #tpu.memory_space<vmem>>) semaphore(%arg31 : memref<!tpu.dma_semaphore, #tpu.memory_space<semaphore_mem>>) {add = true}
    %add3A_137 = arith.constant 3 : i32
    %add3A_138 = arith.addi %mul3A_2, %add3A_137 : i32
    %dma_start3A_139 = arith.constant 0 : i32
    %dma_start3A_140 = arith.constant 0 : i32
    %dma_start3A_141 = arith.constant 0 : i32
    %dma_start3A_142 = tpu.memref_slice %arg3[%arg0, %dma_start3A_139, %dma_start3A_140, %dma_start3A_141] : memref<2x2560x2x128xi32, #tpu.memory_space<hbm>> -> memref<1x2560x2x128xi32, #tpu.memory_space<hbm>>
    %dma_start3A_143 = tpu.memref_squeeze %dma_start3A_142 : memref<1x2560x2x128xi32, #tpu.memory_space<hbm>> -> memref<2560x2x128xi32, #tpu.memory_space<hbm>>
    %dma_start3A_144 = arith.constant 0 : i32
    %dma_start3A_145 = arith.constant 0 : i32
    %dma_start3A_146 = tpu.memref_slice %dma_start3A_143[%add3A_138, %dma_start3A_144, %dma_start3A_145] : memref<2560x2x128xi32, #tpu.memory_space<hbm>> -> memref<1x2x128xi32, #tpu.memory_space<hbm>>
    %dma_start3A_147 = tpu.memref_squeeze %dma_start3A_146 : memref<1x2x128xi32, #tpu.memory_space<hbm>> -> memref<2x128xi32, #tpu.memory_space<hbm>>
    %dma_start3A_148 = arith.constant 0 : i32
    %dma_start3A_149 = arith.constant 0 : i32
    %dma_start3A_150 = arith.constant 0 : i32
    %dma_start3A_151 = tpu.memref_slice %arg3[%arg0, %dma_start3A_148, %dma_start3A_149, %dma_start3A_150] : memref<2x2560x2x128xi32, #tpu.memory_space<hbm>> -> memref<1x2560x2x128xi32, #tpu.memory_space<hbm>>
    %dma_start3A_152 = tpu.memref_squeeze %dma_start3A_151 : memref<1x2560x2x128xi32, #tpu.memory_space<hbm>> -> memref<2560x2x128xi32, #tpu.memory_space<hbm>>
    %dma_start3A_153 = arith.constant 0 : i32
    %dma_start3A_154 = arith.constant 0 : i32
    %dma_start3A_155 = tpu.memref_slice %dma_start3A_152[%add3A_138, %dma_start3A_153, %dma_start3A_154] : memref<2560x2x128xi32, #tpu.memory_space<hbm>> -> memref<1x2x128xi32, #tpu.memory_space<hbm>>
    %dma_start3A_156 = tpu.memref_squeeze %dma_start3A_155 : memref<1x2x128xi32, #tpu.memory_space<hbm>> -> memref<2x128xi32, #tpu.memory_space<hbm>>
    tpu.enqueue_dma source(%dma_start3A_156 : memref<2x128xi32, #tpu.memory_space<hbm>>) target(%arg12 : memref<2x128xi32, #tpu.memory_space<vmem>>) target_semaphore(%arg24 : memref<!tpu.dma_semaphore, #tpu.memory_space<semaphore_mem>>)
    %add3A_157 = arith.constant 2 : i32
    %add3A_158 = arith.addi %mul3A_2, %add3A_157 : i32
    %dma_wait3A_159 = arith.constant 0 : i32
    %dma_wait3A_160 = arith.constant 0 : i32
    %dma_wait3A_161 = arith.constant 0 : i32
    %dma_wait3A_162 = tpu.memref_slice %arg3[%arg0, %dma_wait3A_159, %dma_wait3A_160, %dma_wait3A_161] : memref<2x2560x2x128xi32, #tpu.memory_space<hbm>> -> memref<1x2560x2x128xi32, #tpu.memory_space<hbm>>
    %dma_wait3A_163 = tpu.memref_squeeze %dma_wait3A_162 : memref<1x2560x2x128xi32, #tpu.memory_space<hbm>> -> memref<2560x2x128xi32, #tpu.memory_space<hbm>>
    %dma_wait3A_164 = arith.constant 0 : i32
    %dma_wait3A_165 = arith.constant 0 : i32
    %dma_wait3A_166 = tpu.memref_slice %dma_wait3A_163[%add3A_158, %dma_wait3A_164, %dma_wait3A_165] : memref<2560x2x128xi32, #tpu.memory_space<hbm>> -> memref<1x2x128xi32, #tpu.memory_space<hbm>>
    %dma_wait3A_167 = tpu.memref_squeeze %dma_wait3A_166 : memref<1x2x128xi32, #tpu.memory_space<hbm>> -> memref<2x128xi32, #tpu.memory_space<hbm>>
    %dma_wait3A_168 = arith.constant 0 : i32
    %dma_wait3A_169 = arith.constant 0 : i32
    %dma_wait3A_170 = arith.constant 0 : i32
    %dma_wait3A_171 = tpu.memref_slice %arg3[%arg0, %dma_wait3A_168, %dma_wait3A_169, %dma_wait3A_170] : memref<2x2560x2x128xi32, #tpu.memory_space<hbm>> -> memref<1x2560x2x128xi32, #tpu.memory_space<hbm>>
    %dma_wait3A_172 = tpu.memref_squeeze %dma_wait3A_171 : memref<1x2560x2x128xi32, #tpu.memory_space<hbm>> -> memref<2560x2x128xi32, #tpu.memory_space<hbm>>
    %dma_wait3A_173 = arith.constant 0 : i32
    %dma_wait3A_174 = arith.constant 0 : i32
    %dma_wait3A_175 = tpu.memref_slice %dma_wait3A_172[%add3A_158, %dma_wait3A_173, %dma_wait3A_174] : memref<2560x2x128xi32, #tpu.memory_space<hbm>> -> memref<1x2x128xi32, #tpu.memory_space<hbm>>
    %dma_wait3A_176 = tpu.memref_squeeze %dma_wait3A_175 : memref<1x2x128xi32, #tpu.memory_space<hbm>> -> memref<2x128xi32, #tpu.memory_space<hbm>>
    tpu.wait_dma2 semaphore(%arg23 : memref<!tpu.dma_semaphore, #tpu.memory_space<semaphore_mem>>) src(%dma_wait3A_176 : memref<2x128xi32, #tpu.memory_space<hbm>>) dst(%arg11 : memref<2x128xi32, #tpu.memory_space<vmem>>)
    %dma_start3A_177 = arith.constant 0 : i32
    %dma_start3A_178 = arith.constant 0 : i32
    %dma_start3A_179 = tpu.memref_slice %arg11[%dma_start3A_177, %dma_start3A_178] : memref<2x128xi32, #tpu.memory_space<vmem>> -> memref<1x128xi32, #tpu.memory_space<vmem>>
    %dma_start3A_180 = tpu.memref_squeeze %dma_start3A_179 : memref<1x128xi32, #tpu.memory_space<vmem>> -> memref<128xi32, #tpu.memory_space<vmem>>
    %dma_start3A_181 = arith.constant 0 : i32
    %dma_start3A_182 = arith.constant 0 : i32
    %dma_start3A_183 = tpu.memref_slice %arg2[%dma_start3A_181, %dma_start3A_182] : memref<20480x96xbf16, #tpu.memory_space<hbm>> -> memref<20480x96xbf16, #tpu.memory_space<hbm>>
    tpu.enqueue_indirect_dma source(%dma_start3A_183 : memref<20480x96xbf16, #tpu.memory_space<hbm>>) target(%arg16 : memref<128x96xbf16, #tpu.memory_space<vmem>>) offsets(%dma_start3A_180 : memref<128xi32, #tpu.memory_space<vmem>>) semaphore(%arg28 : memref<!tpu.dma_semaphore, #tpu.memory_space<semaphore_mem>>)
    %dma_wait3A_184 = arith.constant 0 : i32
    %dma_wait3A_185 = arith.constant 0 : i32
    %dma_wait3A_186 = tpu.memref_slice %arg10[%dma_wait3A_184, %dma_wait3A_185] : memref<2x128xi32, #tpu.memory_space<vmem>> -> memref<1x128xi32, #tpu.memory_space<vmem>>
    %dma_wait3A_187 = tpu.memref_squeeze %dma_wait3A_186 : memref<1x128xi32, #tpu.memory_space<vmem>> -> memref<128xi32, #tpu.memory_space<vmem>>
    %dma_wait3A_188 = arith.constant 0 : i32
    %dma_wait3A_189 = arith.constant 0 : i32
    %dma_wait3A_190 = tpu.memref_slice %arg2[%dma_wait3A_188, %dma_wait3A_189] : memref<20480x96xbf16, #tpu.memory_space<hbm>> -> memref<20480x96xbf16, #tpu.memory_space<hbm>>
    tpu.wait_indirect_dma semaphore(%arg27 : memref<!tpu.dma_semaphore, #tpu.memory_space<semaphore_mem>>) src(%dma_wait3A_190 : memref<20480x96xbf16, #tpu.memory_space<hbm>>) dst(%arg15 : memref<128x96xbf16, #tpu.memory_space<vmem>>)
    %dma_start3A_191 = arith.constant 1 : i32
    %dma_start3A_192 = arith.constant 0 : i32
    %dma_start3A_193 = tpu.memref_slice %arg10[%dma_start3A_191, %dma_start3A_192] : memref<2x128xi32, #tpu.memory_space<vmem>> -> memref<1x128xi32, #tpu.memory_space<vmem>>
    %dma_start3A_194 = tpu.memref_squeeze %dma_start3A_193 : memref<1x128xi32, #tpu.memory_space<vmem>> -> memref<128xi32, #tpu.memory_space<vmem>>
    %dma_start3A_195 = arith.constant 0 : i32
    %dma_start3A_196 = arith.constant 0 : i32
    %dma_start3A_197 = tpu.memref_slice %arg20[%dma_start3A_195, %dma_start3A_196] : memref<10240x96xbf16, #tpu.memory_space<vmem_shared>> -> memref<10240x96xbf16, #tpu.memory_space<vmem_shared>>
    tpu.enqueue_indirect_dma source(%arg15 : memref<128x96xbf16, #tpu.memory_space<vmem>>) target(%dma_start3A_197 : memref<10240x96xbf16, #tpu.memory_space<vmem_shared>>) offsets(%dma_start3A_194 : memref<128xi32, #tpu.memory_space<vmem>>) semaphore(%arg32 : memref<!tpu.dma_semaphore, #tpu.memory_space<semaphore_mem>>) {add = true}
    %add3A_198 = arith.constant 4 : i32
    %add3A_199 = arith.addi %mul3A_2, %add3A_198 : i32
    %dma_start3A_200 = arith.constant 0 : i32
    %dma_start3A_201 = arith.constant 0 : i32
    %dma_start3A_202 = arith.constant 0 : i32
    %dma_start3A_203 = tpu.memref_slice %arg3[%arg0, %dma_start3A_200, %dma_start3A_201, %dma_start3A_202] : memref<2x2560x2x128xi32, #tpu.memory_space<hbm>> -> memref<1x2560x2x128xi32, #tpu.memory_space<hbm>>
    %dma_start3A_204 = tpu.memref_squeeze %dma_start3A_203 : memref<1x2560x2x128xi32, #tpu.memory_space<hbm>> -> memref<2560x2x128xi32, #tpu.memory_space<hbm>>
    %dma_start3A_205 = arith.constant 0 : i32
    %dma_start3A_206 = arith.constant 0 : i32
    %dma_start3A_207 = tpu.memref_slice %dma_start3A_204[%add3A_199, %dma_start3A_205, %dma_start3A_206] : memref<2560x2x128xi32, #tpu.memory_space<hbm>> -> memref<1x2x128xi32, #tpu.memory_space<hbm>>
    %dma_start3A_208 = tpu.memref_squeeze %dma_start3A_207 : memref<1x2x128xi32, #tpu.memory_space<hbm>> -> memref<2x128xi32, #tpu.memory_space<hbm>>
    %dma_start3A_209 = arith.constant 0 : i32
    %dma_start3A_210 = arith.constant 0 : i32
    %dma_start3A_211 = arith.constant 0 : i32
    %dma_start3A_212 = tpu.memref_slice %arg3[%arg0, %dma_start3A_209, %dma_start3A_210, %dma_start3A_211] : memref<2x2560x2x128xi32, #tpu.memory_space<hbm>> -> memref<1x2560x2x128xi32, #tpu.memory_space<hbm>>
    %dma_start3A_213 = tpu.memref_squeeze %dma_start3A_212 : memref<1x2560x2x128xi32, #tpu.memory_space<hbm>> -> memref<2560x2x128xi32, #tpu.memory_space<hbm>>
    %dma_start3A_214 = arith.constant 0 : i32
    %dma_start3A_215 = arith.constant 0 : i32
    %dma_start3A_216 = tpu.memref_slice %dma_start3A_213[%add3A_199, %dma_start3A_214, %dma_start3A_215] : memref<2560x2x128xi32, #tpu.memory_space<hbm>> -> memref<1x2x128xi32, #tpu.memory_space<hbm>>
    %dma_start3A_217 = tpu.memref_squeeze %dma_start3A_216 : memref<1x2x128xi32, #tpu.memory_space<hbm>> -> memref<2x128xi32, #tpu.memory_space<hbm>>
    tpu.enqueue_dma source(%dma_start3A_217 : memref<2x128xi32, #tpu.memory_space<hbm>>) target(%arg13 : memref<2x128xi32, #tpu.memory_space<vmem>>) target_semaphore(%arg25 : memref<!tpu.dma_semaphore, #tpu.memory_space<semaphore_mem>>)
    %add3A_218 = arith.constant 3 : i32
    %add3A_219 = arith.addi %mul3A_2, %add3A_218 : i32
    %dma_wait3A_220 = arith.constant 0 : i32
    %dma_wait3A_221 = arith.constant 0 : i32
    %dma_wait3A_222 = arith.constant 0 : i32
    %dma_wait3A_223 = tpu.memref_slice %arg3[%arg0, %dma_wait3A_220, %dma_wait3A_221, %dma_wait3A_222] : memref<2x2560x2x128xi32, #tpu.memory_space<hbm>> -> memref<1x2560x2x128xi32, #tpu.memory_space<hbm>>
    %dma_wait3A_224 = tpu.memref_squeeze %dma_wait3A_223 : memref<1x2560x2x128xi32, #tpu.memory_space<hbm>> -> memref<2560x2x128xi32, #tpu.memory_space<hbm>>
    %dma_wait3A_225 = arith.constant 0 : i32
    %dma_wait3A_226 = arith.constant 0 : i32
    %dma_wait3A_227 = tpu.memref_slice %dma_wait3A_224[%add3A_219, %dma_wait3A_225, %dma_wait3A_226] : memref<2560x2x128xi32, #tpu.memory_space<hbm>> -> memref<1x2x128xi32, #tpu.memory_space<hbm>>
    %dma_wait3A_228 = tpu.memref_squeeze %dma_wait3A_227 : memref<1x2x128xi32, #tpu.memory_space<hbm>> -> memref<2x128xi32, #tpu.memory_space<hbm>>
    %dma_wait3A_229 = arith.constant 0 : i32
    %dma_wait3A_230 = arith.constant 0 : i32
    %dma_wait3A_231 = arith.constant 0 : i32
    %dma_wait3A_232 = tpu.memref_slice %arg3[%arg0, %dma_wait3A_229, %dma_wait3A_230, %dma_wait3A_231] : memref<2x2560x2x128xi32, #tpu.memory_space<hbm>> -> memref<1x2560x2x128xi32, #tpu.memory_space<hbm>>
    %dma_wait3A_233 = tpu.memref_squeeze %dma_wait3A_232 : memref<1x2560x2x128xi32, #tpu.memory_space<hbm>> -> memref<2560x2x128xi32, #tpu.memory_space<hbm>>
    %dma_wait3A_234 = arith.constant 0 : i32
    %dma_wait3A_235 = arith.constant 0 : i32
    %dma_wait3A_236 = tpu.memref_slice %dma_wait3A_233[%add3A_219, %dma_wait3A_234, %dma_wait3A_235] : memref<2560x2x128xi32, #tpu.memory_space<hbm>> -> memref<1x2x128xi32, #tpu.memory_space<hbm>>
    %dma_wait3A_237 = tpu.memref_squeeze %dma_wait3A_236 : memref<1x2x128xi32, #tpu.memory_space<hbm>> -> memref<2x128xi32, #tpu.memory_space<hbm>>
    tpu.wait_dma2 semaphore(%arg24 : memref<!tpu.dma_semaphore, #tpu.memory_space<semaphore_mem>>) src(%dma_wait3A_237 : memref<2x128xi32, #tpu.memory_space<hbm>>) dst(%arg12 : memref<2x128xi32, #tpu.memory_space<vmem>>)
    %dma_start3A_238 = arith.constant 0 : i32
    %dma_start3A_239 = arith.constant 0 : i32
    %dma_start3A_240 = tpu.memref_slice %arg12[%dma_start3A_238, %dma_start3A_239] : memref<2x128xi32, #tpu.memory_space<vmem>> -> memref<1x128xi32, #tpu.memory_space<vmem>>
    %dma_start3A_241 = tpu.memref_squeeze %dma_start3A_240 : memref<1x128xi32, #tpu.memory_space<vmem>> -> memref<128xi32, #tpu.memory_space<vmem>>
    %dma_start3A_242 = arith.constant 0 : i32
    %dma_start3A_243 = arith.constant 0 : i32
    %dma_start3A_244 = tpu.memref_slice %arg2[%dma_start3A_242, %dma_start3A_243] : memref<20480x96xbf16, #tpu.memory_space<hbm>> -> memref<20480x96xbf16, #tpu.memory_space<hbm>>
    tpu.enqueue_indirect_dma source(%dma_start3A_244 : memref<20480x96xbf16, #tpu.memory_space<hbm>>) target(%arg17 : memref<128x96xbf16, #tpu.memory_space<vmem>>) offsets(%dma_start3A_241 : memref<128xi32, #tpu.memory_space<vmem>>) semaphore(%arg29 : memref<!tpu.dma_semaphore, #tpu.memory_space<semaphore_mem>>)
    %dma_wait3A_245 = arith.constant 0 : i32
    %dma_wait3A_246 = arith.constant 0 : i32
    %dma_wait3A_247 = tpu.memref_slice %arg11[%dma_wait3A_245, %dma_wait3A_246] : memref<2x128xi32, #tpu.memory_space<vmem>> -> memref<1x128xi32, #tpu.memory_space<vmem>>
    %dma_wait3A_248 = tpu.memref_squeeze %dma_wait3A_247 : memref<1x128xi32, #tpu.memory_space<vmem>> -> memref<128xi32, #tpu.memory_space<vmem>>
    %dma_wait3A_249 = arith.constant 0 : i32
    %dma_wait3A_250 = arith.constant 0 : i32
    %dma_wait3A_251 = tpu.memref_slice %arg2[%dma_wait3A_249, %dma_wait3A_250] : memref<20480x96xbf16, #tpu.memory_space<hbm>> -> memref<20480x96xbf16, #tpu.memory_space<hbm>>
    tpu.wait_indirect_dma semaphore(%arg28 : memref<!tpu.dma_semaphore, #tpu.memory_space<semaphore_mem>>) src(%dma_wait3A_251 : memref<20480x96xbf16, #tpu.memory_space<hbm>>) dst(%arg16 : memref<128x96xbf16, #tpu.memory_space<vmem>>)
    %dma_start3A_252 = arith.constant 1 : i32
    %dma_start3A_253 = arith.constant 0 : i32
    %dma_start3A_254 = tpu.memref_slice %arg11[%dma_start3A_252, %dma_start3A_253] : memref<2x128xi32, #tpu.memory_space<vmem>> -> memref<1x128xi32, #tpu.memory_space<vmem>>
    %dma_start3A_255 = tpu.memref_squeeze %dma_start3A_254 : memref<1x128xi32, #tpu.memory_space<vmem>> -> memref<128xi32, #tpu.memory_space<vmem>>
    %dma_start3A_256 = arith.constant 0 : i32
    %dma_start3A_257 = arith.constant 0 : i32
    %dma_start3A_258 = tpu.memref_slice %arg19[%dma_start3A_256, %dma_start3A_257] : memref<10240x96xbf16, #tpu.memory_space<vmem_shared>> -> memref<10240x96xbf16, #tpu.memory_space<vmem_shared>>
    tpu.enqueue_indirect_dma source(%arg16 : memref<128x96xbf16, #tpu.memory_space<vmem>>) target(%dma_start3A_258 : memref<10240x96xbf16, #tpu.memory_space<vmem_shared>>) offsets(%dma_start3A_255 : memref<128xi32, #tpu.memory_space<vmem>>) semaphore(%arg33 : memref<!tpu.dma_semaphore, #tpu.memory_space<semaphore_mem>>) {add = true}
    %dma_wait3A_259 = arith.constant 1 : i32
    %dma_wait3A_260 = arith.constant 0 : i32
    %dma_wait3A_261 = tpu.memref_slice %arg9[%dma_wait3A_259, %dma_wait3A_260] : memref<2x128xi32, #tpu.memory_space<vmem>> -> memref<1x128xi32, #tpu.memory_space<vmem>>
    %dma_wait3A_262 = tpu.memref_squeeze %dma_wait3A_261 : memref<1x128xi32, #tpu.memory_space<vmem>> -> memref<128xi32, #tpu.memory_space<vmem>>
    %dma_wait3A_263 = arith.constant 0 : i32
    %dma_wait3A_264 = arith.constant 0 : i32
    %dma_wait3A_265 = tpu.memref_slice %arg19[%dma_wait3A_263, %dma_wait3A_264] : memref<10240x96xbf16, #tpu.memory_space<vmem_shared>> -> memref<10240x96xbf16, #tpu.memory_space<vmem_shared>>
    tpu.wait_indirect_dma semaphore(%arg31 : memref<!tpu.dma_semaphore, #tpu.memory_space<semaphore_mem>>) src(%arg14 : memref<128x96xbf16, #tpu.memory_space<vmem>>) dst(%dma_wait3A_265 : memref<10240x96xbf16, #tpu.memory_space<vmem_shared>>)
    %add3A_266 = arith.constant 5 : i32
    %add3A_267 = arith.addi %mul3A_2, %add3A_266 : i32
    %dma_start3A_268 = arith.constant 0 : i32
    %dma_start3A_269 = arith.constant 0 : i32
    %dma_start3A_270 = arith.constant 0 : i32
    %dma_start3A_271 = tpu.memref_slice %arg3[%arg0, %dma_start3A_268, %dma_start3A_269, %dma_start3A_270] : memref<2x2560x2x128xi32, #tpu.memory_space<hbm>> -> memref<1x2560x2x128xi32, #tpu.memory_space<hbm>>
    %dma_start3A_272 = tpu.memref_squeeze %dma_start3A_271 : memref<1x2560x2x128xi32, #tpu.memory_space<hbm>> -> memref<2560x2x128xi32, #tpu.memory_space<hbm>>
    %dma_start3A_273 = arith.constant 0 : i32
    %dma_start3A_274 = arith.constant 0 : i32
    %dma_start3A_275 = tpu.memref_slice %dma_start3A_272[%add3A_267, %dma_start3A_273, %dma_start3A_274] : memref<2560x2x128xi32, #tpu.memory_space<hbm>> -> memref<1x2x128xi32, #tpu.memory_space<hbm>>
    %dma_start3A_276 = tpu.memref_squeeze %dma_start3A_275 : memref<1x2x128xi32, #tpu.memory_space<hbm>> -> memref<2x128xi32, #tpu.memory_space<hbm>>
    %dma_start3A_277 = arith.constant 0 : i32
    %dma_start3A_278 = arith.constant 0 : i32
    %dma_start3A_279 = arith.constant 0 : i32
    %dma_start3A_280 = tpu.memref_slice %arg3[%arg0, %dma_start3A_277, %dma_start3A_278, %dma_start3A_279] : memref<2x2560x2x128xi32, #tpu.memory_space<hbm>> -> memref<1x2560x2x128xi32, #tpu.memory_space<hbm>>
    %dma_start3A_281 = tpu.memref_squeeze %dma_start3A_280 : memref<1x2560x2x128xi32, #tpu.memory_space<hbm>> -> memref<2560x2x128xi32, #tpu.memory_space<hbm>>
    %dma_start3A_282 = arith.constant 0 : i32
    %dma_start3A_283 = arith.constant 0 : i32
    %dma_start3A_284 = tpu.memref_slice %dma_start3A_281[%add3A_267, %dma_start3A_282, %dma_start3A_283] : memref<2560x2x128xi32, #tpu.memory_space<hbm>> -> memref<1x2x128xi32, #tpu.memory_space<hbm>>
    %dma_start3A_285 = tpu.memref_squeeze %dma_start3A_284 : memref<1x2x128xi32, #tpu.memory_space<hbm>> -> memref<2x128xi32, #tpu.memory_space<hbm>>
    tpu.enqueue_dma source(%dma_start3A_285 : memref<2x128xi32, #tpu.memory_space<hbm>>) target(%arg9 : memref<2x128xi32, #tpu.memory_space<vmem>>) target_semaphore(%arg21 : memref<!tpu.dma_semaphore, #tpu.memory_space<semaphore_mem>>)
    %add3A_286 = arith.constant 4 : i32
    %add3A_287 = arith.addi %mul3A_2, %add3A_286 : i32
    %dma_wait3A_288 = arith.constant 0 : i32
    %dma_wait3A_289 = arith.constant 0 : i32
    %dma_wait3A_290 = arith.constant 0 : i32
    %dma_wait3A_291 = tpu.memref_slice %arg3[%arg0, %dma_wait3A_288, %dma_wait3A_289, %dma_wait3A_290] : memref<2x2560x2x128xi32, #tpu.memory_space<hbm>> -> memref<1x2560x2x128xi32, #tpu.memory_space<hbm>>
    %dma_wait3A_292 = tpu.memref_squeeze %dma_wait3A_291 : memref<1x2560x2x128xi32, #tpu.memory_space<hbm>> -> memref<2560x2x128xi32, #tpu.memory_space<hbm>>
    %dma_wait3A_293 = arith.constant 0 : i32
    %dma_wait3A_294 = arith.constant 0 : i32
    %dma_wait3A_295 = tpu.memref_slice %dma_wait3A_292[%add3A_287, %dma_wait3A_293, %dma_wait3A_294] : memref<2560x2x128xi32, #tpu.memory_space<hbm>> -> memref<1x2x128xi32, #tpu.memory_space<hbm>>
    %dma_wait3A_296 = tpu.memref_squeeze %dma_wait3A_295 : memref<1x2x128xi32, #tpu.memory_space<hbm>> -> memref<2x128xi32, #tpu.memory_space<hbm>>
    %dma_wait3A_297 = arith.constant 0 : i32
    %dma_wait3A_298 = arith.constant 0 : i32
    %dma_wait3A_299 = arith.constant 0 : i32
    %dma_wait3A_300 = tpu.memref_slice %arg3[%arg0, %dma_wait3A_297, %dma_wait3A_298, %dma_wait3A_299] : memref<2x2560x2x128xi32, #tpu.memory_space<hbm>> -> memref<1x2560x2x128xi32, #tpu.memory_space<hbm>>
    %dma_wait3A_301 = tpu.memref_squeeze %dma_wait3A_300 : memref<1x2560x2x128xi32, #tpu.memory_space<hbm>> -> memref<2560x2x128xi32, #tpu.memory_space<hbm>>
    %dma_wait3A_302 = arith.constant 0 : i32
    %dma_wait3A_303 = arith.constant 0 : i32
    %dma_wait3A_304 = tpu.memref_slice %dma_wait3A_301[%add3A_287, %dma_wait3A_302, %dma_wait3A_303] : memref<2560x2x128xi32, #tpu.memory_space<hbm>> -> memref<1x2x128xi32, #tpu.memory_space<hbm>>
    %dma_wait3A_305 = tpu.memref_squeeze %dma_wait3A_304 : memref<1x2x128xi32, #tpu.memory_space<hbm>> -> memref<2x128xi32, #tpu.memory_space<hbm>>
    tpu.wait_dma2 semaphore(%arg25 : memref<!tpu.dma_semaphore, #tpu.memory_space<semaphore_mem>>) src(%dma_wait3A_305 : memref<2x128xi32, #tpu.memory_space<hbm>>) dst(%arg13 : memref<2x128xi32, #tpu.memory_space<vmem>>)
    %dma_start3A_306 = arith.constant 0 : i32
    %dma_start3A_307 = arith.constant 0 : i32
    %dma_start3A_308 = tpu.memref_slice %arg13[%dma_start3A_306, %dma_start3A_307] : memref<2x128xi32, #tpu.memory_space<vmem>> -> memref<1x128xi32, #tpu.memory_space<vmem>>
    %dma_start3A_309 = tpu.memref_squeeze %dma_start3A_308 : memref<1x128xi32, #tpu.memory_space<vmem>> -> memref<128xi32, #tpu.memory_space<vmem>>
    %dma_start3A_310 = arith.constant 0 : i32
    %dma_start3A_311 = arith.constant 0 : i32
    %dma_start3A_312 = tpu.memref_slice %arg2[%dma_start3A_310, %dma_start3A_311] : memref<20480x96xbf16, #tpu.memory_space<hbm>> -> memref<20480x96xbf16, #tpu.memory_space<hbm>>
    tpu.enqueue_indirect_dma source(%dma_start3A_312 : memref<20480x96xbf16, #tpu.memory_space<hbm>>) target(%arg18 : memref<128x96xbf16, #tpu.memory_space<vmem>>) offsets(%dma_start3A_309 : memref<128xi32, #tpu.memory_space<vmem>>) semaphore(%arg30 : memref<!tpu.dma_semaphore, #tpu.memory_space<semaphore_mem>>)
    %dma_wait3A_313 = arith.constant 0 : i32
    %dma_wait3A_314 = arith.constant 0 : i32
    %dma_wait3A_315 = tpu.memref_slice %arg12[%dma_wait3A_313, %dma_wait3A_314] : memref<2x128xi32, #tpu.memory_space<vmem>> -> memref<1x128xi32, #tpu.memory_space<vmem>>
    %dma_wait3A_316 = tpu.memref_squeeze %dma_wait3A_315 : memref<1x128xi32, #tpu.memory_space<vmem>> -> memref<128xi32, #tpu.memory_space<vmem>>
    %dma_wait3A_317 = arith.constant 0 : i32
    %dma_wait3A_318 = arith.constant 0 : i32
    %dma_wait3A_319 = tpu.memref_slice %arg2[%dma_wait3A_317, %dma_wait3A_318] : memref<20480x96xbf16, #tpu.memory_space<hbm>> -> memref<20480x96xbf16, #tpu.memory_space<hbm>>
    tpu.wait_indirect_dma semaphore(%arg29 : memref<!tpu.dma_semaphore, #tpu.memory_space<semaphore_mem>>) src(%dma_wait3A_319 : memref<20480x96xbf16, #tpu.memory_space<hbm>>) dst(%arg17 : memref<128x96xbf16, #tpu.memory_space<vmem>>)
    %dma_start3A_320 = arith.constant 1 : i32
    %dma_start3A_321 = arith.constant 0 : i32
    %dma_start3A_322 = tpu.memref_slice %arg12[%dma_start3A_320, %dma_start3A_321] : memref<2x128xi32, #tpu.memory_space<vmem>> -> memref<1x128xi32, #tpu.memory_space<vmem>>
    %dma_start3A_323 = tpu.memref_squeeze %dma_start3A_322 : memref<1x128xi32, #tpu.memory_space<vmem>> -> memref<128xi32, #tpu.memory_space<vmem>>
    %dma_start3A_324 = arith.constant 0 : i32
    %dma_start3A_325 = arith.constant 0 : i32
    %dma_start3A_326 = tpu.memref_slice %arg20[%dma_start3A_324, %dma_start3A_325] : memref<10240x96xbf16, #tpu.memory_space<vmem_shared>> -> memref<10240x96xbf16, #tpu.memory_space<vmem_shared>>
    tpu.enqueue_indirect_dma source(%arg17 : memref<128x96xbf16, #tpu.memory_space<vmem>>) target(%dma_start3A_326 : memref<10240x96xbf16, #tpu.memory_space<vmem_shared>>) offsets(%dma_start3A_323 : memref<128xi32, #tpu.memory_space<vmem>>) semaphore(%arg34 : memref<!tpu.dma_semaphore, #tpu.memory_space<semaphore_mem>>) {add = true}
    %dma_wait3A_327 = arith.constant 1 : i32
    %dma_wait3A_328 = arith.constant 0 : i32
    %dma_wait3A_329 = tpu.memref_slice %arg10[%dma_wait3A_327, %dma_wait3A_328] : memref<2x128xi32, #tpu.memory_space<vmem>> -> memref<1x128xi32, #tpu.memory_space<vmem>>
    %dma_wait3A_330 = tpu.memref_squeeze %dma_wait3A_329 : memref<1x128xi32, #tpu.memory_space<vmem>> -> memref<128xi32, #tpu.memory_space<vmem>>
    %dma_wait3A_331 = arith.constant 0 : i32
    %dma_wait3A_332 = arith.constant 0 : i32
    %dma_wait3A_333 = tpu.memref_slice %arg20[%dma_wait3A_331, %dma_wait3A_332] : memref<10240x96xbf16, #tpu.memory_space<vmem_shared>> -> memref<10240x96xbf16, #tpu.memory_space<vmem_shared>>
    tpu.wait_indirect_dma semaphore(%arg32 : memref<!tpu.dma_semaphore, #tpu.memory_space<semaphore_mem>>) src(%arg15 : memref<128x96xbf16, #tpu.memory_space<vmem>>) dst(%dma_wait3A_333 : memref<10240x96xbf16, #tpu.memory_space<vmem_shared>>)
    %add3A_334 = arith.constant 6 : i32
    %add3A_335 = arith.addi %mul3A_2, %add3A_334 : i32
    %dma_start3A_336 = arith.constant 0 : i32
    %dma_start3A_337 = arith.constant 0 : i32
    %dma_start3A_338 = arith.constant 0 : i32
    %dma_start3A_339 = tpu.memref_slice %arg3[%arg0, %dma_start3A_336, %dma_start3A_337, %dma_start3A_338] : memref<2x2560x2x128xi32, #tpu.memory_space<hbm>> -> memref<1x2560x2x128xi32, #tpu.memory_space<hbm>>
    %dma_start3A_340 = tpu.memref_squeeze %dma_start3A_339 : memref<1x2560x2x128xi32, #tpu.memory_space<hbm>> -> memref<2560x2x128xi32, #tpu.memory_space<hbm>>
    %dma_start3A_341 = arith.constant 0 : i32
    %dma_start3A_342 = arith.constant 0 : i32
    %dma_start3A_343 = tpu.memref_slice %dma_start3A_340[%add3A_335, %dma_start3A_341, %dma_start3A_342] : memref<2560x2x128xi32, #tpu.memory_space<hbm>> -> memref<1x2x128xi32, #tpu.memory_space<hbm>>
    %dma_start3A_344 = tpu.memref_squeeze %dma_start3A_343 : memref<1x2x128xi32, #tpu.memory_space<hbm>> -> memref<2x128xi32, #tpu.memory_space<hbm>>
    %dma_start3A_345 = arith.constant 0 : i32
    %dma_start3A_346 = arith.constant 0 : i32
    %dma_start3A_347 = arith.constant 0 : i32
    %dma_start3A_348 = tpu.memref_slice %arg3[%arg0, %dma_start3A_345, %dma_start3A_346, %dma_start3A_347] : memref<2x2560x2x128xi32, #tpu.memory_space<hbm>> -> memref<1x2560x2x128xi32, #tpu.memory_space<hbm>>
    %dma_start3A_349 = tpu.memref_squeeze %dma_start3A_348 : memref<1x2560x2x128xi32, #tpu.memory_space<hbm>> -> memref<2560x2x128xi32, #tpu.memory_space<hbm>>
    %dma_start3A_350 = arith.constant 0 : i32
    %dma_start3A_351 = arith.constant 0 : i32
    %dma_start3A_352 = tpu.memref_slice %dma_start3A_349[%add3A_335, %dma_start3A_350, %dma_start3A_351] : memref<2560x2x128xi32, #tpu.memory_space<hbm>> -> memref<1x2x128xi32, #tpu.memory_space<hbm>>
    %dma_start3A_353 = tpu.memref_squeeze %dma_start3A_352 : memref<1x2x128xi32, #tpu.memory_space<hbm>> -> memref<2x128xi32, #tpu.memory_space<hbm>>
    tpu.enqueue_dma source(%dma_start3A_353 : memref<2x128xi32, #tpu.memory_space<hbm>>) target(%arg10 : memref<2x128xi32, #tpu.memory_space<vmem>>) target_semaphore(%arg22 : memref<!tpu.dma_semaphore, #tpu.memory_space<semaphore_mem>>)
    %add3A_354 = arith.constant 5 : i32
    %add3A_355 = arith.addi %mul3A_2, %add3A_354 : i32
    %dma_wait3A_356 = arith.constant 0 : i32
    %dma_wait3A_357 = arith.constant 0 : i32
    %dma_wait3A_358 = arith.constant 0 : i32
    %dma_wait3A_359 = tpu.memref_slice %arg3[%arg0, %dma_wait3A_356, %dma_wait3A_357, %dma_wait3A_358] : memref<2x2560x2x128xi32, #tpu.memory_space<hbm>> -> memref<1x2560x2x128xi32, #tpu.memory_space<hbm>>
    %dma_wait3A_360 = tpu.memref_squeeze %dma_wait3A_359 : memref<1x2560x2x128xi32, #tpu.memory_space<hbm>> -> memref<2560x2x128xi32, #tpu.memory_space<hbm>>
    %dma_wait3A_361 = arith.constant 0 : i32
    %dma_wait3A_362 = arith.constant 0 : i32
    %dma_wait3A_363 = tpu.memref_slice %dma_wait3A_360[%add3A_355, %dma_wait3A_361, %dma_wait3A_362] : memref<2560x2x128xi32, #tpu.memory_space<hbm>> -> memref<1x2x128xi32, #tpu.memory_space<hbm>>
    %dma_wait3A_364 = tpu.memref_squeeze %dma_wait3A_363 : memref<1x2x128xi32, #tpu.memory_space<hbm>> -> memref<2x128xi32, #tpu.memory_space<hbm>>
    %dma_wait3A_365 = arith.constant 0 : i32
    %dma_wait3A_366 = arith.constant 0 : i32
    %dma_wait3A_367 = arith.constant 0 : i32
    %dma_wait3A_368 = tpu.memref_slice %arg3[%arg0, %dma_wait3A_365, %dma_wait3A_366, %dma_wait3A_367] : memref<2x2560x2x128xi32, #tpu.memory_space<hbm>> -> memref<1x2560x2x128xi32, #tpu.memory_space<hbm>>
    %dma_wait3A_369 = tpu.memref_squeeze %dma_wait3A_368 : memref<1x2560x2x128xi32, #tpu.memory_space<hbm>> -> memref<2560x2x128xi32, #tpu.memory_space<hbm>>
    %dma_wait3A_370 = arith.constant 0 : i32
    %dma_wait3A_371 = arith.constant 0 : i32
    %dma_wait3A_372 = tpu.memref_slice %dma_wait3A_369[%add3A_355, %dma_wait3A_370, %dma_wait3A_371] : memref<2560x2x128xi32, #tpu.memory_space<hbm>> -> memref<1x2x128xi32, #tpu.memory_space<hbm>>
    %dma_wait3A_373 = tpu.memref_squeeze %dma_wait3A_372 : memref<1x2x128xi32, #tpu.memory_space<hbm>> -> memref<2x128xi32, #tpu.memory_space<hbm>>
    tpu.wait_dma2 semaphore(%arg21 : memref<!tpu.dma_semaphore, #tpu.memory_space<semaphore_mem>>) src(%dma_wait3A_373 : memref<2x128xi32, #tpu.memory_space<hbm>>) dst(%arg9 : memref<2x128xi32, #tpu.memory_space<vmem>>)
    %dma_start3A_374 = arith.constant 0 : i32
    %dma_start3A_375 = arith.constant 0 : i32
    %dma_start3A_376 = tpu.memref_slice %arg9[%dma_start3A_374, %dma_start3A_375] : memref<2x128xi32, #tpu.memory_space<vmem>> -> memref<1x128xi32, #tpu.memory_space<vmem>>
    %dma_start3A_377 = tpu.memref_squeeze %dma_start3A_376 : memref<1x128xi32, #tpu.memory_space<vmem>> -> memref<128xi32, #tpu.memory_space<vmem>>
    %dma_start3A_378 = arith.constant 0 : i32
    %dma_start3A_379 = arith.constant 0 : i32
    %dma_start3A_380 = tpu.memref_slice %arg2[%dma_start3A_378, %dma_start3A_379] : memref<20480x96xbf16, #tpu.memory_space<hbm>> -> memref<20480x96xbf16, #tpu.memory_space<hbm>>
    tpu.enqueue_indirect_dma source(%dma_start3A_380 : memref<20480x96xbf16, #tpu.memory_space<hbm>>) target(%arg14 : memref<128x96xbf16, #tpu.memory_space<vmem>>) offsets(%dma_start3A_377 : memref<128xi32, #tpu.memory_space<vmem>>) semaphore(%arg26 : memref<!tpu.dma_semaphore, #tpu.memory_space<semaphore_mem>>)
    %dma_wait3A_381 = arith.constant 0 : i32
    %dma_wait3A_382 = arith.constant 0 : i32
    %dma_wait3A_383 = tpu.memref_slice %arg13[%dma_wait3A_381, %dma_wait3A_382] : memref<2x128xi32, #tpu.memory_space<vmem>> -> memref<1x128xi32, #tpu.memory_space<vmem>>
    %dma_wait3A_384 = tpu.memref_squeeze %dma_wait3A_383 : memref<1x128xi32, #tpu.memory_space<vmem>> -> memref<128xi32, #tpu.memory_space<vmem>>
    %dma_wait3A_385 = arith.constant 0 : i32
    %dma_wait3A_386 = arith.constant 0 : i32
    %dma_wait3A_387 = tpu.memref_slice %arg2[%dma_wait3A_385, %dma_wait3A_386] : memref<20480x96xbf16, #tpu.memory_space<hbm>> -> memref<20480x96xbf16, #tpu.memory_space<hbm>>
    tpu.wait_indirect_dma semaphore(%arg30 : memref<!tpu.dma_semaphore, #tpu.memory_space<semaphore_mem>>) src(%dma_wait3A_387 : memref<20480x96xbf16, #tpu.memory_space<hbm>>) dst(%arg18 : memref<128x96xbf16, #tpu.memory_space<vmem>>)
    %dma_start3A_388 = arith.constant 1 : i32
    %dma_start3A_389 = arith.constant 0 : i32
    %dma_start3A_390 = tpu.memref_slice %arg13[%dma_start3A_388, %dma_start3A_389] : memref<2x128xi32, #tpu.memory_space<vmem>> -> memref<1x128xi32, #tpu.memory_space<vmem>>
    %dma_start3A_391 = tpu.memref_squeeze %dma_start3A_390 : memref<1x128xi32, #tpu.memory_space<vmem>> -> memref<128xi32, #tpu.memory_space<vmem>>
    %dma_start3A_392 = arith.constant 0 : i32
    %dma_start3A_393 = arith.constant 0 : i32
    %dma_start3A_394 = tpu.memref_slice %arg19[%dma_start3A_392, %dma_start3A_393] : memref<10240x96xbf16, #tpu.memory_space<vmem_shared>> -> memref<10240x96xbf16, #tpu.memory_space<vmem_shared>>
    tpu.enqueue_indirect_dma source(%arg18 : memref<128x96xbf16, #tpu.memory_space<vmem>>) target(%dma_start3A_394 : memref<10240x96xbf16, #tpu.memory_space<vmem_shared>>) offsets(%dma_start3A_391 : memref<128xi32, #tpu.memory_space<vmem>>) semaphore(%arg35 : memref<!tpu.dma_semaphore, #tpu.memory_space<semaphore_mem>>) {add = true}
    %dma_wait3A_395 = arith.constant 1 : i32
    %dma_wait3A_396 = arith.constant 0 : i32
    %dma_wait3A_397 = tpu.memref_slice %arg11[%dma_wait3A_395, %dma_wait3A_396] : memref<2x128xi32, #tpu.memory_space<vmem>> -> memref<1x128xi32, #tpu.memory_space<vmem>>
    %dma_wait3A_398 = tpu.memref_squeeze %dma_wait3A_397 : memref<1x128xi32, #tpu.memory_space<vmem>> -> memref<128xi32, #tpu.memory_space<vmem>>
    %dma_wait3A_399 = arith.constant 0 : i32
    %dma_wait3A_400 = arith.constant 0 : i32
    %dma_wait3A_401 = tpu.memref_slice %arg19[%dma_wait3A_399, %dma_wait3A_400] : memref<10240x96xbf16, #tpu.memory_space<vmem_shared>> -> memref<10240x96xbf16, #tpu.memory_space<vmem_shared>>
    tpu.wait_indirect_dma semaphore(%arg33 : memref<!tpu.dma_semaphore, #tpu.memory_space<semaphore_mem>>) src(%arg16 : memref<128x96xbf16, #tpu.memory_space<vmem>>) dst(%dma_wait3A_401 : memref<10240x96xbf16, #tpu.memory_space<vmem_shared>>)
    %add3A_402 = arith.constant 7 : i32
    %add3A_403 = arith.addi %mul3A_2, %add3A_402 : i32
    %dma_start3A_404 = arith.constant 0 : i32
    %dma_start3A_405 = arith.constant 0 : i32
    %dma_start3A_406 = arith.constant 0 : i32
    %dma_start3A_407 = tpu.memref_slice %arg3[%arg0, %dma_start3A_404, %dma_start3A_405, %dma_start3A_406] : memref<2x2560x2x128xi32, #tpu.memory_space<hbm>> -> memref<1x2560x2x128xi32, #tpu.memory_space<hbm>>
    %dma_start3A_408 = tpu.memref_squeeze %dma_start3A_407 : memref<1x2560x2x128xi32, #tpu.memory_space<hbm>> -> memref<2560x2x128xi32, #tpu.memory_space<hbm>>
    %dma_start3A_409 = arith.constant 0 : i32
    %dma_start3A_410 = arith.constant 0 : i32
    %dma_start3A_411 = tpu.memref_slice %dma_start3A_408[%add3A_403, %dma_start3A_409, %dma_start3A_410] : memref<2560x2x128xi32, #tpu.memory_space<hbm>> -> memref<1x2x128xi32, #tpu.memory_space<hbm>>
    %dma_start3A_412 = tpu.memref_squeeze %dma_start3A_411 : memref<1x2x128xi32, #tpu.memory_space<hbm>> -> memref<2x128xi32, #tpu.memory_space<hbm>>
    %dma_start3A_413 = arith.constant 0 : i32
    %dma_start3A_414 = arith.constant 0 : i32
    %dma_start3A_415 = arith.constant 0 : i32
    %dma_start3A_416 = tpu.memref_slice %arg3[%arg0, %dma_start3A_413, %dma_start3A_414, %dma_start3A_415] : memref<2x2560x2x128xi32, #tpu.memory_space<hbm>> -> memref<1x2560x2x128xi32, #tpu.memory_space<hbm>>
    %dma_start3A_417 = tpu.memref_squeeze %dma_start3A_416 : memref<1x2560x2x128xi32, #tpu.memory_space<hbm>> -> memref<2560x2x128xi32, #tpu.memory_space<hbm>>
    %dma_start3A_418 = arith.constant 0 : i32
    %dma_start3A_419 = arith.constant 0 : i32
    %dma_start3A_420 = tpu.memref_slice %dma_start3A_417[%add3A_403, %dma_start3A_418, %dma_start3A_419] : memref<2560x2x128xi32, #tpu.memory_space<hbm>> -> memref<1x2x128xi32, #tpu.memory_space<hbm>>
    %dma_start3A_421 = tpu.memref_squeeze %dma_start3A_420 : memref<1x2x128xi32, #tpu.memory_space<hbm>> -> memref<2x128xi32, #tpu.memory_space<hbm>>
    tpu.enqueue_dma source(%dma_start3A_421 : memref<2x128xi32, #tpu.memory_space<hbm>>) target(%arg11 : memref<2x128xi32, #tpu.memory_space<vmem>>) target_semaphore(%arg23 : memref<!tpu.dma_semaphore, #tpu.memory_space<semaphore_mem>>)
    %add3A_422 = arith.constant 6 : i32
    %add3A_423 = arith.addi %mul3A_2, %add3A_422 : i32
    %dma_wait3A_424 = arith.constant 0 : i32
    %dma_wait3A_425 = arith.constant 0 : i32
    %dma_wait3A_426 = arith.constant 0 : i32
    %dma_wait3A_427 = tpu.memref_slice %arg3[%arg0, %dma_wait3A_424, %dma_wait3A_425, %dma_wait3A_426] : memref<2x2560x2x128xi32, #tpu.memory_space<hbm>> -> memref<1x2560x2x128xi32, #tpu.memory_space<hbm>>
    %dma_wait3A_428 = tpu.memref_squeeze %dma_wait3A_427 : memref<1x2560x2x128xi32, #tpu.memory_space<hbm>> -> memref<2560x2x128xi32, #tpu.memory_space<hbm>>
    %dma_wait3A_429 = arith.constant 0 : i32
    %dma_wait3A_430 = arith.constant 0 : i32
    %dma_wait3A_431 = tpu.memref_slice %dma_wait3A_428[%add3A_423, %dma_wait3A_429, %dma_wait3A_430] : memref<2560x2x128xi32, #tpu.memory_space<hbm>> -> memref<1x2x128xi32, #tpu.memory_space<hbm>>
    %dma_wait3A_432 = tpu.memref_squeeze %dma_wait3A_431 : memref<1x2x128xi32, #tpu.memory_space<hbm>> -> memref<2x128xi32, #tpu.memory_space<hbm>>
    %dma_wait3A_433 = arith.constant 0 : i32
    %dma_wait3A_434 = arith.constant 0 : i32
    %dma_wait3A_435 = arith.constant 0 : i32
    %dma_wait3A_436 = tpu.memref_slice %arg3[%arg0, %dma_wait3A_433, %dma_wait3A_434, %dma_wait3A_435] : memref<2x2560x2x128xi32, #tpu.memory_space<hbm>> -> memref<1x2560x2x128xi32, #tpu.memory_space<hbm>>
    %dma_wait3A_437 = tpu.memref_squeeze %dma_wait3A_436 : memref<1x2560x2x128xi32, #tpu.memory_space<hbm>> -> memref<2560x2x128xi32, #tpu.memory_space<hbm>>
    %dma_wait3A_438 = arith.constant 0 : i32
    %dma_wait3A_439 = arith.constant 0 : i32
    %dma_wait3A_440 = tpu.memref_slice %dma_wait3A_437[%add3A_423, %dma_wait3A_438, %dma_wait3A_439] : memref<2560x2x128xi32, #tpu.memory_space<hbm>> -> memref<1x2x128xi32, #tpu.memory_space<hbm>>
    %dma_wait3A_441 = tpu.memref_squeeze %dma_wait3A_440 : memref<1x2x128xi32, #tpu.memory_space<hbm>> -> memref<2x128xi32, #tpu.memory_space<hbm>>
    tpu.wait_dma2 semaphore(%arg22 : memref<!tpu.dma_semaphore, #tpu.memory_space<semaphore_mem>>) src(%dma_wait3A_441 : memref<2x128xi32, #tpu.memory_space<hbm>>) dst(%arg10 : memref<2x128xi32, #tpu.memory_space<vmem>>)
    %dma_start3A_442 = arith.constant 0 : i32
    %dma_start3A_443 = arith.constant 0 : i32
    %dma_start3A_444 = tpu.memref_slice %arg10[%dma_start3A_442, %dma_start3A_443] : memref<2x128xi32, #tpu.memory_space<vmem>> -> memref<1x128xi32, #tpu.memory_space<vmem>>
    %dma_start3A_445 = tpu.memref_squeeze %dma_start3A_444 : memref<1x128xi32, #tpu.memory_space<vmem>> -> memref<128xi32, #tpu.memory_space<vmem>>
    %dma_start3A_446 = arith.constant 0 : i32
    %dma_start3A_447 = arith.constant 0 : i32
    %dma_start3A_448 = tpu.memref_slice %arg2[%dma_start3A_446, %dma_start3A_447] : memref<20480x96xbf16, #tpu.memory_space<hbm>> -> memref<20480x96xbf16, #tpu.memory_space<hbm>>
    tpu.enqueue_indirect_dma source(%dma_start3A_448 : memref<20480x96xbf16, #tpu.memory_space<hbm>>) target(%arg15 : memref<128x96xbf16, #tpu.memory_space<vmem>>) offsets(%dma_start3A_445 : memref<128xi32, #tpu.memory_space<vmem>>) semaphore(%arg27 : memref<!tpu.dma_semaphore, #tpu.memory_space<semaphore_mem>>)
    %scan3A_449 = arith.constant 0 : i32
    %scan3A_450 = arith.constant 30 : i32
    %scan3A_451 = arith.addi %scan3A_449, %scan3A_450 : i32
    %scan3A_452 = arith.constant 1 : i32
    scf.for %scan3A_702 = %scan3A_449 to %scan3A_451 step %scan3A_452  : i32 {
      %mul3A_703 = arith.constant 5 : i32
      %mul3A_704 = arith.muli %scan3A_702, %mul3A_703 : i32
      %add3A_705 = arith.constant 5 : i32
      %add3A_706 = arith.addi %add3A_705, %mul3A_704 : i32
      %add3A_707 = arith.constant 0 : i32
      %add3A_708 = arith.addi %add3A_706, %add3A_707 : i32
      %dma_wait3A_709 = arith.constant 0 : i32
      %dma_wait3A_710 = arith.constant 0 : i32
      %dma_wait3A_711 = tpu.memref_slice %arg9[%dma_wait3A_709, %dma_wait3A_710] : memref<2x128xi32, #tpu.memory_space<vmem>> -> memref<1x128xi32, #tpu.memory_space<vmem>>
      %dma_wait3A_712 = tpu.memref_squeeze %dma_wait3A_711 : memref<1x128xi32, #tpu.memory_space<vmem>> -> memref<128xi32, #tpu.memory_space<vmem>>
      %dma_wait3A_713 = arith.constant 0 : i32
      %dma_wait3A_714 = arith.constant 0 : i32
      %dma_wait3A_715 = tpu.memref_slice %arg2[%dma_wait3A_713, %dma_wait3A_714] : memref<20480x96xbf16, #tpu.memory_space<hbm>> -> memref<20480x96xbf16, #tpu.memory_space<hbm>>
      tpu.wait_indirect_dma semaphore(%arg26 : memref<!tpu.dma_semaphore, #tpu.memory_space<semaphore_mem>>) src(%dma_wait3A_715 : memref<20480x96xbf16, #tpu.memory_space<hbm>>) dst(%arg14 : memref<128x96xbf16, #tpu.memory_space<vmem>>)
      %dma_start3A_716 = arith.constant 1 : i32
      %dma_start3A_717 = arith.constant 0 : i32
      %dma_start3A_718 = tpu.memref_slice %arg9[%dma_start3A_716, %dma_start3A_717] : memref<2x128xi32, #tpu.memory_space<vmem>> -> memref<1x128xi32, #tpu.memory_space<vmem>>
      %dma_start3A_719 = tpu.memref_squeeze %dma_start3A_718 : memref<1x128xi32, #tpu.memory_space<vmem>> -> memref<128xi32, #tpu.memory_space<vmem>>
      %dma_start3A_720 = arith.constant 0 : i32
      %dma_start3A_721 = arith.constant 0 : i32
      %dma_start3A_722 = tpu.memref_slice %arg19[%dma_start3A_720, %dma_start3A_721] : memref<10240x96xbf16, #tpu.memory_space<vmem_shared>> -> memref<10240x96xbf16, #tpu.memory_space<vmem_shared>>
      tpu.enqueue_indirect_dma source(%arg14 : memref<128x96xbf16, #tpu.memory_space<vmem>>) target(%dma_start3A_722 : memref<10240x96xbf16, #tpu.memory_space<vmem_shared>>) offsets(%dma_start3A_719 : memref<128xi32, #tpu.memory_space<vmem>>) semaphore(%arg31 : memref<!tpu.dma_semaphore, #tpu.memory_space<semaphore_mem>>) {add = true}
      %dma_wait3A_723 = arith.constant 1 : i32
      %dma_wait3A_724 = arith.constant 0 : i32
      %dma_wait3A_725 = tpu.memref_slice %arg12[%dma_wait3A_723, %dma_wait3A_724] : memref<2x128xi32, #tpu.memory_space<vmem>> -> memref<1x128xi32, #tpu.memory_space<vmem>>
      %dma_wait3A_726 = tpu.memref_squeeze %dma_wait3A_725 : memref<1x128xi32, #tpu.memory_space<vmem>> -> memref<128xi32, #tpu.memory_space<vmem>>
      %dma_wait3A_727 = arith.constant 0 : i32
      %dma_wait3A_728 = arith.constant 0 : i32
      %dma_wait3A_729 = tpu.memref_slice %arg20[%dma_wait3A_727, %dma_wait3A_728] : memref<10240x96xbf16, #tpu.memory_space<vmem_shared>> -> memref<10240x96xbf16, #tpu.memory_space<vmem_shared>>
      tpu.wait_indirect_dma semaphore(%arg34 : memref<!tpu.dma_semaphore, #tpu.memory_space<semaphore_mem>>) src(%arg17 : memref<128x96xbf16, #tpu.memory_space<vmem>>) dst(%dma_wait3A_729 : memref<10240x96xbf16, #tpu.memory_space<vmem_shared>>)
      %add3A_730 = arith.constant 3 : i32
      %add3A_731 = arith.addi %add3A_708, %add3A_730 : i32
      %add3A_732 = arith.addi %mul3A_2, %add3A_731 : i32
      %dma_start3A_733 = arith.constant 0 : i32
      %dma_start3A_734 = arith.constant 0 : i32
      %dma_start3A_735 = arith.constant 0 : i32
      %dma_start3A_736 = tpu.memref_slice %arg3[%arg0, %dma_start3A_733, %dma_start3A_734, %dma_start3A_735] : memref<2x2560x2x128xi32, #tpu.memory_space<hbm>> -> memref<1x2560x2x128xi32, #tpu.memory_space<hbm>>
      %dma_start3A_737 = tpu.memref_squeeze %dma_start3A_736 : memref<1x2560x2x128xi32, #tpu.memory_space<hbm>> -> memref<2560x2x128xi32, #tpu.memory_space<hbm>>
      %dma_start3A_738 = arith.constant 0 : i32
      %dma_start3A_739 = arith.constant 0 : i32
      %dma_start3A_740 = tpu.memref_slice %dma_start3A_737[%add3A_732, %dma_start3A_738, %dma_start3A_739] : memref<2560x2x128xi32, #tpu.memory_space<hbm>> -> memref<1x2x128xi32, #tpu.memory_space<hbm>>
      %dma_start3A_741 = tpu.memref_squeeze %dma_start3A_740 : memref<1x2x128xi32, #tpu.memory_space<hbm>> -> memref<2x128xi32, #tpu.memory_space<hbm>>
      %dma_start3A_742 = arith.constant 0 : i32
      %dma_start3A_743 = arith.constant 0 : i32
      %dma_start3A_744 = arith.constant 0 : i32
      %dma_start3A_745 = tpu.memref_slice %arg3[%arg0, %dma_start3A_742, %dma_start3A_743, %dma_start3A_744] : memref<2x2560x2x128xi32, #tpu.memory_space<hbm>> -> memref<1x2560x2x128xi32, #tpu.memory_space<hbm>>
      %dma_start3A_746 = tpu.memref_squeeze %dma_start3A_745 : memref<1x2560x2x128xi32, #tpu.memory_space<hbm>> -> memref<2560x2x128xi32, #tpu.memory_space<hbm>>
      %dma_start3A_747 = arith.constant 0 : i32
      %dma_start3A_748 = arith.constant 0 : i32
      %dma_start3A_749 = tpu.memref_slice %dma_start3A_746[%add3A_732, %dma_start3A_747, %dma_start3A_748] : memref<2560x2x128xi32, #tpu.memory_space<hbm>> -> memref<1x2x128xi32, #tpu.memory_space<hbm>>
      %dma_start3A_750 = tpu.memref_squeeze %dma_start3A_749 : memref<1x2x128xi32, #tpu.memory_space<hbm>> -> memref<2x128xi32, #tpu.memory_space<hbm>>
      tpu.enqueue_dma source(%dma_start3A_750 : memref<2x128xi32, #tpu.memory_space<hbm>>) target(%arg12 : memref<2x128xi32, #tpu.memory_space<vmem>>) target_semaphore(%arg24 : memref<!tpu.dma_semaphore, #tpu.memory_space<semaphore_mem>>)
      %add3A_751 = arith.constant 2 : i32
      %add3A_752 = arith.addi %add3A_708, %add3A_751 : i32
      %add3A_753 = arith.addi %mul3A_2, %add3A_752 : i32
      %dma_wait3A_754 = arith.constant 0 : i32
      %dma_wait3A_755 = arith.constant 0 : i32
      %dma_wait3A_756 = arith.constant 0 : i32
      %dma_wait3A_757 = tpu.memref_slice %arg3[%arg0, %dma_wait3A_754, %dma_wait3A_755, %dma_wait3A_756] : memref<2x2560x2x128xi32, #tpu.memory_space<hbm>> -> memref<1x2560x2x128xi32, #tpu.memory_space<hbm>>
      %dma_wait3A_758 = tpu.memref_squeeze %dma_wait3A_757 : memref<1x2560x2x128xi32, #tpu.memory_space<hbm>> -> memref<2560x2x128xi32, #tpu.memory_space<hbm>>
      %dma_wait3A_759 = arith.constant 0 : i32
      %dma_wait3A_760 = arith.constant 0 : i32
      %dma_wait3A_761 = tpu.memref_slice %dma_wait3A_758[%add3A_753, %dma_wait3A_759, %dma_wait3A_760] : memref<2560x2x128xi32, #tpu.memory_space<hbm>> -> memref<1x2x128xi32, #tpu.memory_space<hbm>>
      %dma_wait3A_762 = tpu.memref_squeeze %dma_wait3A_761 : memref<1x2x128xi32, #tpu.memory_space<hbm>> -> memref<2x128xi32, #tpu.memory_space<hbm>>
      %dma_wait3A_763 = arith.constant 0 : i32
      %dma_wait3A_764 = arith.constant 0 : i32
      %dma_wait3A_765 = arith.constant 0 : i32
      %dma_wait3A_766 = tpu.memref_slice %arg3[%arg0, %dma_wait3A_763, %dma_wait3A_764, %dma_wait3A_765] : memref<2x2560x2x128xi32, #tpu.memory_space<hbm>> -> memref<1x2560x2x128xi32, #tpu.memory_space<hbm>>
      %dma_wait3A_767 = tpu.memref_squeeze %dma_wait3A_766 : memref<1x2560x2x128xi32, #tpu.memory_space<hbm>> -> memref<2560x2x128xi32, #tpu.memory_space<hbm>>
      %dma_wait3A_768 = arith.constant 0 : i32
      %dma_wait3A_769 = arith.constant 0 : i32
      %dma_wait3A_770 = tpu.memref_slice %dma_wait3A_767[%add3A_753, %dma_wait3A_768, %dma_wait3A_769] : memref<2560x2x128xi32, #tpu.memory_space<hbm>> -> memref<1x2x128xi32, #tpu.memory_space<hbm>>
      %dma_wait3A_771 = tpu.memref_squeeze %dma_wait3A_770 : memref<1x2x128xi32, #tpu.memory_space<hbm>> -> memref<2x128xi32, #tpu.memory_space<hbm>>
      tpu.wait_dma2 semaphore(%arg23 : memref<!tpu.dma_semaphore, #tpu.memory_space<semaphore_mem>>) src(%dma_wait3A_771 : memref<2x128xi32, #tpu.memory_space<hbm>>) dst(%arg11 : memref<2x128xi32, #tpu.memory_space<vmem>>)
      %dma_start3A_772 = arith.constant 0 : i32
      %dma_start3A_773 = arith.constant 0 : i32
      %dma_start3A_774 = tpu.memref_slice %arg11[%dma_start3A_772, %dma_start3A_773] : memref<2x128xi32, #tpu.memory_space<vmem>> -> memref<1x128xi32, #tpu.memory_space<vmem>>
      %dma_start3A_775 = tpu.memref_squeeze %dma_start3A_774 : memref<1x128xi32, #tpu.memory_space<vmem>> -> memref<128xi32, #tpu.memory_space<vmem>>
      %dma_start3A_776 = arith.constant 0 : i32
      %dma_start3A_777 = arith.constant 0 : i32
      %dma_start3A_778 = tpu.memref_slice %arg2[%dma_start3A_776, %dma_start3A_777] : memref<20480x96xbf16, #tpu.memory_space<hbm>> -> memref<20480x96xbf16, #tpu.memory_space<hbm>>
      tpu.enqueue_indirect_dma source(%dma_start3A_778 : memref<20480x96xbf16, #tpu.memory_space<hbm>>) target(%arg16 : memref<128x96xbf16, #tpu.memory_space<vmem>>) offsets(%dma_start3A_775 : memref<128xi32, #tpu.memory_space<vmem>>) semaphore(%arg28 : memref<!tpu.dma_semaphore, #tpu.memory_space<semaphore_mem>>)
      %add3A_779 = arith.constant 1 : i32
      %add3A_780 = arith.addi %add3A_706, %add3A_779 : i32
      %dma_wait3A_781 = arith.constant 0 : i32
      %dma_wait3A_782 = arith.constant 0 : i32
      %dma_wait3A_783 = tpu.memref_slice %arg10[%dma_wait3A_781, %dma_wait3A_782] : memref<2x128xi32, #tpu.memory_space<vmem>> -> memref<1x128xi32, #tpu.memory_space<vmem>>
      %dma_wait3A_784 = tpu.memref_squeeze %dma_wait3A_783 : memref<1x128xi32, #tpu.memory_space<vmem>> -> memref<128xi32, #tpu.memory_space<vmem>>
      %dma_wait3A_785 = arith.constant 0 : i32
      %dma_wait3A_786 = arith.constant 0 : i32
      %dma_wait3A_787 = tpu.memref_slice %arg2[%dma_wait3A_785, %dma_wait3A_786] : memref<20480x96xbf16, #tpu.memory_space<hbm>> -> memref<20480x96xbf16, #tpu.memory_space<hbm>>
      tpu.wait_indirect_dma semaphore(%arg27 : memref<!tpu.dma_semaphore, #tpu.memory_space<semaphore_mem>>) src(%dma_wait3A_787 : memref<20480x96xbf16, #tpu.memory_space<hbm>>) dst(%arg15 : memref<128x96xbf16, #tpu.memory_space<vmem>>)
      %dma_start3A_788 = arith.constant 1 : i32
      %dma_start3A_789 = arith.constant 0 : i32
      %dma_start3A_790 = tpu.memref_slice %arg10[%dma_start3A_788, %dma_start3A_789] : memref<2x128xi32, #tpu.memory_space<vmem>> -> memref<1x128xi32, #tpu.memory_space<vmem>>
      %dma_start3A_791 = tpu.memref_squeeze %dma_start3A_790 : memref<1x128xi32, #tpu.memory_space<vmem>> -> memref<128xi32, #tpu.memory_space<vmem>>
      %dma_start3A_792 = arith.constant 0 : i32
      %dma_start3A_793 = arith.constant 0 : i32
      %dma_start3A_794 = tpu.memref_slice %arg20[%dma_start3A_792, %dma_start3A_793] : memref<10240x96xbf16, #tpu.memory_space<vmem_shared>> -> memref<10240x96xbf16, #tpu.memory_space<vmem_shared>>
      tpu.enqueue_indirect_dma source(%arg15 : memref<128x96xbf16, #tpu.memory_space<vmem>>) target(%dma_start3A_794 : memref<10240x96xbf16, #tpu.memory_space<vmem_shared>>) offsets(%dma_start3A_791 : memref<128xi32, #tpu.memory_space<vmem>>) semaphore(%arg32 : memref<!tpu.dma_semaphore, #tpu.memory_space<semaphore_mem>>) {add = true}
      %dma_wait3A_795 = arith.constant 1 : i32
      %dma_wait3A_796 = arith.constant 0 : i32
      %dma_wait3A_797 = tpu.memref_slice %arg13[%dma_wait3A_795, %dma_wait3A_796] : memref<2x128xi32, #tpu.memory_space<vmem>> -> memref<1x128xi32, #tpu.memory_space<vmem>>
      %dma_wait3A_798 = tpu.memref_squeeze %dma_wait3A_797 : memref<1x128xi32, #tpu.memory_space<vmem>> -> memref<128xi32, #tpu.memory_space<vmem>>
      %dma_wait3A_799 = arith.constant 0 : i32
      %dma_wait3A_800 = arith.constant 0 : i32
      %dma_wait3A_801 = tpu.memref_slice %arg19[%dma_wait3A_799, %dma_wait3A_800] : memref<10240x96xbf16, #tpu.memory_space<vmem_shared>> -> memref<10240x96xbf16, #tpu.memory_space<vmem_shared>>
      tpu.wait_indirect_dma semaphore(%arg35 : memref<!tpu.dma_semaphore, #tpu.memory_space<semaphore_mem>>) src(%arg18 : memref<128x96xbf16, #tpu.memory_space<vmem>>) dst(%dma_wait3A_801 : memref<10240x96xbf16, #tpu.memory_space<vmem_shared>>)
      %add3A_802 = arith.constant 3 : i32
      %add3A_803 = arith.addi %add3A_780, %add3A_802 : i32
      %add3A_804 = arith.addi %mul3A_2, %add3A_803 : i32
      %dma_start3A_805 = arith.constant 0 : i32
      %dma_start3A_806 = arith.constant 0 : i32
      %dma_start3A_807 = arith.constant 0 : i32
      %dma_start3A_808 = tpu.memref_slice %arg3[%arg0, %dma_start3A_805, %dma_start3A_806, %dma_start3A_807] : memref<2x2560x2x128xi32, #tpu.memory_space<hbm>> -> memref<1x2560x2x128xi32, #tpu.memory_space<hbm>>
      %dma_start3A_809 = tpu.memref_squeeze %dma_start3A_808 : memref<1x2560x2x128xi32, #tpu.memory_space<hbm>> -> memref<2560x2x128xi32, #tpu.memory_space<hbm>>
      %dma_start3A_810 = arith.constant 0 : i32
      %dma_start3A_811 = arith.constant 0 : i32
      %dma_start3A_812 = tpu.memref_slice %dma_start3A_809[%add3A_804, %dma_start3A_810, %dma_start3A_811] : memref<2560x2x128xi32, #tpu.memory_space<hbm>> -> memref<1x2x128xi32, #tpu.memory_space<hbm>>
      %dma_start3A_813 = tpu.memref_squeeze %dma_start3A_812 : memref<1x2x128xi32, #tpu.memory_space<hbm>> -> memref<2x128xi32, #tpu.memory_space<hbm>>
      %dma_start3A_814 = arith.constant 0 : i32
      %dma_start3A_815 = arith.constant 0 : i32
      %dma_start3A_816 = arith.constant 0 : i32
      %dma_start3A_817 = tpu.memref_slice %arg3[%arg0, %dma_start3A_814, %dma_start3A_815, %dma_start3A_816] : memref<2x2560x2x128xi32, #tpu.memory_space<hbm>> -> memref<1x2560x2x128xi32, #tpu.memory_space<hbm>>
      %dma_start3A_818 = tpu.memref_squeeze %dma_start3A_817 : memref<1x2560x2x128xi32, #tpu.memory_space<hbm>> -> memref<2560x2x128xi32, #tpu.memory_space<hbm>>
      %dma_start3A_819 = arith.constant 0 : i32
      %dma_start3A_820 = arith.constant 0 : i32
      %dma_start3A_821 = tpu.memref_slice %dma_start3A_818[%add3A_804, %dma_start3A_819, %dma_start3A_820] : memref<2560x2x128xi32, #tpu.memory_space<hbm>> -> memref<1x2x128xi32, #tpu.memory_space<hbm>>
      %dma_start3A_822 = tpu.memref_squeeze %dma_start3A_821 : memref<1x2x128xi32, #tpu.memory_space<hbm>> -> memref<2x128xi32, #tpu.memory_space<hbm>>
      tpu.enqueue_dma source(%dma_start3A_822 : memref<2x128xi32, #tpu.memory_space<hbm>>) target(%arg13 : memref<2x128xi32, #tpu.memory_space<vmem>>) target_semaphore(%arg25 : memref<!tpu.dma_semaphore, #tpu.memory_space<semaphore_mem>>)
      %add3A_823 = arith.constant 2 : i32
      %add3A_824 = arith.addi %add3A_780, %add3A_823 : i32
      %add3A_825 = arith.addi %mul3A_2, %add3A_824 : i32
      %dma_wait3A_826 = arith.constant 0 : i32
      %dma_wait3A_827 = arith.constant 0 : i32
      %dma_wait3A_828 = arith.constant 0 : i32
      %dma_wait3A_829 = tpu.memref_slice %arg3[%arg0, %dma_wait3A_826, %dma_wait3A_827, %dma_wait3A_828] : memref<2x2560x2x128xi32, #tpu.memory_space<hbm>> -> memref<1x2560x2x128xi32, #tpu.memory_space<hbm>>
      %dma_wait3A_830 = tpu.memref_squeeze %dma_wait3A_829 : memref<1x2560x2x128xi32, #tpu.memory_space<hbm>> -> memref<2560x2x128xi32, #tpu.memory_space<hbm>>
      %dma_wait3A_831 = arith.constant 0 : i32
      %dma_wait3A_832 = arith.constant 0 : i32
      %dma_wait3A_833 = tpu.memref_slice %dma_wait3A_830[%add3A_825, %dma_wait3A_831, %dma_wait3A_832] : memref<2560x2x128xi32, #tpu.memory_space<hbm>> -> memref<1x2x128xi32, #tpu.memory_space<hbm>>
      %dma_wait3A_834 = tpu.memref_squeeze %dma_wait3A_833 : memref<1x2x128xi32, #tpu.memory_space<hbm>> -> memref<2x128xi32, #tpu.memory_space<hbm>>
      %dma_wait3A_835 = arith.constant 0 : i32
      %dma_wait3A_836 = arith.constant 0 : i32
      %dma_wait3A_837 = arith.constant 0 : i32
      %dma_wait3A_838 = tpu.memref_slice %arg3[%arg0, %dma_wait3A_835, %dma_wait3A_836, %dma_wait3A_837] : memref<2x2560x2x128xi32, #tpu.memory_space<hbm>> -> memref<1x2560x2x128xi32, #tpu.memory_space<hbm>>
      %dma_wait3A_839 = tpu.memref_squeeze %dma_wait3A_838 : memref<1x2560x2x128xi32, #tpu.memory_space<hbm>> -> memref<2560x2x128xi32, #tpu.memory_space<hbm>>
      %dma_wait3A_840 = arith.constant 0 : i32
      %dma_wait3A_841 = arith.constant 0 : i32
      %dma_wait3A_842 = tpu.memref_slice %dma_wait3A_839[%add3A_825, %dma_wait3A_840, %dma_wait3A_841] : memref<2560x2x128xi32, #tpu.memory_space<hbm>> -> memref<1x2x128xi32, #tpu.memory_space<hbm>>
      %dma_wait3A_843 = tpu.memref_squeeze %dma_wait3A_842 : memref<1x2x128xi32, #tpu.memory_space<hbm>> -> memref<2x128xi32, #tpu.memory_space<hbm>>
      tpu.wait_dma2 semaphore(%arg24 : memref<!tpu.dma_semaphore, #tpu.memory_space<semaphore_mem>>) src(%dma_wait3A_843 : memref<2x128xi32, #tpu.memory_space<hbm>>) dst(%arg12 : memref<2x128xi32, #tpu.memory_space<vmem>>)
      %dma_start3A_844 = arith.constant 0 : i32
      %dma_start3A_845 = arith.constant 0 : i32
      %dma_start3A_846 = tpu.memref_slice %arg12[%dma_start3A_844, %dma_start3A_845] : memref<2x128xi32, #tpu.memory_space<vmem>> -> memref<1x128xi32, #tpu.memory_space<vmem>>
      %dma_start3A_847 = tpu.memref_squeeze %dma_start3A_846 : memref<1x128xi32, #tpu.memory_space<vmem>> -> memref<128xi32, #tpu.memory_space<vmem>>
      %dma_start3A_848 = arith.constant 0 : i32
      %dma_start3A_849 = arith.constant 0 : i32
      %dma_start3A_850 = tpu.memref_slice %arg2[%dma_start3A_848, %dma_start3A_849] : memref<20480x96xbf16, #tpu.memory_space<hbm>> -> memref<20480x96xbf16, #tpu.memory_space<hbm>>
      tpu.enqueue_indirect_dma source(%dma_start3A_850 : memref<20480x96xbf16, #tpu.memory_space<hbm>>) target(%arg17 : memref<128x96xbf16, #tpu.memory_space<vmem>>) offsets(%dma_start3A_847 : memref<128xi32, #tpu.memory_space<vmem>>) semaphore(%arg29 : memref<!tpu.dma_semaphore, #tpu.memory_space<semaphore_mem>>)
      %add3A_851 = arith.constant 2 : i32
      %add3A_852 = arith.addi %add3A_706, %add3A_851 : i32
      %dma_wait3A_853 = arith.constant 0 : i32
      %dma_wait3A_854 = arith.constant 0 : i32
      %dma_wait3A_855 = tpu.memref_slice %arg11[%dma_wait3A_853, %dma_wait3A_854] : memref<2x128xi32, #tpu.memory_space<vmem>> -> memref<1x128xi32, #tpu.memory_space<vmem>>
      %dma_wait3A_856 = tpu.memref_squeeze %dma_wait3A_855 : memref<1x128xi32, #tpu.memory_space<vmem>> -> memref<128xi32, #tpu.memory_space<vmem>>
      %dma_wait3A_857 = arith.constant 0 : i32
      %dma_wait3A_858 = arith.constant 0 : i32
      %dma_wait3A_859 = tpu.memref_slice %arg2[%dma_wait3A_857, %dma_wait3A_858] : memref<20480x96xbf16, #tpu.memory_space<hbm>> -> memref<20480x96xbf16, #tpu.memory_space<hbm>>
      tpu.wait_indirect_dma semaphore(%arg28 : memref<!tpu.dma_semaphore, #tpu.memory_space<semaphore_mem>>) src(%dma_wait3A_859 : memref<20480x96xbf16, #tpu.memory_space<hbm>>) dst(%arg16 : memref<128x96xbf16, #tpu.memory_space<vmem>>)
      %dma_start3A_860 = arith.constant 1 : i32
      %dma_start3A_861 = arith.constant 0 : i32
      %dma_start3A_862 = tpu.memref_slice %arg11[%dma_start3A_860, %dma_start3A_861] : memref<2x128xi32, #tpu.memory_space<vmem>> -> memref<1x128xi32, #tpu.memory_space<vmem>>
      %dma_start3A_863 = tpu.memref_squeeze %dma_start3A_862 : memref<1x128xi32, #tpu.memory_space<vmem>> -> memref<128xi32, #tpu.memory_space<vmem>>
      %dma_start3A_864 = arith.constant 0 : i32
      %dma_start3A_865 = arith.constant 0 : i32
      %dma_start3A_866 = tpu.memref_slice %arg19[%dma_start3A_864, %dma_start3A_865] : memref<10240x96xbf16, #tpu.memory_space<vmem_shared>> -> memref<10240x96xbf16, #tpu.memory_space<vmem_shared>>
      tpu.enqueue_indirect_dma source(%arg16 : memref<128x96xbf16, #tpu.memory_space<vmem>>) target(%dma_start3A_866 : memref<10240x96xbf16, #tpu.memory_space<vmem_shared>>) offsets(%dma_start3A_863 : memref<128xi32, #tpu.memory_space<vmem>>) semaphore(%arg33 : memref<!tpu.dma_semaphore, #tpu.memory_space<semaphore_mem>>) {add = true}
      %dma_wait3A_867 = arith.constant 1 : i32
      %dma_wait3A_868 = arith.constant 0 : i32
      %dma_wait3A_869 = tpu.memref_slice %arg9[%dma_wait3A_867, %dma_wait3A_868] : memref<2x128xi32, #tpu.memory_space<vmem>> -> memref<1x128xi32, #tpu.memory_space<vmem>>
      %dma_wait3A_870 = tpu.memref_squeeze %dma_wait3A_869 : memref<1x128xi32, #tpu.memory_space<vmem>> -> memref<128xi32, #tpu.memory_space<vmem>>
      %dma_wait3A_871 = arith.constant 0 : i32
      %dma_wait3A_872 = arith.constant 0 : i32
      %dma_wait3A_873 = tpu.memref_slice %arg19[%dma_wait3A_871, %dma_wait3A_872] : memref<10240x96xbf16, #tpu.memory_space<vmem_shared>> -> memref<10240x96xbf16, #tpu.memory_space<vmem_shared>>
      tpu.wait_indirect_dma semaphore(%arg31 : memref<!tpu.dma_semaphore, #tpu.memory_space<semaphore_mem>>) src(%arg14 : memref<128x96xbf16, #tpu.memory_space<vmem>>) dst(%dma_wait3A_873 : memref<10240x96xbf16, #tpu.memory_space<vmem_shared>>)
      %add3A_874 = arith.constant 3 : i32
      %add3A_875 = arith.addi %add3A_852, %add3A_874 : i32
      %add3A_876 = arith.addi %mul3A_2, %add3A_875 : i32
      %dma_start3A_877 = arith.constant 0 : i32
      %dma_start3A_878 = arith.constant 0 : i32
      %dma_start3A_879 = arith.constant 0 : i32
      %dma_start3A_880 = tpu.memref_slice %arg3[%arg0, %dma_start3A_877, %dma_start3A_878, %dma_start3A_879] : memref<2x2560x2x128xi32, #tpu.memory_space<hbm>> -> memref<1x2560x2x128xi32, #tpu.memory_space<hbm>>
      %dma_start3A_881 = tpu.memref_squeeze %dma_start3A_880 : memref<1x2560x2x128xi32, #tpu.memory_space<hbm>> -> memref<2560x2x128xi32, #tpu.memory_space<hbm>>
      %dma_start3A_882 = arith.constant 0 : i32
      %dma_start3A_883 = arith.constant 0 : i32
      %dma_start3A_884 = tpu.memref_slice %dma_start3A_881[%add3A_876, %dma_start3A_882, %dma_start3A_883] : memref<2560x2x128xi32, #tpu.memory_space<hbm>> -> memref<1x2x128xi32, #tpu.memory_space<hbm>>
      %dma_start3A_885 = tpu.memref_squeeze %dma_start3A_884 : memref<1x2x128xi32, #tpu.memory_space<hbm>> -> memref<2x128xi32, #tpu.memory_space<hbm>>
      %dma_start3A_886 = arith.constant 0 : i32
      %dma_start3A_887 = arith.constant 0 : i32
      %dma_start3A_888 = arith.constant 0 : i32
      %dma_start3A_889 = tpu.memref_slice %arg3[%arg0, %dma_start3A_886, %dma_start3A_887, %dma_start3A_888] : memref<2x2560x2x128xi32, #tpu.memory_space<hbm>> -> memref<1x2560x2x128xi32, #tpu.memory_space<hbm>>
      %dma_start3A_890 = tpu.memref_squeeze %dma_start3A_889 : memref<1x2560x2x128xi32, #tpu.memory_space<hbm>> -> memref<2560x2x128xi32, #tpu.memory_space<hbm>>
      %dma_start3A_891 = arith.constant 0 : i32
      %dma_start3A_892 = arith.constant 0 : i32
      %dma_start3A_893 = tpu.memref_slice %dma_start3A_890[%add3A_876, %dma_start3A_891, %dma_start3A_892] : memref<2560x2x128xi32, #tpu.memory_space<hbm>> -> memref<1x2x128xi32, #tpu.memory_space<hbm>>
      %dma_start3A_894 = tpu.memref_squeeze %dma_start3A_893 : memref<1x2x128xi32, #tpu.memory_space<hbm>> -> memref<2x128xi32, #tpu.memory_space<hbm>>
      tpu.enqueue_dma source(%dma_start3A_894 : memref<2x128xi32, #tpu.memory_space<hbm>>) target(%arg9 : memref<2x128xi32, #tpu.memory_space<vmem>>) target_semaphore(%arg21 : memref<!tpu.dma_semaphore, #tpu.memory_space<semaphore_mem>>)
      %add3A_895 = arith.constant 2 : i32
      %add3A_896 = arith.addi %add3A_852, %add3A_895 : i32
      %add3A_897 = arith.addi %mul3A_2, %add3A_896 : i32
      %dma_wait3A_898 = arith.constant 0 : i32
      %dma_wait3A_899 = arith.constant 0 : i32
      %dma_wait3A_900 = arith.constant 0 : i32
      %dma_wait3A_901 = tpu.memref_slice %arg3[%arg0, %dma_wait3A_898, %dma_wait3A_899, %dma_wait3A_900] : memref<2x2560x2x128xi32, #tpu.memory_space<hbm>> -> memref<1x2560x2x128xi32, #tpu.memory_space<hbm>>
      %dma_wait3A_902 = tpu.memref_squeeze %dma_wait3A_901 : memref<1x2560x2x128xi32, #tpu.memory_space<hbm>> -> memref<2560x2x128xi32, #tpu.memory_space<hbm>>
      %dma_wait3A_903 = arith.constant 0 : i32
      %dma_wait3A_904 = arith.constant 0 : i32
      %dma_wait3A_905 = tpu.memref_slice %dma_wait3A_902[%add3A_897, %dma_wait3A_903, %dma_wait3A_904] : memref<2560x2x128xi32, #tpu.memory_space<hbm>> -> memref<1x2x128xi32, #tpu.memory_space<hbm>>
      %dma_wait3A_906 = tpu.memref_squeeze %dma_wait3A_905 : memref<1x2x128xi32, #tpu.memory_space<hbm>> -> memref<2x128xi32, #tpu.memory_space<hbm>>
      %dma_wait3A_907 = arith.constant 0 : i32
      %dma_wait3A_908 = arith.constant 0 : i32
      %dma_wait3A_909 = arith.constant 0 : i32
      %dma_wait3A_910 = tpu.memref_slice %arg3[%arg0, %dma_wait3A_907, %dma_wait3A_908, %dma_wait3A_909] : memref<2x2560x2x128xi32, #tpu.memory_space<hbm>> -> memref<1x2560x2x128xi32, #tpu.memory_space<hbm>>
      %dma_wait3A_911 = tpu.memref_squeeze %dma_wait3A_910 : memref<1x2560x2x128xi32, #tpu.memory_space<hbm>> -> memref<2560x2x128xi32, #tpu.memory_space<hbm>>
      %dma_wait3A_912 = arith.constant 0 : i32
      %dma_wait3A_913 = arith.constant 0 : i32
      %dma_wait3A_914 = tpu.memref_slice %dma_wait3A_911[%add3A_897, %dma_wait3A_912, %dma_wait3A_913] : memref<2560x2x128xi32, #tpu.memory_space<hbm>> -> memref<1x2x128xi32, #tpu.memory_space<hbm>>
      %dma_wait3A_915 = tpu.memref_squeeze %dma_wait3A_914 : memref<1x2x128xi32, #tpu.memory_space<hbm>> -> memref<2x128xi32, #tpu.memory_space<hbm>>
      tpu.wait_dma2 semaphore(%arg25 : memref<!tpu.dma_semaphore, #tpu.memory_space<semaphore_mem>>) src(%dma_wait3A_915 : memref<2x128xi32, #tpu.memory_space<hbm>>) dst(%arg13 : memref<2x128xi32, #tpu.memory_space<vmem>>)
      %dma_start3A_916 = arith.constant 0 : i32
      %dma_start3A_917 = arith.constant 0 : i32
      %dma_start3A_918 = tpu.memref_slice %arg13[%dma_start3A_916, %dma_start3A_917] : memref<2x128xi32, #tpu.memory_space<vmem>> -> memref<1x128xi32, #tpu.memory_space<vmem>>
      %dma_start3A_919 = tpu.memref_squeeze %dma_start3A_918 : memref<1x128xi32, #tpu.memory_space<vmem>> -> memref<128xi32, #tpu.memory_space<vmem>>
      %dma_start3A_920 = arith.constant 0 : i32
      %dma_start3A_921 = arith.constant 0 : i32
      %dma_start3A_922 = tpu.memref_slice %arg2[%dma_start3A_920, %dma_start3A_921] : memref<20480x96xbf16, #tpu.memory_space<hbm>> -> memref<20480x96xbf16, #tpu.memory_space<hbm>>
      tpu.enqueue_indirect_dma source(%dma_start3A_922 : memref<20480x96xbf16, #tpu.memory_space<hbm>>) target(%arg18 : memref<128x96xbf16, #tpu.memory_space<vmem>>) offsets(%dma_start3A_919 : memref<128xi32, #tpu.memory_space<vmem>>) semaphore(%arg30 : memref<!tpu.dma_semaphore, #tpu.memory_space<semaphore_mem>>)
      %add3A_923 = arith.constant 3 : i32
      %add3A_924 = arith.addi %add3A_706, %add3A_923 : i32
      %dma_wait3A_925 = arith.constant 0 : i32
      %dma_wait3A_926 = arith.constant 0 : i32
      %dma_wait3A_927 = tpu.memref_slice %arg12[%dma_wait3A_925, %dma_wait3A_926] : memref<2x128xi32, #tpu.memory_space<vmem>> -> memref<1x128xi32, #tpu.memory_space<vmem>>
      %dma_wait3A_928 = tpu.memref_squeeze %dma_wait3A_927 : memref<1x128xi32, #tpu.memory_space<vmem>> -> memref<128xi32, #tpu.memory_space<vmem>>
      %dma_wait3A_929 = arith.constant 0 : i32
      %dma_wait3A_930 = arith.constant 0 : i32
      %dma_wait3A_931 = tpu.memref_slice %arg2[%dma_wait3A_929, %dma_wait3A_930] : memref<20480x96xbf16, #tpu.memory_space<hbm>> -> memref<20480x96xbf16, #tpu.memory_space<hbm>>
      tpu.wait_indirect_dma semaphore(%arg29 : memref<!tpu.dma_semaphore, #tpu.memory_space<semaphore_mem>>) src(%dma_wait3A_931 : memref<20480x96xbf16, #tpu.memory_space<hbm>>) dst(%arg17 : memref<128x96xbf16, #tpu.memory_space<vmem>>)
      %dma_start3A_932 = arith.constant 1 : i32
      %dma_start3A_933 = arith.constant 0 : i32
      %dma_start3A_934 = tpu.memref_slice %arg12[%dma_start3A_932, %dma_start3A_933] : memref<2x128xi32, #tpu.memory_space<vmem>> -> memref<1x128xi32, #tpu.memory_space<vmem>>
      %dma_start3A_935 = tpu.memref_squeeze %dma_start3A_934 : memref<1x128xi32, #tpu.memory_space<vmem>> -> memref<128xi32, #tpu.memory_space<vmem>>
      %dma_start3A_936 = arith.constant 0 : i32
      %dma_start3A_937 = arith.constant 0 : i32
      %dma_start3A_938 = tpu.memref_slice %arg20[%dma_start3A_936, %dma_start3A_937] : memref<10240x96xbf16, #tpu.memory_space<vmem_shared>> -> memref<10240x96xbf16, #tpu.memory_space<vmem_shared>>
      tpu.enqueue_indirect_dma source(%arg17 : memref<128x96xbf16, #tpu.memory_space<vmem>>) target(%dma_start3A_938 : memref<10240x96xbf16, #tpu.memory_space<vmem_shared>>) offsets(%dma_start3A_935 : memref<128xi32, #tpu.memory_space<vmem>>) semaphore(%arg34 : memref<!tpu.dma_semaphore, #tpu.memory_space<semaphore_mem>>) {add = true}
      %dma_wait3A_939 = arith.constant 1 : i32
      %dma_wait3A_940 = arith.constant 0 : i32
      %dma_wait3A_941 = tpu.memref_slice %arg10[%dma_wait3A_939, %dma_wait3A_940] : memref<2x128xi32, #tpu.memory_space<vmem>> -> memref<1x128xi32, #tpu.memory_space<vmem>>
      %dma_wait3A_942 = tpu.memref_squeeze %dma_wait3A_941 : memref<1x128xi32, #tpu.memory_space<vmem>> -> memref<128xi32, #tpu.memory_space<vmem>>
      %dma_wait3A_943 = arith.constant 0 : i32
      %dma_wait3A_944 = arith.constant 0 : i32
      %dma_wait3A_945 = tpu.memref_slice %arg20[%dma_wait3A_943, %dma_wait3A_944] : memref<10240x96xbf16, #tpu.memory_space<vmem_shared>> -> memref<10240x96xbf16, #tpu.memory_space<vmem_shared>>
      tpu.wait_indirect_dma semaphore(%arg32 : memref<!tpu.dma_semaphore, #tpu.memory_space<semaphore_mem>>) src(%arg15 : memref<128x96xbf16, #tpu.memory_space<vmem>>) dst(%dma_wait3A_945 : memref<10240x96xbf16, #tpu.memory_space<vmem_shared>>)
      %add3A_946 = arith.constant 3 : i32
      %add3A_947 = arith.addi %add3A_924, %add3A_946 : i32
      %add3A_948 = arith.addi %mul3A_2, %add3A_947 : i32
      %dma_start3A_949 = arith.constant 0 : i32
      %dma_start3A_950 = arith.constant 0 : i32
      %dma_start3A_951 = arith.constant 0 : i32
      %dma_start3A_952 = tpu.memref_slice %arg3[%arg0, %dma_start3A_949, %dma_start3A_950, %dma_start3A_951] : memref<2x2560x2x128xi32, #tpu.memory_space<hbm>> -> memref<1x2560x2x128xi32, #tpu.memory_space<hbm>>
      %dma_start3A_953 = tpu.memref_squeeze %dma_start3A_952 : memref<1x2560x2x128xi32, #tpu.memory_space<hbm>> -> memref<2560x2x128xi32, #tpu.memory_space<hbm>>
      %dma_start3A_954 = arith.constant 0 : i32
      %dma_start3A_955 = arith.constant 0 : i32
      %dma_start3A_956 = tpu.memref_slice %dma_start3A_953[%add3A_948, %dma_start3A_954, %dma_start3A_955] : memref<2560x2x128xi32, #tpu.memory_space<hbm>> -> memref<1x2x128xi32, #tpu.memory_space<hbm>>
      %dma_start3A_957 = tpu.memref_squeeze %dma_start3A_956 : memref<1x2x128xi32, #tpu.memory_space<hbm>> -> memref<2x128xi32, #tpu.memory_space<hbm>>
      %dma_start3A_958 = arith.constant 0 : i32
      %dma_start3A_959 = arith.constant 0 : i32
      %dma_start3A_960 = arith.constant 0 : i32
      %dma_start3A_961 = tpu.memref_slice %arg3[%arg0, %dma_start3A_958, %dma_start3A_959, %dma_start3A_960] : memref<2x2560x2x128xi32, #tpu.memory_space<hbm>> -> memref<1x2560x2x128xi32, #tpu.memory_space<hbm>>
      %dma_start3A_962 = tpu.memref_squeeze %dma_start3A_961 : memref<1x2560x2x128xi32, #tpu.memory_space<hbm>> -> memref<2560x2x128xi32, #tpu.memory_space<hbm>>
      %dma_start3A_963 = arith.constant 0 : i32
      %dma_start3A_964 = arith.constant 0 : i32
      %dma_start3A_965 = tpu.memref_slice %dma_start3A_962[%add3A_948, %dma_start3A_963, %dma_start3A_964] : memref<2560x2x128xi32, #tpu.memory_space<hbm>> -> memref<1x2x128xi32, #tpu.memory_space<hbm>>
      %dma_start3A_966 = tpu.memref_squeeze %dma_start3A_965 : memref<1x2x128xi32, #tpu.memory_space<hbm>> -> memref<2x128xi32, #tpu.memory_space<hbm>>
      tpu.enqueue_dma source(%dma_start3A_966 : memref<2x128xi32, #tpu.memory_space<hbm>>) target(%arg10 : memref<2x128xi32, #tpu.memory_space<vmem>>) target_semaphore(%arg22 : memref<!tpu.dma_semaphore, #tpu.memory_space<semaphore_mem>>)
      %add3A_967 = arith.constant 2 : i32
      %add3A_968 = arith.addi %add3A_924, %add3A_967 : i32
      %add3A_969 = arith.addi %mul3A_2, %add3A_968 : i32
      %dma_wait3A_970 = arith.constant 0 : i32
      %dma_wait3A_971 = arith.constant 0 : i32
      %dma_wait3A_972 = arith.constant 0 : i32
      %dma_wait3A_973 = tpu.memref_slice %arg3[%arg0, %dma_wait3A_970, %dma_wait3A_971, %dma_wait3A_972] : memref<2x2560x2x128xi32, #tpu.memory_space<hbm>> -> memref<1x2560x2x128xi32, #tpu.memory_space<hbm>>
      %dma_wait3A_974 = tpu.memref_squeeze %dma_wait3A_973 : memref<1x2560x2x128xi32, #tpu.memory_space<hbm>> -> memref<2560x2x128xi32, #tpu.memory_space<hbm>>
      %dma_wait3A_975 = arith.constant 0 : i32
      %dma_wait3A_976 = arith.constant 0 : i32
      %dma_wait3A_977 = tpu.memref_slice %dma_wait3A_974[%add3A_969, %dma_wait3A_975, %dma_wait3A_976] : memref<2560x2x128xi32, #tpu.memory_space<hbm>> -> memref<1x2x128xi32, #tpu.memory_space<hbm>>
      %dma_wait3A_978 = tpu.memref_squeeze %dma_wait3A_977 : memref<1x2x128xi32, #tpu.memory_space<hbm>> -> memref<2x128xi32, #tpu.memory_space<hbm>>
      %dma_wait3A_979 = arith.constant 0 : i32
      %dma_wait3A_980 = arith.constant 0 : i32
      %dma_wait3A_981 = arith.constant 0 : i32
      %dma_wait3A_982 = tpu.memref_slice %arg3[%arg0, %dma_wait3A_979, %dma_wait3A_980, %dma_wait3A_981] : memref<2x2560x2x128xi32, #tpu.memory_space<hbm>> -> memref<1x2560x2x128xi32, #tpu.memory_space<hbm>>
      %dma_wait3A_983 = tpu.memref_squeeze %dma_wait3A_982 : memref<1x2560x2x128xi32, #tpu.memory_space<hbm>> -> memref<2560x2x128xi32, #tpu.memory_space<hbm>>
      %dma_wait3A_984 = arith.constant 0 : i32
      %dma_wait3A_985 = arith.constant 0 : i32
      %dma_wait3A_986 = tpu.memref_slice %dma_wait3A_983[%add3A_969, %dma_wait3A_984, %dma_wait3A_985] : memref<2560x2x128xi32, #tpu.memory_space<hbm>> -> memref<1x2x128xi32, #tpu.memory_space<hbm>>
      %dma_wait3A_987 = tpu.memref_squeeze %dma_wait3A_986 : memref<1x2x128xi32, #tpu.memory_space<hbm>> -> memref<2x128xi32, #tpu.memory_space<hbm>>
      tpu.wait_dma2 semaphore(%arg21 : memref<!tpu.dma_semaphore, #tpu.memory_space<semaphore_mem>>) src(%dma_wait3A_987 : memref<2x128xi32, #tpu.memory_space<hbm>>) dst(%arg9 : memref<2x128xi32, #tpu.memory_space<vmem>>)
      %dma_start3A_988 = arith.constant 0 : i32
      %dma_start3A_989 = arith.constant 0 : i32
      %dma_start3A_990 = tpu.memref_slice %arg9[%dma_start3A_988, %dma_start3A_989] : memref<2x128xi32, #tpu.memory_space<vmem>> -> memref<1x128xi32, #tpu.memory_space<vmem>>
      %dma_start3A_991 = tpu.memref_squeeze %dma_start3A_990 : memref<1x128xi32, #tpu.memory_space<vmem>> -> memref<128xi32, #tpu.memory_space<vmem>>
      %dma_start3A_992 = arith.constant 0 : i32
      %dma_start3A_993 = arith.constant 0 : i32
      %dma_start3A_994 = tpu.memref_slice %arg2[%dma_start3A_992, %dma_start3A_993] : memref<20480x96xbf16, #tpu.memory_space<hbm>> -> memref<20480x96xbf16, #tpu.memory_space<hbm>>
      tpu.enqueue_indirect_dma source(%dma_start3A_994 : memref<20480x96xbf16, #tpu.memory_space<hbm>>) target(%arg14 : memref<128x96xbf16, #tpu.memory_space<vmem>>) offsets(%dma_start3A_991 : memref<128xi32, #tpu.memory_space<vmem>>) semaphore(%arg26 : memref<!tpu.dma_semaphore, #tpu.memory_space<semaphore_mem>>)
      %add3A_995 = arith.constant 4 : i32
      %add3A_996 = arith.addi %add3A_706, %add3A_995 : i32
      %dma_wait3A_997 = arith.constant 0 : i32
      %dma_wait3A_998 = arith.constant 0 : i32
      %dma_wait3A_999 = tpu.memref_slice %arg13[%dma_wait3A_997, %dma_wait3A_998] : memref<2x128xi32, #tpu.memory_space<vmem>> -> memref<1x128xi32, #tpu.memory_space<vmem>>
      %dma_wait3A_1000 = tpu.memref_squeeze %dma_wait3A_999 : memref<1x128xi32, #tpu.memory_space<vmem>> -> memref<128xi32, #tpu.memory_space<vmem>>
      %dma_wait3A_1001 = arith.constant 0 : i32
      %dma_wait3A_1002 = arith.constant 0 : i32
      %dma_wait3A_1003 = tpu.memref_slice %arg2[%dma_wait3A_1001, %dma_wait3A_1002] : memref<20480x96xbf16, #tpu.memory_space<hbm>> -> memref<20480x96xbf16, #tpu.memory_space<hbm>>
      tpu.wait_indirect_dma semaphore(%arg30 : memref<!tpu.dma_semaphore, #tpu.memory_space<semaphore_mem>>) src(%dma_wait3A_1003 : memref<20480x96xbf16, #tpu.memory_space<hbm>>) dst(%arg18 : memref<128x96xbf16, #tpu.memory_space<vmem>>)
      %dma_start3A_1004 = arith.constant 1 : i32
      %dma_start3A_1005 = arith.constant 0 : i32
      %dma_start3A_1006 = tpu.memref_slice %arg13[%dma_start3A_1004, %dma_start3A_1005] : memref<2x128xi32, #tpu.memory_space<vmem>> -> memref<1x128xi32, #tpu.memory_space<vmem>>
      %dma_start3A_1007 = tpu.memref_squeeze %dma_start3A_1006 : memref<1x128xi32, #tpu.memory_space<vmem>> -> memref<128xi32, #tpu.memory_space<vmem>>
      %dma_start3A_1008 = arith.constant 0 : i32
      %dma_start3A_1009 = arith.constant 0 : i32
      %dma_start3A_1010 = tpu.memref_slice %arg19[%dma_start3A_1008, %dma_start3A_1009] : memref<10240x96xbf16, #tpu.memory_space<vmem_shared>> -> memref<10240x96xbf16, #tpu.memory_space<vmem_shared>>
      tpu.enqueue_indirect_dma source(%arg18 : memref<128x96xbf16, #tpu.memory_space<vmem>>) target(%dma_start3A_1010 : memref<10240x96xbf16, #tpu.memory_space<vmem_shared>>) offsets(%dma_start3A_1007 : memref<128xi32, #tpu.memory_space<vmem>>) semaphore(%arg35 : memref<!tpu.dma_semaphore, #tpu.memory_space<semaphore_mem>>) {add = true}
      %dma_wait3A_1011 = arith.constant 1 : i32
      %dma_wait3A_1012 = arith.constant 0 : i32
      %dma_wait3A_1013 = tpu.memref_slice %arg11[%dma_wait3A_1011, %dma_wait3A_1012] : memref<2x128xi32, #tpu.memory_space<vmem>> -> memref<1x128xi32, #tpu.memory_space<vmem>>
      %dma_wait3A_1014 = tpu.memref_squeeze %dma_wait3A_1013 : memref<1x128xi32, #tpu.memory_space<vmem>> -> memref<128xi32, #tpu.memory_space<vmem>>
      %dma_wait3A_1015 = arith.constant 0 : i32
      %dma_wait3A_1016 = arith.constant 0 : i32
      %dma_wait3A_1017 = tpu.memref_slice %arg19[%dma_wait3A_1015, %dma_wait3A_1016] : memref<10240x96xbf16, #tpu.memory_space<vmem_shared>> -> memref<10240x96xbf16, #tpu.memory_space<vmem_shared>>
      tpu.wait_indirect_dma semaphore(%arg33 : memref<!tpu.dma_semaphore, #tpu.memory_space<semaphore_mem>>) src(%arg16 : memref<128x96xbf16, #tpu.memory_space<vmem>>) dst(%dma_wait3A_1017 : memref<10240x96xbf16, #tpu.memory_space<vmem_shared>>)
      %add3A_1018 = arith.constant 3 : i32
      %add3A_1019 = arith.addi %add3A_996, %add3A_1018 : i32
      %add3A_1020 = arith.addi %mul3A_2, %add3A_1019 : i32
      %dma_start3A_1021 = arith.constant 0 : i32
      %dma_start3A_1022 = arith.constant 0 : i32
      %dma_start3A_1023 = arith.constant 0 : i32
      %dma_start3A_1024 = tpu.memref_slice %arg3[%arg0, %dma_start3A_1021, %dma_start3A_1022, %dma_start3A_1023] : memref<2x2560x2x128xi32, #tpu.memory_space<hbm>> -> memref<1x2560x2x128xi32, #tpu.memory_space<hbm>>
      %dma_start3A_1025 = tpu.memref_squeeze %dma_start3A_1024 : memref<1x2560x2x128xi32, #tpu.memory_space<hbm>> -> memref<2560x2x128xi32, #tpu.memory_space<hbm>>
      %dma_start3A_1026 = arith.constant 0 : i32
      %dma_start3A_1027 = arith.constant 0 : i32
      %dma_start3A_1028 = tpu.memref_slice %dma_start3A_1025[%add3A_1020, %dma_start3A_1026, %dma_start3A_1027] : memref<2560x2x128xi32, #tpu.memory_space<hbm>> -> memref<1x2x128xi32, #tpu.memory_space<hbm>>
      %dma_start3A_1029 = tpu.memref_squeeze %dma_start3A_1028 : memref<1x2x128xi32, #tpu.memory_space<hbm>> -> memref<2x128xi32, #tpu.memory_space<hbm>>
      %dma_start3A_1030 = arith.constant 0 : i32
      %dma_start3A_1031 = arith.constant 0 : i32
      %dma_start3A_1032 = arith.constant 0 : i32
      %dma_start3A_1033 = tpu.memref_slice %arg3[%arg0, %dma_start3A_1030, %dma_start3A_1031, %dma_start3A_1032] : memref<2x2560x2x128xi32, #tpu.memory_space<hbm>> -> memref<1x2560x2x128xi32, #tpu.memory_space<hbm>>
      %dma_start3A_1034 = tpu.memref_squeeze %dma_start3A_1033 : memref<1x2560x2x128xi32, #tpu.memory_space<hbm>> -> memref<2560x2x128xi32, #tpu.memory_space<hbm>>
      %dma_start3A_1035 = arith.constant 0 : i32
      %dma_start3A_1036 = arith.constant 0 : i32
      %dma_start3A_1037 = tpu.memref_slice %dma_start3A_1034[%add3A_1020, %dma_start3A_1035, %dma_start3A_1036] : memref<2560x2x128xi32, #tpu.memory_space<hbm>> -> memref<1x2x128xi32, #tpu.memory_space<hbm>>
      %dma_start3A_1038 = tpu.memref_squeeze %dma_start3A_1037 : memref<1x2x128xi32, #tpu.memory_space<hbm>> -> memref<2x128xi32, #tpu.memory_space<hbm>>
      tpu.enqueue_dma source(%dma_start3A_1038 : memref<2x128xi32, #tpu.memory_space<hbm>>) target(%arg11 : memref<2x128xi32, #tpu.memory_space<vmem>>) target_semaphore(%arg23 : memref<!tpu.dma_semaphore, #tpu.memory_space<semaphore_mem>>)
      %add3A_1039 = arith.constant 2 : i32
      %add3A_1040 = arith.addi %add3A_996, %add3A_1039 : i32
      %add3A_1041 = arith.addi %mul3A_2, %add3A_1040 : i32
      %dma_wait3A_1042 = arith.constant 0 : i32
      %dma_wait3A_1043 = arith.constant 0 : i32
      %dma_wait3A_1044 = arith.constant 0 : i32
      %dma_wait3A_1045 = tpu.memref_slice %arg3[%arg0, %dma_wait3A_1042, %dma_wait3A_1043, %dma_wait3A_1044] : memref<2x2560x2x128xi32, #tpu.memory_space<hbm>> -> memref<1x2560x2x128xi32, #tpu.memory_space<hbm>>
      %dma_wait3A_1046 = tpu.memref_squeeze %dma_wait3A_1045 : memref<1x2560x2x128xi32, #tpu.memory_space<hbm>> -> memref<2560x2x128xi32, #tpu.memory_space<hbm>>
      %dma_wait3A_1047 = arith.constant 0 : i32
      %dma_wait3A_1048 = arith.constant 0 : i32
      %dma_wait3A_1049 = tpu.memref_slice %dma_wait3A_1046[%add3A_1041, %dma_wait3A_1047, %dma_wait3A_1048] : memref<2560x2x128xi32, #tpu.memory_space<hbm>> -> memref<1x2x128xi32, #tpu.memory_space<hbm>>
      %dma_wait3A_1050 = tpu.memref_squeeze %dma_wait3A_1049 : memref<1x2x128xi32, #tpu.memory_space<hbm>> -> memref<2x128xi32, #tpu.memory_space<hbm>>
      %dma_wait3A_1051 = arith.constant 0 : i32
      %dma_wait3A_1052 = arith.constant 0 : i32
      %dma_wait3A_1053 = arith.constant 0 : i32
      %dma_wait3A_1054 = tpu.memref_slice %arg3[%arg0, %dma_wait3A_1051, %dma_wait3A_1052, %dma_wait3A_1053] : memref<2x2560x2x128xi32, #tpu.memory_space<hbm>> -> memref<1x2560x2x128xi32, #tpu.memory_space<hbm>>
      %dma_wait3A_1055 = tpu.memref_squeeze %dma_wait3A_1054 : memref<1x2560x2x128xi32, #tpu.memory_space<hbm>> -> memref<2560x2x128xi32, #tpu.memory_space<hbm>>
      %dma_wait3A_1056 = arith.constant 0 : i32
      %dma_wait3A_1057 = arith.constant 0 : i32
      %dma_wait3A_1058 = tpu.memref_slice %dma_wait3A_1055[%add3A_1041, %dma_wait3A_1056, %dma_wait3A_1057] : memref<2560x2x128xi32, #tpu.memory_space<hbm>> -> memref<1x2x128xi32, #tpu.memory_space<hbm>>
      %dma_wait3A_1059 = tpu.memref_squeeze %dma_wait3A_1058 : memref<1x2x128xi32, #tpu.memory_space<hbm>> -> memref<2x128xi32, #tpu.memory_space<hbm>>
      tpu.wait_dma2 semaphore(%arg22 : memref<!tpu.dma_semaphore, #tpu.memory_space<semaphore_mem>>) src(%dma_wait3A_1059 : memref<2x128xi32, #tpu.memory_space<hbm>>) dst(%arg10 : memref<2x128xi32, #tpu.memory_space<vmem>>)
      %dma_start3A_1060 = arith.constant 0 : i32
      %dma_start3A_1061 = arith.constant 0 : i32
      %dma_start3A_1062 = tpu.memref_slice %arg10[%dma_start3A_1060, %dma_start3A_1061] : memref<2x128xi32, #tpu.memory_space<vmem>> -> memref<1x128xi32, #tpu.memory_space<vmem>>
      %dma_start3A_1063 = tpu.memref_squeeze %dma_start3A_1062 : memref<1x128xi32, #tpu.memory_space<vmem>> -> memref<128xi32, #tpu.memory_space<vmem>>
      %dma_start3A_1064 = arith.constant 0 : i32
      %dma_start3A_1065 = arith.constant 0 : i32
      %dma_start3A_1066 = tpu.memref_slice %arg2[%dma_start3A_1064, %dma_start3A_1065] : memref<20480x96xbf16, #tpu.memory_space<hbm>> -> memref<20480x96xbf16, #tpu.memory_space<hbm>>
      tpu.enqueue_indirect_dma source(%dma_start3A_1066 : memref<20480x96xbf16, #tpu.memory_space<hbm>>) target(%arg15 : memref<128x96xbf16, #tpu.memory_space<vmem>>) offsets(%dma_start3A_1063 : memref<128xi32, #tpu.memory_space<vmem>>) semaphore(%arg27 : memref<!tpu.dma_semaphore, #tpu.memory_space<semaphore_mem>>)
    }
    %scan3A_453 = arith.constant 30 : i32
    %dma_wait3A_454 = arith.constant 0 : i32
    %dma_wait3A_455 = arith.constant 0 : i32
    %dma_wait3A_456 = tpu.memref_slice %arg9[%dma_wait3A_454, %dma_wait3A_455] : memref<2x128xi32, #tpu.memory_space<vmem>> -> memref<1x128xi32, #tpu.memory_space<vmem>>
    %dma_wait3A_457 = tpu.memref_squeeze %dma_wait3A_456 : memref<1x128xi32, #tpu.memory_space<vmem>> -> memref<128xi32, #tpu.memory_space<vmem>>
    %dma_wait3A_458 = arith.constant 0 : i32
    %dma_wait3A_459 = arith.constant 0 : i32
    %dma_wait3A_460 = tpu.memref_slice %arg2[%dma_wait3A_458, %dma_wait3A_459] : memref<20480x96xbf16, #tpu.memory_space<hbm>> -> memref<20480x96xbf16, #tpu.memory_space<hbm>>
    tpu.wait_indirect_dma semaphore(%arg26 : memref<!tpu.dma_semaphore, #tpu.memory_space<semaphore_mem>>) src(%dma_wait3A_460 : memref<20480x96xbf16, #tpu.memory_space<hbm>>) dst(%arg14 : memref<128x96xbf16, #tpu.memory_space<vmem>>)
    %dma_start3A_461 = arith.constant 1 : i32
    %dma_start3A_462 = arith.constant 0 : i32
    %dma_start3A_463 = tpu.memref_slice %arg9[%dma_start3A_461, %dma_start3A_462] : memref<2x128xi32, #tpu.memory_space<vmem>> -> memref<1x128xi32, #tpu.memory_space<vmem>>
    %dma_start3A_464 = tpu.memref_squeeze %dma_start3A_463 : memref<1x128xi32, #tpu.memory_space<vmem>> -> memref<128xi32, #tpu.memory_space<vmem>>
    %dma_start3A_465 = arith.constant 0 : i32
    %dma_start3A_466 = arith.constant 0 : i32
    %dma_start3A_467 = tpu.memref_slice %arg19[%dma_start3A_465, %dma_start3A_466] : memref<10240x96xbf16, #tpu.memory_space<vmem_shared>> -> memref<10240x96xbf16, #tpu.memory_space<vmem_shared>>
    tpu.enqueue_indirect_dma source(%arg14 : memref<128x96xbf16, #tpu.memory_space<vmem>>) target(%dma_start3A_467 : memref<10240x96xbf16, #tpu.memory_space<vmem_shared>>) offsets(%dma_start3A_464 : memref<128xi32, #tpu.memory_space<vmem>>) semaphore(%arg31 : memref<!tpu.dma_semaphore, #tpu.memory_space<semaphore_mem>>) {add = true}
    %dma_wait3A_468 = arith.constant 1 : i32
    %dma_wait3A_469 = arith.constant 0 : i32
    %dma_wait3A_470 = tpu.memref_slice %arg12[%dma_wait3A_468, %dma_wait3A_469] : memref<2x128xi32, #tpu.memory_space<vmem>> -> memref<1x128xi32, #tpu.memory_space<vmem>>
    %dma_wait3A_471 = tpu.memref_squeeze %dma_wait3A_470 : memref<1x128xi32, #tpu.memory_space<vmem>> -> memref<128xi32, #tpu.memory_space<vmem>>
    %dma_wait3A_472 = arith.constant 0 : i32
    %dma_wait3A_473 = arith.constant 0 : i32
    %dma_wait3A_474 = tpu.memref_slice %arg20[%dma_wait3A_472, %dma_wait3A_473] : memref<10240x96xbf16, #tpu.memory_space<vmem_shared>> -> memref<10240x96xbf16, #tpu.memory_space<vmem_shared>>
    tpu.wait_indirect_dma semaphore(%arg34 : memref<!tpu.dma_semaphore, #tpu.memory_space<semaphore_mem>>) src(%arg17 : memref<128x96xbf16, #tpu.memory_space<vmem>>) dst(%dma_wait3A_474 : memref<10240x96xbf16, #tpu.memory_space<vmem_shared>>)
    %add3A_475 = arith.constant 158 : i32
    %add3A_476 = arith.addi %mul3A_2, %add3A_475 : i32
    %dma_start3A_477 = arith.constant 0 : i32
    %dma_start3A_478 = arith.constant 0 : i32
    %dma_start3A_479 = arith.constant 0 : i32
    %dma_start3A_480 = tpu.memref_slice %arg3[%arg0, %dma_start3A_477, %dma_start3A_478, %dma_start3A_479] : memref<2x2560x2x128xi32, #tpu.memory_space<hbm>> -> memref<1x2560x2x128xi32, #tpu.memory_space<hbm>>
    %dma_start3A_481 = tpu.memref_squeeze %dma_start3A_480 : memref<1x2560x2x128xi32, #tpu.memory_space<hbm>> -> memref<2560x2x128xi32, #tpu.memory_space<hbm>>
    %dma_start3A_482 = arith.constant 0 : i32
    %dma_start3A_483 = arith.constant 0 : i32
    %dma_start3A_484 = tpu.memref_slice %dma_start3A_481[%add3A_476, %dma_start3A_482, %dma_start3A_483] : memref<2560x2x128xi32, #tpu.memory_space<hbm>> -> memref<1x2x128xi32, #tpu.memory_space<hbm>>
    %dma_start3A_485 = tpu.memref_squeeze %dma_start3A_484 : memref<1x2x128xi32, #tpu.memory_space<hbm>> -> memref<2x128xi32, #tpu.memory_space<hbm>>
    %dma_start3A_486 = arith.constant 0 : i32
    %dma_start3A_487 = arith.constant 0 : i32
    %dma_start3A_488 = arith.constant 0 : i32
    %dma_start3A_489 = tpu.memref_slice %arg3[%arg0, %dma_start3A_486, %dma_start3A_487, %dma_start3A_488] : memref<2x2560x2x128xi32, #tpu.memory_space<hbm>> -> memref<1x2560x2x128xi32, #tpu.memory_space<hbm>>
    %dma_start3A_490 = tpu.memref_squeeze %dma_start3A_489 : memref<1x2560x2x128xi32, #tpu.memory_space<hbm>> -> memref<2560x2x128xi32, #tpu.memory_space<hbm>>
    %dma_start3A_491 = arith.constant 0 : i32
    %dma_start3A_492 = arith.constant 0 : i32
    %dma_start3A_493 = tpu.memref_slice %dma_start3A_490[%add3A_476, %dma_start3A_491, %dma_start3A_492] : memref<2560x2x128xi32, #tpu.memory_space<hbm>> -> memref<1x2x128xi32, #tpu.memory_space<hbm>>
    %dma_start3A_494 = tpu.memref_squeeze %dma_start3A_493 : memref<1x2x128xi32, #tpu.memory_space<hbm>> -> memref<2x128xi32, #tpu.memory_space<hbm>>
    tpu.enqueue_dma source(%dma_start3A_494 : memref<2x128xi32, #tpu.memory_space<hbm>>) target(%arg12 : memref<2x128xi32, #tpu.memory_space<vmem>>) target_semaphore(%arg24 : memref<!tpu.dma_semaphore, #tpu.memory_space<semaphore_mem>>)
    %add3A_495 = arith.constant 157 : i32
    %add3A_496 = arith.addi %mul3A_2, %add3A_495 : i32
    %dma_wait3A_497 = arith.constant 0 : i32
    %dma_wait3A_498 = arith.constant 0 : i32
    %dma_wait3A_499 = arith.constant 0 : i32
    %dma_wait3A_500 = tpu.memref_slice %arg3[%arg0, %dma_wait3A_497, %dma_wait3A_498, %dma_wait3A_499] : memref<2x2560x2x128xi32, #tpu.memory_space<hbm>> -> memref<1x2560x2x128xi32, #tpu.memory_space<hbm>>
    %dma_wait3A_501 = tpu.memref_squeeze %dma_wait3A_500 : memref<1x2560x2x128xi32, #tpu.memory_space<hbm>> -> memref<2560x2x128xi32, #tpu.memory_space<hbm>>
    %dma_wait3A_502 = arith.constant 0 : i32
    %dma_wait3A_503 = arith.constant 0 : i32
    %dma_wait3A_504 = tpu.memref_slice %dma_wait3A_501[%add3A_496, %dma_wait3A_502, %dma_wait3A_503] : memref<2560x2x128xi32, #tpu.memory_space<hbm>> -> memref<1x2x128xi32, #tpu.memory_space<hbm>>
    %dma_wait3A_505 = tpu.memref_squeeze %dma_wait3A_504 : memref<1x2x128xi32, #tpu.memory_space<hbm>> -> memref<2x128xi32, #tpu.memory_space<hbm>>
    %dma_wait3A_506 = arith.constant 0 : i32
    %dma_wait3A_507 = arith.constant 0 : i32
    %dma_wait3A_508 = arith.constant 0 : i32
    %dma_wait3A_509 = tpu.memref_slice %arg3[%arg0, %dma_wait3A_506, %dma_wait3A_507, %dma_wait3A_508] : memref<2x2560x2x128xi32, #tpu.memory_space<hbm>> -> memref<1x2560x2x128xi32, #tpu.memory_space<hbm>>
    %dma_wait3A_510 = tpu.memref_squeeze %dma_wait3A_509 : memref<1x2560x2x128xi32, #tpu.memory_space<hbm>> -> memref<2560x2x128xi32, #tpu.memory_space<hbm>>
    %dma_wait3A_511 = arith.constant 0 : i32
    %dma_wait3A_512 = arith.constant 0 : i32
    %dma_wait3A_513 = tpu.memref_slice %dma_wait3A_510[%add3A_496, %dma_wait3A_511, %dma_wait3A_512] : memref<2560x2x128xi32, #tpu.memory_space<hbm>> -> memref<1x2x128xi32, #tpu.memory_space<hbm>>
    %dma_wait3A_514 = tpu.memref_squeeze %dma_wait3A_513 : memref<1x2x128xi32, #tpu.memory_space<hbm>> -> memref<2x128xi32, #tpu.memory_space<hbm>>
    tpu.wait_dma2 semaphore(%arg23 : memref<!tpu.dma_semaphore, #tpu.memory_space<semaphore_mem>>) src(%dma_wait3A_514 : memref<2x128xi32, #tpu.memory_space<hbm>>) dst(%arg11 : memref<2x128xi32, #tpu.memory_space<vmem>>)
    %dma_start3A_515 = arith.constant 0 : i32
    %dma_start3A_516 = arith.constant 0 : i32
    %dma_start3A_517 = tpu.memref_slice %arg11[%dma_start3A_515, %dma_start3A_516] : memref<2x128xi32, #tpu.memory_space<vmem>> -> memref<1x128xi32, #tpu.memory_space<vmem>>
    %dma_start3A_518 = tpu.memref_squeeze %dma_start3A_517 : memref<1x128xi32, #tpu.memory_space<vmem>> -> memref<128xi32, #tpu.memory_space<vmem>>
    %dma_start3A_519 = arith.constant 0 : i32
    %dma_start3A_520 = arith.constant 0 : i32
    %dma_start3A_521 = tpu.memref_slice %arg2[%dma_start3A_519, %dma_start3A_520] : memref<20480x96xbf16, #tpu.memory_space<hbm>> -> memref<20480x96xbf16, #tpu.memory_space<hbm>>
    tpu.enqueue_indirect_dma source(%dma_start3A_521 : memref<20480x96xbf16, #tpu.memory_space<hbm>>) target(%arg16 : memref<128x96xbf16, #tpu.memory_space<vmem>>) offsets(%dma_start3A_518 : memref<128xi32, #tpu.memory_space<vmem>>) semaphore(%arg28 : memref<!tpu.dma_semaphore, #tpu.memory_space<semaphore_mem>>)
    %dma_wait3A_522 = arith.constant 0 : i32
    %dma_wait3A_523 = arith.constant 0 : i32
    %dma_wait3A_524 = tpu.memref_slice %arg10[%dma_wait3A_522, %dma_wait3A_523] : memref<2x128xi32, #tpu.memory_space<vmem>> -> memref<1x128xi32, #tpu.memory_space<vmem>>
    %dma_wait3A_525 = tpu.memref_squeeze %dma_wait3A_524 : memref<1x128xi32, #tpu.memory_space<vmem>> -> memref<128xi32, #tpu.memory_space<vmem>>
    %dma_wait3A_526 = arith.constant 0 : i32
    %dma_wait3A_527 = arith.constant 0 : i32
    %dma_wait3A_528 = tpu.memref_slice %arg2[%dma_wait3A_526, %dma_wait3A_527] : memref<20480x96xbf16, #tpu.memory_space<hbm>> -> memref<20480x96xbf16, #tpu.memory_space<hbm>>
    tpu.wait_indirect_dma semaphore(%arg27 : memref<!tpu.dma_semaphore, #tpu.memory_space<semaphore_mem>>) src(%dma_wait3A_528 : memref<20480x96xbf16, #tpu.memory_space<hbm>>) dst(%arg15 : memref<128x96xbf16, #tpu.memory_space<vmem>>)
    %dma_start3A_529 = arith.constant 1 : i32
    %dma_start3A_530 = arith.constant 0 : i32
    %dma_start3A_531 = tpu.memref_slice %arg10[%dma_start3A_529, %dma_start3A_530] : memref<2x128xi32, #tpu.memory_space<vmem>> -> memref<1x128xi32, #tpu.memory_space<vmem>>
    %dma_start3A_532 = tpu.memref_squeeze %dma_start3A_531 : memref<1x128xi32, #tpu.memory_space<vmem>> -> memref<128xi32, #tpu.memory_space<vmem>>
    %dma_start3A_533 = arith.constant 0 : i32
    %dma_start3A_534 = arith.constant 0 : i32
    %dma_start3A_535 = tpu.memref_slice %arg20[%dma_start3A_533, %dma_start3A_534] : memref<10240x96xbf16, #tpu.memory_space<vmem_shared>> -> memref<10240x96xbf16, #tpu.memory_space<vmem_shared>>
    tpu.enqueue_indirect_dma source(%arg15 : memref<128x96xbf16, #tpu.memory_space<vmem>>) target(%dma_start3A_535 : memref<10240x96xbf16, #tpu.memory_space<vmem_shared>>) offsets(%dma_start3A_532 : memref<128xi32, #tpu.memory_space<vmem>>) semaphore(%arg32 : memref<!tpu.dma_semaphore, #tpu.memory_space<semaphore_mem>>) {add = true}
    %dma_wait3A_536 = arith.constant 1 : i32
    %dma_wait3A_537 = arith.constant 0 : i32
    %dma_wait3A_538 = tpu.memref_slice %arg13[%dma_wait3A_536, %dma_wait3A_537] : memref<2x128xi32, #tpu.memory_space<vmem>> -> memref<1x128xi32, #tpu.memory_space<vmem>>
    %dma_wait3A_539 = tpu.memref_squeeze %dma_wait3A_538 : memref<1x128xi32, #tpu.memory_space<vmem>> -> memref<128xi32, #tpu.memory_space<vmem>>
    %dma_wait3A_540 = arith.constant 0 : i32
    %dma_wait3A_541 = arith.constant 0 : i32
    %dma_wait3A_542 = tpu.memref_slice %arg19[%dma_wait3A_540, %dma_wait3A_541] : memref<10240x96xbf16, #tpu.memory_space<vmem_shared>> -> memref<10240x96xbf16, #tpu.memory_space<vmem_shared>>
    tpu.wait_indirect_dma semaphore(%arg35 : memref<!tpu.dma_semaphore, #tpu.memory_space<semaphore_mem>>) src(%arg18 : memref<128x96xbf16, #tpu.memory_space<vmem>>) dst(%dma_wait3A_542 : memref<10240x96xbf16, #tpu.memory_space<vmem_shared>>)
    %add3A_543 = arith.constant 159 : i32
    %add3A_544 = arith.addi %mul3A_2, %add3A_543 : i32
    %dma_start3A_545 = arith.constant 0 : i32
    %dma_start3A_546 = arith.constant 0 : i32
    %dma_start3A_547 = arith.constant 0 : i32
    %dma_start3A_548 = tpu.memref_slice %arg3[%arg0, %dma_start3A_545, %dma_start3A_546, %dma_start3A_547] : memref<2x2560x2x128xi32, #tpu.memory_space<hbm>> -> memref<1x2560x2x128xi32, #tpu.memory_space<hbm>>
    %dma_start3A_549 = tpu.memref_squeeze %dma_start3A_548 : memref<1x2560x2x128xi32, #tpu.memory_space<hbm>> -> memref<2560x2x128xi32, #tpu.memory_space<hbm>>
    %dma_start3A_550 = arith.constant 0 : i32
    %dma_start3A_551 = arith.constant 0 : i32
    %dma_start3A_552 = tpu.memref_slice %dma_start3A_549[%add3A_544, %dma_start3A_550, %dma_start3A_551] : memref<2560x2x128xi32, #tpu.memory_space<hbm>> -> memref<1x2x128xi32, #tpu.memory_space<hbm>>
    %dma_start3A_553 = tpu.memref_squeeze %dma_start3A_552 : memref<1x2x128xi32, #tpu.memory_space<hbm>> -> memref<2x128xi32, #tpu.memory_space<hbm>>
    %dma_start3A_554 = arith.constant 0 : i32
    %dma_start3A_555 = arith.constant 0 : i32
    %dma_start3A_556 = arith.constant 0 : i32
    %dma_start3A_557 = tpu.memref_slice %arg3[%arg0, %dma_start3A_554, %dma_start3A_555, %dma_start3A_556] : memref<2x2560x2x128xi32, #tpu.memory_space<hbm>> -> memref<1x2560x2x128xi32, #tpu.memory_space<hbm>>
    %dma_start3A_558 = tpu.memref_squeeze %dma_start3A_557 : memref<1x2560x2x128xi32, #tpu.memory_space<hbm>> -> memref<2560x2x128xi32, #tpu.memory_space<hbm>>
    %dma_start3A_559 = arith.constant 0 : i32
    %dma_start3A_560 = arith.constant 0 : i32
    %dma_start3A_561 = tpu.memref_slice %dma_start3A_558[%add3A_544, %dma_start3A_559, %dma_start3A_560] : memref<2560x2x128xi32, #tpu.memory_space<hbm>> -> memref<1x2x128xi32, #tpu.memory_space<hbm>>
    %dma_start3A_562 = tpu.memref_squeeze %dma_start3A_561 : memref<1x2x128xi32, #tpu.memory_space<hbm>> -> memref<2x128xi32, #tpu.memory_space<hbm>>
    tpu.enqueue_dma source(%dma_start3A_562 : memref<2x128xi32, #tpu.memory_space<hbm>>) target(%arg13 : memref<2x128xi32, #tpu.memory_space<vmem>>) target_semaphore(%arg25 : memref<!tpu.dma_semaphore, #tpu.memory_space<semaphore_mem>>)
    %add3A_563 = arith.constant 158 : i32
    %add3A_564 = arith.addi %mul3A_2, %add3A_563 : i32
    %dma_wait3A_565 = arith.constant 0 : i32
    %dma_wait3A_566 = arith.constant 0 : i32
    %dma_wait3A_567 = arith.constant 0 : i32
    %dma_wait3A_568 = tpu.memref_slice %arg3[%arg0, %dma_wait3A_565, %dma_wait3A_566, %dma_wait3A_567] : memref<2x2560x2x128xi32, #tpu.memory_space<hbm>> -> memref<1x2560x2x128xi32, #tpu.memory_space<hbm>>
    %dma_wait3A_569 = tpu.memref_squeeze %dma_wait3A_568 : memref<1x2560x2x128xi32, #tpu.memory_space<hbm>> -> memref<2560x2x128xi32, #tpu.memory_space<hbm>>
    %dma_wait3A_570 = arith.constant 0 : i32
    %dma_wait3A_571 = arith.constant 0 : i32
    %dma_wait3A_572 = tpu.memref_slice %dma_wait3A_569[%add3A_564, %dma_wait3A_570, %dma_wait3A_571] : memref<2560x2x128xi32, #tpu.memory_space<hbm>> -> memref<1x2x128xi32, #tpu.memory_space<hbm>>
    %dma_wait3A_573 = tpu.memref_squeeze %dma_wait3A_572 : memref<1x2x128xi32, #tpu.memory_space<hbm>> -> memref<2x128xi32, #tpu.memory_space<hbm>>
    %dma_wait3A_574 = arith.constant 0 : i32
    %dma_wait3A_575 = arith.constant 0 : i32
    %dma_wait3A_576 = arith.constant 0 : i32
    %dma_wait3A_577 = tpu.memref_slice %arg3[%arg0, %dma_wait3A_574, %dma_wait3A_575, %dma_wait3A_576] : memref<2x2560x2x128xi32, #tpu.memory_space<hbm>> -> memref<1x2560x2x128xi32, #tpu.memory_space<hbm>>
    %dma_wait3A_578 = tpu.memref_squeeze %dma_wait3A_577 : memref<1x2560x2x128xi32, #tpu.memory_space<hbm>> -> memref<2560x2x128xi32, #tpu.memory_space<hbm>>
    %dma_wait3A_579 = arith.constant 0 : i32
    %dma_wait3A_580 = arith.constant 0 : i32
    %dma_wait3A_581 = tpu.memref_slice %dma_wait3A_578[%add3A_564, %dma_wait3A_579, %dma_wait3A_580] : memref<2560x2x128xi32, #tpu.memory_space<hbm>> -> memref<1x2x128xi32, #tpu.memory_space<hbm>>
    %dma_wait3A_582 = tpu.memref_squeeze %dma_wait3A_581 : memref<1x2x128xi32, #tpu.memory_space<hbm>> -> memref<2x128xi32, #tpu.memory_space<hbm>>
    tpu.wait_dma2 semaphore(%arg24 : memref<!tpu.dma_semaphore, #tpu.memory_space<semaphore_mem>>) src(%dma_wait3A_582 : memref<2x128xi32, #tpu.memory_space<hbm>>) dst(%arg12 : memref<2x128xi32, #tpu.memory_space<vmem>>)
    %dma_start3A_583 = arith.constant 0 : i32
    %dma_start3A_584 = arith.constant 0 : i32
    %dma_start3A_585 = tpu.memref_slice %arg12[%dma_start3A_583, %dma_start3A_584] : memref<2x128xi32, #tpu.memory_space<vmem>> -> memref<1x128xi32, #tpu.memory_space<vmem>>
    %dma_start3A_586 = tpu.memref_squeeze %dma_start3A_585 : memref<1x128xi32, #tpu.memory_space<vmem>> -> memref<128xi32, #tpu.memory_space<vmem>>
    %dma_start3A_587 = arith.constant 0 : i32
    %dma_start3A_588 = arith.constant 0 : i32
    %dma_start3A_589 = tpu.memref_slice %arg2[%dma_start3A_587, %dma_start3A_588] : memref<20480x96xbf16, #tpu.memory_space<hbm>> -> memref<20480x96xbf16, #tpu.memory_space<hbm>>
    tpu.enqueue_indirect_dma source(%dma_start3A_589 : memref<20480x96xbf16, #tpu.memory_space<hbm>>) target(%arg17 : memref<128x96xbf16, #tpu.memory_space<vmem>>) offsets(%dma_start3A_586 : memref<128xi32, #tpu.memory_space<vmem>>) semaphore(%arg29 : memref<!tpu.dma_semaphore, #tpu.memory_space<semaphore_mem>>)
    %dma_wait3A_590 = arith.constant 0 : i32
    %dma_wait3A_591 = arith.constant 0 : i32
    %dma_wait3A_592 = tpu.memref_slice %arg11[%dma_wait3A_590, %dma_wait3A_591] : memref<2x128xi32, #tpu.memory_space<vmem>> -> memref<1x128xi32, #tpu.memory_space<vmem>>
    %dma_wait3A_593 = tpu.memref_squeeze %dma_wait3A_592 : memref<1x128xi32, #tpu.memory_space<vmem>> -> memref<128xi32, #tpu.memory_space<vmem>>
    %dma_wait3A_594 = arith.constant 0 : i32
    %dma_wait3A_595 = arith.constant 0 : i32
    %dma_wait3A_596 = tpu.memref_slice %arg2[%dma_wait3A_594, %dma_wait3A_595] : memref<20480x96xbf16, #tpu.memory_space<hbm>> -> memref<20480x96xbf16, #tpu.memory_space<hbm>>
    tpu.wait_indirect_dma semaphore(%arg28 : memref<!tpu.dma_semaphore, #tpu.memory_space<semaphore_mem>>) src(%dma_wait3A_596 : memref<20480x96xbf16, #tpu.memory_space<hbm>>) dst(%arg16 : memref<128x96xbf16, #tpu.memory_space<vmem>>)
    %dma_start3A_597 = arith.constant 1 : i32
    %dma_start3A_598 = arith.constant 0 : i32
    %dma_start3A_599 = tpu.memref_slice %arg11[%dma_start3A_597, %dma_start3A_598] : memref<2x128xi32, #tpu.memory_space<vmem>> -> memref<1x128xi32, #tpu.memory_space<vmem>>
    %dma_start3A_600 = tpu.memref_squeeze %dma_start3A_599 : memref<1x128xi32, #tpu.memory_space<vmem>> -> memref<128xi32, #tpu.memory_space<vmem>>
    %dma_start3A_601 = arith.constant 0 : i32
    %dma_start3A_602 = arith.constant 0 : i32
    %dma_start3A_603 = tpu.memref_slice %arg19[%dma_start3A_601, %dma_start3A_602] : memref<10240x96xbf16, #tpu.memory_space<vmem_shared>> -> memref<10240x96xbf16, #tpu.memory_space<vmem_shared>>
    tpu.enqueue_indirect_dma source(%arg16 : memref<128x96xbf16, #tpu.memory_space<vmem>>) target(%dma_start3A_603 : memref<10240x96xbf16, #tpu.memory_space<vmem_shared>>) offsets(%dma_start3A_600 : memref<128xi32, #tpu.memory_space<vmem>>) semaphore(%arg33 : memref<!tpu.dma_semaphore, #tpu.memory_space<semaphore_mem>>) {add = true}
    %add3A_604 = arith.constant 159 : i32
    %add3A_605 = arith.addi %mul3A_2, %add3A_604 : i32
    %dma_wait3A_606 = arith.constant 0 : i32
    %dma_wait3A_607 = arith.constant 0 : i32
    %dma_wait3A_608 = arith.constant 0 : i32
    %dma_wait3A_609 = tpu.memref_slice %arg3[%arg0, %dma_wait3A_606, %dma_wait3A_607, %dma_wait3A_608] : memref<2x2560x2x128xi32, #tpu.memory_space<hbm>> -> memref<1x2560x2x128xi32, #tpu.memory_space<hbm>>
    %dma_wait3A_610 = tpu.memref_squeeze %dma_wait3A_609 : memref<1x2560x2x128xi32, #tpu.memory_space<hbm>> -> memref<2560x2x128xi32, #tpu.memory_space<hbm>>
    %dma_wait3A_611 = arith.constant 0 : i32
    %dma_wait3A_612 = arith.constant 0 : i32
    %dma_wait3A_613 = tpu.memref_slice %dma_wait3A_610[%add3A_605, %dma_wait3A_611, %dma_wait3A_612] : memref<2560x2x128xi32, #tpu.memory_space<hbm>> -> memref<1x2x128xi32, #tpu.memory_space<hbm>>
    %dma_wait3A_614 = tpu.memref_squeeze %dma_wait3A_613 : memref<1x2x128xi32, #tpu.memory_space<hbm>> -> memref<2x128xi32, #tpu.memory_space<hbm>>
    %dma_wait3A_615 = arith.constant 0 : i32
    %dma_wait3A_616 = arith.constant 0 : i32
    %dma_wait3A_617 = arith.constant 0 : i32
    %dma_wait3A_618 = tpu.memref_slice %arg3[%arg0, %dma_wait3A_615, %dma_wait3A_616, %dma_wait3A_617] : memref<2x2560x2x128xi32, #tpu.memory_space<hbm>> -> memref<1x2560x2x128xi32, #tpu.memory_space<hbm>>
    %dma_wait3A_619 = tpu.memref_squeeze %dma_wait3A_618 : memref<1x2560x2x128xi32, #tpu.memory_space<hbm>> -> memref<2560x2x128xi32, #tpu.memory_space<hbm>>
    %dma_wait3A_620 = arith.constant 0 : i32
    %dma_wait3A_621 = arith.constant 0 : i32
    %dma_wait3A_622 = tpu.memref_slice %dma_wait3A_619[%add3A_605, %dma_wait3A_620, %dma_wait3A_621] : memref<2560x2x128xi32, #tpu.memory_space<hbm>> -> memref<1x2x128xi32, #tpu.memory_space<hbm>>
    %dma_wait3A_623 = tpu.memref_squeeze %dma_wait3A_622 : memref<1x2x128xi32, #tpu.memory_space<hbm>> -> memref<2x128xi32, #tpu.memory_space<hbm>>
    tpu.wait_dma2 semaphore(%arg25 : memref<!tpu.dma_semaphore, #tpu.memory_space<semaphore_mem>>) src(%dma_wait3A_623 : memref<2x128xi32, #tpu.memory_space<hbm>>) dst(%arg13 : memref<2x128xi32, #tpu.memory_space<vmem>>)
    %dma_start3A_624 = arith.constant 0 : i32
    %dma_start3A_625 = arith.constant 0 : i32
    %dma_start3A_626 = tpu.memref_slice %arg13[%dma_start3A_624, %dma_start3A_625] : memref<2x128xi32, #tpu.memory_space<vmem>> -> memref<1x128xi32, #tpu.memory_space<vmem>>
    %dma_start3A_627 = tpu.memref_squeeze %dma_start3A_626 : memref<1x128xi32, #tpu.memory_space<vmem>> -> memref<128xi32, #tpu.memory_space<vmem>>
    %dma_start3A_628 = arith.constant 0 : i32
    %dma_start3A_629 = arith.constant 0 : i32
    %dma_start3A_630 = tpu.memref_slice %arg2[%dma_start3A_628, %dma_start3A_629] : memref<20480x96xbf16, #tpu.memory_space<hbm>> -> memref<20480x96xbf16, #tpu.memory_space<hbm>>
    tpu.enqueue_indirect_dma source(%dma_start3A_630 : memref<20480x96xbf16, #tpu.memory_space<hbm>>) target(%arg18 : memref<128x96xbf16, #tpu.memory_space<vmem>>) offsets(%dma_start3A_627 : memref<128xi32, #tpu.memory_space<vmem>>) semaphore(%arg30 : memref<!tpu.dma_semaphore, #tpu.memory_space<semaphore_mem>>)
    %dma_wait3A_631 = arith.constant 0 : i32
    %dma_wait3A_632 = arith.constant 0 : i32
    %dma_wait3A_633 = tpu.memref_slice %arg12[%dma_wait3A_631, %dma_wait3A_632] : memref<2x128xi32, #tpu.memory_space<vmem>> -> memref<1x128xi32, #tpu.memory_space<vmem>>
    %dma_wait3A_634 = tpu.memref_squeeze %dma_wait3A_633 : memref<1x128xi32, #tpu.memory_space<vmem>> -> memref<128xi32, #tpu.memory_space<vmem>>
    %dma_wait3A_635 = arith.constant 0 : i32
    %dma_wait3A_636 = arith.constant 0 : i32
    %dma_wait3A_637 = tpu.memref_slice %arg2[%dma_wait3A_635, %dma_wait3A_636] : memref<20480x96xbf16, #tpu.memory_space<hbm>> -> memref<20480x96xbf16, #tpu.memory_space<hbm>>
    tpu.wait_indirect_dma semaphore(%arg29 : memref<!tpu.dma_semaphore, #tpu.memory_space<semaphore_mem>>) src(%dma_wait3A_637 : memref<20480x96xbf16, #tpu.memory_space<hbm>>) dst(%arg17 : memref<128x96xbf16, #tpu.memory_space<vmem>>)
    %dma_start3A_638 = arith.constant 1 : i32
    %dma_start3A_639 = arith.constant 0 : i32
    %dma_start3A_640 = tpu.memref_slice %arg12[%dma_start3A_638, %dma_start3A_639] : memref<2x128xi32, #tpu.memory_space<vmem>> -> memref<1x128xi32, #tpu.memory_space<vmem>>
    %dma_start3A_641 = tpu.memref_squeeze %dma_start3A_640 : memref<1x128xi32, #tpu.memory_space<vmem>> -> memref<128xi32, #tpu.memory_space<vmem>>
    %dma_start3A_642 = arith.constant 0 : i32
    %dma_start3A_643 = arith.constant 0 : i32
    %dma_start3A_644 = tpu.memref_slice %arg20[%dma_start3A_642, %dma_start3A_643] : memref<10240x96xbf16, #tpu.memory_space<vmem_shared>> -> memref<10240x96xbf16, #tpu.memory_space<vmem_shared>>
    tpu.enqueue_indirect_dma source(%arg17 : memref<128x96xbf16, #tpu.memory_space<vmem>>) target(%dma_start3A_644 : memref<10240x96xbf16, #tpu.memory_space<vmem_shared>>) offsets(%dma_start3A_641 : memref<128xi32, #tpu.memory_space<vmem>>) semaphore(%arg34 : memref<!tpu.dma_semaphore, #tpu.memory_space<semaphore_mem>>) {add = true}
    %dma_wait3A_645 = arith.constant 0 : i32
    %dma_wait3A_646 = arith.constant 0 : i32
    %dma_wait3A_647 = tpu.memref_slice %arg13[%dma_wait3A_645, %dma_wait3A_646] : memref<2x128xi32, #tpu.memory_space<vmem>> -> memref<1x128xi32, #tpu.memory_space<vmem>>
    %dma_wait3A_648 = tpu.memref_squeeze %dma_wait3A_647 : memref<1x128xi32, #tpu.memory_space<vmem>> -> memref<128xi32, #tpu.memory_space<vmem>>
    %dma_wait3A_649 = arith.constant 0 : i32
    %dma_wait3A_650 = arith.constant 0 : i32
    %dma_wait3A_651 = tpu.memref_slice %arg2[%dma_wait3A_649, %dma_wait3A_650] : memref<20480x96xbf16, #tpu.memory_space<hbm>> -> memref<20480x96xbf16, #tpu.memory_space<hbm>>
    tpu.wait_indirect_dma semaphore(%arg30 : memref<!tpu.dma_semaphore, #tpu.memory_space<semaphore_mem>>) src(%dma_wait3A_651 : memref<20480x96xbf16, #tpu.memory_space<hbm>>) dst(%arg18 : memref<128x96xbf16, #tpu.memory_space<vmem>>)
    %dma_start3A_652 = arith.constant 1 : i32
    %dma_start3A_653 = arith.constant 0 : i32
    %dma_start3A_654 = tpu.memref_slice %arg13[%dma_start3A_652, %dma_start3A_653] : memref<2x128xi32, #tpu.memory_space<vmem>> -> memref<1x128xi32, #tpu.memory_space<vmem>>
    %dma_start3A_655 = tpu.memref_squeeze %dma_start3A_654 : memref<1x128xi32, #tpu.memory_space<vmem>> -> memref<128xi32, #tpu.memory_space<vmem>>
    %dma_start3A_656 = arith.constant 0 : i32
    %dma_start3A_657 = arith.constant 0 : i32
    %dma_start3A_658 = tpu.memref_slice %arg19[%dma_start3A_656, %dma_start3A_657] : memref<10240x96xbf16, #tpu.memory_space<vmem_shared>> -> memref<10240x96xbf16, #tpu.memory_space<vmem_shared>>
    tpu.enqueue_indirect_dma source(%arg18 : memref<128x96xbf16, #tpu.memory_space<vmem>>) target(%dma_start3A_658 : memref<10240x96xbf16, #tpu.memory_space<vmem_shared>>) offsets(%dma_start3A_655 : memref<128xi32, #tpu.memory_space<vmem>>) semaphore(%arg35 : memref<!tpu.dma_semaphore, #tpu.memory_space<semaphore_mem>>) {add = true}
    %dma_wait3A_659 = arith.constant 1 : i32
    %dma_wait3A_660 = arith.constant 0 : i32
    %dma_wait3A_661 = tpu.memref_slice %arg9[%dma_wait3A_659, %dma_wait3A_660] : memref<2x128xi32, #tpu.memory_space<vmem>> -> memref<1x128xi32, #tpu.memory_space<vmem>>
    %dma_wait3A_662 = tpu.memref_squeeze %dma_wait3A_661 : memref<1x128xi32, #tpu.memory_space<vmem>> -> memref<128xi32, #tpu.memory_space<vmem>>
    %dma_wait3A_663 = arith.constant 0 : i32
    %dma_wait3A_664 = arith.constant 0 : i32
    %dma_wait3A_665 = tpu.memref_slice %arg19[%dma_wait3A_663, %dma_wait3A_664] : memref<10240x96xbf16, #tpu.memory_space<vmem_shared>> -> memref<10240x96xbf16, #tpu.memory_space<vmem_shared>>
    tpu.wait_indirect_dma semaphore(%arg31 : memref<!tpu.dma_semaphore, #tpu.memory_space<semaphore_mem>>) src(%arg14 : memref<128x96xbf16, #tpu.memory_space<vmem>>) dst(%dma_wait3A_665 : memref<10240x96xbf16, #tpu.memory_space<vmem_shared>>)
    %dma_wait3A_666 = arith.constant 1 : i32
    %dma_wait3A_667 = arith.constant 0 : i32
    %dma_wait3A_668 = tpu.memref_slice %arg10[%dma_wait3A_666, %dma_wait3A_667] : memref<2x128xi32, #tpu.memory_space<vmem>> -> memref<1x128xi32, #tpu.memory_space<vmem>>
    %dma_wait3A_669 = tpu.memref_squeeze %dma_wait3A_668 : memref<1x128xi32, #tpu.memory_space<vmem>> -> memref<128xi32, #tpu.memory_space<vmem>>
    %dma_wait3A_670 = arith.constant 0 : i32
    %dma_wait3A_671 = arith.constant 0 : i32
    %dma_wait3A_672 = tpu.memref_slice %arg20[%dma_wait3A_670, %dma_wait3A_671] : memref<10240x96xbf16, #tpu.memory_space<vmem_shared>> -> memref<10240x96xbf16, #tpu.memory_space<vmem_shared>>
    tpu.wait_indirect_dma semaphore(%arg32 : memref<!tpu.dma_semaphore, #tpu.memory_space<semaphore_mem>>) src(%arg15 : memref<128x96xbf16, #tpu.memory_space<vmem>>) dst(%dma_wait3A_672 : memref<10240x96xbf16, #tpu.memory_space<vmem_shared>>)
    %dma_wait3A_673 = arith.constant 1 : i32
    %dma_wait3A_674 = arith.constant 0 : i32
    %dma_wait3A_675 = tpu.memref_slice %arg11[%dma_wait3A_673, %dma_wait3A_674] : memref<2x128xi32, #tpu.memory_space<vmem>> -> memref<1x128xi32, #tpu.memory_space<vmem>>
    %dma_wait3A_676 = tpu.memref_squeeze %dma_wait3A_675 : memref<1x128xi32, #tpu.memory_space<vmem>> -> memref<128xi32, #tpu.memory_space<vmem>>
    %dma_wait3A_677 = arith.constant 0 : i32
    %dma_wait3A_678 = arith.constant 0 : i32
    %dma_wait3A_679 = tpu.memref_slice %arg19[%dma_wait3A_677, %dma_wait3A_678] : memref<10240x96xbf16, #tpu.memory_space<vmem_shared>> -> memref<10240x96xbf16, #tpu.memory_space<vmem_shared>>
    tpu.wait_indirect_dma semaphore(%arg33 : memref<!tpu.dma_semaphore, #tpu.memory_space<semaphore_mem>>) src(%arg16 : memref<128x96xbf16, #tpu.memory_space<vmem>>) dst(%dma_wait3A_679 : memref<10240x96xbf16, #tpu.memory_space<vmem_shared>>)
    %dma_wait3A_680 = arith.constant 1 : i32
    %dma_wait3A_681 = arith.constant 0 : i32
    %dma_wait3A_682 = tpu.memref_slice %arg12[%dma_wait3A_680, %dma_wait3A_681] : memref<2x128xi32, #tpu.memory_space<vmem>> -> memref<1x128xi32, #tpu.memory_space<vmem>>
    %dma_wait3A_683 = tpu.memref_squeeze %dma_wait3A_682 : memref<1x128xi32, #tpu.memory_space<vmem>> -> memref<128xi32, #tpu.memory_space<vmem>>
    %dma_wait3A_684 = arith.constant 0 : i32
    %dma_wait3A_685 = arith.constant 0 : i32
    %dma_wait3A_686 = tpu.memref_slice %arg20[%dma_wait3A_684, %dma_wait3A_685] : memref<10240x96xbf16, #tpu.memory_space<vmem_shared>> -> memref<10240x96xbf16, #tpu.memory_space<vmem_shared>>
    tpu.wait_indirect_dma semaphore(%arg34 : memref<!tpu.dma_semaphore, #tpu.memory_space<semaphore_mem>>) src(%arg17 : memref<128x96xbf16, #tpu.memory_space<vmem>>) dst(%dma_wait3A_686 : memref<10240x96xbf16, #tpu.memory_space<vmem_shared>>)
    %dma_wait3A_687 = arith.constant 1 : i32
    %dma_wait3A_688 = arith.constant 0 : i32
    %dma_wait3A_689 = tpu.memref_slice %arg13[%dma_wait3A_687, %dma_wait3A_688] : memref<2x128xi32, #tpu.memory_space<vmem>> -> memref<1x128xi32, #tpu.memory_space<vmem>>
    %dma_wait3A_690 = tpu.memref_squeeze %dma_wait3A_689 : memref<1x128xi32, #tpu.memory_space<vmem>> -> memref<128xi32, #tpu.memory_space<vmem>>
    %dma_wait3A_691 = arith.constant 0 : i32
    %dma_wait3A_692 = arith.constant 0 : i32
    %dma_wait3A_693 = tpu.memref_slice %arg19[%dma_wait3A_691, %dma_wait3A_692] : memref<10240x96xbf16, #tpu.memory_space<vmem_shared>> -> memref<10240x96xbf16, #tpu.memory_space<vmem_shared>>
    tpu.wait_indirect_dma semaphore(%arg35 : memref<!tpu.dma_semaphore, #tpu.memory_space<semaphore_mem>>) src(%arg18 : memref<128x96xbf16, #tpu.memory_space<vmem>>) dst(%dma_wait3A_693 : memref<10240x96xbf16, #tpu.memory_space<vmem_shared>>)
    %barrier3A_694 = arith.constant 0 : index
    tpu.barrier barrier_id(%barrier3A_694)
    %eq3A = arith.constant 0 : i32
    %eq3A_695 = arith.cmpi eq, %arg0, %eq3A : i32
    %convert_element_type3A = arith.extui %eq3A_695 : i1 to i32
    %cond3A = arith.constant 0 : i32
    %cond3A_696 = arith.cmpi ne, %convert_element_type3A, %cond3A : i32
    scf.if %cond3A_696 {
      "tpu.region"() ({
        %run_scoped3A = tpu.sem_alloc : memref<!tpu.dma_semaphore, #tpu.memory_space<semaphore_mem>>
        %dma_start3A_702 = arith.constant 0 : i32
        %dma_start3A_703 = tpu.memref_slice %arg5[%mul3A_0, %dma_start3A_702] : memref<10240x96xbf16, #tpu.memory_space<hbm>> -> memref<640x96xbf16, #tpu.memory_space<hbm>>
        %dma_start3A_704 = arith.constant 0 : i32
        %dma_start3A_705 = tpu.memref_slice %arg19[%mul3A_0, %dma_start3A_704] : memref<10240x96xbf16, #tpu.memory_space<vmem_shared>> -> memref<640x96xbf16, #tpu.memory_space<vmem_shared>>
        tpu.enqueue_dma source(%dma_start3A_705 : memref<640x96xbf16, #tpu.memory_space<vmem_shared>>) target(%dma_start3A_703 : memref<640x96xbf16, #tpu.memory_space<hbm>>) target_semaphore(%run_scoped3A : memref<!tpu.dma_semaphore, #tpu.memory_space<semaphore_mem>>)
        %dma_wait3A_706 = arith.constant 0 : i32
        %dma_wait3A_707 = tpu.memref_slice %arg5[%mul3A_0, %dma_wait3A_706] : memref<10240x96xbf16, #tpu.memory_space<hbm>> -> memref<640x96xbf16, #tpu.memory_space<hbm>>
        %dma_wait3A_708 = arith.constant 0 : i32
        %dma_wait3A_709 = tpu.memref_slice %arg19[%mul3A_0, %dma_wait3A_708] : memref<10240x96xbf16, #tpu.memory_space<vmem_shared>> -> memref<640x96xbf16, #tpu.memory_space<vmem_shared>>
        tpu.wait_dma2 semaphore(%run_scoped3A : memref<!tpu.dma_semaphore, #tpu.memory_space<semaphore_mem>>) src(%dma_wait3A_709 : memref<640x96xbf16, #tpu.memory_space<vmem_shared>>) dst(%dma_wait3A_707 : memref<640x96xbf16, #tpu.memory_space<hbm>>)
        tpu.yield
      }) : () -> ()
      "tpu.region"() ({
        %run_scoped3A = tpu.sem_alloc : memref<!tpu.dma_semaphore, #tpu.memory_space<semaphore_mem>>
        %dma_start3A_702 = arith.constant 0 : i32
        %dma_start3A_703 = tpu.memref_slice %arg6[%mul3A_0, %dma_start3A_702] : memref<10240x96xbf16, #tpu.memory_space<hbm>> -> memref<640x96xbf16, #tpu.memory_space<hbm>>
        %dma_start3A_704 = arith.constant 0 : i32
        %dma_start3A_705 = tpu.memref_slice %arg20[%mul3A_0, %dma_start3A_704] : memref<10240x96xbf16, #tpu.memory_space<vmem_shared>> -> memref<640x96xbf16, #tpu.memory_space<vmem_shared>>
        tpu.enqueue_dma source(%dma_start3A_705 : memref<640x96xbf16, #tpu.memory_space<vmem_shared>>) target(%dma_start3A_703 : memref<640x96xbf16, #tpu.memory_space<hbm>>) target_semaphore(%run_scoped3A : memref<!tpu.dma_semaphore, #tpu.memory_space<semaphore_mem>>)
        %dma_wait3A_706 = arith.constant 0 : i32
        %dma_wait3A_707 = tpu.memref_slice %arg6[%mul3A_0, %dma_wait3A_706] : memref<10240x96xbf16, #tpu.memory_space<hbm>> -> memref<640x96xbf16, #tpu.memory_space<hbm>>
        %dma_wait3A_708 = arith.constant 0 : i32
        %dma_wait3A_709 = tpu.memref_slice %arg20[%mul3A_0, %dma_wait3A_708] : memref<10240x96xbf16, #tpu.memory_space<vmem_shared>> -> memref<640x96xbf16, #tpu.memory_space<vmem_shared>>
        tpu.wait_dma2 semaphore(%run_scoped3A : memref<!tpu.dma_semaphore, #tpu.memory_space<semaphore_mem>>) src(%dma_wait3A_709 : memref<640x96xbf16, #tpu.memory_space<vmem_shared>>) dst(%dma_wait3A_707 : memref<640x96xbf16, #tpu.memory_space<hbm>>)
        tpu.yield
      }) : () -> ()
    } else {
    }
    %eq3A_697 = arith.constant 1 : i32
    %eq3A_698 = arith.cmpi eq, %arg0, %eq3A_697 : i32
    %convert_element_type3A_699 = arith.extui %eq3A_698 : i1 to i32
    %cond3A_700 = arith.constant 0 : i32
    %cond3A_701 = arith.cmpi ne, %convert_element_type3A_699, %cond3A_700 : i32
    scf.if %cond3A_701 {
      "tpu.region"() ({
        %run_scoped3A = tpu.sem_alloc : memref<!tpu.dma_semaphore, #tpu.memory_space<semaphore_mem>>
        %dma_start3A_702 = arith.constant 0 : i32
        %dma_start3A_703 = tpu.memref_slice %arg7[%mul3A_0, %dma_start3A_702] : memref<10240x96xbf16, #tpu.memory_space<hbm>> -> memref<640x96xbf16, #tpu.memory_space<hbm>>
        %dma_start3A_704 = arith.constant 0 : i32
        %dma_start3A_705 = tpu.memref_slice %arg19[%mul3A_0, %dma_start3A_704] : memref<10240x96xbf16, #tpu.memory_space<vmem_shared>> -> memref<640x96xbf16, #tpu.memory_space<vmem_shared>>
        tpu.enqueue_dma source(%dma_start3A_705 : memref<640x96xbf16, #tpu.memory_space<vmem_shared>>) target(%dma_start3A_703 : memref<640x96xbf16, #tpu.memory_space<hbm>>) target_semaphore(%run_scoped3A : memref<!tpu.dma_semaphore, #tpu.memory_space<semaphore_mem>>)
        %dma_wait3A_706 = arith.constant 0 : i32
        %dma_wait3A_707 = tpu.memref_slice %arg7[%mul3A_0, %dma_wait3A_706] : memref<10240x96xbf16, #tpu.memory_space<hbm>> -> memref<640x96xbf16, #tpu.memory_space<hbm>>
        %dma_wait3A_708 = arith.constant 0 : i32
        %dma_wait3A_709 = tpu.memref_slice %arg19[%mul3A_0, %dma_wait3A_708] : memref<10240x96xbf16, #tpu.memory_space<vmem_shared>> -> memref<640x96xbf16, #tpu.memory_space<vmem_shared>>
        tpu.wait_dma2 semaphore(%run_scoped3A : memref<!tpu.dma_semaphore, #tpu.memory_space<semaphore_mem>>) src(%dma_wait3A_709 : memref<640x96xbf16, #tpu.memory_space<vmem_shared>>) dst(%dma_wait3A_707 : memref<640x96xbf16, #tpu.memory_space<hbm>>)
        tpu.yield
      }) : () -> ()
      "tpu.region"() ({
        %run_scoped3A = tpu.sem_alloc : memref<!tpu.dma_semaphore, #tpu.memory_space<semaphore_mem>>
        %dma_start3A_702 = arith.constant 0 : i32
        %dma_start3A_703 = tpu.memref_slice %arg8[%mul3A_0, %dma_start3A_702] : memref<10240x96xbf16, #tpu.memory_space<hbm>> -> memref<640x96xbf16, #tpu.memory_space<hbm>>
        %dma_start3A_704 = arith.constant 0 : i32
        %dma_start3A_705 = tpu.memref_slice %arg20[%mul3A_0, %dma_start3A_704] : memref<10240x96xbf16, #tpu.memory_space<vmem_shared>> -> memref<640x96xbf16, #tpu.memory_space<vmem_shared>>
        tpu.enqueue_dma source(%dma_start3A_705 : memref<640x96xbf16, #tpu.memory_space<vmem_shared>>) target(%dma_start3A_703 : memref<640x96xbf16, #tpu.memory_space<hbm>>) target_semaphore(%run_scoped3A : memref<!tpu.dma_semaphore, #tpu.memory_space<semaphore_mem>>)
        %dma_wait3A_706 = arith.constant 0 : i32
        %dma_wait3A_707 = tpu.memref_slice %arg8[%mul3A_0, %dma_wait3A_706] : memref<10240x96xbf16, #tpu.memory_space<hbm>> -> memref<640x96xbf16, #tpu.memory_space<hbm>>
        %dma_wait3A_708 = arith.constant 0 : i32
        %dma_wait3A_709 = tpu.memref_slice %arg20[%mul3A_0, %dma_wait3A_708] : memref<10240x96xbf16, #tpu.memory_space<vmem_shared>> -> memref<640x96xbf16, #tpu.memory_space<vmem_shared>>
        tpu.wait_dma2 semaphore(%run_scoped3A : memref<!tpu.dma_semaphore, #tpu.memory_space<semaphore_mem>>) src(%dma_wait3A_709 : memref<640x96xbf16, #tpu.memory_space<vmem_shared>>) dst(%dma_wait3A_707 : memref<640x96xbf16, #tpu.memory_space<hbm>>)
        tpu.yield
      }) : () -> ()
    } else {
    }
    return
  }
}

#map = affine_map<(d0, d1) -> (0, 0)>
#map1 = affine_map<(d0, d1) -> (0, 0, 0, 0)>
module attributes {stable_mosaic.version = 14 : i64} {
  func.func @_sc_l2(%arg0: i32, %arg1: i32, %arg2: memref<10240x16xf32, #tpu.memory_space<hbm>>, %arg3: memref<2x2560x2x128xi32, #tpu.memory_space<hbm>>, %arg4: memref<128x16xf32, #tpu.memory_space<hbm>>, %arg5: memref<10240x16xf32, #tpu.memory_space<hbm>>, %arg6: memref<10240x16xf32, #tpu.memory_space<hbm>>, %arg7: memref<2x128xi32, #tpu.memory_space<vmem>>, %arg8: memref<2x128xi32, #tpu.memory_space<vmem>>, %arg9: memref<2x128xi32, #tpu.memory_space<vmem>>, %arg10: memref<2x128xi32, #tpu.memory_space<vmem>>, %arg11: memref<2x128xi32, #tpu.memory_space<vmem>>, %arg12: memref<128x16xf32, #tpu.memory_space<vmem>>, %arg13: memref<128x16xf32, #tpu.memory_space<vmem>>, %arg14: memref<128x16xf32, #tpu.memory_space<vmem>>, %arg15: memref<128x16xf32, #tpu.memory_space<vmem>>, %arg16: memref<128x16xf32, #tpu.memory_space<vmem>>, %arg17: memref<10240x16xf32, #tpu.memory_space<vmem_shared>>, %arg18: memref<!tpu.dma_semaphore, #tpu.memory_space<semaphore_mem>>, %arg19: memref<!tpu.dma_semaphore, #tpu.memory_space<semaphore_mem>>, %arg20: memref<!tpu.dma_semaphore, #tpu.memory_space<semaphore_mem>>, %arg21: memref<!tpu.dma_semaphore, #tpu.memory_space<semaphore_mem>>, %arg22: memref<!tpu.dma_semaphore, #tpu.memory_space<semaphore_mem>>, %arg23: memref<!tpu.dma_semaphore, #tpu.memory_space<semaphore_mem>>, %arg24: memref<!tpu.dma_semaphore, #tpu.memory_space<semaphore_mem>>, %arg25: memref<!tpu.dma_semaphore, #tpu.memory_space<semaphore_mem>>, %arg26: memref<!tpu.dma_semaphore, #tpu.memory_space<semaphore_mem>>, %arg27: memref<!tpu.dma_semaphore, #tpu.memory_space<semaphore_mem>>, %arg28: memref<!tpu.dma_semaphore, #tpu.memory_space<semaphore_mem>>, %arg29: memref<!tpu.dma_semaphore, #tpu.memory_space<semaphore_mem>>, %arg30: memref<!tpu.dma_semaphore, #tpu.memory_space<semaphore_mem>>, %arg31: memref<!tpu.dma_semaphore, #tpu.memory_space<semaphore_mem>>, %arg32: memref<!tpu.dma_semaphore, #tpu.memory_space<semaphore_mem>>) attributes {dimension_semantics = [#tpu.dimension_semantics<core_parallel>, #tpu.dimension_semantics<subcore_parallel>], iteration_bounds = array<i64: 2, 16>, scalar_prefetch = 0 : i64, scratch_operands = 26 : i64, tpu.core_type = #tpu.core_type<sc_vector_subcore>, window_params = [{transform_indices = #map}, {transform_indices = #map1}, {transform_indices = #map}, {transform_indices = #map}, {transform_indices = #map}]} {
    %mul3A = arith.constant 640 : i32
    %mul3A_0 = arith.muli %arg1, %mul3A : i32
    %mul3A_1 = arith.constant 16 : i32
    %mul3A_2 = arith.muli %arg0, %mul3A_1 : i32
    %add3A = arith.addi %mul3A_2, %arg1 : i32
    %mul3A_3 = arith.constant 80 : i32
    %mul3A_4 = arith.muli %add3A, %mul3A_3 : i32
    %add3A_5 = arith.constant 0 : i32
    %add3A_6 = arith.addi %mul3A_4, %add3A_5 : i32
    %dma_start3A = arith.constant 0 : i32
    %dma_start3A_7 = arith.constant 0 : i32
    %dma_start3A_8 = arith.constant 0 : i32
    %dma_start3A_9 = arith.constant 0 : i32
    %dma_start3A_10 = tpu.memref_slice %arg3[%dma_start3A, %dma_start3A_7, %dma_start3A_8, %dma_start3A_9] : memref<2x2560x2x128xi32, #tpu.memory_space<hbm>> -> memref<1x2560x2x128xi32, #tpu.memory_space<hbm>>
    %dma_start3A_11 = tpu.memref_squeeze %dma_start3A_10 : memref<1x2560x2x128xi32, #tpu.memory_space<hbm>> -> memref<2560x2x128xi32, #tpu.memory_space<hbm>>
    %dma_start3A_12 = arith.constant 0 : i32
    %dma_start3A_13 = arith.constant 0 : i32
    %dma_start3A_14 = tpu.memref_slice %dma_start3A_11[%add3A_6, %dma_start3A_12, %dma_start3A_13] : memref<2560x2x128xi32, #tpu.memory_space<hbm>> -> memref<1x2x128xi32, #tpu.memory_space<hbm>>
    %dma_start3A_15 = tpu.memref_squeeze %dma_start3A_14 : memref<1x2x128xi32, #tpu.memory_space<hbm>> -> memref<2x128xi32, #tpu.memory_space<hbm>>
    %dma_start3A_16 = arith.constant 0 : i32
    %dma_start3A_17 = arith.constant 0 : i32
    %dma_start3A_18 = arith.constant 0 : i32
    %dma_start3A_19 = tpu.memref_slice %arg3[%dma_start3A, %dma_start3A_16, %dma_start3A_17, %dma_start3A_18] : memref<2x2560x2x128xi32, #tpu.memory_space<hbm>> -> memref<1x2560x2x128xi32, #tpu.memory_space<hbm>>
    %dma_start3A_20 = tpu.memref_squeeze %dma_start3A_19 : memref<1x2560x2x128xi32, #tpu.memory_space<hbm>> -> memref<2560x2x128xi32, #tpu.memory_space<hbm>>
    %dma_start3A_21 = arith.constant 0 : i32
    %dma_start3A_22 = arith.constant 0 : i32
    %dma_start3A_23 = tpu.memref_slice %dma_start3A_20[%add3A_6, %dma_start3A_21, %dma_start3A_22] : memref<2560x2x128xi32, #tpu.memory_space<hbm>> -> memref<1x2x128xi32, #tpu.memory_space<hbm>>
    %dma_start3A_24 = tpu.memref_squeeze %dma_start3A_23 : memref<1x2x128xi32, #tpu.memory_space<hbm>> -> memref<2x128xi32, #tpu.memory_space<hbm>>
    tpu.enqueue_dma source(%dma_start3A_24 : memref<2x128xi32, #tpu.memory_space<hbm>>) target(%arg7 : memref<2x128xi32, #tpu.memory_space<vmem>>) target_semaphore(%arg18 : memref<!tpu.dma_semaphore, #tpu.memory_space<semaphore_mem>>)
    %add3A_25 = arith.constant 1 : i32
    %add3A_26 = arith.addi %mul3A_4, %add3A_25 : i32
    %dma_start3A_27 = arith.constant 0 : i32
    %dma_start3A_28 = arith.constant 0 : i32
    %dma_start3A_29 = arith.constant 0 : i32
    %dma_start3A_30 = arith.constant 0 : i32
    %dma_start3A_31 = tpu.memref_slice %arg3[%dma_start3A_27, %dma_start3A_28, %dma_start3A_29, %dma_start3A_30] : memref<2x2560x2x128xi32, #tpu.memory_space<hbm>> -> memref<1x2560x2x128xi32, #tpu.memory_space<hbm>>
    %dma_start3A_32 = tpu.memref_squeeze %dma_start3A_31 : memref<1x2560x2x128xi32, #tpu.memory_space<hbm>> -> memref<2560x2x128xi32, #tpu.memory_space<hbm>>
    %dma_start3A_33 = arith.constant 0 : i32
    %dma_start3A_34 = arith.constant 0 : i32
    %dma_start3A_35 = tpu.memref_slice %dma_start3A_32[%add3A_26, %dma_start3A_33, %dma_start3A_34] : memref<2560x2x128xi32, #tpu.memory_space<hbm>> -> memref<1x2x128xi32, #tpu.memory_space<hbm>>
    %dma_start3A_36 = tpu.memref_squeeze %dma_start3A_35 : memref<1x2x128xi32, #tpu.memory_space<hbm>> -> memref<2x128xi32, #tpu.memory_space<hbm>>
    %dma_start3A_37 = arith.constant 0 : i32
    %dma_start3A_38 = arith.constant 0 : i32
    %dma_start3A_39 = arith.constant 0 : i32
    %dma_start3A_40 = tpu.memref_slice %arg3[%dma_start3A_27, %dma_start3A_37, %dma_start3A_38, %dma_start3A_39] : memref<2x2560x2x128xi32, #tpu.memory_space<hbm>> -> memref<1x2560x2x128xi32, #tpu.memory_space<hbm>>
    %dma_start3A_41 = tpu.memref_squeeze %dma_start3A_40 : memref<1x2560x2x128xi32, #tpu.memory_space<hbm>> -> memref<2560x2x128xi32, #tpu.memory_space<hbm>>
    %dma_start3A_42 = arith.constant 0 : i32
    %dma_start3A_43 = arith.constant 0 : i32
    %dma_start3A_44 = tpu.memref_slice %dma_start3A_41[%add3A_26, %dma_start3A_42, %dma_start3A_43] : memref<2560x2x128xi32, #tpu.memory_space<hbm>> -> memref<1x2x128xi32, #tpu.memory_space<hbm>>
    %dma_start3A_45 = tpu.memref_squeeze %dma_start3A_44 : memref<1x2x128xi32, #tpu.memory_space<hbm>> -> memref<2x128xi32, #tpu.memory_space<hbm>>
    tpu.enqueue_dma source(%dma_start3A_45 : memref<2x128xi32, #tpu.memory_space<hbm>>) target(%arg8 : memref<2x128xi32, #tpu.memory_space<vmem>>) target_semaphore(%arg19 : memref<!tpu.dma_semaphore, #tpu.memory_space<semaphore_mem>>)
    %add3A_46 = arith.constant 2 : i32
    %add3A_47 = arith.addi %mul3A_4, %add3A_46 : i32
    %dma_start3A_48 = arith.constant 0 : i32
    %dma_start3A_49 = arith.constant 0 : i32
    %dma_start3A_50 = arith.constant 0 : i32
    %dma_start3A_51 = arith.constant 0 : i32
    %dma_start3A_52 = tpu.memref_slice %arg3[%dma_start3A_48, %dma_start3A_49, %dma_start3A_50, %dma_start3A_51] : memref<2x2560x2x128xi32, #tpu.memory_space<hbm>> -> memref<1x2560x2x128xi32, #tpu.memory_space<hbm>>
    %dma_start3A_53 = tpu.memref_squeeze %dma_start3A_52 : memref<1x2560x2x128xi32, #tpu.memory_space<hbm>> -> memref<2560x2x128xi32, #tpu.memory_space<hbm>>
    %dma_start3A_54 = arith.constant 0 : i32
    %dma_start3A_55 = arith.constant 0 : i32
    %dma_start3A_56 = tpu.memref_slice %dma_start3A_53[%add3A_47, %dma_start3A_54, %dma_start3A_55] : memref<2560x2x128xi32, #tpu.memory_space<hbm>> -> memref<1x2x128xi32, #tpu.memory_space<hbm>>
    %dma_start3A_57 = tpu.memref_squeeze %dma_start3A_56 : memref<1x2x128xi32, #tpu.memory_space<hbm>> -> memref<2x128xi32, #tpu.memory_space<hbm>>
    %dma_start3A_58 = arith.constant 0 : i32
    %dma_start3A_59 = arith.constant 0 : i32
    %dma_start3A_60 = arith.constant 0 : i32
    %dma_start3A_61 = tpu.memref_slice %arg3[%dma_start3A_48, %dma_start3A_58, %dma_start3A_59, %dma_start3A_60] : memref<2x2560x2x128xi32, #tpu.memory_space<hbm>> -> memref<1x2560x2x128xi32, #tpu.memory_space<hbm>>
    %dma_start3A_62 = tpu.memref_squeeze %dma_start3A_61 : memref<1x2560x2x128xi32, #tpu.memory_space<hbm>> -> memref<2560x2x128xi32, #tpu.memory_space<hbm>>
    %dma_start3A_63 = arith.constant 0 : i32
    %dma_start3A_64 = arith.constant 0 : i32
    %dma_start3A_65 = tpu.memref_slice %dma_start3A_62[%add3A_47, %dma_start3A_63, %dma_start3A_64] : memref<2560x2x128xi32, #tpu.memory_space<hbm>> -> memref<1x2x128xi32, #tpu.memory_space<hbm>>
    %dma_start3A_66 = tpu.memref_squeeze %dma_start3A_65 : memref<1x2x128xi32, #tpu.memory_space<hbm>> -> memref<2x128xi32, #tpu.memory_space<hbm>>
    tpu.enqueue_dma source(%dma_start3A_66 : memref<2x128xi32, #tpu.memory_space<hbm>>) target(%arg9 : memref<2x128xi32, #tpu.memory_space<vmem>>) target_semaphore(%arg20 : memref<!tpu.dma_semaphore, #tpu.memory_space<semaphore_mem>>)
    "tpu.region"() ({
      %run_scoped3A = tpu.sem_alloc : memref<!tpu.dma_semaphore, #tpu.memory_space<semaphore_mem>>
      tpu.enqueue_dma source(%arg4 : memref<128x16xf32, #tpu.memory_space<hbm>>) target(%arg12 : memref<128x16xf32, #tpu.memory_space<vmem>>) target_semaphore(%run_scoped3A : memref<!tpu.dma_semaphore, #tpu.memory_space<semaphore_mem>>)
      tpu.wait_dma2 semaphore(%run_scoped3A : memref<!tpu.dma_semaphore, #tpu.memory_space<semaphore_mem>>) src(%arg4 : memref<128x16xf32, #tpu.memory_space<hbm>>) dst(%arg12 : memref<128x16xf32, #tpu.memory_space<vmem>>)
      tpu.yield
    }) : () -> ()
    %scan3A = arith.constant 0 : i32
    %scan3A_67 = arith.constant 5 : i32
    %scan3A_68 = arith.addi %scan3A, %scan3A_67 : i32
    %scan3A_69 = arith.constant 1 : i32
    scf.for %scan3A_721 = %scan3A to %scan3A_68 step %scan3A_69  : i32 {
      %mul3A_722 = arith.constant 1 : i32
      %mul3A_723 = arith.muli %scan3A_721, %mul3A_722 : i32
      %add3A_724 = arith.constant 0 : i32
      %add3A_725 = arith.addi %add3A_724, %mul3A_723 : i32
      %mul3A_726 = arith.constant 128 : i32
      %mul3A_727 = arith.muli %add3A_725, %mul3A_726 : i32
      %add3A_728 = arith.addi %mul3A_0, %mul3A_727 : i32
      "tpu.region"() ({
        %run_scoped3A = tpu.sem_alloc : memref<!tpu.dma_semaphore, #tpu.memory_space<semaphore_mem>>
        %dma_start3A_729 = arith.constant 0 : i32
        %dma_start3A_730 = tpu.memref_slice %arg17[%add3A_728, %dma_start3A_729] : memref<10240x16xf32, #tpu.memory_space<vmem_shared>> -> memref<128x16xf32, #tpu.memory_space<vmem_shared>>
        %dma_start3A_731 = arith.constant 0 : i32
        %dma_start3A_732 = tpu.memref_slice %arg17[%add3A_728, %dma_start3A_731] : memref<10240x16xf32, #tpu.memory_space<vmem_shared>> -> memref<128x16xf32, #tpu.memory_space<vmem_shared>>
        tpu.enqueue_dma source(%arg12 : memref<128x16xf32, #tpu.memory_space<vmem>>) target(%dma_start3A_732 : memref<128x16xf32, #tpu.memory_space<vmem_shared>>) target_semaphore(%run_scoped3A : memref<!tpu.dma_semaphore, #tpu.memory_space<semaphore_mem>>)
        %dma_wait3A_733 = arith.constant 0 : i32
        %dma_wait3A_734 = tpu.memref_slice %arg17[%add3A_728, %dma_wait3A_733] : memref<10240x16xf32, #tpu.memory_space<vmem_shared>> -> memref<128x16xf32, #tpu.memory_space<vmem_shared>>
        %dma_wait3A_735 = arith.constant 0 : i32
        %dma_wait3A_736 = tpu.memref_slice %arg17[%add3A_728, %dma_wait3A_735] : memref<10240x16xf32, #tpu.memory_space<vmem_shared>> -> memref<128x16xf32, #tpu.memory_space<vmem_shared>>
        tpu.wait_dma2 semaphore(%run_scoped3A : memref<!tpu.dma_semaphore, #tpu.memory_space<semaphore_mem>>) src(%arg12 : memref<128x16xf32, #tpu.memory_space<vmem>>) dst(%dma_wait3A_736 : memref<128x16xf32, #tpu.memory_space<vmem_shared>>)
        tpu.yield
      }) : () -> ()
    }
    %scan3A_70 = arith.constant 5 : i32
    %add3A_71 = arith.constant 0 : i32
    %add3A_72 = arith.addi %mul3A_4, %add3A_71 : i32
    %dma_wait3A = arith.constant 0 : i32
    %dma_wait3A_73 = arith.constant 0 : i32
    %dma_wait3A_74 = arith.constant 0 : i32
    %dma_wait3A_75 = arith.constant 0 : i32
    %dma_wait3A_76 = tpu.memref_slice %arg3[%dma_wait3A, %dma_wait3A_73, %dma_wait3A_74, %dma_wait3A_75] : memref<2x2560x2x128xi32, #tpu.memory_space<hbm>> -> memref<1x2560x2x128xi32, #tpu.memory_space<hbm>>
    %dma_wait3A_77 = tpu.memref_squeeze %dma_wait3A_76 : memref<1x2560x2x128xi32, #tpu.memory_space<hbm>> -> memref<2560x2x128xi32, #tpu.memory_space<hbm>>
    %dma_wait3A_78 = arith.constant 0 : i32
    %dma_wait3A_79 = arith.constant 0 : i32
    %dma_wait3A_80 = tpu.memref_slice %dma_wait3A_77[%add3A_72, %dma_wait3A_78, %dma_wait3A_79] : memref<2560x2x128xi32, #tpu.memory_space<hbm>> -> memref<1x2x128xi32, #tpu.memory_space<hbm>>
    %dma_wait3A_81 = tpu.memref_squeeze %dma_wait3A_80 : memref<1x2x128xi32, #tpu.memory_space<hbm>> -> memref<2x128xi32, #tpu.memory_space<hbm>>
    %dma_wait3A_82 = arith.constant 0 : i32
    %dma_wait3A_83 = arith.constant 0 : i32
    %dma_wait3A_84 = arith.constant 0 : i32
    %dma_wait3A_85 = tpu.memref_slice %arg3[%dma_wait3A, %dma_wait3A_82, %dma_wait3A_83, %dma_wait3A_84] : memref<2x2560x2x128xi32, #tpu.memory_space<hbm>> -> memref<1x2560x2x128xi32, #tpu.memory_space<hbm>>
    %dma_wait3A_86 = tpu.memref_squeeze %dma_wait3A_85 : memref<1x2560x2x128xi32, #tpu.memory_space<hbm>> -> memref<2560x2x128xi32, #tpu.memory_space<hbm>>
    %dma_wait3A_87 = arith.constant 0 : i32
    %dma_wait3A_88 = arith.constant 0 : i32
    %dma_wait3A_89 = tpu.memref_slice %dma_wait3A_86[%add3A_72, %dma_wait3A_87, %dma_wait3A_88] : memref<2560x2x128xi32, #tpu.memory_space<hbm>> -> memref<1x2x128xi32, #tpu.memory_space<hbm>>
    %dma_wait3A_90 = tpu.memref_squeeze %dma_wait3A_89 : memref<1x2x128xi32, #tpu.memory_space<hbm>> -> memref<2x128xi32, #tpu.memory_space<hbm>>
    tpu.wait_dma2 semaphore(%arg18 : memref<!tpu.dma_semaphore, #tpu.memory_space<semaphore_mem>>) src(%dma_wait3A_90 : memref<2x128xi32, #tpu.memory_space<hbm>>) dst(%arg7 : memref<2x128xi32, #tpu.memory_space<vmem>>)
    %dma_start3A_91 = arith.constant 0 : i32
    %dma_start3A_92 = arith.constant 0 : i32
    %dma_start3A_93 = tpu.memref_slice %arg7[%dma_start3A_91, %dma_start3A_92] : memref<2x128xi32, #tpu.memory_space<vmem>> -> memref<1x128xi32, #tpu.memory_space<vmem>>
    %dma_start3A_94 = tpu.memref_squeeze %dma_start3A_93 : memref<1x128xi32, #tpu.memory_space<vmem>> -> memref<128xi32, #tpu.memory_space<vmem>>
    %dma_start3A_95 = arith.constant 0 : i32
    %dma_start3A_96 = arith.constant 0 : i32
    %dma_start3A_97 = tpu.memref_slice %arg2[%dma_start3A_95, %dma_start3A_96] : memref<10240x16xf32, #tpu.memory_space<hbm>> -> memref<10240x16xf32, #tpu.memory_space<hbm>>
    tpu.enqueue_indirect_dma source(%dma_start3A_97 : memref<10240x16xf32, #tpu.memory_space<hbm>>) target(%arg12 : memref<128x16xf32, #tpu.memory_space<vmem>>) offsets(%dma_start3A_94 : memref<128xi32, #tpu.memory_space<vmem>>) semaphore(%arg23 : memref<!tpu.dma_semaphore, #tpu.memory_space<semaphore_mem>>)
    %add3A_98 = arith.constant 1 : i32
    %add3A_99 = arith.addi %mul3A_4, %add3A_98 : i32
    %dma_wait3A_100 = arith.constant 0 : i32
    %dma_wait3A_101 = arith.constant 0 : i32
    %dma_wait3A_102 = arith.constant 0 : i32
    %dma_wait3A_103 = arith.constant 0 : i32
    %dma_wait3A_104 = tpu.memref_slice %arg3[%dma_wait3A_100, %dma_wait3A_101, %dma_wait3A_102, %dma_wait3A_103] : memref<2x2560x2x128xi32, #tpu.memory_space<hbm>> -> memref<1x2560x2x128xi32, #tpu.memory_space<hbm>>
    %dma_wait3A_105 = tpu.memref_squeeze %dma_wait3A_104 : memref<1x2560x2x128xi32, #tpu.memory_space<hbm>> -> memref<2560x2x128xi32, #tpu.memory_space<hbm>>
    %dma_wait3A_106 = arith.constant 0 : i32
    %dma_wait3A_107 = arith.constant 0 : i32
    %dma_wait3A_108 = tpu.memref_slice %dma_wait3A_105[%add3A_99, %dma_wait3A_106, %dma_wait3A_107] : memref<2560x2x128xi32, #tpu.memory_space<hbm>> -> memref<1x2x128xi32, #tpu.memory_space<hbm>>
    %dma_wait3A_109 = tpu.memref_squeeze %dma_wait3A_108 : memref<1x2x128xi32, #tpu.memory_space<hbm>> -> memref<2x128xi32, #tpu.memory_space<hbm>>
    %dma_wait3A_110 = arith.constant 0 : i32
    %dma_wait3A_111 = arith.constant 0 : i32
    %dma_wait3A_112 = arith.constant 0 : i32
    %dma_wait3A_113 = tpu.memref_slice %arg3[%dma_wait3A_100, %dma_wait3A_110, %dma_wait3A_111, %dma_wait3A_112] : memref<2x2560x2x128xi32, #tpu.memory_space<hbm>> -> memref<1x2560x2x128xi32, #tpu.memory_space<hbm>>
    %dma_wait3A_114 = tpu.memref_squeeze %dma_wait3A_113 : memref<1x2560x2x128xi32, #tpu.memory_space<hbm>> -> memref<2560x2x128xi32, #tpu.memory_space<hbm>>
    %dma_wait3A_115 = arith.constant 0 : i32
    %dma_wait3A_116 = arith.constant 0 : i32
    %dma_wait3A_117 = tpu.memref_slice %dma_wait3A_114[%add3A_99, %dma_wait3A_115, %dma_wait3A_116] : memref<2560x2x128xi32, #tpu.memory_space<hbm>> -> memref<1x2x128xi32, #tpu.memory_space<hbm>>
    %dma_wait3A_118 = tpu.memref_squeeze %dma_wait3A_117 : memref<1x2x128xi32, #tpu.memory_space<hbm>> -> memref<2x128xi32, #tpu.memory_space<hbm>>
    tpu.wait_dma2 semaphore(%arg19 : memref<!tpu.dma_semaphore, #tpu.memory_space<semaphore_mem>>) src(%dma_wait3A_118 : memref<2x128xi32, #tpu.memory_space<hbm>>) dst(%arg8 : memref<2x128xi32, #tpu.memory_space<vmem>>)
    %dma_start3A_119 = arith.constant 0 : i32
    %dma_start3A_120 = arith.constant 0 : i32
    %dma_start3A_121 = tpu.memref_slice %arg8[%dma_start3A_119, %dma_start3A_120] : memref<2x128xi32, #tpu.memory_space<vmem>> -> memref<1x128xi32, #tpu.memory_space<vmem>>
    %dma_start3A_122 = tpu.memref_squeeze %dma_start3A_121 : memref<1x128xi32, #tpu.memory_space<vmem>> -> memref<128xi32, #tpu.memory_space<vmem>>
    %dma_start3A_123 = arith.constant 0 : i32
    %dma_start3A_124 = arith.constant 0 : i32
    %dma_start3A_125 = tpu.memref_slice %arg2[%dma_start3A_123, %dma_start3A_124] : memref<10240x16xf32, #tpu.memory_space<hbm>> -> memref<10240x16xf32, #tpu.memory_space<hbm>>
    tpu.enqueue_indirect_dma source(%dma_start3A_125 : memref<10240x16xf32, #tpu.memory_space<hbm>>) target(%arg13 : memref<128x16xf32, #tpu.memory_space<vmem>>) offsets(%dma_start3A_122 : memref<128xi32, #tpu.memory_space<vmem>>) semaphore(%arg24 : memref<!tpu.dma_semaphore, #tpu.memory_space<semaphore_mem>>)
    %barrier3A = arith.constant 0 : index
    tpu.barrier barrier_id(%barrier3A)
    %dma_wait3A_126 = arith.constant 0 : i32
    %dma_wait3A_127 = arith.constant 0 : i32
    %dma_wait3A_128 = tpu.memref_slice %arg7[%dma_wait3A_126, %dma_wait3A_127] : memref<2x128xi32, #tpu.memory_space<vmem>> -> memref<1x128xi32, #tpu.memory_space<vmem>>
    %dma_wait3A_129 = tpu.memref_squeeze %dma_wait3A_128 : memref<1x128xi32, #tpu.memory_space<vmem>> -> memref<128xi32, #tpu.memory_space<vmem>>
    %dma_wait3A_130 = arith.constant 0 : i32
    %dma_wait3A_131 = arith.constant 0 : i32
    %dma_wait3A_132 = tpu.memref_slice %arg2[%dma_wait3A_130, %dma_wait3A_131] : memref<10240x16xf32, #tpu.memory_space<hbm>> -> memref<10240x16xf32, #tpu.memory_space<hbm>>
    tpu.wait_indirect_dma semaphore(%arg23 : memref<!tpu.dma_semaphore, #tpu.memory_space<semaphore_mem>>) src(%dma_wait3A_132 : memref<10240x16xf32, #tpu.memory_space<hbm>>) dst(%arg12 : memref<128x16xf32, #tpu.memory_space<vmem>>)
    %dma_start3A_133 = arith.constant 1 : i32
    %dma_start3A_134 = arith.constant 0 : i32
    %dma_start3A_135 = tpu.memref_slice %arg7[%dma_start3A_133, %dma_start3A_134] : memref<2x128xi32, #tpu.memory_space<vmem>> -> memref<1x128xi32, #tpu.memory_space<vmem>>
    %dma_start3A_136 = tpu.memref_squeeze %dma_start3A_135 : memref<1x128xi32, #tpu.memory_space<vmem>> -> memref<128xi32, #tpu.memory_space<vmem>>
    %dma_start3A_137 = arith.constant 0 : i32
    %dma_start3A_138 = arith.constant 0 : i32
    %dma_start3A_139 = tpu.memref_slice %arg17[%dma_start3A_137, %dma_start3A_138] : memref<10240x16xf32, #tpu.memory_space<vmem_shared>> -> memref<10240x16xf32, #tpu.memory_space<vmem_shared>>
    tpu.enqueue_indirect_dma source(%arg12 : memref<128x16xf32, #tpu.memory_space<vmem>>) target(%dma_start3A_139 : memref<10240x16xf32, #tpu.memory_space<vmem_shared>>) offsets(%dma_start3A_136 : memref<128xi32, #tpu.memory_space<vmem>>) semaphore(%arg28 : memref<!tpu.dma_semaphore, #tpu.memory_space<semaphore_mem>>) {add = true}
    %add3A_140 = arith.constant 3 : i32
    %add3A_141 = arith.addi %mul3A_4, %add3A_140 : i32
    %dma_start3A_142 = arith.constant 0 : i32
    %dma_start3A_143 = arith.constant 0 : i32
    %dma_start3A_144 = arith.constant 0 : i32
    %dma_start3A_145 = arith.constant 0 : i32
    %dma_start3A_146 = tpu.memref_slice %arg3[%dma_start3A_142, %dma_start3A_143, %dma_start3A_144, %dma_start3A_145] : memref<2x2560x2x128xi32, #tpu.memory_space<hbm>> -> memref<1x2560x2x128xi32, #tpu.memory_space<hbm>>
    %dma_start3A_147 = tpu.memref_squeeze %dma_start3A_146 : memref<1x2560x2x128xi32, #tpu.memory_space<hbm>> -> memref<2560x2x128xi32, #tpu.memory_space<hbm>>
    %dma_start3A_148 = arith.constant 0 : i32
    %dma_start3A_149 = arith.constant 0 : i32
    %dma_start3A_150 = tpu.memref_slice %dma_start3A_147[%add3A_141, %dma_start3A_148, %dma_start3A_149] : memref<2560x2x128xi32, #tpu.memory_space<hbm>> -> memref<1x2x128xi32, #tpu.memory_space<hbm>>
    %dma_start3A_151 = tpu.memref_squeeze %dma_start3A_150 : memref<1x2x128xi32, #tpu.memory_space<hbm>> -> memref<2x128xi32, #tpu.memory_space<hbm>>
    %dma_start3A_152 = arith.constant 0 : i32
    %dma_start3A_153 = arith.constant 0 : i32
    %dma_start3A_154 = arith.constant 0 : i32
    %dma_start3A_155 = tpu.memref_slice %arg3[%dma_start3A_142, %dma_start3A_152, %dma_start3A_153, %dma_start3A_154] : memref<2x2560x2x128xi32, #tpu.memory_space<hbm>> -> memref<1x2560x2x128xi32, #tpu.memory_space<hbm>>
    %dma_start3A_156 = tpu.memref_squeeze %dma_start3A_155 : memref<1x2560x2x128xi32, #tpu.memory_space<hbm>> -> memref<2560x2x128xi32, #tpu.memory_space<hbm>>
    %dma_start3A_157 = arith.constant 0 : i32
    %dma_start3A_158 = arith.constant 0 : i32
    %dma_start3A_159 = tpu.memref_slice %dma_start3A_156[%add3A_141, %dma_start3A_157, %dma_start3A_158] : memref<2560x2x128xi32, #tpu.memory_space<hbm>> -> memref<1x2x128xi32, #tpu.memory_space<hbm>>
    %dma_start3A_160 = tpu.memref_squeeze %dma_start3A_159 : memref<1x2x128xi32, #tpu.memory_space<hbm>> -> memref<2x128xi32, #tpu.memory_space<hbm>>
    tpu.enqueue_dma source(%dma_start3A_160 : memref<2x128xi32, #tpu.memory_space<hbm>>) target(%arg10 : memref<2x128xi32, #tpu.memory_space<vmem>>) target_semaphore(%arg21 : memref<!tpu.dma_semaphore, #tpu.memory_space<semaphore_mem>>)
    %add3A_161 = arith.constant 2 : i32
    %add3A_162 = arith.addi %mul3A_4, %add3A_161 : i32
    %dma_wait3A_163 = arith.constant 0 : i32
    %dma_wait3A_164 = arith.constant 0 : i32
    %dma_wait3A_165 = arith.constant 0 : i32
    %dma_wait3A_166 = arith.constant 0 : i32
    %dma_wait3A_167 = tpu.memref_slice %arg3[%dma_wait3A_163, %dma_wait3A_164, %dma_wait3A_165, %dma_wait3A_166] : memref<2x2560x2x128xi32, #tpu.memory_space<hbm>> -> memref<1x2560x2x128xi32, #tpu.memory_space<hbm>>
    %dma_wait3A_168 = tpu.memref_squeeze %dma_wait3A_167 : memref<1x2560x2x128xi32, #tpu.memory_space<hbm>> -> memref<2560x2x128xi32, #tpu.memory_space<hbm>>
    %dma_wait3A_169 = arith.constant 0 : i32
    %dma_wait3A_170 = arith.constant 0 : i32
    %dma_wait3A_171 = tpu.memref_slice %dma_wait3A_168[%add3A_162, %dma_wait3A_169, %dma_wait3A_170] : memref<2560x2x128xi32, #tpu.memory_space<hbm>> -> memref<1x2x128xi32, #tpu.memory_space<hbm>>
    %dma_wait3A_172 = tpu.memref_squeeze %dma_wait3A_171 : memref<1x2x128xi32, #tpu.memory_space<hbm>> -> memref<2x128xi32, #tpu.memory_space<hbm>>
    %dma_wait3A_173 = arith.constant 0 : i32
    %dma_wait3A_174 = arith.constant 0 : i32
    %dma_wait3A_175 = arith.constant 0 : i32
    %dma_wait3A_176 = tpu.memref_slice %arg3[%dma_wait3A_163, %dma_wait3A_173, %dma_wait3A_174, %dma_wait3A_175] : memref<2x2560x2x128xi32, #tpu.memory_space<hbm>> -> memref<1x2560x2x128xi32, #tpu.memory_space<hbm>>
    %dma_wait3A_177 = tpu.memref_squeeze %dma_wait3A_176 : memref<1x2560x2x128xi32, #tpu.memory_space<hbm>> -> memref<2560x2x128xi32, #tpu.memory_space<hbm>>
    %dma_wait3A_178 = arith.constant 0 : i32
    %dma_wait3A_179 = arith.constant 0 : i32
    %dma_wait3A_180 = tpu.memref_slice %dma_wait3A_177[%add3A_162, %dma_wait3A_178, %dma_wait3A_179] : memref<2560x2x128xi32, #tpu.memory_space<hbm>> -> memref<1x2x128xi32, #tpu.memory_space<hbm>>
    %dma_wait3A_181 = tpu.memref_squeeze %dma_wait3A_180 : memref<1x2x128xi32, #tpu.memory_space<hbm>> -> memref<2x128xi32, #tpu.memory_space<hbm>>
    tpu.wait_dma2 semaphore(%arg20 : memref<!tpu.dma_semaphore, #tpu.memory_space<semaphore_mem>>) src(%dma_wait3A_181 : memref<2x128xi32, #tpu.memory_space<hbm>>) dst(%arg9 : memref<2x128xi32, #tpu.memory_space<vmem>>)
    %dma_start3A_182 = arith.constant 0 : i32
    %dma_start3A_183 = arith.constant 0 : i32
    %dma_start3A_184 = tpu.memref_slice %arg9[%dma_start3A_182, %dma_start3A_183] : memref<2x128xi32, #tpu.memory_space<vmem>> -> memref<1x128xi32, #tpu.memory_space<vmem>>
    %dma_start3A_185 = tpu.memref_squeeze %dma_start3A_184 : memref<1x128xi32, #tpu.memory_space<vmem>> -> memref<128xi32, #tpu.memory_space<vmem>>
    %dma_start3A_186 = arith.constant 0 : i32
    %dma_start3A_187 = arith.constant 0 : i32
    %dma_start3A_188 = tpu.memref_slice %arg2[%dma_start3A_186, %dma_start3A_187] : memref<10240x16xf32, #tpu.memory_space<hbm>> -> memref<10240x16xf32, #tpu.memory_space<hbm>>
    tpu.enqueue_indirect_dma source(%dma_start3A_188 : memref<10240x16xf32, #tpu.memory_space<hbm>>) target(%arg14 : memref<128x16xf32, #tpu.memory_space<vmem>>) offsets(%dma_start3A_185 : memref<128xi32, #tpu.memory_space<vmem>>) semaphore(%arg25 : memref<!tpu.dma_semaphore, #tpu.memory_space<semaphore_mem>>)
    %dma_wait3A_189 = arith.constant 0 : i32
    %dma_wait3A_190 = arith.constant 0 : i32
    %dma_wait3A_191 = tpu.memref_slice %arg8[%dma_wait3A_189, %dma_wait3A_190] : memref<2x128xi32, #tpu.memory_space<vmem>> -> memref<1x128xi32, #tpu.memory_space<vmem>>
    %dma_wait3A_192 = tpu.memref_squeeze %dma_wait3A_191 : memref<1x128xi32, #tpu.memory_space<vmem>> -> memref<128xi32, #tpu.memory_space<vmem>>
    %dma_wait3A_193 = arith.constant 0 : i32
    %dma_wait3A_194 = arith.constant 0 : i32
    %dma_wait3A_195 = tpu.memref_slice %arg2[%dma_wait3A_193, %dma_wait3A_194] : memref<10240x16xf32, #tpu.memory_space<hbm>> -> memref<10240x16xf32, #tpu.memory_space<hbm>>
    tpu.wait_indirect_dma semaphore(%arg24 : memref<!tpu.dma_semaphore, #tpu.memory_space<semaphore_mem>>) src(%dma_wait3A_195 : memref<10240x16xf32, #tpu.memory_space<hbm>>) dst(%arg13 : memref<128x16xf32, #tpu.memory_space<vmem>>)
    %dma_start3A_196 = arith.constant 1 : i32
    %dma_start3A_197 = arith.constant 0 : i32
    %dma_start3A_198 = tpu.memref_slice %arg8[%dma_start3A_196, %dma_start3A_197] : memref<2x128xi32, #tpu.memory_space<vmem>> -> memref<1x128xi32, #tpu.memory_space<vmem>>
    %dma_start3A_199 = tpu.memref_squeeze %dma_start3A_198 : memref<1x128xi32, #tpu.memory_space<vmem>> -> memref<128xi32, #tpu.memory_space<vmem>>
    %dma_start3A_200 = arith.constant 0 : i32
    %dma_start3A_201 = arith.constant 0 : i32
    %dma_start3A_202 = tpu.memref_slice %arg17[%dma_start3A_200, %dma_start3A_201] : memref<10240x16xf32, #tpu.memory_space<vmem_shared>> -> memref<10240x16xf32, #tpu.memory_space<vmem_shared>>
    tpu.enqueue_indirect_dma source(%arg13 : memref<128x16xf32, #tpu.memory_space<vmem>>) target(%dma_start3A_202 : memref<10240x16xf32, #tpu.memory_space<vmem_shared>>) offsets(%dma_start3A_199 : memref<128xi32, #tpu.memory_space<vmem>>) semaphore(%arg29 : memref<!tpu.dma_semaphore, #tpu.memory_space<semaphore_mem>>) {add = true}
    %add3A_203 = arith.constant 4 : i32
    %add3A_204 = arith.addi %mul3A_4, %add3A_203 : i32
    %dma_start3A_205 = arith.constant 0 : i32
    %dma_start3A_206 = arith.constant 0 : i32
    %dma_start3A_207 = arith.constant 0 : i32
    %dma_start3A_208 = arith.constant 0 : i32
    %dma_start3A_209 = tpu.memref_slice %arg3[%dma_start3A_205, %dma_start3A_206, %dma_start3A_207, %dma_start3A_208] : memref<2x2560x2x128xi32, #tpu.memory_space<hbm>> -> memref<1x2560x2x128xi32, #tpu.memory_space<hbm>>
    %dma_start3A_210 = tpu.memref_squeeze %dma_start3A_209 : memref<1x2560x2x128xi32, #tpu.memory_space<hbm>> -> memref<2560x2x128xi32, #tpu.memory_space<hbm>>
    %dma_start3A_211 = arith.constant 0 : i32
    %dma_start3A_212 = arith.constant 0 : i32
    %dma_start3A_213 = tpu.memref_slice %dma_start3A_210[%add3A_204, %dma_start3A_211, %dma_start3A_212] : memref<2560x2x128xi32, #tpu.memory_space<hbm>> -> memref<1x2x128xi32, #tpu.memory_space<hbm>>
    %dma_start3A_214 = tpu.memref_squeeze %dma_start3A_213 : memref<1x2x128xi32, #tpu.memory_space<hbm>> -> memref<2x128xi32, #tpu.memory_space<hbm>>
    %dma_start3A_215 = arith.constant 0 : i32
    %dma_start3A_216 = arith.constant 0 : i32
    %dma_start3A_217 = arith.constant 0 : i32
    %dma_start3A_218 = tpu.memref_slice %arg3[%dma_start3A_205, %dma_start3A_215, %dma_start3A_216, %dma_start3A_217] : memref<2x2560x2x128xi32, #tpu.memory_space<hbm>> -> memref<1x2560x2x128xi32, #tpu.memory_space<hbm>>
    %dma_start3A_219 = tpu.memref_squeeze %dma_start3A_218 : memref<1x2560x2x128xi32, #tpu.memory_space<hbm>> -> memref<2560x2x128xi32, #tpu.memory_space<hbm>>
    %dma_start3A_220 = arith.constant 0 : i32
    %dma_start3A_221 = arith.constant 0 : i32
    %dma_start3A_222 = tpu.memref_slice %dma_start3A_219[%add3A_204, %dma_start3A_220, %dma_start3A_221] : memref<2560x2x128xi32, #tpu.memory_space<hbm>> -> memref<1x2x128xi32, #tpu.memory_space<hbm>>
    %dma_start3A_223 = tpu.memref_squeeze %dma_start3A_222 : memref<1x2x128xi32, #tpu.memory_space<hbm>> -> memref<2x128xi32, #tpu.memory_space<hbm>>
    tpu.enqueue_dma source(%dma_start3A_223 : memref<2x128xi32, #tpu.memory_space<hbm>>) target(%arg11 : memref<2x128xi32, #tpu.memory_space<vmem>>) target_semaphore(%arg22 : memref<!tpu.dma_semaphore, #tpu.memory_space<semaphore_mem>>)
    %add3A_224 = arith.constant 3 : i32
    %add3A_225 = arith.addi %mul3A_4, %add3A_224 : i32
    %dma_wait3A_226 = arith.constant 0 : i32
    %dma_wait3A_227 = arith.constant 0 : i32
    %dma_wait3A_228 = arith.constant 0 : i32
    %dma_wait3A_229 = arith.constant 0 : i32
    %dma_wait3A_230 = tpu.memref_slice %arg3[%dma_wait3A_226, %dma_wait3A_227, %dma_wait3A_228, %dma_wait3A_229] : memref<2x2560x2x128xi32, #tpu.memory_space<hbm>> -> memref<1x2560x2x128xi32, #tpu.memory_space<hbm>>
    %dma_wait3A_231 = tpu.memref_squeeze %dma_wait3A_230 : memref<1x2560x2x128xi32, #tpu.memory_space<hbm>> -> memref<2560x2x128xi32, #tpu.memory_space<hbm>>
    %dma_wait3A_232 = arith.constant 0 : i32
    %dma_wait3A_233 = arith.constant 0 : i32
    %dma_wait3A_234 = tpu.memref_slice %dma_wait3A_231[%add3A_225, %dma_wait3A_232, %dma_wait3A_233] : memref<2560x2x128xi32, #tpu.memory_space<hbm>> -> memref<1x2x128xi32, #tpu.memory_space<hbm>>
    %dma_wait3A_235 = tpu.memref_squeeze %dma_wait3A_234 : memref<1x2x128xi32, #tpu.memory_space<hbm>> -> memref<2x128xi32, #tpu.memory_space<hbm>>
    %dma_wait3A_236 = arith.constant 0 : i32
    %dma_wait3A_237 = arith.constant 0 : i32
    %dma_wait3A_238 = arith.constant 0 : i32
    %dma_wait3A_239 = tpu.memref_slice %arg3[%dma_wait3A_226, %dma_wait3A_236, %dma_wait3A_237, %dma_wait3A_238] : memref<2x2560x2x128xi32, #tpu.memory_space<hbm>> -> memref<1x2560x2x128xi32, #tpu.memory_space<hbm>>
    %dma_wait3A_240 = tpu.memref_squeeze %dma_wait3A_239 : memref<1x2560x2x128xi32, #tpu.memory_space<hbm>> -> memref<2560x2x128xi32, #tpu.memory_space<hbm>>
    %dma_wait3A_241 = arith.constant 0 : i32
    %dma_wait3A_242 = arith.constant 0 : i32
    %dma_wait3A_243 = tpu.memref_slice %dma_wait3A_240[%add3A_225, %dma_wait3A_241, %dma_wait3A_242] : memref<2560x2x128xi32, #tpu.memory_space<hbm>> -> memref<1x2x128xi32, #tpu.memory_space<hbm>>
    %dma_wait3A_244 = tpu.memref_squeeze %dma_wait3A_243 : memref<1x2x128xi32, #tpu.memory_space<hbm>> -> memref<2x128xi32, #tpu.memory_space<hbm>>
    tpu.wait_dma2 semaphore(%arg21 : memref<!tpu.dma_semaphore, #tpu.memory_space<semaphore_mem>>) src(%dma_wait3A_244 : memref<2x128xi32, #tpu.memory_space<hbm>>) dst(%arg10 : memref<2x128xi32, #tpu.memory_space<vmem>>)
    %dma_start3A_245 = arith.constant 0 : i32
    %dma_start3A_246 = arith.constant 0 : i32
    %dma_start3A_247 = tpu.memref_slice %arg10[%dma_start3A_245, %dma_start3A_246] : memref<2x128xi32, #tpu.memory_space<vmem>> -> memref<1x128xi32, #tpu.memory_space<vmem>>
    %dma_start3A_248 = tpu.memref_squeeze %dma_start3A_247 : memref<1x128xi32, #tpu.memory_space<vmem>> -> memref<128xi32, #tpu.memory_space<vmem>>
    %dma_start3A_249 = arith.constant 0 : i32
    %dma_start3A_250 = arith.constant 0 : i32
    %dma_start3A_251 = tpu.memref_slice %arg2[%dma_start3A_249, %dma_start3A_250] : memref<10240x16xf32, #tpu.memory_space<hbm>> -> memref<10240x16xf32, #tpu.memory_space<hbm>>
    tpu.enqueue_indirect_dma source(%dma_start3A_251 : memref<10240x16xf32, #tpu.memory_space<hbm>>) target(%arg15 : memref<128x16xf32, #tpu.memory_space<vmem>>) offsets(%dma_start3A_248 : memref<128xi32, #tpu.memory_space<vmem>>) semaphore(%arg26 : memref<!tpu.dma_semaphore, #tpu.memory_space<semaphore_mem>>)
    %dma_wait3A_252 = arith.constant 0 : i32
    %dma_wait3A_253 = arith.constant 0 : i32
    %dma_wait3A_254 = tpu.memref_slice %arg9[%dma_wait3A_252, %dma_wait3A_253] : memref<2x128xi32, #tpu.memory_space<vmem>> -> memref<1x128xi32, #tpu.memory_space<vmem>>
    %dma_wait3A_255 = tpu.memref_squeeze %dma_wait3A_254 : memref<1x128xi32, #tpu.memory_space<vmem>> -> memref<128xi32, #tpu.memory_space<vmem>>
    %dma_wait3A_256 = arith.constant 0 : i32
    %dma_wait3A_257 = arith.constant 0 : i32
    %dma_wait3A_258 = tpu.memref_slice %arg2[%dma_wait3A_256, %dma_wait3A_257] : memref<10240x16xf32, #tpu.memory_space<hbm>> -> memref<10240x16xf32, #tpu.memory_space<hbm>>
    tpu.wait_indirect_dma semaphore(%arg25 : memref<!tpu.dma_semaphore, #tpu.memory_space<semaphore_mem>>) src(%dma_wait3A_258 : memref<10240x16xf32, #tpu.memory_space<hbm>>) dst(%arg14 : memref<128x16xf32, #tpu.memory_space<vmem>>)
    %dma_start3A_259 = arith.constant 1 : i32
    %dma_start3A_260 = arith.constant 0 : i32
    %dma_start3A_261 = tpu.memref_slice %arg9[%dma_start3A_259, %dma_start3A_260] : memref<2x128xi32, #tpu.memory_space<vmem>> -> memref<1x128xi32, #tpu.memory_space<vmem>>
    %dma_start3A_262 = tpu.memref_squeeze %dma_start3A_261 : memref<1x128xi32, #tpu.memory_space<vmem>> -> memref<128xi32, #tpu.memory_space<vmem>>
    %dma_start3A_263 = arith.constant 0 : i32
    %dma_start3A_264 = arith.constant 0 : i32
    %dma_start3A_265 = tpu.memref_slice %arg17[%dma_start3A_263, %dma_start3A_264] : memref<10240x16xf32, #tpu.memory_space<vmem_shared>> -> memref<10240x16xf32, #tpu.memory_space<vmem_shared>>
    tpu.enqueue_indirect_dma source(%arg14 : memref<128x16xf32, #tpu.memory_space<vmem>>) target(%dma_start3A_265 : memref<10240x16xf32, #tpu.memory_space<vmem_shared>>) offsets(%dma_start3A_262 : memref<128xi32, #tpu.memory_space<vmem>>) semaphore(%arg30 : memref<!tpu.dma_semaphore, #tpu.memory_space<semaphore_mem>>) {add = true}
    %dma_wait3A_266 = arith.constant 1 : i32
    %dma_wait3A_267 = arith.constant 0 : i32
    %dma_wait3A_268 = tpu.memref_slice %arg7[%dma_wait3A_266, %dma_wait3A_267] : memref<2x128xi32, #tpu.memory_space<vmem>> -> memref<1x128xi32, #tpu.memory_space<vmem>>
    %dma_wait3A_269 = tpu.memref_squeeze %dma_wait3A_268 : memref<1x128xi32, #tpu.memory_space<vmem>> -> memref<128xi32, #tpu.memory_space<vmem>>
    %dma_wait3A_270 = arith.constant 0 : i32
    %dma_wait3A_271 = arith.constant 0 : i32
    %dma_wait3A_272 = tpu.memref_slice %arg17[%dma_wait3A_270, %dma_wait3A_271] : memref<10240x16xf32, #tpu.memory_space<vmem_shared>> -> memref<10240x16xf32, #tpu.memory_space<vmem_shared>>
    tpu.wait_indirect_dma semaphore(%arg28 : memref<!tpu.dma_semaphore, #tpu.memory_space<semaphore_mem>>) src(%arg12 : memref<128x16xf32, #tpu.memory_space<vmem>>) dst(%dma_wait3A_272 : memref<10240x16xf32, #tpu.memory_space<vmem_shared>>)
    %add3A_273 = arith.constant 5 : i32
    %add3A_274 = arith.addi %mul3A_4, %add3A_273 : i32
    %dma_start3A_275 = arith.constant 0 : i32
    %dma_start3A_276 = arith.constant 0 : i32
    %dma_start3A_277 = arith.constant 0 : i32
    %dma_start3A_278 = arith.constant 0 : i32
    %dma_start3A_279 = tpu.memref_slice %arg3[%dma_start3A_275, %dma_start3A_276, %dma_start3A_277, %dma_start3A_278] : memref<2x2560x2x128xi32, #tpu.memory_space<hbm>> -> memref<1x2560x2x128xi32, #tpu.memory_space<hbm>>
    %dma_start3A_280 = tpu.memref_squeeze %dma_start3A_279 : memref<1x2560x2x128xi32, #tpu.memory_space<hbm>> -> memref<2560x2x128xi32, #tpu.memory_space<hbm>>
    %dma_start3A_281 = arith.constant 0 : i32
    %dma_start3A_282 = arith.constant 0 : i32
    %dma_start3A_283 = tpu.memref_slice %dma_start3A_280[%add3A_274, %dma_start3A_281, %dma_start3A_282] : memref<2560x2x128xi32, #tpu.memory_space<hbm>> -> memref<1x2x128xi32, #tpu.memory_space<hbm>>
    %dma_start3A_284 = tpu.memref_squeeze %dma_start3A_283 : memref<1x2x128xi32, #tpu.memory_space<hbm>> -> memref<2x128xi32, #tpu.memory_space<hbm>>
    %dma_start3A_285 = arith.constant 0 : i32
    %dma_start3A_286 = arith.constant 0 : i32
    %dma_start3A_287 = arith.constant 0 : i32
    %dma_start3A_288 = tpu.memref_slice %arg3[%dma_start3A_275, %dma_start3A_285, %dma_start3A_286, %dma_start3A_287] : memref<2x2560x2x128xi32, #tpu.memory_space<hbm>> -> memref<1x2560x2x128xi32, #tpu.memory_space<hbm>>
    %dma_start3A_289 = tpu.memref_squeeze %dma_start3A_288 : memref<1x2560x2x128xi32, #tpu.memory_space<hbm>> -> memref<2560x2x128xi32, #tpu.memory_space<hbm>>
    %dma_start3A_290 = arith.constant 0 : i32
    %dma_start3A_291 = arith.constant 0 : i32
    %dma_start3A_292 = tpu.memref_slice %dma_start3A_289[%add3A_274, %dma_start3A_290, %dma_start3A_291] : memref<2560x2x128xi32, #tpu.memory_space<hbm>> -> memref<1x2x128xi32, #tpu.memory_space<hbm>>
    %dma_start3A_293 = tpu.memref_squeeze %dma_start3A_292 : memref<1x2x128xi32, #tpu.memory_space<hbm>> -> memref<2x128xi32, #tpu.memory_space<hbm>>
    tpu.enqueue_dma source(%dma_start3A_293 : memref<2x128xi32, #tpu.memory_space<hbm>>) target(%arg7 : memref<2x128xi32, #tpu.memory_space<vmem>>) target_semaphore(%arg18 : memref<!tpu.dma_semaphore, #tpu.memory_space<semaphore_mem>>)
    %add3A_294 = arith.constant 4 : i32
    %add3A_295 = arith.addi %mul3A_4, %add3A_294 : i32
    %dma_wait3A_296 = arith.constant 0 : i32
    %dma_wait3A_297 = arith.constant 0 : i32
    %dma_wait3A_298 = arith.constant 0 : i32
    %dma_wait3A_299 = arith.constant 0 : i32
    %dma_wait3A_300 = tpu.memref_slice %arg3[%dma_wait3A_296, %dma_wait3A_297, %dma_wait3A_298, %dma_wait3A_299] : memref<2x2560x2x128xi32, #tpu.memory_space<hbm>> -> memref<1x2560x2x128xi32, #tpu.memory_space<hbm>>
    %dma_wait3A_301 = tpu.memref_squeeze %dma_wait3A_300 : memref<1x2560x2x128xi32, #tpu.memory_space<hbm>> -> memref<2560x2x128xi32, #tpu.memory_space<hbm>>
    %dma_wait3A_302 = arith.constant 0 : i32
    %dma_wait3A_303 = arith.constant 0 : i32
    %dma_wait3A_304 = tpu.memref_slice %dma_wait3A_301[%add3A_295, %dma_wait3A_302, %dma_wait3A_303] : memref<2560x2x128xi32, #tpu.memory_space<hbm>> -> memref<1x2x128xi32, #tpu.memory_space<hbm>>
    %dma_wait3A_305 = tpu.memref_squeeze %dma_wait3A_304 : memref<1x2x128xi32, #tpu.memory_space<hbm>> -> memref<2x128xi32, #tpu.memory_space<hbm>>
    %dma_wait3A_306 = arith.constant 0 : i32
    %dma_wait3A_307 = arith.constant 0 : i32
    %dma_wait3A_308 = arith.constant 0 : i32
    %dma_wait3A_309 = tpu.memref_slice %arg3[%dma_wait3A_296, %dma_wait3A_306, %dma_wait3A_307, %dma_wait3A_308] : memref<2x2560x2x128xi32, #tpu.memory_space<hbm>> -> memref<1x2560x2x128xi32, #tpu.memory_space<hbm>>
    %dma_wait3A_310 = tpu.memref_squeeze %dma_wait3A_309 : memref<1x2560x2x128xi32, #tpu.memory_space<hbm>> -> memref<2560x2x128xi32, #tpu.memory_space<hbm>>
    %dma_wait3A_311 = arith.constant 0 : i32
    %dma_wait3A_312 = arith.constant 0 : i32
    %dma_wait3A_313 = tpu.memref_slice %dma_wait3A_310[%add3A_295, %dma_wait3A_311, %dma_wait3A_312] : memref<2560x2x128xi32, #tpu.memory_space<hbm>> -> memref<1x2x128xi32, #tpu.memory_space<hbm>>
    %dma_wait3A_314 = tpu.memref_squeeze %dma_wait3A_313 : memref<1x2x128xi32, #tpu.memory_space<hbm>> -> memref<2x128xi32, #tpu.memory_space<hbm>>
    tpu.wait_dma2 semaphore(%arg22 : memref<!tpu.dma_semaphore, #tpu.memory_space<semaphore_mem>>) src(%dma_wait3A_314 : memref<2x128xi32, #tpu.memory_space<hbm>>) dst(%arg11 : memref<2x128xi32, #tpu.memory_space<vmem>>)
    %dma_start3A_315 = arith.constant 0 : i32
    %dma_start3A_316 = arith.constant 0 : i32
    %dma_start3A_317 = tpu.memref_slice %arg11[%dma_start3A_315, %dma_start3A_316] : memref<2x128xi32, #tpu.memory_space<vmem>> -> memref<1x128xi32, #tpu.memory_space<vmem>>
    %dma_start3A_318 = tpu.memref_squeeze %dma_start3A_317 : memref<1x128xi32, #tpu.memory_space<vmem>> -> memref<128xi32, #tpu.memory_space<vmem>>
    %dma_start3A_319 = arith.constant 0 : i32
    %dma_start3A_320 = arith.constant 0 : i32
    %dma_start3A_321 = tpu.memref_slice %arg2[%dma_start3A_319, %dma_start3A_320] : memref<10240x16xf32, #tpu.memory_space<hbm>> -> memref<10240x16xf32, #tpu.memory_space<hbm>>
    tpu.enqueue_indirect_dma source(%dma_start3A_321 : memref<10240x16xf32, #tpu.memory_space<hbm>>) target(%arg16 : memref<128x16xf32, #tpu.memory_space<vmem>>) offsets(%dma_start3A_318 : memref<128xi32, #tpu.memory_space<vmem>>) semaphore(%arg27 : memref<!tpu.dma_semaphore, #tpu.memory_space<semaphore_mem>>)
    %dma_wait3A_322 = arith.constant 0 : i32
    %dma_wait3A_323 = arith.constant 0 : i32
    %dma_wait3A_324 = tpu.memref_slice %arg10[%dma_wait3A_322, %dma_wait3A_323] : memref<2x128xi32, #tpu.memory_space<vmem>> -> memref<1x128xi32, #tpu.memory_space<vmem>>
    %dma_wait3A_325 = tpu.memref_squeeze %dma_wait3A_324 : memref<1x128xi32, #tpu.memory_space<vmem>> -> memref<128xi32, #tpu.memory_space<vmem>>
    %dma_wait3A_326 = arith.constant 0 : i32
    %dma_wait3A_327 = arith.constant 0 : i32
    %dma_wait3A_328 = tpu.memref_slice %arg2[%dma_wait3A_326, %dma_wait3A_327] : memref<10240x16xf32, #tpu.memory_space<hbm>> -> memref<10240x16xf32, #tpu.memory_space<hbm>>
    tpu.wait_indirect_dma semaphore(%arg26 : memref<!tpu.dma_semaphore, #tpu.memory_space<semaphore_mem>>) src(%dma_wait3A_328 : memref<10240x16xf32, #tpu.memory_space<hbm>>) dst(%arg15 : memref<128x16xf32, #tpu.memory_space<vmem>>)
    %dma_start3A_329 = arith.constant 1 : i32
    %dma_start3A_330 = arith.constant 0 : i32
    %dma_start3A_331 = tpu.memref_slice %arg10[%dma_start3A_329, %dma_start3A_330] : memref<2x128xi32, #tpu.memory_space<vmem>> -> memref<1x128xi32, #tpu.memory_space<vmem>>
    %dma_start3A_332 = tpu.memref_squeeze %dma_start3A_331 : memref<1x128xi32, #tpu.memory_space<vmem>> -> memref<128xi32, #tpu.memory_space<vmem>>
    %dma_start3A_333 = arith.constant 0 : i32
    %dma_start3A_334 = arith.constant 0 : i32
    %dma_start3A_335 = tpu.memref_slice %arg17[%dma_start3A_333, %dma_start3A_334] : memref<10240x16xf32, #tpu.memory_space<vmem_shared>> -> memref<10240x16xf32, #tpu.memory_space<vmem_shared>>
    tpu.enqueue_indirect_dma source(%arg15 : memref<128x16xf32, #tpu.memory_space<vmem>>) target(%dma_start3A_335 : memref<10240x16xf32, #tpu.memory_space<vmem_shared>>) offsets(%dma_start3A_332 : memref<128xi32, #tpu.memory_space<vmem>>) semaphore(%arg31 : memref<!tpu.dma_semaphore, #tpu.memory_space<semaphore_mem>>) {add = true}
    %dma_wait3A_336 = arith.constant 1 : i32
    %dma_wait3A_337 = arith.constant 0 : i32
    %dma_wait3A_338 = tpu.memref_slice %arg8[%dma_wait3A_336, %dma_wait3A_337] : memref<2x128xi32, #tpu.memory_space<vmem>> -> memref<1x128xi32, #tpu.memory_space<vmem>>
    %dma_wait3A_339 = tpu.memref_squeeze %dma_wait3A_338 : memref<1x128xi32, #tpu.memory_space<vmem>> -> memref<128xi32, #tpu.memory_space<vmem>>
    %dma_wait3A_340 = arith.constant 0 : i32
    %dma_wait3A_341 = arith.constant 0 : i32
    %dma_wait3A_342 = tpu.memref_slice %arg17[%dma_wait3A_340, %dma_wait3A_341] : memref<10240x16xf32, #tpu.memory_space<vmem_shared>> -> memref<10240x16xf32, #tpu.memory_space<vmem_shared>>
    tpu.wait_indirect_dma semaphore(%arg29 : memref<!tpu.dma_semaphore, #tpu.memory_space<semaphore_mem>>) src(%arg13 : memref<128x16xf32, #tpu.memory_space<vmem>>) dst(%dma_wait3A_342 : memref<10240x16xf32, #tpu.memory_space<vmem_shared>>)
    %add3A_343 = arith.constant 6 : i32
    %add3A_344 = arith.addi %mul3A_4, %add3A_343 : i32
    %dma_start3A_345 = arith.constant 0 : i32
    %dma_start3A_346 = arith.constant 0 : i32
    %dma_start3A_347 = arith.constant 0 : i32
    %dma_start3A_348 = arith.constant 0 : i32
    %dma_start3A_349 = tpu.memref_slice %arg3[%dma_start3A_345, %dma_start3A_346, %dma_start3A_347, %dma_start3A_348] : memref<2x2560x2x128xi32, #tpu.memory_space<hbm>> -> memref<1x2560x2x128xi32, #tpu.memory_space<hbm>>
    %dma_start3A_350 = tpu.memref_squeeze %dma_start3A_349 : memref<1x2560x2x128xi32, #tpu.memory_space<hbm>> -> memref<2560x2x128xi32, #tpu.memory_space<hbm>>
    %dma_start3A_351 = arith.constant 0 : i32
    %dma_start3A_352 = arith.constant 0 : i32
    %dma_start3A_353 = tpu.memref_slice %dma_start3A_350[%add3A_344, %dma_start3A_351, %dma_start3A_352] : memref<2560x2x128xi32, #tpu.memory_space<hbm>> -> memref<1x2x128xi32, #tpu.memory_space<hbm>>
    %dma_start3A_354 = tpu.memref_squeeze %dma_start3A_353 : memref<1x2x128xi32, #tpu.memory_space<hbm>> -> memref<2x128xi32, #tpu.memory_space<hbm>>
    %dma_start3A_355 = arith.constant 0 : i32
    %dma_start3A_356 = arith.constant 0 : i32
    %dma_start3A_357 = arith.constant 0 : i32
    %dma_start3A_358 = tpu.memref_slice %arg3[%dma_start3A_345, %dma_start3A_355, %dma_start3A_356, %dma_start3A_357] : memref<2x2560x2x128xi32, #tpu.memory_space<hbm>> -> memref<1x2560x2x128xi32, #tpu.memory_space<hbm>>
    %dma_start3A_359 = tpu.memref_squeeze %dma_start3A_358 : memref<1x2560x2x128xi32, #tpu.memory_space<hbm>> -> memref<2560x2x128xi32, #tpu.memory_space<hbm>>
    %dma_start3A_360 = arith.constant 0 : i32
    %dma_start3A_361 = arith.constant 0 : i32
    %dma_start3A_362 = tpu.memref_slice %dma_start3A_359[%add3A_344, %dma_start3A_360, %dma_start3A_361] : memref<2560x2x128xi32, #tpu.memory_space<hbm>> -> memref<1x2x128xi32, #tpu.memory_space<hbm>>
    %dma_start3A_363 = tpu.memref_squeeze %dma_start3A_362 : memref<1x2x128xi32, #tpu.memory_space<hbm>> -> memref<2x128xi32, #tpu.memory_space<hbm>>
    tpu.enqueue_dma source(%dma_start3A_363 : memref<2x128xi32, #tpu.memory_space<hbm>>) target(%arg8 : memref<2x128xi32, #tpu.memory_space<vmem>>) target_semaphore(%arg19 : memref<!tpu.dma_semaphore, #tpu.memory_space<semaphore_mem>>)
    %add3A_364 = arith.constant 5 : i32
    %add3A_365 = arith.addi %mul3A_4, %add3A_364 : i32
    %dma_wait3A_366 = arith.constant 0 : i32
    %dma_wait3A_367 = arith.constant 0 : i32
    %dma_wait3A_368 = arith.constant 0 : i32
    %dma_wait3A_369 = arith.constant 0 : i32
    %dma_wait3A_370 = tpu.memref_slice %arg3[%dma_wait3A_366, %dma_wait3A_367, %dma_wait3A_368, %dma_wait3A_369] : memref<2x2560x2x128xi32, #tpu.memory_space<hbm>> -> memref<1x2560x2x128xi32, #tpu.memory_space<hbm>>
    %dma_wait3A_371 = tpu.memref_squeeze %dma_wait3A_370 : memref<1x2560x2x128xi32, #tpu.memory_space<hbm>> -> memref<2560x2x128xi32, #tpu.memory_space<hbm>>
    %dma_wait3A_372 = arith.constant 0 : i32
    %dma_wait3A_373 = arith.constant 0 : i32
    %dma_wait3A_374 = tpu.memref_slice %dma_wait3A_371[%add3A_365, %dma_wait3A_372, %dma_wait3A_373] : memref<2560x2x128xi32, #tpu.memory_space<hbm>> -> memref<1x2x128xi32, #tpu.memory_space<hbm>>
    %dma_wait3A_375 = tpu.memref_squeeze %dma_wait3A_374 : memref<1x2x128xi32, #tpu.memory_space<hbm>> -> memref<2x128xi32, #tpu.memory_space<hbm>>
    %dma_wait3A_376 = arith.constant 0 : i32
    %dma_wait3A_377 = arith.constant 0 : i32
    %dma_wait3A_378 = arith.constant 0 : i32
    %dma_wait3A_379 = tpu.memref_slice %arg3[%dma_wait3A_366, %dma_wait3A_376, %dma_wait3A_377, %dma_wait3A_378] : memref<2x2560x2x128xi32, #tpu.memory_space<hbm>> -> memref<1x2560x2x128xi32, #tpu.memory_space<hbm>>
    %dma_wait3A_380 = tpu.memref_squeeze %dma_wait3A_379 : memref<1x2560x2x128xi32, #tpu.memory_space<hbm>> -> memref<2560x2x128xi32, #tpu.memory_space<hbm>>
    %dma_wait3A_381 = arith.constant 0 : i32
    %dma_wait3A_382 = arith.constant 0 : i32
    %dma_wait3A_383 = tpu.memref_slice %dma_wait3A_380[%add3A_365, %dma_wait3A_381, %dma_wait3A_382] : memref<2560x2x128xi32, #tpu.memory_space<hbm>> -> memref<1x2x128xi32, #tpu.memory_space<hbm>>
    %dma_wait3A_384 = tpu.memref_squeeze %dma_wait3A_383 : memref<1x2x128xi32, #tpu.memory_space<hbm>> -> memref<2x128xi32, #tpu.memory_space<hbm>>
    tpu.wait_dma2 semaphore(%arg18 : memref<!tpu.dma_semaphore, #tpu.memory_space<semaphore_mem>>) src(%dma_wait3A_384 : memref<2x128xi32, #tpu.memory_space<hbm>>) dst(%arg7 : memref<2x128xi32, #tpu.memory_space<vmem>>)
    %dma_start3A_385 = arith.constant 0 : i32
    %dma_start3A_386 = arith.constant 0 : i32
    %dma_start3A_387 = tpu.memref_slice %arg7[%dma_start3A_385, %dma_start3A_386] : memref<2x128xi32, #tpu.memory_space<vmem>> -> memref<1x128xi32, #tpu.memory_space<vmem>>
    %dma_start3A_388 = tpu.memref_squeeze %dma_start3A_387 : memref<1x128xi32, #tpu.memory_space<vmem>> -> memref<128xi32, #tpu.memory_space<vmem>>
    %dma_start3A_389 = arith.constant 0 : i32
    %dma_start3A_390 = arith.constant 0 : i32
    %dma_start3A_391 = tpu.memref_slice %arg2[%dma_start3A_389, %dma_start3A_390] : memref<10240x16xf32, #tpu.memory_space<hbm>> -> memref<10240x16xf32, #tpu.memory_space<hbm>>
    tpu.enqueue_indirect_dma source(%dma_start3A_391 : memref<10240x16xf32, #tpu.memory_space<hbm>>) target(%arg12 : memref<128x16xf32, #tpu.memory_space<vmem>>) offsets(%dma_start3A_388 : memref<128xi32, #tpu.memory_space<vmem>>) semaphore(%arg23 : memref<!tpu.dma_semaphore, #tpu.memory_space<semaphore_mem>>)
    %dma_wait3A_392 = arith.constant 0 : i32
    %dma_wait3A_393 = arith.constant 0 : i32
    %dma_wait3A_394 = tpu.memref_slice %arg11[%dma_wait3A_392, %dma_wait3A_393] : memref<2x128xi32, #tpu.memory_space<vmem>> -> memref<1x128xi32, #tpu.memory_space<vmem>>
    %dma_wait3A_395 = tpu.memref_squeeze %dma_wait3A_394 : memref<1x128xi32, #tpu.memory_space<vmem>> -> memref<128xi32, #tpu.memory_space<vmem>>
    %dma_wait3A_396 = arith.constant 0 : i32
    %dma_wait3A_397 = arith.constant 0 : i32
    %dma_wait3A_398 = tpu.memref_slice %arg2[%dma_wait3A_396, %dma_wait3A_397] : memref<10240x16xf32, #tpu.memory_space<hbm>> -> memref<10240x16xf32, #tpu.memory_space<hbm>>
    tpu.wait_indirect_dma semaphore(%arg27 : memref<!tpu.dma_semaphore, #tpu.memory_space<semaphore_mem>>) src(%dma_wait3A_398 : memref<10240x16xf32, #tpu.memory_space<hbm>>) dst(%arg16 : memref<128x16xf32, #tpu.memory_space<vmem>>)
    %dma_start3A_399 = arith.constant 1 : i32
    %dma_start3A_400 = arith.constant 0 : i32
    %dma_start3A_401 = tpu.memref_slice %arg11[%dma_start3A_399, %dma_start3A_400] : memref<2x128xi32, #tpu.memory_space<vmem>> -> memref<1x128xi32, #tpu.memory_space<vmem>>
    %dma_start3A_402 = tpu.memref_squeeze %dma_start3A_401 : memref<1x128xi32, #tpu.memory_space<vmem>> -> memref<128xi32, #tpu.memory_space<vmem>>
    %dma_start3A_403 = arith.constant 0 : i32
    %dma_start3A_404 = arith.constant 0 : i32
    %dma_start3A_405 = tpu.memref_slice %arg17[%dma_start3A_403, %dma_start3A_404] : memref<10240x16xf32, #tpu.memory_space<vmem_shared>> -> memref<10240x16xf32, #tpu.memory_space<vmem_shared>>
    tpu.enqueue_indirect_dma source(%arg16 : memref<128x16xf32, #tpu.memory_space<vmem>>) target(%dma_start3A_405 : memref<10240x16xf32, #tpu.memory_space<vmem_shared>>) offsets(%dma_start3A_402 : memref<128xi32, #tpu.memory_space<vmem>>) semaphore(%arg32 : memref<!tpu.dma_semaphore, #tpu.memory_space<semaphore_mem>>) {add = true}
    %dma_wait3A_406 = arith.constant 1 : i32
    %dma_wait3A_407 = arith.constant 0 : i32
    %dma_wait3A_408 = tpu.memref_slice %arg9[%dma_wait3A_406, %dma_wait3A_407] : memref<2x128xi32, #tpu.memory_space<vmem>> -> memref<1x128xi32, #tpu.memory_space<vmem>>
    %dma_wait3A_409 = tpu.memref_squeeze %dma_wait3A_408 : memref<1x128xi32, #tpu.memory_space<vmem>> -> memref<128xi32, #tpu.memory_space<vmem>>
    %dma_wait3A_410 = arith.constant 0 : i32
    %dma_wait3A_411 = arith.constant 0 : i32
    %dma_wait3A_412 = tpu.memref_slice %arg17[%dma_wait3A_410, %dma_wait3A_411] : memref<10240x16xf32, #tpu.memory_space<vmem_shared>> -> memref<10240x16xf32, #tpu.memory_space<vmem_shared>>
    tpu.wait_indirect_dma semaphore(%arg30 : memref<!tpu.dma_semaphore, #tpu.memory_space<semaphore_mem>>) src(%arg14 : memref<128x16xf32, #tpu.memory_space<vmem>>) dst(%dma_wait3A_412 : memref<10240x16xf32, #tpu.memory_space<vmem_shared>>)
    %add3A_413 = arith.constant 7 : i32
    %add3A_414 = arith.addi %mul3A_4, %add3A_413 : i32
    %dma_start3A_415 = arith.constant 0 : i32
    %dma_start3A_416 = arith.constant 0 : i32
    %dma_start3A_417 = arith.constant 0 : i32
    %dma_start3A_418 = arith.constant 0 : i32
    %dma_start3A_419 = tpu.memref_slice %arg3[%dma_start3A_415, %dma_start3A_416, %dma_start3A_417, %dma_start3A_418] : memref<2x2560x2x128xi32, #tpu.memory_space<hbm>> -> memref<1x2560x2x128xi32, #tpu.memory_space<hbm>>
    %dma_start3A_420 = tpu.memref_squeeze %dma_start3A_419 : memref<1x2560x2x128xi32, #tpu.memory_space<hbm>> -> memref<2560x2x128xi32, #tpu.memory_space<hbm>>
    %dma_start3A_421 = arith.constant 0 : i32
    %dma_start3A_422 = arith.constant 0 : i32
    %dma_start3A_423 = tpu.memref_slice %dma_start3A_420[%add3A_414, %dma_start3A_421, %dma_start3A_422] : memref<2560x2x128xi32, #tpu.memory_space<hbm>> -> memref<1x2x128xi32, #tpu.memory_space<hbm>>
    %dma_start3A_424 = tpu.memref_squeeze %dma_start3A_423 : memref<1x2x128xi32, #tpu.memory_space<hbm>> -> memref<2x128xi32, #tpu.memory_space<hbm>>
    %dma_start3A_425 = arith.constant 0 : i32
    %dma_start3A_426 = arith.constant 0 : i32
    %dma_start3A_427 = arith.constant 0 : i32
    %dma_start3A_428 = tpu.memref_slice %arg3[%dma_start3A_415, %dma_start3A_425, %dma_start3A_426, %dma_start3A_427] : memref<2x2560x2x128xi32, #tpu.memory_space<hbm>> -> memref<1x2560x2x128xi32, #tpu.memory_space<hbm>>
    %dma_start3A_429 = tpu.memref_squeeze %dma_start3A_428 : memref<1x2560x2x128xi32, #tpu.memory_space<hbm>> -> memref<2560x2x128xi32, #tpu.memory_space<hbm>>
    %dma_start3A_430 = arith.constant 0 : i32
    %dma_start3A_431 = arith.constant 0 : i32
    %dma_start3A_432 = tpu.memref_slice %dma_start3A_429[%add3A_414, %dma_start3A_430, %dma_start3A_431] : memref<2560x2x128xi32, #tpu.memory_space<hbm>> -> memref<1x2x128xi32, #tpu.memory_space<hbm>>
    %dma_start3A_433 = tpu.memref_squeeze %dma_start3A_432 : memref<1x2x128xi32, #tpu.memory_space<hbm>> -> memref<2x128xi32, #tpu.memory_space<hbm>>
    tpu.enqueue_dma source(%dma_start3A_433 : memref<2x128xi32, #tpu.memory_space<hbm>>) target(%arg9 : memref<2x128xi32, #tpu.memory_space<vmem>>) target_semaphore(%arg20 : memref<!tpu.dma_semaphore, #tpu.memory_space<semaphore_mem>>)
    %add3A_434 = arith.constant 6 : i32
    %add3A_435 = arith.addi %mul3A_4, %add3A_434 : i32
    %dma_wait3A_436 = arith.constant 0 : i32
    %dma_wait3A_437 = arith.constant 0 : i32
    %dma_wait3A_438 = arith.constant 0 : i32
    %dma_wait3A_439 = arith.constant 0 : i32
    %dma_wait3A_440 = tpu.memref_slice %arg3[%dma_wait3A_436, %dma_wait3A_437, %dma_wait3A_438, %dma_wait3A_439] : memref<2x2560x2x128xi32, #tpu.memory_space<hbm>> -> memref<1x2560x2x128xi32, #tpu.memory_space<hbm>>
    %dma_wait3A_441 = tpu.memref_squeeze %dma_wait3A_440 : memref<1x2560x2x128xi32, #tpu.memory_space<hbm>> -> memref<2560x2x128xi32, #tpu.memory_space<hbm>>
    %dma_wait3A_442 = arith.constant 0 : i32
    %dma_wait3A_443 = arith.constant 0 : i32
    %dma_wait3A_444 = tpu.memref_slice %dma_wait3A_441[%add3A_435, %dma_wait3A_442, %dma_wait3A_443] : memref<2560x2x128xi32, #tpu.memory_space<hbm>> -> memref<1x2x128xi32, #tpu.memory_space<hbm>>
    %dma_wait3A_445 = tpu.memref_squeeze %dma_wait3A_444 : memref<1x2x128xi32, #tpu.memory_space<hbm>> -> memref<2x128xi32, #tpu.memory_space<hbm>>
    %dma_wait3A_446 = arith.constant 0 : i32
    %dma_wait3A_447 = arith.constant 0 : i32
    %dma_wait3A_448 = arith.constant 0 : i32
    %dma_wait3A_449 = tpu.memref_slice %arg3[%dma_wait3A_436, %dma_wait3A_446, %dma_wait3A_447, %dma_wait3A_448] : memref<2x2560x2x128xi32, #tpu.memory_space<hbm>> -> memref<1x2560x2x128xi32, #tpu.memory_space<hbm>>
    %dma_wait3A_450 = tpu.memref_squeeze %dma_wait3A_449 : memref<1x2560x2x128xi32, #tpu.memory_space<hbm>> -> memref<2560x2x128xi32, #tpu.memory_space<hbm>>
    %dma_wait3A_451 = arith.constant 0 : i32
    %dma_wait3A_452 = arith.constant 0 : i32
    %dma_wait3A_453 = tpu.memref_slice %dma_wait3A_450[%add3A_435, %dma_wait3A_451, %dma_wait3A_452] : memref<2560x2x128xi32, #tpu.memory_space<hbm>> -> memref<1x2x128xi32, #tpu.memory_space<hbm>>
    %dma_wait3A_454 = tpu.memref_squeeze %dma_wait3A_453 : memref<1x2x128xi32, #tpu.memory_space<hbm>> -> memref<2x128xi32, #tpu.memory_space<hbm>>
    tpu.wait_dma2 semaphore(%arg19 : memref<!tpu.dma_semaphore, #tpu.memory_space<semaphore_mem>>) src(%dma_wait3A_454 : memref<2x128xi32, #tpu.memory_space<hbm>>) dst(%arg8 : memref<2x128xi32, #tpu.memory_space<vmem>>)
    %dma_start3A_455 = arith.constant 0 : i32
    %dma_start3A_456 = arith.constant 0 : i32
    %dma_start3A_457 = tpu.memref_slice %arg8[%dma_start3A_455, %dma_start3A_456] : memref<2x128xi32, #tpu.memory_space<vmem>> -> memref<1x128xi32, #tpu.memory_space<vmem>>
    %dma_start3A_458 = tpu.memref_squeeze %dma_start3A_457 : memref<1x128xi32, #tpu.memory_space<vmem>> -> memref<128xi32, #tpu.memory_space<vmem>>
    %dma_start3A_459 = arith.constant 0 : i32
    %dma_start3A_460 = arith.constant 0 : i32
    %dma_start3A_461 = tpu.memref_slice %arg2[%dma_start3A_459, %dma_start3A_460] : memref<10240x16xf32, #tpu.memory_space<hbm>> -> memref<10240x16xf32, #tpu.memory_space<hbm>>
    tpu.enqueue_indirect_dma source(%dma_start3A_461 : memref<10240x16xf32, #tpu.memory_space<hbm>>) target(%arg13 : memref<128x16xf32, #tpu.memory_space<vmem>>) offsets(%dma_start3A_458 : memref<128xi32, #tpu.memory_space<vmem>>) semaphore(%arg24 : memref<!tpu.dma_semaphore, #tpu.memory_space<semaphore_mem>>)
    %scan3A_462 = arith.constant 0 : i32
    %scan3A_463 = arith.constant 0 : i32
    %scan3A_464 = arith.constant 14 : i32
    %scan3A_465 = arith.addi %scan3A_463, %scan3A_464 : i32
    %scan3A_466 = arith.constant 1 : i32
    scf.for %scan3A_721 = %scan3A_463 to %scan3A_465 step %scan3A_466  : i32 {
      %mul3A_722 = arith.constant 5 : i32
      %mul3A_723 = arith.muli %scan3A_721, %mul3A_722 : i32
      %add3A_724 = arith.constant 5 : i32
      %add3A_725 = arith.addi %add3A_724, %mul3A_723 : i32
      %add3A_726 = arith.constant 0 : i32
      %add3A_727 = arith.addi %add3A_725, %add3A_726 : i32
      %dma_wait3A_728 = arith.constant 0 : i32
      %dma_wait3A_729 = arith.constant 0 : i32
      %dma_wait3A_730 = tpu.memref_slice %arg7[%dma_wait3A_728, %dma_wait3A_729] : memref<2x128xi32, #tpu.memory_space<vmem>> -> memref<1x128xi32, #tpu.memory_space<vmem>>
      %dma_wait3A_731 = tpu.memref_squeeze %dma_wait3A_730 : memref<1x128xi32, #tpu.memory_space<vmem>> -> memref<128xi32, #tpu.memory_space<vmem>>
      %dma_wait3A_732 = arith.constant 0 : i32
      %dma_wait3A_733 = arith.constant 0 : i32
      %dma_wait3A_734 = tpu.memref_slice %arg2[%dma_wait3A_732, %dma_wait3A_733] : memref<10240x16xf32, #tpu.memory_space<hbm>> -> memref<10240x16xf32, #tpu.memory_space<hbm>>
      tpu.wait_indirect_dma semaphore(%arg23 : memref<!tpu.dma_semaphore, #tpu.memory_space<semaphore_mem>>) src(%dma_wait3A_734 : memref<10240x16xf32, #tpu.memory_space<hbm>>) dst(%arg12 : memref<128x16xf32, #tpu.memory_space<vmem>>)
      %dma_start3A_735 = arith.constant 1 : i32
      %dma_start3A_736 = arith.constant 0 : i32
      %dma_start3A_737 = tpu.memref_slice %arg7[%dma_start3A_735, %dma_start3A_736] : memref<2x128xi32, #tpu.memory_space<vmem>> -> memref<1x128xi32, #tpu.memory_space<vmem>>
      %dma_start3A_738 = tpu.memref_squeeze %dma_start3A_737 : memref<1x128xi32, #tpu.memory_space<vmem>> -> memref<128xi32, #tpu.memory_space<vmem>>
      %dma_start3A_739 = arith.constant 0 : i32
      %dma_start3A_740 = arith.constant 0 : i32
      %dma_start3A_741 = tpu.memref_slice %arg17[%dma_start3A_739, %dma_start3A_740] : memref<10240x16xf32, #tpu.memory_space<vmem_shared>> -> memref<10240x16xf32, #tpu.memory_space<vmem_shared>>
      tpu.enqueue_indirect_dma source(%arg12 : memref<128x16xf32, #tpu.memory_space<vmem>>) target(%dma_start3A_741 : memref<10240x16xf32, #tpu.memory_space<vmem_shared>>) offsets(%dma_start3A_738 : memref<128xi32, #tpu.memory_space<vmem>>) semaphore(%arg28 : memref<!tpu.dma_semaphore, #tpu.memory_space<semaphore_mem>>) {add = true}
      %dma_wait3A_742 = arith.constant 1 : i32
      %dma_wait3A_743 = arith.constant 0 : i32
      %dma_wait3A_744 = tpu.memref_slice %arg10[%dma_wait3A_742, %dma_wait3A_743] : memref<2x128xi32, #tpu.memory_space<vmem>> -> memref<1x128xi32, #tpu.memory_space<vmem>>
      %dma_wait3A_745 = tpu.memref_squeeze %dma_wait3A_744 : memref<1x128xi32, #tpu.memory_space<vmem>> -> memref<128xi32, #tpu.memory_space<vmem>>
      %dma_wait3A_746 = arith.constant 0 : i32
      %dma_wait3A_747 = arith.constant 0 : i32
      %dma_wait3A_748 = tpu.memref_slice %arg17[%dma_wait3A_746, %dma_wait3A_747] : memref<10240x16xf32, #tpu.memory_space<vmem_shared>> -> memref<10240x16xf32, #tpu.memory_space<vmem_shared>>
      tpu.wait_indirect_dma semaphore(%arg31 : memref<!tpu.dma_semaphore, #tpu.memory_space<semaphore_mem>>) src(%arg15 : memref<128x16xf32, #tpu.memory_space<vmem>>) dst(%dma_wait3A_748 : memref<10240x16xf32, #tpu.memory_space<vmem_shared>>)
      %add3A_749 = arith.constant 3 : i32
      %add3A_750 = arith.addi %add3A_727, %add3A_749 : i32
      %add3A_751 = arith.addi %mul3A_4, %add3A_750 : i32
      %dma_start3A_752 = arith.constant 0 : i32
      %dma_start3A_753 = arith.constant 0 : i32
      %dma_start3A_754 = arith.constant 0 : i32
      %dma_start3A_755 = tpu.memref_slice %arg3[%scan3A_462, %dma_start3A_752, %dma_start3A_753, %dma_start3A_754] : memref<2x2560x2x128xi32, #tpu.memory_space<hbm>> -> memref<1x2560x2x128xi32, #tpu.memory_space<hbm>>
      %dma_start3A_756 = tpu.memref_squeeze %dma_start3A_755 : memref<1x2560x2x128xi32, #tpu.memory_space<hbm>> -> memref<2560x2x128xi32, #tpu.memory_space<hbm>>
      %dma_start3A_757 = arith.constant 0 : i32
      %dma_start3A_758 = arith.constant 0 : i32
      %dma_start3A_759 = tpu.memref_slice %dma_start3A_756[%add3A_751, %dma_start3A_757, %dma_start3A_758] : memref<2560x2x128xi32, #tpu.memory_space<hbm>> -> memref<1x2x128xi32, #tpu.memory_space<hbm>>
      %dma_start3A_760 = tpu.memref_squeeze %dma_start3A_759 : memref<1x2x128xi32, #tpu.memory_space<hbm>> -> memref<2x128xi32, #tpu.memory_space<hbm>>
      %dma_start3A_761 = arith.constant 0 : i32
      %dma_start3A_762 = arith.constant 0 : i32
      %dma_start3A_763 = arith.constant 0 : i32
      %dma_start3A_764 = tpu.memref_slice %arg3[%scan3A_462, %dma_start3A_761, %dma_start3A_762, %dma_start3A_763] : memref<2x2560x2x128xi32, #tpu.memory_space<hbm>> -> memref<1x2560x2x128xi32, #tpu.memory_space<hbm>>
      %dma_start3A_765 = tpu.memref_squeeze %dma_start3A_764 : memref<1x2560x2x128xi32, #tpu.memory_space<hbm>> -> memref<2560x2x128xi32, #tpu.memory_space<hbm>>
      %dma_start3A_766 = arith.constant 0 : i32
      %dma_start3A_767 = arith.constant 0 : i32
      %dma_start3A_768 = tpu.memref_slice %dma_start3A_765[%add3A_751, %dma_start3A_766, %dma_start3A_767] : memref<2560x2x128xi32, #tpu.memory_space<hbm>> -> memref<1x2x128xi32, #tpu.memory_space<hbm>>
      %dma_start3A_769 = tpu.memref_squeeze %dma_start3A_768 : memref<1x2x128xi32, #tpu.memory_space<hbm>> -> memref<2x128xi32, #tpu.memory_space<hbm>>
      tpu.enqueue_dma source(%dma_start3A_769 : memref<2x128xi32, #tpu.memory_space<hbm>>) target(%arg10 : memref<2x128xi32, #tpu.memory_space<vmem>>) target_semaphore(%arg21 : memref<!tpu.dma_semaphore, #tpu.memory_space<semaphore_mem>>)
      %add3A_770 = arith.constant 2 : i32
      %add3A_771 = arith.addi %add3A_727, %add3A_770 : i32
      %add3A_772 = arith.addi %mul3A_4, %add3A_771 : i32
      %dma_wait3A_773 = arith.constant 0 : i32
      %dma_wait3A_774 = arith.constant 0 : i32
      %dma_wait3A_775 = arith.constant 0 : i32
      %dma_wait3A_776 = tpu.memref_slice %arg3[%scan3A_462, %dma_wait3A_773, %dma_wait3A_774, %dma_wait3A_775] : memref<2x2560x2x128xi32, #tpu.memory_space<hbm>> -> memref<1x2560x2x128xi32, #tpu.memory_space<hbm>>
      %dma_wait3A_777 = tpu.memref_squeeze %dma_wait3A_776 : memref<1x2560x2x128xi32, #tpu.memory_space<hbm>> -> memref<2560x2x128xi32, #tpu.memory_space<hbm>>
      %dma_wait3A_778 = arith.constant 0 : i32
      %dma_wait3A_779 = arith.constant 0 : i32
      %dma_wait3A_780 = tpu.memref_slice %dma_wait3A_777[%add3A_772, %dma_wait3A_778, %dma_wait3A_779] : memref<2560x2x128xi32, #tpu.memory_space<hbm>> -> memref<1x2x128xi32, #tpu.memory_space<hbm>>
      %dma_wait3A_781 = tpu.memref_squeeze %dma_wait3A_780 : memref<1x2x128xi32, #tpu.memory_space<hbm>> -> memref<2x128xi32, #tpu.memory_space<hbm>>
      %dma_wait3A_782 = arith.constant 0 : i32
      %dma_wait3A_783 = arith.constant 0 : i32
      %dma_wait3A_784 = arith.constant 0 : i32
      %dma_wait3A_785 = tpu.memref_slice %arg3[%scan3A_462, %dma_wait3A_782, %dma_wait3A_783, %dma_wait3A_784] : memref<2x2560x2x128xi32, #tpu.memory_space<hbm>> -> memref<1x2560x2x128xi32, #tpu.memory_space<hbm>>
      %dma_wait3A_786 = tpu.memref_squeeze %dma_wait3A_785 : memref<1x2560x2x128xi32, #tpu.memory_space<hbm>> -> memref<2560x2x128xi32, #tpu.memory_space<hbm>>
      %dma_wait3A_787 = arith.constant 0 : i32
      %dma_wait3A_788 = arith.constant 0 : i32
      %dma_wait3A_789 = tpu.memref_slice %dma_wait3A_786[%add3A_772, %dma_wait3A_787, %dma_wait3A_788] : memref<2560x2x128xi32, #tpu.memory_space<hbm>> -> memref<1x2x128xi32, #tpu.memory_space<hbm>>
      %dma_wait3A_790 = tpu.memref_squeeze %dma_wait3A_789 : memref<1x2x128xi32, #tpu.memory_space<hbm>> -> memref<2x128xi32, #tpu.memory_space<hbm>>
      tpu.wait_dma2 semaphore(%arg20 : memref<!tpu.dma_semaphore, #tpu.memory_space<semaphore_mem>>) src(%dma_wait3A_790 : memref<2x128xi32, #tpu.memory_space<hbm>>) dst(%arg9 : memref<2x128xi32, #tpu.memory_space<vmem>>)
      %dma_start3A_791 = arith.constant 0 : i32
      %dma_start3A_792 = arith.constant 0 : i32
      %dma_start3A_793 = tpu.memref_slice %arg9[%dma_start3A_791, %dma_start3A_792] : memref<2x128xi32, #tpu.memory_space<vmem>> -> memref<1x128xi32, #tpu.memory_space<vmem>>
      %dma_start3A_794 = tpu.memref_squeeze %dma_start3A_793 : memref<1x128xi32, #tpu.memory_space<vmem>> -> memref<128xi32, #tpu.memory_space<vmem>>
      %dma_start3A_795 = arith.constant 0 : i32
      %dma_start3A_796 = arith.constant 0 : i32
      %dma_start3A_797 = tpu.memref_slice %arg2[%dma_start3A_795, %dma_start3A_796] : memref<10240x16xf32, #tpu.memory_space<hbm>> -> memref<10240x16xf32, #tpu.memory_space<hbm>>
      tpu.enqueue_indirect_dma source(%dma_start3A_797 : memref<10240x16xf32, #tpu.memory_space<hbm>>) target(%arg14 : memref<128x16xf32, #tpu.memory_space<vmem>>) offsets(%dma_start3A_794 : memref<128xi32, #tpu.memory_space<vmem>>) semaphore(%arg25 : memref<!tpu.dma_semaphore, #tpu.memory_space<semaphore_mem>>)
      %add3A_798 = arith.constant 1 : i32
      %add3A_799 = arith.addi %add3A_725, %add3A_798 : i32
      %dma_wait3A_800 = arith.constant 0 : i32
      %dma_wait3A_801 = arith.constant 0 : i32
      %dma_wait3A_802 = tpu.memref_slice %arg8[%dma_wait3A_800, %dma_wait3A_801] : memref<2x128xi32, #tpu.memory_space<vmem>> -> memref<1x128xi32, #tpu.memory_space<vmem>>
      %dma_wait3A_803 = tpu.memref_squeeze %dma_wait3A_802 : memref<1x128xi32, #tpu.memory_space<vmem>> -> memref<128xi32, #tpu.memory_space<vmem>>
      %dma_wait3A_804 = arith.constant 0 : i32
      %dma_wait3A_805 = arith.constant 0 : i32
      %dma_wait3A_806 = tpu.memref_slice %arg2[%dma_wait3A_804, %dma_wait3A_805] : memref<10240x16xf32, #tpu.memory_space<hbm>> -> memref<10240x16xf32, #tpu.memory_space<hbm>>
      tpu.wait_indirect_dma semaphore(%arg24 : memref<!tpu.dma_semaphore, #tpu.memory_space<semaphore_mem>>) src(%dma_wait3A_806 : memref<10240x16xf32, #tpu.memory_space<hbm>>) dst(%arg13 : memref<128x16xf32, #tpu.memory_space<vmem>>)
      %dma_start3A_807 = arith.constant 1 : i32
      %dma_start3A_808 = arith.constant 0 : i32
      %dma_start3A_809 = tpu.memref_slice %arg8[%dma_start3A_807, %dma_start3A_808] : memref<2x128xi32, #tpu.memory_space<vmem>> -> memref<1x128xi32, #tpu.memory_space<vmem>>
      %dma_start3A_810 = tpu.memref_squeeze %dma_start3A_809 : memref<1x128xi32, #tpu.memory_space<vmem>> -> memref<128xi32, #tpu.memory_space<vmem>>
      %dma_start3A_811 = arith.constant 0 : i32
      %dma_start3A_812 = arith.constant 0 : i32
      %dma_start3A_813 = tpu.memref_slice %arg17[%dma_start3A_811, %dma_start3A_812] : memref<10240x16xf32, #tpu.memory_space<vmem_shared>> -> memref<10240x16xf32, #tpu.memory_space<vmem_shared>>
      tpu.enqueue_indirect_dma source(%arg13 : memref<128x16xf32, #tpu.memory_space<vmem>>) target(%dma_start3A_813 : memref<10240x16xf32, #tpu.memory_space<vmem_shared>>) offsets(%dma_start3A_810 : memref<128xi32, #tpu.memory_space<vmem>>) semaphore(%arg29 : memref<!tpu.dma_semaphore, #tpu.memory_space<semaphore_mem>>) {add = true}
      %dma_wait3A_814 = arith.constant 1 : i32
      %dma_wait3A_815 = arith.constant 0 : i32
      %dma_wait3A_816 = tpu.memref_slice %arg11[%dma_wait3A_814, %dma_wait3A_815] : memref<2x128xi32, #tpu.memory_space<vmem>> -> memref<1x128xi32, #tpu.memory_space<vmem>>
      %dma_wait3A_817 = tpu.memref_squeeze %dma_wait3A_816 : memref<1x128xi32, #tpu.memory_space<vmem>> -> memref<128xi32, #tpu.memory_space<vmem>>
      %dma_wait3A_818 = arith.constant 0 : i32
      %dma_wait3A_819 = arith.constant 0 : i32
      %dma_wait3A_820 = tpu.memref_slice %arg17[%dma_wait3A_818, %dma_wait3A_819] : memref<10240x16xf32, #tpu.memory_space<vmem_shared>> -> memref<10240x16xf32, #tpu.memory_space<vmem_shared>>
      tpu.wait_indirect_dma semaphore(%arg32 : memref<!tpu.dma_semaphore, #tpu.memory_space<semaphore_mem>>) src(%arg16 : memref<128x16xf32, #tpu.memory_space<vmem>>) dst(%dma_wait3A_820 : memref<10240x16xf32, #tpu.memory_space<vmem_shared>>)
      %add3A_821 = arith.constant 3 : i32
      %add3A_822 = arith.addi %add3A_799, %add3A_821 : i32
      %add3A_823 = arith.addi %mul3A_4, %add3A_822 : i32
      %dma_start3A_824 = arith.constant 0 : i32
      %dma_start3A_825 = arith.constant 0 : i32
      %dma_start3A_826 = arith.constant 0 : i32
      %dma_start3A_827 = tpu.memref_slice %arg3[%scan3A_462, %dma_start3A_824, %dma_start3A_825, %dma_start3A_826] : memref<2x2560x2x128xi32, #tpu.memory_space<hbm>> -> memref<1x2560x2x128xi32, #tpu.memory_space<hbm>>
      %dma_start3A_828 = tpu.memref_squeeze %dma_start3A_827 : memref<1x2560x2x128xi32, #tpu.memory_space<hbm>> -> memref<2560x2x128xi32, #tpu.memory_space<hbm>>
      %dma_start3A_829 = arith.constant 0 : i32
      %dma_start3A_830 = arith.constant 0 : i32
      %dma_start3A_831 = tpu.memref_slice %dma_start3A_828[%add3A_823, %dma_start3A_829, %dma_start3A_830] : memref<2560x2x128xi32, #tpu.memory_space<hbm>> -> memref<1x2x128xi32, #tpu.memory_space<hbm>>
      %dma_start3A_832 = tpu.memref_squeeze %dma_start3A_831 : memref<1x2x128xi32, #tpu.memory_space<hbm>> -> memref<2x128xi32, #tpu.memory_space<hbm>>
      %dma_start3A_833 = arith.constant 0 : i32
      %dma_start3A_834 = arith.constant 0 : i32
      %dma_start3A_835 = arith.constant 0 : i32
      %dma_start3A_836 = tpu.memref_slice %arg3[%scan3A_462, %dma_start3A_833, %dma_start3A_834, %dma_start3A_835] : memref<2x2560x2x128xi32, #tpu.memory_space<hbm>> -> memref<1x2560x2x128xi32, #tpu.memory_space<hbm>>
      %dma_start3A_837 = tpu.memref_squeeze %dma_start3A_836 : memref<1x2560x2x128xi32, #tpu.memory_space<hbm>> -> memref<2560x2x128xi32, #tpu.memory_space<hbm>>
      %dma_start3A_838 = arith.constant 0 : i32
      %dma_start3A_839 = arith.constant 0 : i32
      %dma_start3A_840 = tpu.memref_slice %dma_start3A_837[%add3A_823, %dma_start3A_838, %dma_start3A_839] : memref<2560x2x128xi32, #tpu.memory_space<hbm>> -> memref<1x2x128xi32, #tpu.memory_space<hbm>>
      %dma_start3A_841 = tpu.memref_squeeze %dma_start3A_840 : memref<1x2x128xi32, #tpu.memory_space<hbm>> -> memref<2x128xi32, #tpu.memory_space<hbm>>
      tpu.enqueue_dma source(%dma_start3A_841 : memref<2x128xi32, #tpu.memory_space<hbm>>) target(%arg11 : memref<2x128xi32, #tpu.memory_space<vmem>>) target_semaphore(%arg22 : memref<!tpu.dma_semaphore, #tpu.memory_space<semaphore_mem>>)
      %add3A_842 = arith.constant 2 : i32
      %add3A_843 = arith.addi %add3A_799, %add3A_842 : i32
      %add3A_844 = arith.addi %mul3A_4, %add3A_843 : i32
      %dma_wait3A_845 = arith.constant 0 : i32
      %dma_wait3A_846 = arith.constant 0 : i32
      %dma_wait3A_847 = arith.constant 0 : i32
      %dma_wait3A_848 = tpu.memref_slice %arg3[%scan3A_462, %dma_wait3A_845, %dma_wait3A_846, %dma_wait3A_847] : memref<2x2560x2x128xi32, #tpu.memory_space<hbm>> -> memref<1x2560x2x128xi32, #tpu.memory_space<hbm>>
      %dma_wait3A_849 = tpu.memref_squeeze %dma_wait3A_848 : memref<1x2560x2x128xi32, #tpu.memory_space<hbm>> -> memref<2560x2x128xi32, #tpu.memory_space<hbm>>
      %dma_wait3A_850 = arith.constant 0 : i32
      %dma_wait3A_851 = arith.constant 0 : i32
      %dma_wait3A_852 = tpu.memref_slice %dma_wait3A_849[%add3A_844, %dma_wait3A_850, %dma_wait3A_851] : memref<2560x2x128xi32, #tpu.memory_space<hbm>> -> memref<1x2x128xi32, #tpu.memory_space<hbm>>
      %dma_wait3A_853 = tpu.memref_squeeze %dma_wait3A_852 : memref<1x2x128xi32, #tpu.memory_space<hbm>> -> memref<2x128xi32, #tpu.memory_space<hbm>>
      %dma_wait3A_854 = arith.constant 0 : i32
      %dma_wait3A_855 = arith.constant 0 : i32
      %dma_wait3A_856 = arith.constant 0 : i32
      %dma_wait3A_857 = tpu.memref_slice %arg3[%scan3A_462, %dma_wait3A_854, %dma_wait3A_855, %dma_wait3A_856] : memref<2x2560x2x128xi32, #tpu.memory_space<hbm>> -> memref<1x2560x2x128xi32, #tpu.memory_space<hbm>>
      %dma_wait3A_858 = tpu.memref_squeeze %dma_wait3A_857 : memref<1x2560x2x128xi32, #tpu.memory_space<hbm>> -> memref<2560x2x128xi32, #tpu.memory_space<hbm>>
      %dma_wait3A_859 = arith.constant 0 : i32
      %dma_wait3A_860 = arith.constant 0 : i32
      %dma_wait3A_861 = tpu.memref_slice %dma_wait3A_858[%add3A_844, %dma_wait3A_859, %dma_wait3A_860] : memref<2560x2x128xi32, #tpu.memory_space<hbm>> -> memref<1x2x128xi32, #tpu.memory_space<hbm>>
      %dma_wait3A_862 = tpu.memref_squeeze %dma_wait3A_861 : memref<1x2x128xi32, #tpu.memory_space<hbm>> -> memref<2x128xi32, #tpu.memory_space<hbm>>
      tpu.wait_dma2 semaphore(%arg21 : memref<!tpu.dma_semaphore, #tpu.memory_space<semaphore_mem>>) src(%dma_wait3A_862 : memref<2x128xi32, #tpu.memory_space<hbm>>) dst(%arg10 : memref<2x128xi32, #tpu.memory_space<vmem>>)
      %dma_start3A_863 = arith.constant 0 : i32
      %dma_start3A_864 = arith.constant 0 : i32
      %dma_start3A_865 = tpu.memref_slice %arg10[%dma_start3A_863, %dma_start3A_864] : memref<2x128xi32, #tpu.memory_space<vmem>> -> memref<1x128xi32, #tpu.memory_space<vmem>>
      %dma_start3A_866 = tpu.memref_squeeze %dma_start3A_865 : memref<1x128xi32, #tpu.memory_space<vmem>> -> memref<128xi32, #tpu.memory_space<vmem>>
      %dma_start3A_867 = arith.constant 0 : i32
      %dma_start3A_868 = arith.constant 0 : i32
      %dma_start3A_869 = tpu.memref_slice %arg2[%dma_start3A_867, %dma_start3A_868] : memref<10240x16xf32, #tpu.memory_space<hbm>> -> memref<10240x16xf32, #tpu.memory_space<hbm>>
      tpu.enqueue_indirect_dma source(%dma_start3A_869 : memref<10240x16xf32, #tpu.memory_space<hbm>>) target(%arg15 : memref<128x16xf32, #tpu.memory_space<vmem>>) offsets(%dma_start3A_866 : memref<128xi32, #tpu.memory_space<vmem>>) semaphore(%arg26 : memref<!tpu.dma_semaphore, #tpu.memory_space<semaphore_mem>>)
      %add3A_870 = arith.constant 2 : i32
      %add3A_871 = arith.addi %add3A_725, %add3A_870 : i32
      %dma_wait3A_872 = arith.constant 0 : i32
      %dma_wait3A_873 = arith.constant 0 : i32
      %dma_wait3A_874 = tpu.memref_slice %arg9[%dma_wait3A_872, %dma_wait3A_873] : memref<2x128xi32, #tpu.memory_space<vmem>> -> memref<1x128xi32, #tpu.memory_space<vmem>>
      %dma_wait3A_875 = tpu.memref_squeeze %dma_wait3A_874 : memref<1x128xi32, #tpu.memory_space<vmem>> -> memref<128xi32, #tpu.memory_space<vmem>>
      %dma_wait3A_876 = arith.constant 0 : i32
      %dma_wait3A_877 = arith.constant 0 : i32
      %dma_wait3A_878 = tpu.memref_slice %arg2[%dma_wait3A_876, %dma_wait3A_877] : memref<10240x16xf32, #tpu.memory_space<hbm>> -> memref<10240x16xf32, #tpu.memory_space<hbm>>
      tpu.wait_indirect_dma semaphore(%arg25 : memref<!tpu.dma_semaphore, #tpu.memory_space<semaphore_mem>>) src(%dma_wait3A_878 : memref<10240x16xf32, #tpu.memory_space<hbm>>) dst(%arg14 : memref<128x16xf32, #tpu.memory_space<vmem>>)
      %dma_start3A_879 = arith.constant 1 : i32
      %dma_start3A_880 = arith.constant 0 : i32
      %dma_start3A_881 = tpu.memref_slice %arg9[%dma_start3A_879, %dma_start3A_880] : memref<2x128xi32, #tpu.memory_space<vmem>> -> memref<1x128xi32, #tpu.memory_space<vmem>>
      %dma_start3A_882 = tpu.memref_squeeze %dma_start3A_881 : memref<1x128xi32, #tpu.memory_space<vmem>> -> memref<128xi32, #tpu.memory_space<vmem>>
      %dma_start3A_883 = arith.constant 0 : i32
      %dma_start3A_884 = arith.constant 0 : i32
      %dma_start3A_885 = tpu.memref_slice %arg17[%dma_start3A_883, %dma_start3A_884] : memref<10240x16xf32, #tpu.memory_space<vmem_shared>> -> memref<10240x16xf32, #tpu.memory_space<vmem_shared>>
      tpu.enqueue_indirect_dma source(%arg14 : memref<128x16xf32, #tpu.memory_space<vmem>>) target(%dma_start3A_885 : memref<10240x16xf32, #tpu.memory_space<vmem_shared>>) offsets(%dma_start3A_882 : memref<128xi32, #tpu.memory_space<vmem>>) semaphore(%arg30 : memref<!tpu.dma_semaphore, #tpu.memory_space<semaphore_mem>>) {add = true}
      %dma_wait3A_886 = arith.constant 1 : i32
      %dma_wait3A_887 = arith.constant 0 : i32
      %dma_wait3A_888 = tpu.memref_slice %arg7[%dma_wait3A_886, %dma_wait3A_887] : memref<2x128xi32, #tpu.memory_space<vmem>> -> memref<1x128xi32, #tpu.memory_space<vmem>>
      %dma_wait3A_889 = tpu.memref_squeeze %dma_wait3A_888 : memref<1x128xi32, #tpu.memory_space<vmem>> -> memref<128xi32, #tpu.memory_space<vmem>>
      %dma_wait3A_890 = arith.constant 0 : i32
      %dma_wait3A_891 = arith.constant 0 : i32
      %dma_wait3A_892 = tpu.memref_slice %arg17[%dma_wait3A_890, %dma_wait3A_891] : memref<10240x16xf32, #tpu.memory_space<vmem_shared>> -> memref<10240x16xf32, #tpu.memory_space<vmem_shared>>
      tpu.wait_indirect_dma semaphore(%arg28 : memref<!tpu.dma_semaphore, #tpu.memory_space<semaphore_mem>>) src(%arg12 : memref<128x16xf32, #tpu.memory_space<vmem>>) dst(%dma_wait3A_892 : memref<10240x16xf32, #tpu.memory_space<vmem_shared>>)
      %add3A_893 = arith.constant 3 : i32
      %add3A_894 = arith.addi %add3A_871, %add3A_893 : i32
      %add3A_895 = arith.addi %mul3A_4, %add3A_894 : i32
      %dma_start3A_896 = arith.constant 0 : i32
      %dma_start3A_897 = arith.constant 0 : i32
      %dma_start3A_898 = arith.constant 0 : i32
      %dma_start3A_899 = tpu.memref_slice %arg3[%scan3A_462, %dma_start3A_896, %dma_start3A_897, %dma_start3A_898] : memref<2x2560x2x128xi32, #tpu.memory_space<hbm>> -> memref<1x2560x2x128xi32, #tpu.memory_space<hbm>>
      %dma_start3A_900 = tpu.memref_squeeze %dma_start3A_899 : memref<1x2560x2x128xi32, #tpu.memory_space<hbm>> -> memref<2560x2x128xi32, #tpu.memory_space<hbm>>
      %dma_start3A_901 = arith.constant 0 : i32
      %dma_start3A_902 = arith.constant 0 : i32
      %dma_start3A_903 = tpu.memref_slice %dma_start3A_900[%add3A_895, %dma_start3A_901, %dma_start3A_902] : memref<2560x2x128xi32, #tpu.memory_space<hbm>> -> memref<1x2x128xi32, #tpu.memory_space<hbm>>
      %dma_start3A_904 = tpu.memref_squeeze %dma_start3A_903 : memref<1x2x128xi32, #tpu.memory_space<hbm>> -> memref<2x128xi32, #tpu.memory_space<hbm>>
      %dma_start3A_905 = arith.constant 0 : i32
      %dma_start3A_906 = arith.constant 0 : i32
      %dma_start3A_907 = arith.constant 0 : i32
      %dma_start3A_908 = tpu.memref_slice %arg3[%scan3A_462, %dma_start3A_905, %dma_start3A_906, %dma_start3A_907] : memref<2x2560x2x128xi32, #tpu.memory_space<hbm>> -> memref<1x2560x2x128xi32, #tpu.memory_space<hbm>>
      %dma_start3A_909 = tpu.memref_squeeze %dma_start3A_908 : memref<1x2560x2x128xi32, #tpu.memory_space<hbm>> -> memref<2560x2x128xi32, #tpu.memory_space<hbm>>
      %dma_start3A_910 = arith.constant 0 : i32
      %dma_start3A_911 = arith.constant 0 : i32
      %dma_start3A_912 = tpu.memref_slice %dma_start3A_909[%add3A_895, %dma_start3A_910, %dma_start3A_911] : memref<2560x2x128xi32, #tpu.memory_space<hbm>> -> memref<1x2x128xi32, #tpu.memory_space<hbm>>
      %dma_start3A_913 = tpu.memref_squeeze %dma_start3A_912 : memref<1x2x128xi32, #tpu.memory_space<hbm>> -> memref<2x128xi32, #tpu.memory_space<hbm>>
      tpu.enqueue_dma source(%dma_start3A_913 : memref<2x128xi32, #tpu.memory_space<hbm>>) target(%arg7 : memref<2x128xi32, #tpu.memory_space<vmem>>) target_semaphore(%arg18 : memref<!tpu.dma_semaphore, #tpu.memory_space<semaphore_mem>>)
      %add3A_914 = arith.constant 2 : i32
      %add3A_915 = arith.addi %add3A_871, %add3A_914 : i32
      %add3A_916 = arith.addi %mul3A_4, %add3A_915 : i32
      %dma_wait3A_917 = arith.constant 0 : i32
      %dma_wait3A_918 = arith.constant 0 : i32
      %dma_wait3A_919 = arith.constant 0 : i32
      %dma_wait3A_920 = tpu.memref_slice %arg3[%scan3A_462, %dma_wait3A_917, %dma_wait3A_918, %dma_wait3A_919] : memref<2x2560x2x128xi32, #tpu.memory_space<hbm>> -> memref<1x2560x2x128xi32, #tpu.memory_space<hbm>>
      %dma_wait3A_921 = tpu.memref_squeeze %dma_wait3A_920 : memref<1x2560x2x128xi32, #tpu.memory_space<hbm>> -> memref<2560x2x128xi32, #tpu.memory_space<hbm>>
      %dma_wait3A_922 = arith.constant 0 : i32
      %dma_wait3A_923 = arith.constant 0 : i32
      %dma_wait3A_924 = tpu.memref_slice %dma_wait3A_921[%add3A_916, %dma_wait3A_922, %dma_wait3A_923] : memref<2560x2x128xi32, #tpu.memory_space<hbm>> -> memref<1x2x128xi32, #tpu.memory_space<hbm>>
      %dma_wait3A_925 = tpu.memref_squeeze %dma_wait3A_924 : memref<1x2x128xi32, #tpu.memory_space<hbm>> -> memref<2x128xi32, #tpu.memory_space<hbm>>
      %dma_wait3A_926 = arith.constant 0 : i32
      %dma_wait3A_927 = arith.constant 0 : i32
      %dma_wait3A_928 = arith.constant 0 : i32
      %dma_wait3A_929 = tpu.memref_slice %arg3[%scan3A_462, %dma_wait3A_926, %dma_wait3A_927, %dma_wait3A_928] : memref<2x2560x2x128xi32, #tpu.memory_space<hbm>> -> memref<1x2560x2x128xi32, #tpu.memory_space<hbm>>
      %dma_wait3A_930 = tpu.memref_squeeze %dma_wait3A_929 : memref<1x2560x2x128xi32, #tpu.memory_space<hbm>> -> memref<2560x2x128xi32, #tpu.memory_space<hbm>>
      %dma_wait3A_931 = arith.constant 0 : i32
      %dma_wait3A_932 = arith.constant 0 : i32
      %dma_wait3A_933 = tpu.memref_slice %dma_wait3A_930[%add3A_916, %dma_wait3A_931, %dma_wait3A_932] : memref<2560x2x128xi32, #tpu.memory_space<hbm>> -> memref<1x2x128xi32, #tpu.memory_space<hbm>>
      %dma_wait3A_934 = tpu.memref_squeeze %dma_wait3A_933 : memref<1x2x128xi32, #tpu.memory_space<hbm>> -> memref<2x128xi32, #tpu.memory_space<hbm>>
      tpu.wait_dma2 semaphore(%arg22 : memref<!tpu.dma_semaphore, #tpu.memory_space<semaphore_mem>>) src(%dma_wait3A_934 : memref<2x128xi32, #tpu.memory_space<hbm>>) dst(%arg11 : memref<2x128xi32, #tpu.memory_space<vmem>>)
      %dma_start3A_935 = arith.constant 0 : i32
      %dma_start3A_936 = arith.constant 0 : i32
      %dma_start3A_937 = tpu.memref_slice %arg11[%dma_start3A_935, %dma_start3A_936] : memref<2x128xi32, #tpu.memory_space<vmem>> -> memref<1x128xi32, #tpu.memory_space<vmem>>
      %dma_start3A_938 = tpu.memref_squeeze %dma_start3A_937 : memref<1x128xi32, #tpu.memory_space<vmem>> -> memref<128xi32, #tpu.memory_space<vmem>>
      %dma_start3A_939 = arith.constant 0 : i32
      %dma_start3A_940 = arith.constant 0 : i32
      %dma_start3A_941 = tpu.memref_slice %arg2[%dma_start3A_939, %dma_start3A_940] : memref<10240x16xf32, #tpu.memory_space<hbm>> -> memref<10240x16xf32, #tpu.memory_space<hbm>>
      tpu.enqueue_indirect_dma source(%dma_start3A_941 : memref<10240x16xf32, #tpu.memory_space<hbm>>) target(%arg16 : memref<128x16xf32, #tpu.memory_space<vmem>>) offsets(%dma_start3A_938 : memref<128xi32, #tpu.memory_space<vmem>>) semaphore(%arg27 : memref<!tpu.dma_semaphore, #tpu.memory_space<semaphore_mem>>)
      %add3A_942 = arith.constant 3 : i32
      %add3A_943 = arith.addi %add3A_725, %add3A_942 : i32
      %dma_wait3A_944 = arith.constant 0 : i32
      %dma_wait3A_945 = arith.constant 0 : i32
      %dma_wait3A_946 = tpu.memref_slice %arg10[%dma_wait3A_944, %dma_wait3A_945] : memref<2x128xi32, #tpu.memory_space<vmem>> -> memref<1x128xi32, #tpu.memory_space<vmem>>
      %dma_wait3A_947 = tpu.memref_squeeze %dma_wait3A_946 : memref<1x128xi32, #tpu.memory_space<vmem>> -> memref<128xi32, #tpu.memory_space<vmem>>
      %dma_wait3A_948 = arith.constant 0 : i32
      %dma_wait3A_949 = arith.constant 0 : i32
      %dma_wait3A_950 = tpu.memref_slice %arg2[%dma_wait3A_948, %dma_wait3A_949] : memref<10240x16xf32, #tpu.memory_space<hbm>> -> memref<10240x16xf32, #tpu.memory_space<hbm>>
      tpu.wait_indirect_dma semaphore(%arg26 : memref<!tpu.dma_semaphore, #tpu.memory_space<semaphore_mem>>) src(%dma_wait3A_950 : memref<10240x16xf32, #tpu.memory_space<hbm>>) dst(%arg15 : memref<128x16xf32, #tpu.memory_space<vmem>>)
      %dma_start3A_951 = arith.constant 1 : i32
      %dma_start3A_952 = arith.constant 0 : i32
      %dma_start3A_953 = tpu.memref_slice %arg10[%dma_start3A_951, %dma_start3A_952] : memref<2x128xi32, #tpu.memory_space<vmem>> -> memref<1x128xi32, #tpu.memory_space<vmem>>
      %dma_start3A_954 = tpu.memref_squeeze %dma_start3A_953 : memref<1x128xi32, #tpu.memory_space<vmem>> -> memref<128xi32, #tpu.memory_space<vmem>>
      %dma_start3A_955 = arith.constant 0 : i32
      %dma_start3A_956 = arith.constant 0 : i32
      %dma_start3A_957 = tpu.memref_slice %arg17[%dma_start3A_955, %dma_start3A_956] : memref<10240x16xf32, #tpu.memory_space<vmem_shared>> -> memref<10240x16xf32, #tpu.memory_space<vmem_shared>>
      tpu.enqueue_indirect_dma source(%arg15 : memref<128x16xf32, #tpu.memory_space<vmem>>) target(%dma_start3A_957 : memref<10240x16xf32, #tpu.memory_space<vmem_shared>>) offsets(%dma_start3A_954 : memref<128xi32, #tpu.memory_space<vmem>>) semaphore(%arg31 : memref<!tpu.dma_semaphore, #tpu.memory_space<semaphore_mem>>) {add = true}
      %dma_wait3A_958 = arith.constant 1 : i32
      %dma_wait3A_959 = arith.constant 0 : i32
      %dma_wait3A_960 = tpu.memref_slice %arg8[%dma_wait3A_958, %dma_wait3A_959] : memref<2x128xi32, #tpu.memory_space<vmem>> -> memref<1x128xi32, #tpu.memory_space<vmem>>
      %dma_wait3A_961 = tpu.memref_squeeze %dma_wait3A_960 : memref<1x128xi32, #tpu.memory_space<vmem>> -> memref<128xi32, #tpu.memory_space<vmem>>
      %dma_wait3A_962 = arith.constant 0 : i32
      %dma_wait3A_963 = arith.constant 0 : i32
      %dma_wait3A_964 = tpu.memref_slice %arg17[%dma_wait3A_962, %dma_wait3A_963] : memref<10240x16xf32, #tpu.memory_space<vmem_shared>> -> memref<10240x16xf32, #tpu.memory_space<vmem_shared>>
      tpu.wait_indirect_dma semaphore(%arg29 : memref<!tpu.dma_semaphore, #tpu.memory_space<semaphore_mem>>) src(%arg13 : memref<128x16xf32, #tpu.memory_space<vmem>>) dst(%dma_wait3A_964 : memref<10240x16xf32, #tpu.memory_space<vmem_shared>>)
      %add3A_965 = arith.constant 3 : i32
      %add3A_966 = arith.addi %add3A_943, %add3A_965 : i32
      %add3A_967 = arith.addi %mul3A_4, %add3A_966 : i32
      %dma_start3A_968 = arith.constant 0 : i32
      %dma_start3A_969 = arith.constant 0 : i32
      %dma_start3A_970 = arith.constant 0 : i32
      %dma_start3A_971 = tpu.memref_slice %arg3[%scan3A_462, %dma_start3A_968, %dma_start3A_969, %dma_start3A_970] : memref<2x2560x2x128xi32, #tpu.memory_space<hbm>> -> memref<1x2560x2x128xi32, #tpu.memory_space<hbm>>
      %dma_start3A_972 = tpu.memref_squeeze %dma_start3A_971 : memref<1x2560x2x128xi32, #tpu.memory_space<hbm>> -> memref<2560x2x128xi32, #tpu.memory_space<hbm>>
      %dma_start3A_973 = arith.constant 0 : i32
      %dma_start3A_974 = arith.constant 0 : i32
      %dma_start3A_975 = tpu.memref_slice %dma_start3A_972[%add3A_967, %dma_start3A_973, %dma_start3A_974] : memref<2560x2x128xi32, #tpu.memory_space<hbm>> -> memref<1x2x128xi32, #tpu.memory_space<hbm>>
      %dma_start3A_976 = tpu.memref_squeeze %dma_start3A_975 : memref<1x2x128xi32, #tpu.memory_space<hbm>> -> memref<2x128xi32, #tpu.memory_space<hbm>>
      %dma_start3A_977 = arith.constant 0 : i32
      %dma_start3A_978 = arith.constant 0 : i32
      %dma_start3A_979 = arith.constant 0 : i32
      %dma_start3A_980 = tpu.memref_slice %arg3[%scan3A_462, %dma_start3A_977, %dma_start3A_978, %dma_start3A_979] : memref<2x2560x2x128xi32, #tpu.memory_space<hbm>> -> memref<1x2560x2x128xi32, #tpu.memory_space<hbm>>
      %dma_start3A_981 = tpu.memref_squeeze %dma_start3A_980 : memref<1x2560x2x128xi32, #tpu.memory_space<hbm>> -> memref<2560x2x128xi32, #tpu.memory_space<hbm>>
      %dma_start3A_982 = arith.constant 0 : i32
      %dma_start3A_983 = arith.constant 0 : i32
      %dma_start3A_984 = tpu.memref_slice %dma_start3A_981[%add3A_967, %dma_start3A_982, %dma_start3A_983] : memref<2560x2x128xi32, #tpu.memory_space<hbm>> -> memref<1x2x128xi32, #tpu.memory_space<hbm>>
      %dma_start3A_985 = tpu.memref_squeeze %dma_start3A_984 : memref<1x2x128xi32, #tpu.memory_space<hbm>> -> memref<2x128xi32, #tpu.memory_space<hbm>>
      tpu.enqueue_dma source(%dma_start3A_985 : memref<2x128xi32, #tpu.memory_space<hbm>>) target(%arg8 : memref<2x128xi32, #tpu.memory_space<vmem>>) target_semaphore(%arg19 : memref<!tpu.dma_semaphore, #tpu.memory_space<semaphore_mem>>)
      %add3A_986 = arith.constant 2 : i32
      %add3A_987 = arith.addi %add3A_943, %add3A_986 : i32
      %add3A_988 = arith.addi %mul3A_4, %add3A_987 : i32
      %dma_wait3A_989 = arith.constant 0 : i32
      %dma_wait3A_990 = arith.constant 0 : i32
      %dma_wait3A_991 = arith.constant 0 : i32
      %dma_wait3A_992 = tpu.memref_slice %arg3[%scan3A_462, %dma_wait3A_989, %dma_wait3A_990, %dma_wait3A_991] : memref<2x2560x2x128xi32, #tpu.memory_space<hbm>> -> memref<1x2560x2x128xi32, #tpu.memory_space<hbm>>
      %dma_wait3A_993 = tpu.memref_squeeze %dma_wait3A_992 : memref<1x2560x2x128xi32, #tpu.memory_space<hbm>> -> memref<2560x2x128xi32, #tpu.memory_space<hbm>>
      %dma_wait3A_994 = arith.constant 0 : i32
      %dma_wait3A_995 = arith.constant 0 : i32
      %dma_wait3A_996 = tpu.memref_slice %dma_wait3A_993[%add3A_988, %dma_wait3A_994, %dma_wait3A_995] : memref<2560x2x128xi32, #tpu.memory_space<hbm>> -> memref<1x2x128xi32, #tpu.memory_space<hbm>>
      %dma_wait3A_997 = tpu.memref_squeeze %dma_wait3A_996 : memref<1x2x128xi32, #tpu.memory_space<hbm>> -> memref<2x128xi32, #tpu.memory_space<hbm>>
      %dma_wait3A_998 = arith.constant 0 : i32
      %dma_wait3A_999 = arith.constant 0 : i32
      %dma_wait3A_1000 = arith.constant 0 : i32
      %dma_wait3A_1001 = tpu.memref_slice %arg3[%scan3A_462, %dma_wait3A_998, %dma_wait3A_999, %dma_wait3A_1000] : memref<2x2560x2x128xi32, #tpu.memory_space<hbm>> -> memref<1x2560x2x128xi32, #tpu.memory_space<hbm>>
      %dma_wait3A_1002 = tpu.memref_squeeze %dma_wait3A_1001 : memref<1x2560x2x128xi32, #tpu.memory_space<hbm>> -> memref<2560x2x128xi32, #tpu.memory_space<hbm>>
      %dma_wait3A_1003 = arith.constant 0 : i32
      %dma_wait3A_1004 = arith.constant 0 : i32
      %dma_wait3A_1005 = tpu.memref_slice %dma_wait3A_1002[%add3A_988, %dma_wait3A_1003, %dma_wait3A_1004] : memref<2560x2x128xi32, #tpu.memory_space<hbm>> -> memref<1x2x128xi32, #tpu.memory_space<hbm>>
      %dma_wait3A_1006 = tpu.memref_squeeze %dma_wait3A_1005 : memref<1x2x128xi32, #tpu.memory_space<hbm>> -> memref<2x128xi32, #tpu.memory_space<hbm>>
      tpu.wait_dma2 semaphore(%arg18 : memref<!tpu.dma_semaphore, #tpu.memory_space<semaphore_mem>>) src(%dma_wait3A_1006 : memref<2x128xi32, #tpu.memory_space<hbm>>) dst(%arg7 : memref<2x128xi32, #tpu.memory_space<vmem>>)
      %dma_start3A_1007 = arith.constant 0 : i32
      %dma_start3A_1008 = arith.constant 0 : i32
      %dma_start3A_1009 = tpu.memref_slice %arg7[%dma_start3A_1007, %dma_start3A_1008] : memref<2x128xi32, #tpu.memory_space<vmem>> -> memref<1x128xi32, #tpu.memory_space<vmem>>
      %dma_start3A_1010 = tpu.memref_squeeze %dma_start3A_1009 : memref<1x128xi32, #tpu.memory_space<vmem>> -> memref<128xi32, #tpu.memory_space<vmem>>
      %dma_start3A_1011 = arith.constant 0 : i32
      %dma_start3A_1012 = arith.constant 0 : i32
      %dma_start3A_1013 = tpu.memref_slice %arg2[%dma_start3A_1011, %dma_start3A_1012] : memref<10240x16xf32, #tpu.memory_space<hbm>> -> memref<10240x16xf32, #tpu.memory_space<hbm>>
      tpu.enqueue_indirect_dma source(%dma_start3A_1013 : memref<10240x16xf32, #tpu.memory_space<hbm>>) target(%arg12 : memref<128x16xf32, #tpu.memory_space<vmem>>) offsets(%dma_start3A_1010 : memref<128xi32, #tpu.memory_space<vmem>>) semaphore(%arg23 : memref<!tpu.dma_semaphore, #tpu.memory_space<semaphore_mem>>)
      %add3A_1014 = arith.constant 4 : i32
      %add3A_1015 = arith.addi %add3A_725, %add3A_1014 : i32
      %dma_wait3A_1016 = arith.constant 0 : i32
      %dma_wait3A_1017 = arith.constant 0 : i32
      %dma_wait3A_1018 = tpu.memref_slice %arg11[%dma_wait3A_1016, %dma_wait3A_1017] : memref<2x128xi32, #tpu.memory_space<vmem>> -> memref<1x128xi32, #tpu.memory_space<vmem>>
      %dma_wait3A_1019 = tpu.memref_squeeze %dma_wait3A_1018 : memref<1x128xi32, #tpu.memory_space<vmem>> -> memref<128xi32, #tpu.memory_space<vmem>>
      %dma_wait3A_1020 = arith.constant 0 : i32
      %dma_wait3A_1021 = arith.constant 0 : i32
      %dma_wait3A_1022 = tpu.memref_slice %arg2[%dma_wait3A_1020, %dma_wait3A_1021] : memref<10240x16xf32, #tpu.memory_space<hbm>> -> memref<10240x16xf32, #tpu.memory_space<hbm>>
      tpu.wait_indirect_dma semaphore(%arg27 : memref<!tpu.dma_semaphore, #tpu.memory_space<semaphore_mem>>) src(%dma_wait3A_1022 : memref<10240x16xf32, #tpu.memory_space<hbm>>) dst(%arg16 : memref<128x16xf32, #tpu.memory_space<vmem>>)
      %dma_start3A_1023 = arith.constant 1 : i32
      %dma_start3A_1024 = arith.constant 0 : i32
      %dma_start3A_1025 = tpu.memref_slice %arg11[%dma_start3A_1023, %dma_start3A_1024] : memref<2x128xi32, #tpu.memory_space<vmem>> -> memref<1x128xi32, #tpu.memory_space<vmem>>
      %dma_start3A_1026 = tpu.memref_squeeze %dma_start3A_1025 : memref<1x128xi32, #tpu.memory_space<vmem>> -> memref<128xi32, #tpu.memory_space<vmem>>
      %dma_start3A_1027 = arith.constant 0 : i32
      %dma_start3A_1028 = arith.constant 0 : i32
      %dma_start3A_1029 = tpu.memref_slice %arg17[%dma_start3A_1027, %dma_start3A_1028] : memref<10240x16xf32, #tpu.memory_space<vmem_shared>> -> memref<10240x16xf32, #tpu.memory_space<vmem_shared>>
      tpu.enqueue_indirect_dma source(%arg16 : memref<128x16xf32, #tpu.memory_space<vmem>>) target(%dma_start3A_1029 : memref<10240x16xf32, #tpu.memory_space<vmem_shared>>) offsets(%dma_start3A_1026 : memref<128xi32, #tpu.memory_space<vmem>>) semaphore(%arg32 : memref<!tpu.dma_semaphore, #tpu.memory_space<semaphore_mem>>) {add = true}
      %dma_wait3A_1030 = arith.constant 1 : i32
      %dma_wait3A_1031 = arith.constant 0 : i32
      %dma_wait3A_1032 = tpu.memref_slice %arg9[%dma_wait3A_1030, %dma_wait3A_1031] : memref<2x128xi32, #tpu.memory_space<vmem>> -> memref<1x128xi32, #tpu.memory_space<vmem>>
      %dma_wait3A_1033 = tpu.memref_squeeze %dma_wait3A_1032 : memref<1x128xi32, #tpu.memory_space<vmem>> -> memref<128xi32, #tpu.memory_space<vmem>>
      %dma_wait3A_1034 = arith.constant 0 : i32
      %dma_wait3A_1035 = arith.constant 0 : i32
      %dma_wait3A_1036 = tpu.memref_slice %arg17[%dma_wait3A_1034, %dma_wait3A_1035] : memref<10240x16xf32, #tpu.memory_space<vmem_shared>> -> memref<10240x16xf32, #tpu.memory_space<vmem_shared>>
      tpu.wait_indirect_dma semaphore(%arg30 : memref<!tpu.dma_semaphore, #tpu.memory_space<semaphore_mem>>) src(%arg14 : memref<128x16xf32, #tpu.memory_space<vmem>>) dst(%dma_wait3A_1036 : memref<10240x16xf32, #tpu.memory_space<vmem_shared>>)
      %add3A_1037 = arith.constant 3 : i32
      %add3A_1038 = arith.addi %add3A_1015, %add3A_1037 : i32
      %add3A_1039 = arith.addi %mul3A_4, %add3A_1038 : i32
      %dma_start3A_1040 = arith.constant 0 : i32
      %dma_start3A_1041 = arith.constant 0 : i32
      %dma_start3A_1042 = arith.constant 0 : i32
      %dma_start3A_1043 = tpu.memref_slice %arg3[%scan3A_462, %dma_start3A_1040, %dma_start3A_1041, %dma_start3A_1042] : memref<2x2560x2x128xi32, #tpu.memory_space<hbm>> -> memref<1x2560x2x128xi32, #tpu.memory_space<hbm>>
      %dma_start3A_1044 = tpu.memref_squeeze %dma_start3A_1043 : memref<1x2560x2x128xi32, #tpu.memory_space<hbm>> -> memref<2560x2x128xi32, #tpu.memory_space<hbm>>
      %dma_start3A_1045 = arith.constant 0 : i32
      %dma_start3A_1046 = arith.constant 0 : i32
      %dma_start3A_1047 = tpu.memref_slice %dma_start3A_1044[%add3A_1039, %dma_start3A_1045, %dma_start3A_1046] : memref<2560x2x128xi32, #tpu.memory_space<hbm>> -> memref<1x2x128xi32, #tpu.memory_space<hbm>>
      %dma_start3A_1048 = tpu.memref_squeeze %dma_start3A_1047 : memref<1x2x128xi32, #tpu.memory_space<hbm>> -> memref<2x128xi32, #tpu.memory_space<hbm>>
      %dma_start3A_1049 = arith.constant 0 : i32
      %dma_start3A_1050 = arith.constant 0 : i32
      %dma_start3A_1051 = arith.constant 0 : i32
      %dma_start3A_1052 = tpu.memref_slice %arg3[%scan3A_462, %dma_start3A_1049, %dma_start3A_1050, %dma_start3A_1051] : memref<2x2560x2x128xi32, #tpu.memory_space<hbm>> -> memref<1x2560x2x128xi32, #tpu.memory_space<hbm>>
      %dma_start3A_1053 = tpu.memref_squeeze %dma_start3A_1052 : memref<1x2560x2x128xi32, #tpu.memory_space<hbm>> -> memref<2560x2x128xi32, #tpu.memory_space<hbm>>
      %dma_start3A_1054 = arith.constant 0 : i32
      %dma_start3A_1055 = arith.constant 0 : i32
      %dma_start3A_1056 = tpu.memref_slice %dma_start3A_1053[%add3A_1039, %dma_start3A_1054, %dma_start3A_1055] : memref<2560x2x128xi32, #tpu.memory_space<hbm>> -> memref<1x2x128xi32, #tpu.memory_space<hbm>>
      %dma_start3A_1057 = tpu.memref_squeeze %dma_start3A_1056 : memref<1x2x128xi32, #tpu.memory_space<hbm>> -> memref<2x128xi32, #tpu.memory_space<hbm>>
      tpu.enqueue_dma source(%dma_start3A_1057 : memref<2x128xi32, #tpu.memory_space<hbm>>) target(%arg9 : memref<2x128xi32, #tpu.memory_space<vmem>>) target_semaphore(%arg20 : memref<!tpu.dma_semaphore, #tpu.memory_space<semaphore_mem>>)
      %add3A_1058 = arith.constant 2 : i32
      %add3A_1059 = arith.addi %add3A_1015, %add3A_1058 : i32
      %add3A_1060 = arith.addi %mul3A_4, %add3A_1059 : i32
      %dma_wait3A_1061 = arith.constant 0 : i32
      %dma_wait3A_1062 = arith.constant 0 : i32
      %dma_wait3A_1063 = arith.constant 0 : i32
      %dma_wait3A_1064 = tpu.memref_slice %arg3[%scan3A_462, %dma_wait3A_1061, %dma_wait3A_1062, %dma_wait3A_1063] : memref<2x2560x2x128xi32, #tpu.memory_space<hbm>> -> memref<1x2560x2x128xi32, #tpu.memory_space<hbm>>
      %dma_wait3A_1065 = tpu.memref_squeeze %dma_wait3A_1064 : memref<1x2560x2x128xi32, #tpu.memory_space<hbm>> -> memref<2560x2x128xi32, #tpu.memory_space<hbm>>
      %dma_wait3A_1066 = arith.constant 0 : i32
      %dma_wait3A_1067 = arith.constant 0 : i32
      %dma_wait3A_1068 = tpu.memref_slice %dma_wait3A_1065[%add3A_1060, %dma_wait3A_1066, %dma_wait3A_1067] : memref<2560x2x128xi32, #tpu.memory_space<hbm>> -> memref<1x2x128xi32, #tpu.memory_space<hbm>>
      %dma_wait3A_1069 = tpu.memref_squeeze %dma_wait3A_1068 : memref<1x2x128xi32, #tpu.memory_space<hbm>> -> memref<2x128xi32, #tpu.memory_space<hbm>>
      %dma_wait3A_1070 = arith.constant 0 : i32
      %dma_wait3A_1071 = arith.constant 0 : i32
      %dma_wait3A_1072 = arith.constant 0 : i32
      %dma_wait3A_1073 = tpu.memref_slice %arg3[%scan3A_462, %dma_wait3A_1070, %dma_wait3A_1071, %dma_wait3A_1072] : memref<2x2560x2x128xi32, #tpu.memory_space<hbm>> -> memref<1x2560x2x128xi32, #tpu.memory_space<hbm>>
      %dma_wait3A_1074 = tpu.memref_squeeze %dma_wait3A_1073 : memref<1x2560x2x128xi32, #tpu.memory_space<hbm>> -> memref<2560x2x128xi32, #tpu.memory_space<hbm>>
      %dma_wait3A_1075 = arith.constant 0 : i32
      %dma_wait3A_1076 = arith.constant 0 : i32
      %dma_wait3A_1077 = tpu.memref_slice %dma_wait3A_1074[%add3A_1060, %dma_wait3A_1075, %dma_wait3A_1076] : memref<2560x2x128xi32, #tpu.memory_space<hbm>> -> memref<1x2x128xi32, #tpu.memory_space<hbm>>
      %dma_wait3A_1078 = tpu.memref_squeeze %dma_wait3A_1077 : memref<1x2x128xi32, #tpu.memory_space<hbm>> -> memref<2x128xi32, #tpu.memory_space<hbm>>
      tpu.wait_dma2 semaphore(%arg19 : memref<!tpu.dma_semaphore, #tpu.memory_space<semaphore_mem>>) src(%dma_wait3A_1078 : memref<2x128xi32, #tpu.memory_space<hbm>>) dst(%arg8 : memref<2x128xi32, #tpu.memory_space<vmem>>)
      %dma_start3A_1079 = arith.constant 0 : i32
      %dma_start3A_1080 = arith.constant 0 : i32
      %dma_start3A_1081 = tpu.memref_slice %arg8[%dma_start3A_1079, %dma_start3A_1080] : memref<2x128xi32, #tpu.memory_space<vmem>> -> memref<1x128xi32, #tpu.memory_space<vmem>>
      %dma_start3A_1082 = tpu.memref_squeeze %dma_start3A_1081 : memref<1x128xi32, #tpu.memory_space<vmem>> -> memref<128xi32, #tpu.memory_space<vmem>>
      %dma_start3A_1083 = arith.constant 0 : i32
      %dma_start3A_1084 = arith.constant 0 : i32
      %dma_start3A_1085 = tpu.memref_slice %arg2[%dma_start3A_1083, %dma_start3A_1084] : memref<10240x16xf32, #tpu.memory_space<hbm>> -> memref<10240x16xf32, #tpu.memory_space<hbm>>
      tpu.enqueue_indirect_dma source(%dma_start3A_1085 : memref<10240x16xf32, #tpu.memory_space<hbm>>) target(%arg13 : memref<128x16xf32, #tpu.memory_space<vmem>>) offsets(%dma_start3A_1082 : memref<128xi32, #tpu.memory_space<vmem>>) semaphore(%arg24 : memref<!tpu.dma_semaphore, #tpu.memory_space<semaphore_mem>>)
    }
    %scan3A_467 = arith.constant 14 : i32
    %dma_wait3A_468 = arith.constant 0 : i32
    %dma_wait3A_469 = arith.constant 0 : i32
    %dma_wait3A_470 = tpu.memref_slice %arg7[%dma_wait3A_468, %dma_wait3A_469] : memref<2x128xi32, #tpu.memory_space<vmem>> -> memref<1x128xi32, #tpu.memory_space<vmem>>
    %dma_wait3A_471 = tpu.memref_squeeze %dma_wait3A_470 : memref<1x128xi32, #tpu.memory_space<vmem>> -> memref<128xi32, #tpu.memory_space<vmem>>
    %dma_wait3A_472 = arith.constant 0 : i32
    %dma_wait3A_473 = arith.constant 0 : i32
    %dma_wait3A_474 = tpu.memref_slice %arg2[%dma_wait3A_472, %dma_wait3A_473] : memref<10240x16xf32, #tpu.memory_space<hbm>> -> memref<10240x16xf32, #tpu.memory_space<hbm>>
    tpu.wait_indirect_dma semaphore(%arg23 : memref<!tpu.dma_semaphore, #tpu.memory_space<semaphore_mem>>) src(%dma_wait3A_474 : memref<10240x16xf32, #tpu.memory_space<hbm>>) dst(%arg12 : memref<128x16xf32, #tpu.memory_space<vmem>>)
    %dma_start3A_475 = arith.constant 1 : i32
    %dma_start3A_476 = arith.constant 0 : i32
    %dma_start3A_477 = tpu.memref_slice %arg7[%dma_start3A_475, %dma_start3A_476] : memref<2x128xi32, #tpu.memory_space<vmem>> -> memref<1x128xi32, #tpu.memory_space<vmem>>
    %dma_start3A_478 = tpu.memref_squeeze %dma_start3A_477 : memref<1x128xi32, #tpu.memory_space<vmem>> -> memref<128xi32, #tpu.memory_space<vmem>>
    %dma_start3A_479 = arith.constant 0 : i32
    %dma_start3A_480 = arith.constant 0 : i32
    %dma_start3A_481 = tpu.memref_slice %arg17[%dma_start3A_479, %dma_start3A_480] : memref<10240x16xf32, #tpu.memory_space<vmem_shared>> -> memref<10240x16xf32, #tpu.memory_space<vmem_shared>>
    tpu.enqueue_indirect_dma source(%arg12 : memref<128x16xf32, #tpu.memory_space<vmem>>) target(%dma_start3A_481 : memref<10240x16xf32, #tpu.memory_space<vmem_shared>>) offsets(%dma_start3A_478 : memref<128xi32, #tpu.memory_space<vmem>>) semaphore(%arg28 : memref<!tpu.dma_semaphore, #tpu.memory_space<semaphore_mem>>) {add = true}
    %dma_wait3A_482 = arith.constant 1 : i32
    %dma_wait3A_483 = arith.constant 0 : i32
    %dma_wait3A_484 = tpu.memref_slice %arg10[%dma_wait3A_482, %dma_wait3A_483] : memref<2x128xi32, #tpu.memory_space<vmem>> -> memref<1x128xi32, #tpu.memory_space<vmem>>
    %dma_wait3A_485 = tpu.memref_squeeze %dma_wait3A_484 : memref<1x128xi32, #tpu.memory_space<vmem>> -> memref<128xi32, #tpu.memory_space<vmem>>
    %dma_wait3A_486 = arith.constant 0 : i32
    %dma_wait3A_487 = arith.constant 0 : i32
    %dma_wait3A_488 = tpu.memref_slice %arg17[%dma_wait3A_486, %dma_wait3A_487] : memref<10240x16xf32, #tpu.memory_space<vmem_shared>> -> memref<10240x16xf32, #tpu.memory_space<vmem_shared>>
    tpu.wait_indirect_dma semaphore(%arg31 : memref<!tpu.dma_semaphore, #tpu.memory_space<semaphore_mem>>) src(%arg15 : memref<128x16xf32, #tpu.memory_space<vmem>>) dst(%dma_wait3A_488 : memref<10240x16xf32, #tpu.memory_space<vmem_shared>>)
    %add3A_489 = arith.constant 78 : i32
    %add3A_490 = arith.addi %mul3A_4, %add3A_489 : i32
    %dma_start3A_491 = arith.constant 0 : i32
    %dma_start3A_492 = arith.constant 0 : i32
    %dma_start3A_493 = arith.constant 0 : i32
    %dma_start3A_494 = arith.constant 0 : i32
    %dma_start3A_495 = tpu.memref_slice %arg3[%dma_start3A_491, %dma_start3A_492, %dma_start3A_493, %dma_start3A_494] : memref<2x2560x2x128xi32, #tpu.memory_space<hbm>> -> memref<1x2560x2x128xi32, #tpu.memory_space<hbm>>
    %dma_start3A_496 = tpu.memref_squeeze %dma_start3A_495 : memref<1x2560x2x128xi32, #tpu.memory_space<hbm>> -> memref<2560x2x128xi32, #tpu.memory_space<hbm>>
    %dma_start3A_497 = arith.constant 0 : i32
    %dma_start3A_498 = arith.constant 0 : i32
    %dma_start3A_499 = tpu.memref_slice %dma_start3A_496[%add3A_490, %dma_start3A_497, %dma_start3A_498] : memref<2560x2x128xi32, #tpu.memory_space<hbm>> -> memref<1x2x128xi32, #tpu.memory_space<hbm>>
    %dma_start3A_500 = tpu.memref_squeeze %dma_start3A_499 : memref<1x2x128xi32, #tpu.memory_space<hbm>> -> memref<2x128xi32, #tpu.memory_space<hbm>>
    %dma_start3A_501 = arith.constant 0 : i32
    %dma_start3A_502 = arith.constant 0 : i32
    %dma_start3A_503 = arith.constant 0 : i32
    %dma_start3A_504 = tpu.memref_slice %arg3[%dma_start3A_491, %dma_start3A_501, %dma_start3A_502, %dma_start3A_503] : memref<2x2560x2x128xi32, #tpu.memory_space<hbm>> -> memref<1x2560x2x128xi32, #tpu.memory_space<hbm>>
    %dma_start3A_505 = tpu.memref_squeeze %dma_start3A_504 : memref<1x2560x2x128xi32, #tpu.memory_space<hbm>> -> memref<2560x2x128xi32, #tpu.memory_space<hbm>>
    %dma_start3A_506 = arith.constant 0 : i32
    %dma_start3A_507 = arith.constant 0 : i32
    %dma_start3A_508 = tpu.memref_slice %dma_start3A_505[%add3A_490, %dma_start3A_506, %dma_start3A_507] : memref<2560x2x128xi32, #tpu.memory_space<hbm>> -> memref<1x2x128xi32, #tpu.memory_space<hbm>>
    %dma_start3A_509 = tpu.memref_squeeze %dma_start3A_508 : memref<1x2x128xi32, #tpu.memory_space<hbm>> -> memref<2x128xi32, #tpu.memory_space<hbm>>
    tpu.enqueue_dma source(%dma_start3A_509 : memref<2x128xi32, #tpu.memory_space<hbm>>) target(%arg10 : memref<2x128xi32, #tpu.memory_space<vmem>>) target_semaphore(%arg21 : memref<!tpu.dma_semaphore, #tpu.memory_space<semaphore_mem>>)
    %add3A_510 = arith.constant 77 : i32
    %add3A_511 = arith.addi %mul3A_4, %add3A_510 : i32
    %dma_wait3A_512 = arith.constant 0 : i32
    %dma_wait3A_513 = arith.constant 0 : i32
    %dma_wait3A_514 = arith.constant 0 : i32
    %dma_wait3A_515 = arith.constant 0 : i32
    %dma_wait3A_516 = tpu.memref_slice %arg3[%dma_wait3A_512, %dma_wait3A_513, %dma_wait3A_514, %dma_wait3A_515] : memref<2x2560x2x128xi32, #tpu.memory_space<hbm>> -> memref<1x2560x2x128xi32, #tpu.memory_space<hbm>>
    %dma_wait3A_517 = tpu.memref_squeeze %dma_wait3A_516 : memref<1x2560x2x128xi32, #tpu.memory_space<hbm>> -> memref<2560x2x128xi32, #tpu.memory_space<hbm>>
    %dma_wait3A_518 = arith.constant 0 : i32
    %dma_wait3A_519 = arith.constant 0 : i32
    %dma_wait3A_520 = tpu.memref_slice %dma_wait3A_517[%add3A_511, %dma_wait3A_518, %dma_wait3A_519] : memref<2560x2x128xi32, #tpu.memory_space<hbm>> -> memref<1x2x128xi32, #tpu.memory_space<hbm>>
    %dma_wait3A_521 = tpu.memref_squeeze %dma_wait3A_520 : memref<1x2x128xi32, #tpu.memory_space<hbm>> -> memref<2x128xi32, #tpu.memory_space<hbm>>
    %dma_wait3A_522 = arith.constant 0 : i32
    %dma_wait3A_523 = arith.constant 0 : i32
    %dma_wait3A_524 = arith.constant 0 : i32
    %dma_wait3A_525 = tpu.memref_slice %arg3[%dma_wait3A_512, %dma_wait3A_522, %dma_wait3A_523, %dma_wait3A_524] : memref<2x2560x2x128xi32, #tpu.memory_space<hbm>> -> memref<1x2560x2x128xi32, #tpu.memory_space<hbm>>
    %dma_wait3A_526 = tpu.memref_squeeze %dma_wait3A_525 : memref<1x2560x2x128xi32, #tpu.memory_space<hbm>> -> memref<2560x2x128xi32, #tpu.memory_space<hbm>>
    %dma_wait3A_527 = arith.constant 0 : i32
    %dma_wait3A_528 = arith.constant 0 : i32
    %dma_wait3A_529 = tpu.memref_slice %dma_wait3A_526[%add3A_511, %dma_wait3A_527, %dma_wait3A_528] : memref<2560x2x128xi32, #tpu.memory_space<hbm>> -> memref<1x2x128xi32, #tpu.memory_space<hbm>>
    %dma_wait3A_530 = tpu.memref_squeeze %dma_wait3A_529 : memref<1x2x128xi32, #tpu.memory_space<hbm>> -> memref<2x128xi32, #tpu.memory_space<hbm>>
    tpu.wait_dma2 semaphore(%arg20 : memref<!tpu.dma_semaphore, #tpu.memory_space<semaphore_mem>>) src(%dma_wait3A_530 : memref<2x128xi32, #tpu.memory_space<hbm>>) dst(%arg9 : memref<2x128xi32, #tpu.memory_space<vmem>>)
    %dma_start3A_531 = arith.constant 0 : i32
    %dma_start3A_532 = arith.constant 0 : i32
    %dma_start3A_533 = tpu.memref_slice %arg9[%dma_start3A_531, %dma_start3A_532] : memref<2x128xi32, #tpu.memory_space<vmem>> -> memref<1x128xi32, #tpu.memory_space<vmem>>
    %dma_start3A_534 = tpu.memref_squeeze %dma_start3A_533 : memref<1x128xi32, #tpu.memory_space<vmem>> -> memref<128xi32, #tpu.memory_space<vmem>>
    %dma_start3A_535 = arith.constant 0 : i32
    %dma_start3A_536 = arith.constant 0 : i32
    %dma_start3A_537 = tpu.memref_slice %arg2[%dma_start3A_535, %dma_start3A_536] : memref<10240x16xf32, #tpu.memory_space<hbm>> -> memref<10240x16xf32, #tpu.memory_space<hbm>>
    tpu.enqueue_indirect_dma source(%dma_start3A_537 : memref<10240x16xf32, #tpu.memory_space<hbm>>) target(%arg14 : memref<128x16xf32, #tpu.memory_space<vmem>>) offsets(%dma_start3A_534 : memref<128xi32, #tpu.memory_space<vmem>>) semaphore(%arg25 : memref<!tpu.dma_semaphore, #tpu.memory_space<semaphore_mem>>)
    %dma_wait3A_538 = arith.constant 0 : i32
    %dma_wait3A_539 = arith.constant 0 : i32
    %dma_wait3A_540 = tpu.memref_slice %arg8[%dma_wait3A_538, %dma_wait3A_539] : memref<2x128xi32, #tpu.memory_space<vmem>> -> memref<1x128xi32, #tpu.memory_space<vmem>>
    %dma_wait3A_541 = tpu.memref_squeeze %dma_wait3A_540 : memref<1x128xi32, #tpu.memory_space<vmem>> -> memref<128xi32, #tpu.memory_space<vmem>>
    %dma_wait3A_542 = arith.constant 0 : i32
    %dma_wait3A_543 = arith.constant 0 : i32
    %dma_wait3A_544 = tpu.memref_slice %arg2[%dma_wait3A_542, %dma_wait3A_543] : memref<10240x16xf32, #tpu.memory_space<hbm>> -> memref<10240x16xf32, #tpu.memory_space<hbm>>
    tpu.wait_indirect_dma semaphore(%arg24 : memref<!tpu.dma_semaphore, #tpu.memory_space<semaphore_mem>>) src(%dma_wait3A_544 : memref<10240x16xf32, #tpu.memory_space<hbm>>) dst(%arg13 : memref<128x16xf32, #tpu.memory_space<vmem>>)
    %dma_start3A_545 = arith.constant 1 : i32
    %dma_start3A_546 = arith.constant 0 : i32
    %dma_start3A_547 = tpu.memref_slice %arg8[%dma_start3A_545, %dma_start3A_546] : memref<2x128xi32, #tpu.memory_space<vmem>> -> memref<1x128xi32, #tpu.memory_space<vmem>>
    %dma_start3A_548 = tpu.memref_squeeze %dma_start3A_547 : memref<1x128xi32, #tpu.memory_space<vmem>> -> memref<128xi32, #tpu.memory_space<vmem>>
    %dma_start3A_549 = arith.constant 0 : i32
    %dma_start3A_550 = arith.constant 0 : i32
    %dma_start3A_551 = tpu.memref_slice %arg17[%dma_start3A_549, %dma_start3A_550] : memref<10240x16xf32, #tpu.memory_space<vmem_shared>> -> memref<10240x16xf32, #tpu.memory_space<vmem_shared>>
    tpu.enqueue_indirect_dma source(%arg13 : memref<128x16xf32, #tpu.memory_space<vmem>>) target(%dma_start3A_551 : memref<10240x16xf32, #tpu.memory_space<vmem_shared>>) offsets(%dma_start3A_548 : memref<128xi32, #tpu.memory_space<vmem>>) semaphore(%arg29 : memref<!tpu.dma_semaphore, #tpu.memory_space<semaphore_mem>>) {add = true}
    %dma_wait3A_552 = arith.constant 1 : i32
    %dma_wait3A_553 = arith.constant 0 : i32
    %dma_wait3A_554 = tpu.memref_slice %arg11[%dma_wait3A_552, %dma_wait3A_553] : memref<2x128xi32, #tpu.memory_space<vmem>> -> memref<1x128xi32, #tpu.memory_space<vmem>>
    %dma_wait3A_555 = tpu.memref_squeeze %dma_wait3A_554 : memref<1x128xi32, #tpu.memory_space<vmem>> -> memref<128xi32, #tpu.memory_space<vmem>>
    %dma_wait3A_556 = arith.constant 0 : i32
    %dma_wait3A_557 = arith.constant 0 : i32
    %dma_wait3A_558 = tpu.memref_slice %arg17[%dma_wait3A_556, %dma_wait3A_557] : memref<10240x16xf32, #tpu.memory_space<vmem_shared>> -> memref<10240x16xf32, #tpu.memory_space<vmem_shared>>
    tpu.wait_indirect_dma semaphore(%arg32 : memref<!tpu.dma_semaphore, #tpu.memory_space<semaphore_mem>>) src(%arg16 : memref<128x16xf32, #tpu.memory_space<vmem>>) dst(%dma_wait3A_558 : memref<10240x16xf32, #tpu.memory_space<vmem_shared>>)
    %add3A_559 = arith.constant 79 : i32
    %add3A_560 = arith.addi %mul3A_4, %add3A_559 : i32
    %dma_start3A_561 = arith.constant 0 : i32
    %dma_start3A_562 = arith.constant 0 : i32
    %dma_start3A_563 = arith.constant 0 : i32
    %dma_start3A_564 = arith.constant 0 : i32
    %dma_start3A_565 = tpu.memref_slice %arg3[%dma_start3A_561, %dma_start3A_562, %dma_start3A_563, %dma_start3A_564] : memref<2x2560x2x128xi32, #tpu.memory_space<hbm>> -> memref<1x2560x2x128xi32, #tpu.memory_space<hbm>>
    %dma_start3A_566 = tpu.memref_squeeze %dma_start3A_565 : memref<1x2560x2x128xi32, #tpu.memory_space<hbm>> -> memref<2560x2x128xi32, #tpu.memory_space<hbm>>
    %dma_start3A_567 = arith.constant 0 : i32
    %dma_start3A_568 = arith.constant 0 : i32
    %dma_start3A_569 = tpu.memref_slice %dma_start3A_566[%add3A_560, %dma_start3A_567, %dma_start3A_568] : memref<2560x2x128xi32, #tpu.memory_space<hbm>> -> memref<1x2x128xi32, #tpu.memory_space<hbm>>
    %dma_start3A_570 = tpu.memref_squeeze %dma_start3A_569 : memref<1x2x128xi32, #tpu.memory_space<hbm>> -> memref<2x128xi32, #tpu.memory_space<hbm>>
    %dma_start3A_571 = arith.constant 0 : i32
    %dma_start3A_572 = arith.constant 0 : i32
    %dma_start3A_573 = arith.constant 0 : i32
    %dma_start3A_574 = tpu.memref_slice %arg3[%dma_start3A_561, %dma_start3A_571, %dma_start3A_572, %dma_start3A_573] : memref<2x2560x2x128xi32, #tpu.memory_space<hbm>> -> memref<1x2560x2x128xi32, #tpu.memory_space<hbm>>
    %dma_start3A_575 = tpu.memref_squeeze %dma_start3A_574 : memref<1x2560x2x128xi32, #tpu.memory_space<hbm>> -> memref<2560x2x128xi32, #tpu.memory_space<hbm>>
    %dma_start3A_576 = arith.constant 0 : i32
    %dma_start3A_577 = arith.constant 0 : i32
    %dma_start3A_578 = tpu.memref_slice %dma_start3A_575[%add3A_560, %dma_start3A_576, %dma_start3A_577] : memref<2560x2x128xi32, #tpu.memory_space<hbm>> -> memref<1x2x128xi32, #tpu.memory_space<hbm>>
    %dma_start3A_579 = tpu.memref_squeeze %dma_start3A_578 : memref<1x2x128xi32, #tpu.memory_space<hbm>> -> memref<2x128xi32, #tpu.memory_space<hbm>>
    tpu.enqueue_dma source(%dma_start3A_579 : memref<2x128xi32, #tpu.memory_space<hbm>>) target(%arg11 : memref<2x128xi32, #tpu.memory_space<vmem>>) target_semaphore(%arg22 : memref<!tpu.dma_semaphore, #tpu.memory_space<semaphore_mem>>)
    %add3A_580 = arith.constant 78 : i32
    %add3A_581 = arith.addi %mul3A_4, %add3A_580 : i32
    %dma_wait3A_582 = arith.constant 0 : i32
    %dma_wait3A_583 = arith.constant 0 : i32
    %dma_wait3A_584 = arith.constant 0 : i32
    %dma_wait3A_585 = arith.constant 0 : i32
    %dma_wait3A_586 = tpu.memref_slice %arg3[%dma_wait3A_582, %dma_wait3A_583, %dma_wait3A_584, %dma_wait3A_585] : memref<2x2560x2x128xi32, #tpu.memory_space<hbm>> -> memref<1x2560x2x128xi32, #tpu.memory_space<hbm>>
    %dma_wait3A_587 = tpu.memref_squeeze %dma_wait3A_586 : memref<1x2560x2x128xi32, #tpu.memory_space<hbm>> -> memref<2560x2x128xi32, #tpu.memory_space<hbm>>
    %dma_wait3A_588 = arith.constant 0 : i32
    %dma_wait3A_589 = arith.constant 0 : i32
    %dma_wait3A_590 = tpu.memref_slice %dma_wait3A_587[%add3A_581, %dma_wait3A_588, %dma_wait3A_589] : memref<2560x2x128xi32, #tpu.memory_space<hbm>> -> memref<1x2x128xi32, #tpu.memory_space<hbm>>
    %dma_wait3A_591 = tpu.memref_squeeze %dma_wait3A_590 : memref<1x2x128xi32, #tpu.memory_space<hbm>> -> memref<2x128xi32, #tpu.memory_space<hbm>>
    %dma_wait3A_592 = arith.constant 0 : i32
    %dma_wait3A_593 = arith.constant 0 : i32
    %dma_wait3A_594 = arith.constant 0 : i32
    %dma_wait3A_595 = tpu.memref_slice %arg3[%dma_wait3A_582, %dma_wait3A_592, %dma_wait3A_593, %dma_wait3A_594] : memref<2x2560x2x128xi32, #tpu.memory_space<hbm>> -> memref<1x2560x2x128xi32, #tpu.memory_space<hbm>>
    %dma_wait3A_596 = tpu.memref_squeeze %dma_wait3A_595 : memref<1x2560x2x128xi32, #tpu.memory_space<hbm>> -> memref<2560x2x128xi32, #tpu.memory_space<hbm>>
    %dma_wait3A_597 = arith.constant 0 : i32
    %dma_wait3A_598 = arith.constant 0 : i32
    %dma_wait3A_599 = tpu.memref_slice %dma_wait3A_596[%add3A_581, %dma_wait3A_597, %dma_wait3A_598] : memref<2560x2x128xi32, #tpu.memory_space<hbm>> -> memref<1x2x128xi32, #tpu.memory_space<hbm>>
    %dma_wait3A_600 = tpu.memref_squeeze %dma_wait3A_599 : memref<1x2x128xi32, #tpu.memory_space<hbm>> -> memref<2x128xi32, #tpu.memory_space<hbm>>
    tpu.wait_dma2 semaphore(%arg21 : memref<!tpu.dma_semaphore, #tpu.memory_space<semaphore_mem>>) src(%dma_wait3A_600 : memref<2x128xi32, #tpu.memory_space<hbm>>) dst(%arg10 : memref<2x128xi32, #tpu.memory_space<vmem>>)
    %dma_start3A_601 = arith.constant 0 : i32
    %dma_start3A_602 = arith.constant 0 : i32
    %dma_start3A_603 = tpu.memref_slice %arg10[%dma_start3A_601, %dma_start3A_602] : memref<2x128xi32, #tpu.memory_space<vmem>> -> memref<1x128xi32, #tpu.memory_space<vmem>>
    %dma_start3A_604 = tpu.memref_squeeze %dma_start3A_603 : memref<1x128xi32, #tpu.memory_space<vmem>> -> memref<128xi32, #tpu.memory_space<vmem>>
    %dma_start3A_605 = arith.constant 0 : i32
    %dma_start3A_606 = arith.constant 0 : i32
    %dma_start3A_607 = tpu.memref_slice %arg2[%dma_start3A_605, %dma_start3A_606] : memref<10240x16xf32, #tpu.memory_space<hbm>> -> memref<10240x16xf32, #tpu.memory_space<hbm>>
    tpu.enqueue_indirect_dma source(%dma_start3A_607 : memref<10240x16xf32, #tpu.memory_space<hbm>>) target(%arg15 : memref<128x16xf32, #tpu.memory_space<vmem>>) offsets(%dma_start3A_604 : memref<128xi32, #tpu.memory_space<vmem>>) semaphore(%arg26 : memref<!tpu.dma_semaphore, #tpu.memory_space<semaphore_mem>>)
    %dma_wait3A_608 = arith.constant 0 : i32
    %dma_wait3A_609 = arith.constant 0 : i32
    %dma_wait3A_610 = tpu.memref_slice %arg9[%dma_wait3A_608, %dma_wait3A_609] : memref<2x128xi32, #tpu.memory_space<vmem>> -> memref<1x128xi32, #tpu.memory_space<vmem>>
    %dma_wait3A_611 = tpu.memref_squeeze %dma_wait3A_610 : memref<1x128xi32, #tpu.memory_space<vmem>> -> memref<128xi32, #tpu.memory_space<vmem>>
    %dma_wait3A_612 = arith.constant 0 : i32
    %dma_wait3A_613 = arith.constant 0 : i32
    %dma_wait3A_614 = tpu.memref_slice %arg2[%dma_wait3A_612, %dma_wait3A_613] : memref<10240x16xf32, #tpu.memory_space<hbm>> -> memref<10240x16xf32, #tpu.memory_space<hbm>>
    tpu.wait_indirect_dma semaphore(%arg25 : memref<!tpu.dma_semaphore, #tpu.memory_space<semaphore_mem>>) src(%dma_wait3A_614 : memref<10240x16xf32, #tpu.memory_space<hbm>>) dst(%arg14 : memref<128x16xf32, #tpu.memory_space<vmem>>)
    %dma_start3A_615 = arith.constant 1 : i32
    %dma_start3A_616 = arith.constant 0 : i32
    %dma_start3A_617 = tpu.memref_slice %arg9[%dma_start3A_615, %dma_start3A_616] : memref<2x128xi32, #tpu.memory_space<vmem>> -> memref<1x128xi32, #tpu.memory_space<vmem>>
    %dma_start3A_618 = tpu.memref_squeeze %dma_start3A_617 : memref<1x128xi32, #tpu.memory_space<vmem>> -> memref<128xi32, #tpu.memory_space<vmem>>
    %dma_start3A_619 = arith.constant 0 : i32
    %dma_start3A_620 = arith.constant 0 : i32
    %dma_start3A_621 = tpu.memref_slice %arg17[%dma_start3A_619, %dma_start3A_620] : memref<10240x16xf32, #tpu.memory_space<vmem_shared>> -> memref<10240x16xf32, #tpu.memory_space<vmem_shared>>
    tpu.enqueue_indirect_dma source(%arg14 : memref<128x16xf32, #tpu.memory_space<vmem>>) target(%dma_start3A_621 : memref<10240x16xf32, #tpu.memory_space<vmem_shared>>) offsets(%dma_start3A_618 : memref<128xi32, #tpu.memory_space<vmem>>) semaphore(%arg30 : memref<!tpu.dma_semaphore, #tpu.memory_space<semaphore_mem>>) {add = true}
    %add3A_622 = arith.constant 79 : i32
    %add3A_623 = arith.addi %mul3A_4, %add3A_622 : i32
    %dma_wait3A_624 = arith.constant 0 : i32
    %dma_wait3A_625 = arith.constant 0 : i32
    %dma_wait3A_626 = arith.constant 0 : i32
    %dma_wait3A_627 = arith.constant 0 : i32
    %dma_wait3A_628 = tpu.memref_slice %arg3[%dma_wait3A_624, %dma_wait3A_625, %dma_wait3A_626, %dma_wait3A_627] : memref<2x2560x2x128xi32, #tpu.memory_space<hbm>> -> memref<1x2560x2x128xi32, #tpu.memory_space<hbm>>
    %dma_wait3A_629 = tpu.memref_squeeze %dma_wait3A_628 : memref<1x2560x2x128xi32, #tpu.memory_space<hbm>> -> memref<2560x2x128xi32, #tpu.memory_space<hbm>>
    %dma_wait3A_630 = arith.constant 0 : i32
    %dma_wait3A_631 = arith.constant 0 : i32
    %dma_wait3A_632 = tpu.memref_slice %dma_wait3A_629[%add3A_623, %dma_wait3A_630, %dma_wait3A_631] : memref<2560x2x128xi32, #tpu.memory_space<hbm>> -> memref<1x2x128xi32, #tpu.memory_space<hbm>>
    %dma_wait3A_633 = tpu.memref_squeeze %dma_wait3A_632 : memref<1x2x128xi32, #tpu.memory_space<hbm>> -> memref<2x128xi32, #tpu.memory_space<hbm>>
    %dma_wait3A_634 = arith.constant 0 : i32
    %dma_wait3A_635 = arith.constant 0 : i32
    %dma_wait3A_636 = arith.constant 0 : i32
    %dma_wait3A_637 = tpu.memref_slice %arg3[%dma_wait3A_624, %dma_wait3A_634, %dma_wait3A_635, %dma_wait3A_636] : memref<2x2560x2x128xi32, #tpu.memory_space<hbm>> -> memref<1x2560x2x128xi32, #tpu.memory_space<hbm>>
    %dma_wait3A_638 = tpu.memref_squeeze %dma_wait3A_637 : memref<1x2560x2x128xi32, #tpu.memory_space<hbm>> -> memref<2560x2x128xi32, #tpu.memory_space<hbm>>
    %dma_wait3A_639 = arith.constant 0 : i32
    %dma_wait3A_640 = arith.constant 0 : i32
    %dma_wait3A_641 = tpu.memref_slice %dma_wait3A_638[%add3A_623, %dma_wait3A_639, %dma_wait3A_640] : memref<2560x2x128xi32, #tpu.memory_space<hbm>> -> memref<1x2x128xi32, #tpu.memory_space<hbm>>
    %dma_wait3A_642 = tpu.memref_squeeze %dma_wait3A_641 : memref<1x2x128xi32, #tpu.memory_space<hbm>> -> memref<2x128xi32, #tpu.memory_space<hbm>>
    tpu.wait_dma2 semaphore(%arg22 : memref<!tpu.dma_semaphore, #tpu.memory_space<semaphore_mem>>) src(%dma_wait3A_642 : memref<2x128xi32, #tpu.memory_space<hbm>>) dst(%arg11 : memref<2x128xi32, #tpu.memory_space<vmem>>)
    %dma_start3A_643 = arith.constant 0 : i32
    %dma_start3A_644 = arith.constant 0 : i32
    %dma_start3A_645 = tpu.memref_slice %arg11[%dma_start3A_643, %dma_start3A_644] : memref<2x128xi32, #tpu.memory_space<vmem>> -> memref<1x128xi32, #tpu.memory_space<vmem>>
    %dma_start3A_646 = tpu.memref_squeeze %dma_start3A_645 : memref<1x128xi32, #tpu.memory_space<vmem>> -> memref<128xi32, #tpu.memory_space<vmem>>
    %dma_start3A_647 = arith.constant 0 : i32
    %dma_start3A_648 = arith.constant 0 : i32
    %dma_start3A_649 = tpu.memref_slice %arg2[%dma_start3A_647, %dma_start3A_648] : memref<10240x16xf32, #tpu.memory_space<hbm>> -> memref<10240x16xf32, #tpu.memory_space<hbm>>
    tpu.enqueue_indirect_dma source(%dma_start3A_649 : memref<10240x16xf32, #tpu.memory_space<hbm>>) target(%arg16 : memref<128x16xf32, #tpu.memory_space<vmem>>) offsets(%dma_start3A_646 : memref<128xi32, #tpu.memory_space<vmem>>) semaphore(%arg27 : memref<!tpu.dma_semaphore, #tpu.memory_space<semaphore_mem>>)
    %dma_wait3A_650 = arith.constant 0 : i32
    %dma_wait3A_651 = arith.constant 0 : i32
    %dma_wait3A_652 = tpu.memref_slice %arg10[%dma_wait3A_650, %dma_wait3A_651] : memref<2x128xi32, #tpu.memory_space<vmem>> -> memref<1x128xi32, #tpu.memory_space<vmem>>
    %dma_wait3A_653 = tpu.memref_squeeze %dma_wait3A_652 : memref<1x128xi32, #tpu.memory_space<vmem>> -> memref<128xi32, #tpu.memory_space<vmem>>
    %dma_wait3A_654 = arith.constant 0 : i32
    %dma_wait3A_655 = arith.constant 0 : i32
    %dma_wait3A_656 = tpu.memref_slice %arg2[%dma_wait3A_654, %dma_wait3A_655] : memref<10240x16xf32, #tpu.memory_space<hbm>> -> memref<10240x16xf32, #tpu.memory_space<hbm>>
    tpu.wait_indirect_dma semaphore(%arg26 : memref<!tpu.dma_semaphore, #tpu.memory_space<semaphore_mem>>) src(%dma_wait3A_656 : memref<10240x16xf32, #tpu.memory_space<hbm>>) dst(%arg15 : memref<128x16xf32, #tpu.memory_space<vmem>>)
    %dma_start3A_657 = arith.constant 1 : i32
    %dma_start3A_658 = arith.constant 0 : i32
    %dma_start3A_659 = tpu.memref_slice %arg10[%dma_start3A_657, %dma_start3A_658] : memref<2x128xi32, #tpu.memory_space<vmem>> -> memref<1x128xi32, #tpu.memory_space<vmem>>
    %dma_start3A_660 = tpu.memref_squeeze %dma_start3A_659 : memref<1x128xi32, #tpu.memory_space<vmem>> -> memref<128xi32, #tpu.memory_space<vmem>>
    %dma_start3A_661 = arith.constant 0 : i32
    %dma_start3A_662 = arith.constant 0 : i32
    %dma_start3A_663 = tpu.memref_slice %arg17[%dma_start3A_661, %dma_start3A_662] : memref<10240x16xf32, #tpu.memory_space<vmem_shared>> -> memref<10240x16xf32, #tpu.memory_space<vmem_shared>>
    tpu.enqueue_indirect_dma source(%arg15 : memref<128x16xf32, #tpu.memory_space<vmem>>) target(%dma_start3A_663 : memref<10240x16xf32, #tpu.memory_space<vmem_shared>>) offsets(%dma_start3A_660 : memref<128xi32, #tpu.memory_space<vmem>>) semaphore(%arg31 : memref<!tpu.dma_semaphore, #tpu.memory_space<semaphore_mem>>) {add = true}
    %dma_wait3A_664 = arith.constant 0 : i32
    %dma_wait3A_665 = arith.constant 0 : i32
    %dma_wait3A_666 = tpu.memref_slice %arg11[%dma_wait3A_664, %dma_wait3A_665] : memref<2x128xi32, #tpu.memory_space<vmem>> -> memref<1x128xi32, #tpu.memory_space<vmem>>
    %dma_wait3A_667 = tpu.memref_squeeze %dma_wait3A_666 : memref<1x128xi32, #tpu.memory_space<vmem>> -> memref<128xi32, #tpu.memory_space<vmem>>
    %dma_wait3A_668 = arith.constant 0 : i32
    %dma_wait3A_669 = arith.constant 0 : i32
    %dma_wait3A_670 = tpu.memref_slice %arg2[%dma_wait3A_668, %dma_wait3A_669] : memref<10240x16xf32, #tpu.memory_space<hbm>> -> memref<10240x16xf32, #tpu.memory_space<hbm>>
    tpu.wait_indirect_dma semaphore(%arg27 : memref<!tpu.dma_semaphore, #tpu.memory_space<semaphore_mem>>) src(%dma_wait3A_670 : memref<10240x16xf32, #tpu.memory_space<hbm>>) dst(%arg16 : memref<128x16xf32, #tpu.memory_space<vmem>>)
    %dma_start3A_671 = arith.constant 1 : i32
    %dma_start3A_672 = arith.constant 0 : i32
    %dma_start3A_673 = tpu.memref_slice %arg11[%dma_start3A_671, %dma_start3A_672] : memref<2x128xi32, #tpu.memory_space<vmem>> -> memref<1x128xi32, #tpu.memory_space<vmem>>
    %dma_start3A_674 = tpu.memref_squeeze %dma_start3A_673 : memref<1x128xi32, #tpu.memory_space<vmem>> -> memref<128xi32, #tpu.memory_space<vmem>>
    %dma_start3A_675 = arith.constant 0 : i32
    %dma_start3A_676 = arith.constant 0 : i32
    %dma_start3A_677 = tpu.memref_slice %arg17[%dma_start3A_675, %dma_start3A_676] : memref<10240x16xf32, #tpu.memory_space<vmem_shared>> -> memref<10240x16xf32, #tpu.memory_space<vmem_shared>>
    tpu.enqueue_indirect_dma source(%arg16 : memref<128x16xf32, #tpu.memory_space<vmem>>) target(%dma_start3A_677 : memref<10240x16xf32, #tpu.memory_space<vmem_shared>>) offsets(%dma_start3A_674 : memref<128xi32, #tpu.memory_space<vmem>>) semaphore(%arg32 : memref<!tpu.dma_semaphore, #tpu.memory_space<semaphore_mem>>) {add = true}
    %dma_wait3A_678 = arith.constant 1 : i32
    %dma_wait3A_679 = arith.constant 0 : i32
    %dma_wait3A_680 = tpu.memref_slice %arg7[%dma_wait3A_678, %dma_wait3A_679] : memref<2x128xi32, #tpu.memory_space<vmem>> -> memref<1x128xi32, #tpu.memory_space<vmem>>
    %dma_wait3A_681 = tpu.memref_squeeze %dma_wait3A_680 : memref<1x128xi32, #tpu.memory_space<vmem>> -> memref<128xi32, #tpu.memory_space<vmem>>
    %dma_wait3A_682 = arith.constant 0 : i32
    %dma_wait3A_683 = arith.constant 0 : i32
    %dma_wait3A_684 = tpu.memref_slice %arg17[%dma_wait3A_682, %dma_wait3A_683] : memref<10240x16xf32, #tpu.memory_space<vmem_shared>> -> memref<10240x16xf32, #tpu.memory_space<vmem_shared>>
    tpu.wait_indirect_dma semaphore(%arg28 : memref<!tpu.dma_semaphore, #tpu.memory_space<semaphore_mem>>) src(%arg12 : memref<128x16xf32, #tpu.memory_space<vmem>>) dst(%dma_wait3A_684 : memref<10240x16xf32, #tpu.memory_space<vmem_shared>>)
    %dma_wait3A_685 = arith.constant 1 : i32
    %dma_wait3A_686 = arith.constant 0 : i32
    %dma_wait3A_687 = tpu.memref_slice %arg8[%dma_wait3A_685, %dma_wait3A_686] : memref<2x128xi32, #tpu.memory_space<vmem>> -> memref<1x128xi32, #tpu.memory_space<vmem>>
    %dma_wait3A_688 = tpu.memref_squeeze %dma_wait3A_687 : memref<1x128xi32, #tpu.memory_space<vmem>> -> memref<128xi32, #tpu.memory_space<vmem>>
    %dma_wait3A_689 = arith.constant 0 : i32
    %dma_wait3A_690 = arith.constant 0 : i32
    %dma_wait3A_691 = tpu.memref_slice %arg17[%dma_wait3A_689, %dma_wait3A_690] : memref<10240x16xf32, #tpu.memory_space<vmem_shared>> -> memref<10240x16xf32, #tpu.memory_space<vmem_shared>>
    tpu.wait_indirect_dma semaphore(%arg29 : memref<!tpu.dma_semaphore, #tpu.memory_space<semaphore_mem>>) src(%arg13 : memref<128x16xf32, #tpu.memory_space<vmem>>) dst(%dma_wait3A_691 : memref<10240x16xf32, #tpu.memory_space<vmem_shared>>)
    %dma_wait3A_692 = arith.constant 1 : i32
    %dma_wait3A_693 = arith.constant 0 : i32
    %dma_wait3A_694 = tpu.memref_slice %arg9[%dma_wait3A_692, %dma_wait3A_693] : memref<2x128xi32, #tpu.memory_space<vmem>> -> memref<1x128xi32, #tpu.memory_space<vmem>>
    %dma_wait3A_695 = tpu.memref_squeeze %dma_wait3A_694 : memref<1x128xi32, #tpu.memory_space<vmem>> -> memref<128xi32, #tpu.memory_space<vmem>>
    %dma_wait3A_696 = arith.constant 0 : i32
    %dma_wait3A_697 = arith.constant 0 : i32
    %dma_wait3A_698 = tpu.memref_slice %arg17[%dma_wait3A_696, %dma_wait3A_697] : memref<10240x16xf32, #tpu.memory_space<vmem_shared>> -> memref<10240x16xf32, #tpu.memory_space<vmem_shared>>
    tpu.wait_indirect_dma semaphore(%arg30 : memref<!tpu.dma_semaphore, #tpu.memory_space<semaphore_mem>>) src(%arg14 : memref<128x16xf32, #tpu.memory_space<vmem>>) dst(%dma_wait3A_698 : memref<10240x16xf32, #tpu.memory_space<vmem_shared>>)
    %dma_wait3A_699 = arith.constant 1 : i32
    %dma_wait3A_700 = arith.constant 0 : i32
    %dma_wait3A_701 = tpu.memref_slice %arg10[%dma_wait3A_699, %dma_wait3A_700] : memref<2x128xi32, #tpu.memory_space<vmem>> -> memref<1x128xi32, #tpu.memory_space<vmem>>
    %dma_wait3A_702 = tpu.memref_squeeze %dma_wait3A_701 : memref<1x128xi32, #tpu.memory_space<vmem>> -> memref<128xi32, #tpu.memory_space<vmem>>
    %dma_wait3A_703 = arith.constant 0 : i32
    %dma_wait3A_704 = arith.constant 0 : i32
    %dma_wait3A_705 = tpu.memref_slice %arg17[%dma_wait3A_703, %dma_wait3A_704] : memref<10240x16xf32, #tpu.memory_space<vmem_shared>> -> memref<10240x16xf32, #tpu.memory_space<vmem_shared>>
    tpu.wait_indirect_dma semaphore(%arg31 : memref<!tpu.dma_semaphore, #tpu.memory_space<semaphore_mem>>) src(%arg15 : memref<128x16xf32, #tpu.memory_space<vmem>>) dst(%dma_wait3A_705 : memref<10240x16xf32, #tpu.memory_space<vmem_shared>>)
    %dma_wait3A_706 = arith.constant 1 : i32
    %dma_wait3A_707 = arith.constant 0 : i32
    %dma_wait3A_708 = tpu.memref_slice %arg11[%dma_wait3A_706, %dma_wait3A_707] : memref<2x128xi32, #tpu.memory_space<vmem>> -> memref<1x128xi32, #tpu.memory_space<vmem>>
    %dma_wait3A_709 = tpu.memref_squeeze %dma_wait3A_708 : memref<1x128xi32, #tpu.memory_space<vmem>> -> memref<128xi32, #tpu.memory_space<vmem>>
    %dma_wait3A_710 = arith.constant 0 : i32
    %dma_wait3A_711 = arith.constant 0 : i32
    %dma_wait3A_712 = tpu.memref_slice %arg17[%dma_wait3A_710, %dma_wait3A_711] : memref<10240x16xf32, #tpu.memory_space<vmem_shared>> -> memref<10240x16xf32, #tpu.memory_space<vmem_shared>>
    tpu.wait_indirect_dma semaphore(%arg32 : memref<!tpu.dma_semaphore, #tpu.memory_space<semaphore_mem>>) src(%arg16 : memref<128x16xf32, #tpu.memory_space<vmem>>) dst(%dma_wait3A_712 : memref<10240x16xf32, #tpu.memory_space<vmem_shared>>)
    %barrier3A_713 = arith.constant 0 : index
    tpu.barrier barrier_id(%barrier3A_713)
    %eq3A = arith.constant 0 : i32
    %eq3A_714 = arith.cmpi eq, %arg0, %eq3A : i32
    %convert_element_type3A = arith.extui %eq3A_714 : i1 to i32
    %cond3A = arith.constant 0 : i32
    %cond3A_715 = arith.cmpi ne, %convert_element_type3A, %cond3A : i32
    scf.if %cond3A_715 {
      "tpu.region"() ({
        %run_scoped3A = tpu.sem_alloc : memref<!tpu.dma_semaphore, #tpu.memory_space<semaphore_mem>>
        %dma_start3A_721 = arith.constant 0 : i32
        %dma_start3A_722 = tpu.memref_slice %arg5[%mul3A_0, %dma_start3A_721] : memref<10240x16xf32, #tpu.memory_space<hbm>> -> memref<640x16xf32, #tpu.memory_space<hbm>>
        %dma_start3A_723 = arith.constant 0 : i32
        %dma_start3A_724 = tpu.memref_slice %arg17[%mul3A_0, %dma_start3A_723] : memref<10240x16xf32, #tpu.memory_space<vmem_shared>> -> memref<640x16xf32, #tpu.memory_space<vmem_shared>>
        tpu.enqueue_dma source(%dma_start3A_724 : memref<640x16xf32, #tpu.memory_space<vmem_shared>>) target(%dma_start3A_722 : memref<640x16xf32, #tpu.memory_space<hbm>>) target_semaphore(%run_scoped3A : memref<!tpu.dma_semaphore, #tpu.memory_space<semaphore_mem>>)
        %dma_wait3A_725 = arith.constant 0 : i32
        %dma_wait3A_726 = tpu.memref_slice %arg5[%mul3A_0, %dma_wait3A_725] : memref<10240x16xf32, #tpu.memory_space<hbm>> -> memref<640x16xf32, #tpu.memory_space<hbm>>
        %dma_wait3A_727 = arith.constant 0 : i32
        %dma_wait3A_728 = tpu.memref_slice %arg17[%mul3A_0, %dma_wait3A_727] : memref<10240x16xf32, #tpu.memory_space<vmem_shared>> -> memref<640x16xf32, #tpu.memory_space<vmem_shared>>
        tpu.wait_dma2 semaphore(%run_scoped3A : memref<!tpu.dma_semaphore, #tpu.memory_space<semaphore_mem>>) src(%dma_wait3A_728 : memref<640x16xf32, #tpu.memory_space<vmem_shared>>) dst(%dma_wait3A_726 : memref<640x16xf32, #tpu.memory_space<hbm>>)
        tpu.yield
      }) : () -> ()
    } else {
    }
    %eq3A_716 = arith.constant 1 : i32
    %eq3A_717 = arith.cmpi eq, %arg0, %eq3A_716 : i32
    %convert_element_type3A_718 = arith.extui %eq3A_717 : i1 to i32
    %cond3A_719 = arith.constant 0 : i32
    %cond3A_720 = arith.cmpi ne, %convert_element_type3A_718, %cond3A_719 : i32
    scf.if %cond3A_720 {
      "tpu.region"() ({
        %run_scoped3A = tpu.sem_alloc : memref<!tpu.dma_semaphore, #tpu.memory_space<semaphore_mem>>
        %dma_start3A_721 = arith.constant 0 : i32
        %dma_start3A_722 = tpu.memref_slice %arg6[%mul3A_0, %dma_start3A_721] : memref<10240x16xf32, #tpu.memory_space<hbm>> -> memref<640x16xf32, #tpu.memory_space<hbm>>
        %dma_start3A_723 = arith.constant 0 : i32
        %dma_start3A_724 = tpu.memref_slice %arg17[%mul3A_0, %dma_start3A_723] : memref<10240x16xf32, #tpu.memory_space<vmem_shared>> -> memref<640x16xf32, #tpu.memory_space<vmem_shared>>
        tpu.enqueue_dma source(%dma_start3A_724 : memref<640x16xf32, #tpu.memory_space<vmem_shared>>) target(%dma_start3A_722 : memref<640x16xf32, #tpu.memory_space<hbm>>) target_semaphore(%run_scoped3A : memref<!tpu.dma_semaphore, #tpu.memory_space<semaphore_mem>>)
        %dma_wait3A_725 = arith.constant 0 : i32
        %dma_wait3A_726 = tpu.memref_slice %arg6[%mul3A_0, %dma_wait3A_725] : memref<10240x16xf32, #tpu.memory_space<hbm>> -> memref<640x16xf32, #tpu.memory_space<hbm>>
        %dma_wait3A_727 = arith.constant 0 : i32
        %dma_wait3A_728 = tpu.memref_slice %arg17[%mul3A_0, %dma_wait3A_727] : memref<10240x16xf32, #tpu.memory_space<vmem_shared>> -> memref<640x16xf32, #tpu.memory_space<vmem_shared>>
        tpu.wait_dma2 semaphore(%run_scoped3A : memref<!tpu.dma_semaphore, #tpu.memory_space<semaphore_mem>>) src(%dma_wait3A_728 : memref<640x16xf32, #tpu.memory_space<vmem_shared>>) dst(%dma_wait3A_726 : memref<640x16xf32, #tpu.memory_space<hbm>>)
        tpu.yield
      }) : () -> ()
    } else {
    }
    return
  }
}

module attributes {stable_mosaic.version = 14 : i64} {
  func.func @_tc1_body(%arg0: i32, %arg1: memref<2048x96xbf16, #tpu.memory_space<vmem>>, %arg2: memref<2048x96xbf16, #tpu.memory_space<vmem>>, %arg3: memref<2048x96xbf16, #tpu.memory_space<vmem>>, %arg4: memref<2048x96xbf16, #tpu.memory_space<vmem>>, %arg5: memref<2048x128xf32, #tpu.memory_space<vmem>>, %arg6: memref<64x200xf32, #tpu.memory_space<vmem>>, %arg7: memref<64x200xf32, #tpu.memory_space<vmem>>, %arg8: memref<128x200xf32, #tpu.memory_space<vmem>>, %arg9: memref<1x200xf32, #tpu.memory_space<vmem>>, %arg10: memref<200x16xf32, #tpu.memory_space<vmem>>, %arg11: memref<200x2xf32, #tpu.memory_space<vmem>>, %arg12: memref<1x2xf32, #tpu.memory_space<vmem>>, %arg13: memref<2048x16xf32, #tpu.memory_space<vmem>>, %arg14: memref<2048x2xf32, #tpu.memory_space<vmem>>, %arg15: memref<2048x1xf32, #tpu.memory_space<vmem>>) attributes {dimension_semantics = [#tpu.dimension_semantics<arbitrary>], iteration_bounds = array<i64: 5>, scalar_prefetch = 0 : i64, scratch_operands = 0 : i64, tpu.core_type = #tpu.core_type<tc>, window_params = [{transform_indices = @transform_0, window_bounds = array<i64: 2048, 96>}, {transform_indices = @transform_1, window_bounds = array<i64: 2048, 96>}, {transform_indices = @transform_2, window_bounds = array<i64: 2048, 96>}, {transform_indices = @transform_3, window_bounds = array<i64: 2048, 96>}, {transform_indices = @transform_4, window_bounds = array<i64: 2048, 128>}, {pipeline_mode = #tpu.pipeline_mode<synchronous>, transform_indices = @transform_5, window_bounds = array<i64: 64, 200>}, {pipeline_mode = #tpu.pipeline_mode<synchronous>, transform_indices = @transform_6, window_bounds = array<i64: 64, 200>}, {pipeline_mode = #tpu.pipeline_mode<synchronous>, transform_indices = @transform_7, window_bounds = array<i64: 128, 200>}, {pipeline_mode = #tpu.pipeline_mode<synchronous>, transform_indices = @transform_8, window_bounds = array<i64: 1, 200>}, {pipeline_mode = #tpu.pipeline_mode<synchronous>, transform_indices = @transform_9, window_bounds = array<i64: 200, 16>}, {pipeline_mode = #tpu.pipeline_mode<synchronous>, transform_indices = @transform_10, window_bounds = array<i64: 200, 2>}, {pipeline_mode = #tpu.pipeline_mode<synchronous>, transform_indices = @transform_11, window_bounds = array<i64: 1, 2>}, {transform_indices = @transform_12, window_bounds = array<i64: 2048, 16>}, {transform_indices = @transform_13, window_bounds = array<i64: 2048, 2>}, {transform_indices = @transform_14, window_bounds = array<i64: 2048, 1>}]} {
    %get3A = arith.constant 0 : index
    %get3A_0 = arith.constant 0 : index
    %get3A_1 = vector.load %arg1[%get3A, %get3A_0] : memref<2048x96xbf16, #tpu.memory_space<vmem>>, vector<2048x96xbf16>
    %convert_element_type3A = arith.extf %get3A_1 : vector<2048x96xbf16> to vector<2048x96xf32>
    %get3A_2 = arith.constant 0 : index
    %get3A_3 = arith.constant 0 : index
    %get3A_4 = vector.load %arg2[%get3A_2, %get3A_3] : memref<2048x96xbf16, #tpu.memory_space<vmem>>, vector<2048x96xbf16>
    %convert_element_type3A_5 = arith.extf %get3A_4 : vector<2048x96xbf16> to vector<2048x96xf32>
    %add3A = arith.addf %convert_element_type3A, %convert_element_type3A_5 : vector<2048x96xf32>
    %get3A_6 = arith.constant 0 : index
    %get3A_7 = arith.constant 0 : index
    %get3A_8 = vector.load %arg3[%get3A_6, %get3A_7] : memref<2048x96xbf16, #tpu.memory_space<vmem>>, vector<2048x96xbf16>
    %convert_element_type3A_9 = arith.extf %get3A_8 : vector<2048x96xbf16> to vector<2048x96xf32>
    %get3A_10 = arith.constant 0 : index
    %get3A_11 = arith.constant 0 : index
    %get3A_12 = vector.load %arg4[%get3A_10, %get3A_11] : memref<2048x96xbf16, #tpu.memory_space<vmem>>, vector<2048x96xbf16>
    %convert_element_type3A_13 = arith.extf %get3A_12 : vector<2048x96xbf16> to vector<2048x96xf32>
    %add3A_14 = arith.addf %convert_element_type3A_9, %convert_element_type3A_13 : vector<2048x96xf32>
    %slice3A = vector.extract_strided_slice %add3A {offsets = [0, 64], sizes = [2048, 1], strides = [1, 1]} : vector<2048x96xf32> to vector<2048x1xf32>
    %max3A = arith.constant 1.000000e+00 : f32
    %max3A_15 = vector.broadcast %max3A : f32 to vector<2048x1xf32>
    %max3A_16 = arith.maximumf %slice3A, %max3A_15 : vector<2048x1xf32>
    %div3A = arith.constant 1.000000e+00 : f32
    %div3A_17 = vector.broadcast %div3A : f32 to vector<2048x1xf32>
    %div3A_18 = arith.divf %div3A_17, %max3A_16 : vector<2048x1xf32>
    %slice3A_19 = vector.extract_strided_slice %add3A {offsets = [0, 0], sizes = [2048, 64], strides = [1, 1]} : vector<2048x96xf32> to vector<2048x64xf32>
    %mul3A = vector.broadcast %div3A_18 : vector<2048x1xf32> to vector<2048x64xf32>
    %mul3A_20 = arith.mulf %slice3A_19, %mul3A : vector<2048x64xf32>
    %slice3A_21 = vector.extract_strided_slice %add3A_14 {offsets = [0, 0], sizes = [2048, 64], strides = [1, 1]} : vector<2048x96xf32> to vector<2048x64xf32>
    %mul3A_22 = vector.broadcast %div3A_18 : vector<2048x1xf32> to vector<2048x64xf32>
    %mul3A_23 = arith.mulf %slice3A_21, %mul3A_22 : vector<2048x64xf32>
    %get3A_24 = arith.constant 0 : index
    %get3A_25 = arith.constant 0 : index
    %get3A_26 = vector.load %arg6[%get3A_24, %get3A_25] : memref<64x200xf32, #tpu.memory_space<vmem>>, vector<64x200xf32>
    %dot_general3A = arith.constant dense<0.000000e+00> : vector<2048x200xf32>
    %dot_general3A_27 = tpu.matmul %mul3A_20, %get3A_26, %dot_general3A {dimension_numbers = #tpu.dot_dimension_numbers<[1], [0], [0], [1], [0, 0, 1, 1], [], []>, transpose_lhs_hint = false} : vector<2048x64xf32>, vector<64x200xf32>, vector<2048x200xf32> -> vector<2048x200xf32>
    %get3A_28 = arith.constant 0 : index
    %get3A_29 = arith.constant 0 : index
    %get3A_30 = vector.load %arg7[%get3A_28, %get3A_29] : memref<64x200xf32, #tpu.memory_space<vmem>>, vector<64x200xf32>
    %dot_general3A_31 = arith.constant dense<0.000000e+00> : vector<2048x200xf32>
    %dot_general3A_32 = tpu.matmul %mul3A_23, %get3A_30, %dot_general3A_31 {dimension_numbers = #tpu.dot_dimension_numbers<[1], [0], [0], [1], [0, 0, 1, 1], [], []>, transpose_lhs_hint = false} : vector<2048x64xf32>, vector<64x200xf32>, vector<2048x200xf32> -> vector<2048x200xf32>
    %add3A_33 = arith.addf %dot_general3A_27, %dot_general3A_32 : vector<2048x200xf32>
    %get3A_34 = arith.constant 0 : index
    %get3A_35 = arith.constant 0 : index
    %get3A_36 = vector.load %arg9[%get3A_34, %get3A_35] : memref<1x200xf32, #tpu.memory_space<vmem>>, vector<1x200xf32>
    %add3A_37 = vector.broadcast %get3A_36 : vector<1x200xf32> to vector<2048x200xf32>
    %add3A_38 = arith.addf %add3A_33, %add3A_37 : vector<2048x200xf32>
    %get3A_39 = arith.constant 0 : index
    %get3A_40 = arith.constant 0 : index
    %get3A_41 = vector.load %arg5[%get3A_39, %get3A_40] : memref<2048x128xf32, #tpu.memory_space<vmem>>, vector<2048x128xf32>
    %get3A_42 = arith.constant 0 : index
    %get3A_43 = arith.constant 0 : index
    %get3A_44 = vector.load %arg8[%get3A_42, %get3A_43] : memref<128x200xf32, #tpu.memory_space<vmem>>, vector<128x200xf32>
    %dot_general3A_45 = arith.constant dense<0.000000e+00> : vector<2048x200xf32>
    %dot_general3A_46 = tpu.matmul %get3A_41, %get3A_44, %dot_general3A_45 {dimension_numbers = #tpu.dot_dimension_numbers<[1], [0], [0], [1], [0, 0, 1, 1], [], []>, transpose_lhs_hint = false} : vector<2048x128xf32>, vector<128x200xf32>, vector<2048x200xf32> -> vector<2048x200xf32>
    %add3A_47 = arith.addf %add3A_38, %dot_general3A_46 : vector<2048x200xf32>
    %max3A_48 = arith.constant 0.000000e+00 : f32
    %max3A_49 = vector.broadcast %max3A_48 : f32 to vector<2048x200xf32>
    %max3A_50 = arith.maximumf %add3A_47, %max3A_49 : vector<2048x200xf32>
    %iota3A = tpu.iota {dimensions = array<i32: 0>} : vector<2048x1xi32>
    %mul3A_51 = arith.constant 2048 : i32
    %mul3A_52 = arith.muli %arg0, %mul3A_51 : i32
    %add3A_53 = vector.broadcast %mul3A_52 : i32 to vector<2048x1xi32>
    %add3A_54 = arith.addi %iota3A, %add3A_53 : vector<2048x1xi32>
    %get3A_55 = arith.constant 0 : index
    %get3A_56 = arith.constant 0 : index
    %get3A_57 = vector.load %arg10[%get3A_55, %get3A_56] : memref<200x16xf32, #tpu.memory_space<vmem>>, vector<200x16xf32>
    %dot_general3A_58 = arith.constant dense<0.000000e+00> : vector<2048x16xf32>
    %dot_general3A_59 = tpu.matmul %max3A_50, %get3A_57, %dot_general3A_58 {dimension_numbers = #tpu.dot_dimension_numbers<[1], [0], [0], [1], [0, 0, 1, 1], [], []>, transpose_lhs_hint = false} : vector<2048x200xf32>, vector<200x16xf32>, vector<2048x16xf32> -> vector<2048x16xf32>
    %lt3A = arith.constant 10000 : i32
    %lt3A_60 = vector.broadcast %lt3A : i32 to vector<2048x1xi32>
    %lt3A_61 = arith.cmpi slt, %add3A_54, %lt3A_60 : vector<2048x1xi32>
    %jit3A = arith.constant 0.000000e+00 : f32
    %broadcast_in_dim3A = vector.shape_cast %lt3A_61 : vector<2048x1xi1> to vector<2048x1xi1>
    %broadcast_in_dim3A_62 = vector.broadcast %broadcast_in_dim3A : vector<2048x1xi1> to vector<2048x16xi1>
    %broadcast_in_dim3A_63 = vector.broadcast %jit3A : f32 to vector<2048x16xf32>
    %select_n3A = arith.select %broadcast_in_dim3A_62, %dot_general3A_59, %broadcast_in_dim3A_63 : vector<2048x16xi1>, vector<2048x16xf32>
    %swap3A = arith.constant 0 : index
    %swap3A_64 = arith.constant 0 : index
    %swap3A_65 = vector.load %arg13[%swap3A, %swap3A_64] : memref<2048x16xf32, #tpu.memory_space<vmem>>, vector<2048x16xf32>
    tpu.vector_store %arg13[%swap3A, %swap3A_64], %select_n3A {strides = array<i32>} : memref<2048x16xf32, #tpu.memory_space<vmem>>, vector<2048x16xf32>,
    %get3A_66 = arith.constant 0 : index
    %get3A_67 = arith.constant 0 : index
    %get3A_68 = vector.load %arg11[%get3A_66, %get3A_67] : memref<200x2xf32, #tpu.memory_space<vmem>>, vector<200x2xf32>
    %dot_general3A_69 = arith.constant dense<0.000000e+00> : vector<2048x2xf32>
    %dot_general3A_70 = tpu.matmul %max3A_50, %get3A_68, %dot_general3A_69 {dimension_numbers = #tpu.dot_dimension_numbers<[1], [0], [0], [1], [0, 0, 1, 1], [], []>, transpose_lhs_hint = false} : vector<2048x200xf32>, vector<200x2xf32>, vector<2048x2xf32> -> vector<2048x2xf32>
    %get3A_71 = arith.constant 0 : index
    %get3A_72 = arith.constant 0 : index
    %get3A_73 = vector.load %arg12[%get3A_71, %get3A_72] : memref<1x2xf32, #tpu.memory_space<vmem>>, vector<1x2xf32>
    %add3A_74 = vector.broadcast %get3A_73 : vector<1x2xf32> to vector<2048x2xf32>
    %add3A_75 = arith.addf %dot_general3A_70, %add3A_74 : vector<2048x2xf32>
    %swap3A_76 = arith.constant 0 : index
    %swap3A_77 = arith.constant 0 : index
    %swap3A_78 = vector.load %arg14[%swap3A_76, %swap3A_77] : memref<2048x2xf32, #tpu.memory_space<vmem>>, vector<2048x2xf32>
    tpu.vector_store %arg14[%swap3A_76, %swap3A_77], %add3A_75 {strides = array<i32>} : memref<2048x2xf32, #tpu.memory_space<vmem>>, vector<2048x2xf32>,
    %swap3A_79 = arith.constant 0 : index
    %swap3A_80 = arith.constant 0 : index
    %swap3A_81 = vector.load %arg15[%swap3A_79, %swap3A_80] : memref<2048x1xf32, #tpu.memory_space<vmem>>, vector<2048x1xf32>
    tpu.vector_store %arg15[%swap3A_79, %swap3A_80], %div3A_18 {strides = array<i32>} : memref<2048x1xf32, #tpu.memory_space<vmem>>, vector<2048x1xf32>,
    return
  }
  func.func @transform_0(%arg0: i32) -> (i32, i32) {
    %c0_i32 = arith.constant 0 : i32
    %c0_i32_0 = arith.constant 0 : i32
    return %arg0, %c0_i32 : i32, i32
  }
  func.func @transform_1(%arg0: i32) -> (i32, i32) {
    %c0_i32 = arith.constant 0 : i32
    %c0_i32_0 = arith.constant 0 : i32
    return %arg0, %c0_i32 : i32, i32
  }
  func.func @transform_2(%arg0: i32) -> (i32, i32) {
    %c0_i32 = arith.constant 0 : i32
    %c0_i32_0 = arith.constant 0 : i32
    return %arg0, %c0_i32 : i32, i32
  }
  func.func @transform_3(%arg0: i32) -> (i32, i32) {
    %c0_i32 = arith.constant 0 : i32
    %c0_i32_0 = arith.constant 0 : i32
    return %arg0, %c0_i32 : i32, i32
  }
  func.func @transform_4(%arg0: i32) -> (i32, i32) {
    %c0_i32 = arith.constant 0 : i32
    %c0_i32_0 = arith.constant 0 : i32
    return %arg0, %c0_i32 : i32, i32
  }
  func.func @transform_5(%arg0: i32) -> (i32, i32) {
    %c0_i32 = arith.constant 0 : i32
    %c0_i32_0 = arith.constant 0 : i32
    %c0_i32_1 = arith.constant 0 : i32
    return %c0_i32, %c0_i32_0 : i32, i32
  }
  func.func @transform_6(%arg0: i32) -> (i32, i32) {
    %c0_i32 = arith.constant 0 : i32
    %c0_i32_0 = arith.constant 0 : i32
    %c0_i32_1 = arith.constant 0 : i32
    return %c0_i32, %c0_i32_0 : i32, i32
  }
  func.func @transform_7(%arg0: i32) -> (i32, i32) {
    %c0_i32 = arith.constant 0 : i32
    %c0_i32_0 = arith.constant 0 : i32
    %c0_i32_1 = arith.constant 0 : i32
    return %c0_i32, %c0_i32_0 : i32, i32
  }
  func.func @transform_8(%arg0: i32) -> (i32, i32) {
    %c0_i32 = arith.constant 0 : i32
    %c0_i32_0 = arith.constant 0 : i32
    %c0_i32_1 = arith.constant 0 : i32
    return %c0_i32, %c0_i32_0 : i32, i32
  }
  func.func @transform_9(%arg0: i32) -> (i32, i32) {
    %c0_i32 = arith.constant 0 : i32
    %c0_i32_0 = arith.constant 0 : i32
    %c0_i32_1 = arith.constant 0 : i32
    return %c0_i32, %c0_i32_0 : i32, i32
  }
  func.func @transform_10(%arg0: i32) -> (i32, i32) {
    %c0_i32 = arith.constant 0 : i32
    %c0_i32_0 = arith.constant 0 : i32
    %c0_i32_1 = arith.constant 0 : i32
    return %c0_i32, %c0_i32_0 : i32, i32
  }
  func.func @transform_11(%arg0: i32) -> (i32, i32) {
    %c0_i32 = arith.constant 0 : i32
    %c0_i32_0 = arith.constant 0 : i32
    %c0_i32_1 = arith.constant 0 : i32
    return %c0_i32, %c0_i32_0 : i32, i32
  }
  func.func @transform_12(%arg0: i32) -> (i32, i32) {
    %c0_i32 = arith.constant 0 : i32
    %c0_i32_0 = arith.constant 0 : i32
    return %arg0, %c0_i32 : i32, i32
  }
  func.func @transform_13(%arg0: i32) -> (i32, i32) {
    %c0_i32 = arith.constant 0 : i32
    %c0_i32_0 = arith.constant 0 : i32
    return %arg0, %c0_i32 : i32, i32
  }
  func.func @transform_14(%arg0: i32) -> (i32, i32) {
    %c0_i32 = arith.constant 0 : i32
    %c0_i32_0 = arith.constant 0 : i32
    return %arg0, %c0_i32 : i32, i32
  }
}

module attributes {stable_mosaic.version = 14 : i64} {
  func.func @_tc2_body(%arg0: i32, %arg1: memref<2048x16xf32, #tpu.memory_space<vmem>>, %arg2: memref<2048x16xf32, #tpu.memory_space<vmem>>, %arg3: memref<2048x1xf32, #tpu.memory_space<vmem>>, %arg4: memref<2048x2xf32, #tpu.memory_space<vmem>>, %arg5: memref<2048x2xf32, #tpu.memory_space<vmem>>) attributes {dimension_semantics = [#tpu.dimension_semantics<arbitrary>], iteration_bounds = array<i64: 5>, scalar_prefetch = 0 : i64, scratch_operands = 0 : i64, tpu.core_type = #tpu.core_type<tc>, window_params = [{transform_indices = @transform_0, window_bounds = array<i64: 2048, 16>}, {transform_indices = @transform_1, window_bounds = array<i64: 2048, 16>}, {transform_indices = @transform_2, window_bounds = array<i64: 2048, 1>}, {transform_indices = @transform_3, window_bounds = array<i64: 2048, 2>}, {transform_indices = @transform_4, window_bounds = array<i64: 2048, 2>}]} {
    %get3A = arith.constant 0 : index
    %get3A_0 = arith.constant 0 : index
    %get3A_1 = vector.load %arg1[%get3A, %get3A_0] : memref<2048x16xf32, #tpu.memory_space<vmem>>, vector<2048x2xf32>
    %get3A_2 = arith.constant 0 : index
    %get3A_3 = arith.constant 0 : index
    %get3A_4 = vector.load %arg2[%get3A_2, %get3A_3] : memref<2048x16xf32, #tpu.memory_space<vmem>>, vector<2048x2xf32>
    %add3A = arith.addf %get3A_1, %get3A_4 : vector<2048x2xf32>
    %get3A_5 = arith.constant 0 : index
    %get3A_6 = arith.constant 0 : index
    %get3A_7 = vector.load %arg3[%get3A_5, %get3A_6] : memref<2048x1xf32, #tpu.memory_space<vmem>>, vector<2048x1xf32>
    %mul3A = vector.broadcast %get3A_7 : vector<2048x1xf32> to vector<2048x2xf32>
    %mul3A_8 = arith.mulf %add3A, %mul3A : vector<2048x2xf32>
    %get3A_9 = arith.constant 0 : index
    %get3A_10 = arith.constant 0 : index
    %get3A_11 = vector.load %arg4[%get3A_9, %get3A_10] : memref<2048x2xf32, #tpu.memory_space<vmem>>, vector<2048x2xf32>
    %add3A_12 = arith.addf %mul3A_8, %get3A_11 : vector<2048x2xf32>
    %max3A = arith.constant 0.000000e+00 : f32
    %max3A_13 = vector.broadcast %max3A : f32 to vector<2048x2xf32>
    %max3A_14 = arith.maximumf %add3A_12, %max3A_13 : vector<2048x2xf32>
    %swap3A = arith.constant 0 : index
    %swap3A_15 = arith.constant 0 : index
    %swap3A_16 = vector.load %arg5[%swap3A, %swap3A_15] : memref<2048x2xf32, #tpu.memory_space<vmem>>, vector<2048x2xf32>
    tpu.vector_store %arg5[%swap3A, %swap3A_15], %max3A_14 {strides = array<i32>} : memref<2048x2xf32, #tpu.memory_space<vmem>>, vector<2048x2xf32>,
    return
  }
  func.func @transform_0(%arg0: i32) -> (i32, i32) {
    %c0_i32 = arith.constant 0 : i32
    %c0_i32_0 = arith.constant 0 : i32
    return %arg0, %c0_i32 : i32, i32
  }
  func.func @transform_1(%arg0: i32) -> (i32, i32) {
    %c0_i32 = arith.constant 0 : i32
    %c0_i32_0 = arith.constant 0 : i32
    return %arg0, %c0_i32 : i32, i32
  }
  func.func @transform_2(%arg0: i32) -> (i32, i32) {
    %c0_i32 = arith.constant 0 : i32
    %c0_i32_0 = arith.constant 0 : i32
    return %arg0, %c0_i32 : i32, i32
  }
  func.func @transform_3(%arg0: i32) -> (i32, i32) {
    %c0_i32 = arith.constant 0 : i32
    %c0_i32_0 = arith.constant 0 : i32
    return %arg0, %c0_i32 : i32, i32
  }
  func.func @transform_4(%arg0: i32) -> (i32, i32) {
    %c0_i32 = arith.constant 0 : i32
    %c0_i32_0 = arith.constant 0 : i32
    return %arg0, %c0_i32 : i32, i32
  }
}

</mosaic_0001>

<sc_bundles>
// kernel: kernel.6.cloned.1.call-start
scs
__scs_entry_jumppad:
0x0: {  	(pc) =	sbr.rel $0x88, $3  }
0x1: {  	(tag) =	ssettag $0x0;
	lr =	simm.s32 $0x1  }
0x2: {  	[smem:$0x3F99] =	sst lr;
	_ =	strace $0xD0000000  }
0x3: {  	_ = 	snop  }
0x4: {  	_ = 	snop  }
0x5: {  	_ = 	snop  }
0x6: {  	_ = 	snop  }
0x7: {  	_ = 	snop  }
__scs_overlays_trampoline_lowered:
0x8: {  	[smem:$0x3FA8] =	sst s0  }
0x9: {  	[smem:$0x3FA9] =	sst s1  }
0xa: {  	[smem:$0x3FAA] =	sst s2  }
0xb: {  	[smem:$0x3FAB] =	sst s3  }
0xc: {  	[smem:$0x3FAC] =	sst s4  }
0xd: {  	[smem:$0x3FAD] =	sst s5  }
0xe: {  	[smem:$0x3FAE] =	sst s6  }
0xf: {  	[smem:$0x3FAF] =	sst s7  }
0x10: {  	[smem:$0x3FB0] =	sst s8  }
0x11: {  	[smem:$0x3FB1] =	sst s9;
	s0 =	simm.s32 @!p0 $0x0  }
0x12: {  	s1 =	sld [smem:$0x3F97];
	s0 =	simm.s32 @p0 $0x1  }
0x13: {  	[smem:$0x3FB2] =	sst s0;
	s0 =	simm.s32 @!p1 $0x0  }
0x14: {  	s2 =	sld [smem:$0x3F96];
	s0 =	simm.s32 @p1 $0x1  }
0x15: {  	[smem:$0x3FB3] =	sst s0;
	s0 =	simm.s32 @!p2 $0x0  }
0x16: {  	s3 =	sld [smem:$0x3FDB];
	s0 =	simm.s32 @p2 $0x1  }
0x17: {  	s4 =	simm.s32 $0x1BF5;
	[smem:$0x3FB5] =	sst s0  }
0x18: {  	s0 =	sld [smem:$0x3F98];
	_ =	swait.ge [sflag:s4], $0x0  }
0x19: {  	s7 =	sld [smem:$0x3F99]  }
0x1a: {  	s8 =	sadd.s32 $0xFFFFE003, lr  }
0x1b: {  	s9 =	sadd.s32 $0xFFFFFEF7, lr;
	s5 =	simm.s32 $0xFFFFFFFF;
	p2 =	slt.u32 s8, $0xFFFFF086  }
0x1c: {  	p1 =	slt.u32 s9, $0xF7A;
	s5 =	simm.s32 @!p2 $0x0  }
0x1d: {  	s5 =	simm.s32 @p1 $0x1;
	p0 =	seq.s32 s7, s2  }
0x1e: {  	s7 =	smul.u32 @!p0 $0xF7A, s2;
	p2 =	seq.s32 @!p0 s5, $0x0  }
0x1f: {  	s9 =	smul.u32 $0xF7A, s1;
	s8 =	simm.s32 @!p0 $0x1BF5;
	p2 =	por !p2, p0  }
0x20: {  	[sflag:s8] =	ssyncset.s32 @!p0 $0xFFFFF086;
	s6 =	sadd.s32 @!p0 s3, s7;
	s7 =	simm.s32 @!p0 $0x108  }
0x21: {  	s3 =	sadd.s32 s3, s9;
	s6 =	sadd.s32 @!p0 $0x88, s6;
	s7 =	simm.s32 @p2 $0x1082  }
0x22: {  	[simem:s7], [sflag:s8] =	dma.local @!p0 [hbm:s6], $0xF7A  }
0x23: {  	s9 =	sor.u32 $0xD0000000, s2;
	s6 =	simm.s32 $0x108;
	_ =	swait.ge @!p0 [sflag:s8], $0x0  }
0x24: {  	s3 =	sadd.s32 $0x88, s3;
	s6 =	simm.s32 @!p1 $0x1082;
	[sflag:s4] =	ssyncset.s32 $0xFFFFF086  }
0x25: {  	[simem:s6], [sflag:s4] =	dma.local [hbm:s3], $0xF7A  }
0x26: {  	[smem:$0x3F99] =	sst s1;
	(tag) =	ssettag s2;
	_ =	strace s9  }
0x27: {  	s1 =	sld [smem:$0x3FA9]  }
0x28: {  	s2 =	sld [smem:$0x3FAA]  }
0x29: {  	s4 =	sld [smem:$0x3FAC]  }
0x2a: {  	p0 =	seq.s32 s5, $0x0;
	s5 =	sld [smem:$0x3FAD]  }
0x2b: {  	s6 =	sld [smem:$0x3FAE]  }
0x2c: {  	s7 =	sld [smem:$0x3FAF]  }
0x2d: {  	s3 =	simm.s32 $0x108;
	s8 =	sld [smem:$0x3FB0]  }
0x2e: {  	s3 =	simm.s32 @!p0 $0x1082;
	s9 =	sld [smem:$0x3FB1]  }
0x2f: {  	lr =	sadd.s32 s0, s3;
	s0 =	sld [smem:$0x3FA8]  }
0x30: {  	s3 =	sld [smem:$0x3FAB]  }
0x31: {  	[smem:$0x3FB4] =	sst s10  }
0x32: {  	s10 =	sld [smem:$0x3FB2];
	_ =	sdelay $0x3  }
0x33: {  	p0 =	seq.s32 s10, $0x1;
	s10 =	sld [smem:$0x3FB4];
	_ =	sdelay $0x3  }
0x34: {  	[smem:$0x3FB4] =	sst s10  }
0x35: {  	s10 =	sld [smem:$0x3FB3];
	_ =	sdelay $0x3  }
0x36: {  	p1 =	seq.s32 s10, $0x1;
	s10 =	sld [smem:$0x3FB4];
	_ =	sdelay $0x3  }
0x37: {  	[smem:$0x3FB4] =	sst s10  }
0x38: {  	s10 =	sld [smem:$0x3FB5]  }
0x39: {  	_ = 	snop;
	(pc) =	sbr.ind lr, $3  }
0x3a: {  	_ = 	snop  }
0x3b: {  	_ = 	snop  }
0x3c: {  	p2 =	seq.s32 s10, $0x1;
	s10 =	sld [smem:$0x3FB4]  }
0x3d: {  	_ =	shalt  }
0x3e: {  	_ =	shalt  }
0x3f: {  	_ =	shalt  }
0x40: {  	_ =	shalt  }
0x41: {  	_ =	shalt  }
0x42: {  	_ =	shalt  }
0x43: {  	_ =	shalt  }
0x44: {  	_ =	shalt  }
0x45: {  	_ =	shalt  }
0x46: {  	_ =	shalt  }
0x47: {  	_ =	shalt  }
0x48: {  	_ =	shalt  }
0x49: {  	_ =	shalt  }
0x4a: {  	_ =	shalt  }
0x4b: {  	_ =	shalt  }
0x4c: {  	_ =	shalt  }
0x4d: {  	_ =	shalt  }
0x4e: {  	_ =	shalt  }
0x4f: {  	_ =	shalt  }
0x50: {  	_ =	shalt  }
0x51: {  	_ =	shalt  }
0x52: {  	_ =	shalt  }
0x53: {  	_ =	shalt  }
0x54: {  	_ =	shalt  }
0x55: {  	_ =	shalt  }
0x56: {  	_ =	shalt  }
0x57: {  	_ =	shalt  }
0x58: {  	_ =	shalt  }
0x59: {  	_ =	shalt  }
0x5a: {  	_ =	shalt  }
0x5b: {  	_ =	shalt  }
0x5c: {  	_ =	shalt  }
0x5d: {  	_ =	shalt  }
0x5e: {  	_ =	shalt  }
0x5f: {  	_ =	shalt  }
0x60: {  	_ =	shalt  }
0x61: {  	_ =	shalt  }
0x62: {  	_ =	shalt  }
0x63: {  	_ =	shalt  }
0x64: {  	_ =	shalt  }
0x65: {  	_ =	shalt  }
0x66: {  	_ =	shalt  }
0x67: {  	_ =	shalt  }
0x68: {  	_ =	shalt  }
0x69: {  	_ =	shalt  }
0x6a: {  	_ =	shalt  }
0x6b: {  	_ =	shalt  }
0x6c: {  	_ =	shalt  }
0x6d: {  	_ =	shalt  }
0x6e: {  	_ =	shalt  }
0x6f: {  	_ =	shalt  }
0x70: {  	_ =	shalt  }
0x71: {  	_ =	shalt  }
0x72: {  	_ =	shalt  }
0x73: {  	_ =	shalt  }
0x74: {  	_ =	shalt  }
0x75: {  	_ =	shalt  }
0x76: {  	_ =	shalt  }
0x77: {  	_ =	shalt  }
0x78: {  	_ =	shalt  }
0x79: {  	_ =	shalt  }
0x7a: {  	_ =	shalt  }
0x7b: {  	_ =	shalt  }
0x7c: {  	_ =	shalt  }
0x7d: {  	_ =	shalt  }
0x7e: {  	_ =	shalt  }
0x7f: {  	_ =	shalt  }
0x80: {  	_ =	shalt  }
0x81: {  	_ =	shalt  }
0x82: {  	_ =	shalt  }
0x83: {  	_ =	shalt  }
0x84: {  	_ =	shalt  }
0x85: {  	_ =	shalt  }
0x86: {  	_ =	shalt  }
0x87: {  	_ =	shalt  }
.Lfunc_end0:
.L_simem_size_0:
called_computation_lowered:
.L_overlay_start_0:
0x88: {  	s2 =	sld [smem:$0x3FD9]  }
0x89: {  	s3 =	sld [smem:$0x3FFE];
	_ =	sdelay $0x1  }
0x8a: {  	s1 =	srdreg.scid  }
0x8b: {  	s0 =	sand.u32 $0x1, s1  }
0x8c: {  	s17 =	sshll.u32 s0, $0xA;
	s2 =	sadd.s32 s3, s2  }
0x8d: {  	s2 =	sadd.s32 s2, s17  }
0x8e: {  	[smem:$0x3FC0] =	sst s2  }
0x8f: {  	_ = 	snop  }
0x90: {  	s2 =	sld [smem:$0x3FD0];
	(tm) =	ssettm $0x1  }
0x91: {  	s18 =	sld [smem:$0x3FFB];
	_ =	sdelay $0x3  }
0x92: {  	_ =	strace s18  }
0x93: {  	s3 =	sld [smem:$0x3FFC];
	_ =	sdelay $0x3  }
0x94: {  	_ =	strace s3  }
0x95: {  	s3 =	sld [smem:$0x3FFD];
	_ =	sdelay $0x3  }
0x96: {  	_ =	strace s3  }
0x97: {  	_ =	strace $0x8FFFFFFF  }
0x98: {  	s19 =	sld [smem:$0x3FDB];
	_ =	sdelay $0x1  }
0x99: {  	s4 =	simm.s32 $_scs_section_size  }
0x9a: {  	s5 =	simm.s32 $_size__tile_overlayer_lowered;
	s6 =	simm.s32 $_tile_overlayer_lowered  }
0x9b: {  	s22 =	simm.s32 $0x1BFF;
	s21 =	sshll.u32 s6, $0x1;
	s3 =	sadd.s32 s4, s19  }
0x9c: {  	s7 =	simm.s32 $0x0;
	s20 =	sshll.u32 s5, $0x1;
	s5 =	sadd.s32 s21, s3  }
0x9d: {  	[timem:s7], [sflag:s22] =	dma.local [hbm:s5], s20  }
0x9e: {  	_ =	swait.ge [sflag:s22], s20  }
0x9f: {  	s4 =	ssub.s32 $0x0, s20;
	[sflag:s22] =	ssyncset.done $0x0  }
0xa0: {  	[sflag:s22] =	ssyncadd.s32 s4;
	_ =	sdelay $0x1  }
0xa1: {  	s23 =	simm.s32 $0x1B8B  }
0xa2: {  	_ =	swait.ge [sflag:s23], $0x1  }
0xa3: {  	[sflag:s23] =	ssyncset.done $0x0  }
0xa4: {  	s25 =	simm.s32 $0x1B8E;
	s24 =	sld [smem:$0x3FFE];
	[sflag:s23] =	ssyncadd.s32 $0xFFFFFFFF  }
0xa5: {  	s26 =	simm.s32 $execute0_lowered;
	[smem:$0x3FD2] =	sst s25  }
0xa6: {  	s5 =	sshll.u32 s26, $0x1;
	_ =	strace $0x80000046;
	[dreg:$0x1] =	wrdreg $0xFFFFFFFF  }
0xa7: {  	s28 =	simm.s32 $_size_execute0_lowered;
	s3 =	sadd.s32 s3, s5;
	[dreg:$0x0] =	wrdreg $0x0  }
0xa8: {  	s5 =	sshll.u32 s28, $0x1;
	[dreg:$0x2] =	wrdreg s3  }
0xa9: {  	[dreg:$0x3] =	wrdreg s5  }
0xaa: {  	[dreg:$0x4] =	wrdreg $0xC0  }
0xab: {  	_ =	task [dreg:s7], $0x5FFFF  }
0xac: {  	[dreg:$0x1] =	wrdreg $0xFFFFFFFF  }
0xad: {  	[dreg:$0x0] =	wrdreg $0x60  }
0xae: {  	[dreg:$0x2] =	wrdreg s24  }
0xaf: {  	[dreg:$0x3] =	wrdreg s2  }
0xb0: {  	[dreg:$0x4] =	wrdreg $0x7D000  }
0xb1: {  	[dreg:$0x5] =	wrdreg $0xF5000  }
0xb2: {  	[dreg:$0x6] =	wrdreg $0x9  }
0xb3: {  	_ =	task.clear_ibuf [dreg:s7], $0x7FFFF;
	_ =	strace $0x90000046  }
0xb4: {  	s29 =	simm.s32 $0x9;
	_ =	strace $0x80000048  }
0xb5: {  	_ =	swait.ge [sflag:s29], $0x1  }
0xb6: {  	[sflag:s29] =	ssyncadd.s32 $0xFFFFFFFF  }
0xb7: {  	_ =	strace $0x90000048  }
0xb8: {  	_ =	sfence  }
0xb9: {  	s30 =	sld [smem:$0x0];
	_ =	sdelay $0x2  }
0xba: {  	s31 =	sshll.u32 s1, $0xD;
	s1 =	sshrl.u32 s1, $0x2  }
0xbb: {  	s3 =	sand.u32 $0x4000, s31;
	s1 =	sadd.s32 s1, s30  }
0xbc: {  	s0 =	sor.u32 s3, s0;
	s1 =	sshll.u32 s1, $0x11  }
0xbd: {  	s0 =	sor.u32 s1, s0  }
0xbe: {  	s0 =	sadd.s32 $0x8F2B, s0  }
0xbf: {  	[sflag:s0] =	ssyncadd.remote.s32 $0x1  }
0xc0: {  	_ =	sfence.sel $0xFFFF  }
0xc1: {  	[dreg:$0x0] =	wrdreg $0xFFFFFFFF;
	(pc) =	sbr.abs _section_cstart, $3  }
0xc2: {  	[dreg:$0x1] =	wrdreg $0xFFFFFFFF  }
0xc3: {  	_ =	task.clear_ibuf [dreg:s7], $0x2FFFF;
	_ =	strace $0x9FFFFFFF  }
0xc4: {  	(tm) =	ssettm $0x7FFFFFFF  }
0xc5: {  	_ =	shalt  }
tec
execute0_lowered:
.L_overlay_start_1:
0x0: {  	(tag) =	ssettag $0x1  }
0x1: {  	s0 =	rddreg [dreg:$0x0]  }
0x2: {  	s2 =	rddreg [dreg:$0x2]  }
0x3: {  	s15 =	rddreg [dreg:$0x3]  }
0x4: {  	s1 =	srdreg.scid;
	s4 =	simm.s32 $0x0;
	s14 =	stileid.u32  }
0x5: {  	s29 =	simm.s32 $0x9;
	s31 =	simm.s32 $0xC;
	s7 =	smul.u32 $0xA000, s14  }
0x6: {  	s30 =	simm.s32 $0xF;
	s1 =	sand.u32 $0x1, s1;
	s11 =	smul.u32 $0x1400, s14  }
0x7: {  	[smem:$0x7FF] =	sst s4;
	s6 =	sadd.s32 $0x2400, s0;
	s26 =	smul.u32 $0xF000, s14  }
0x8: {  	s5 =	sadd.s32 $0x75400, s0;
	s8 =	sadd.s32 $0x66400, s0;
	s17 =	smul.u32 $0x1E000, s14  }
0x9: {  	s9 =	sadd.s32 $0x57400, s0;
	s14 =	simm.s32 $0x6;
	s3 =	smul.u32 $0x14000, s1  }
0xa: {  	_ =	strace $0x80000047;
	s10 =	ssub.s32 $0x2, s1;
	p0 =	seq.s32 s1, $0x1  }
0xb: {  	s12 =	sshrl.u32 s10, $0x1;
	s13 =	sshrl.u32 s7, $0x3;
	s16 =	sshrl.u32 s26, $0x1  }
0xc: {  	s18 =	sshrl.u32 s26, $0x4;
	s20 =	sshrl.u32 s17, $0x2;
	s5 =	smov.u32 @p0 s9  }
0xd: {  	s3 =	sadd.s32 s3, s0;
	s10 =	ssub.s32 s10, s12;
	s12 =	sadd.s32 s20, s2  }
0xe: {  	s0 =	sadd.s32 $0x48400, s0;
	s5 =	sadd.s32 s5, s18;
	[dreg:$0x9] =	wrdreg s12  }
0xf: {  	s21 =	sadd.s32 $0x1800, s20;
	s10 =	smax.u32 s10, $0x1;
	[dreg:$0xd] =	wrdreg s5  }
0x10: {  	s22 =	sadd.s32 $0x3000, s20;
	s23 =	sadd.s32 s21, s2;
	[dreg:$0x8] =	wrdreg s10  }
0x11: {  	s25 =	sadd.s32 $0x4800, s20;
	s24 =	sadd.s32 s22, s2;
	[dreg:$0xa] =	wrdreg s23  }
0x12: {  	s19 =	sadd.s32 s16, s2;
	s26 =	sadd.s32 s25, s2;
	[dreg:$0xb] =	wrdreg s24  }
0x13: {  	s3 =	sadd.s32 $0x20400, s3;
	s17 =	sadd.s32 s22, s15;
	[dreg:$0xc] =	wrdreg s26  }
0x14: {  	s8 =	smov.u32 @p0 s0;
	s19 =	sshrl.u32 s19, $0x3;
	[dreg:$0x12] =	wrdreg s17  }
0x15: {  	s12 =	simm.s32 $0x2;
	s1 =	sadd.s32 s8, s18;
	[dreg:$0x15] =	wrdreg s19  }
0x16: {  	s28 =	sadd.s32 s11, s3;
	s10 =	sadd.s32 s20, s15;
	[dreg:$0xe] =	wrdreg s1  }
0x17: {  	s3 =	sadd.s32 s3, s13;
	s18 =	sadd.s32 s25, s15;
	[dreg:$0x10] =	wrdreg s10  }
0x18: {  	s11 =	simm.s32 $0x80;
	s7 =	sadd.s32 $0x20, s28;
	[dreg:$0x13] =	wrdreg s18  }
0x19: {  	s19 =	simm.s32 $0xD;
	s13 =	sadd.s32 $0x13C0, s3;
	[dreg:$0x5] =	wrdreg s7  }
0x1a: {  	s3 =	sadd.s32 $0x13E0, s3;
	s22 =	sadd.s32 $0x60, s28;
	[dreg:$0x6] =	wrdreg s13  }
0x1b: {  	s23 =	sadd.s32 $0x80, s28;
	s24 =	sadd.s32 $0xA0, s28;
	[dreg:$0x7] =	wrdreg s3  }
0x1c: {  	s25 =	sadd.s32 $0xC0, s28;
	s26 =	sadd.s32 $0xE0, s28;
	[dreg:$0x18] =	wrdreg s22  }
0x1d: {  	s10 =	simm.s32 $0x1;
	s18 =	simm.s32 $0x7;
	[dreg:$0x19] =	wrdreg s23  }
0x1e: {  	s3 =	sadd.s32 s16, s15;
	s7 =	sadd.s32 $0x6000, s20;
	[dreg:$0x1a] =	wrdreg s24  }
0x1f: {  	s16 =	sadd.s32 s21, s15;
	s21 =	sadd.s32 $0x40, s28;
	[dreg:$0x1b] =	wrdreg s25  }
0x20: {  	[dreg:$0x1c] =	wrdreg s26;
	s23 =	simm.s32 $0x8;
	s25 =	simm.s32 $0xB  }
0x21: {  	s26 =	simm.s32 $0x5;
	s24 =	simm.s32 $0xE;
	[dreg:$0x11] =	wrdreg s16  }
0x22: {  	s9 =	sadd.s32 s7, s2;
	s0 =	sadd.s32 s7, s15;
	[dreg:$0x17] =	wrdreg s21  }
0x23: {  	s20 =	sshrl.u32 s3, $0x3;
	s16 =	simm.s32 $0x3;
	[dreg:$0xf] =	wrdreg s9  }
0x24: {  	s21 =	simm.s32 $0x4;
	s3 =	simm.s32 $0x0;
	[dreg:$0x14] =	wrdreg s0  }
0x25: {  	[dreg:$0x16] =	wrdreg s20;
	s9 =	simm.s32 $0x10;
	s0 =	simm.s32 $0xA  }
.LBB2_1:
0x26: {  	[dreg:$0x1d] =	wrdreg s3  }
0x27: {  	[tilespmem:s4], [sflag:$0x1] =	stream.linear.gather [hbm4b:s28+s4], $0x100, $0x38;
	[tilespmem:$0x16D00] =	vst v63  }
0x28: {  	s8 =	rddreg [dreg:$0x5];
	s1 =	simm.s32 $0x100  }
0x29: {  	[tilespmem:s1], [sflag:$0x2] =	stream.linear.gather [hbm4b:s8+s4], $0x100, $0x38;
	[tilespmem:$0x16D00] =	vst v63  }
0x2a: {  	s13 =	rddreg [dreg:$0x17];
	s5 =	simm.s32 $0x200  }
0x2b: {  	[tilespmem:s5], [sflag:$0x3] =	stream.linear.gather [hbm4b:s13+s4], $0x100, $0x38;
	[tilespmem:$0x16D00] =	vst v63  }
0x2c: {  	s15 =	rddreg [dreg:$0x1];
	s13 =	simm.s32 $0x500  }
0x2d: {  	[tilespmem:s13], [sflag:$0x10] =	stream.linear.gather [hbm4b:s15+s4], $0x1800, $0x38;
	[tilespmem:$0x16D00] =	vst v63  }
0x2e: {  	_ =	swait.ge [sflag:s9], $0x1800  }
0x2f: {  	[sflag:s9] =	ssyncset.done $0x0  }
0x30: {  	s17 =	rddreg [dreg:$0x9];
	[sflag:s9] =	ssyncadd.s32 $0xFFFFE800  }
0x31: {  	[spmem:s17] =	stream.linear.scatter [tilespmem:s13], [sflag:$0x10], $0x1800, $0x38;
	[tilespmem:$0x16D00] =	vst v63  }
0x32: {  	_ =	swait.ge [sflag:s9], $0x1800  }
0x33: {  	[sflag:s9] =	ssyncset.done $0x0  }
0x34: {  	s20 =	rddreg [dreg:$0xa];
	[sflag:s9] =	ssyncadd.s32 $0xFFFFE800  }
0x35: {  	[spmem:s20] =	stream.linear.scatter [tilespmem:s13], [sflag:$0x10], $0x1800, $0x38;
	[tilespmem:$0x16D00] =	vst v63  }
0x36: {  	_ =	swait.ge [sflag:s9], $0x1800  }
0x37: {  	[sflag:s9] =	ssyncset.done $0x0  }
0x38: {  	s22 =	rddreg [dreg:$0xb];
	[sflag:s9] =	ssyncadd.s32 $0xFFFFE800  }
0x39: {  	[spmem:s22] =	stream.linear.scatter [tilespmem:s13], [sflag:$0x10], $0x1800, $0x38;
	[tilespmem:$0x16D00] =	vst v63  }
0x3a: {  	_ =	swait.ge [sflag:s9], $0x1800  }
0x3b: {  	[sflag:s9] =	ssyncset.done $0x0  }
0x3c: {  	s7 =	rddreg [dreg:$0xc];
	[sflag:s9] =	ssyncadd.s32 $0xFFFFE800  }
0x3d: {  	[spmem:s7] =	stream.linear.scatter [tilespmem:s13], [sflag:$0x10], $0x1800, $0x38;
	[tilespmem:$0x16D00] =	vst v63  }
0x3e: {  	_ =	swait.ge [sflag:s9], $0x1800  }
0x3f: {  	[sflag:s9] =	ssyncset.done $0x0  }
0x40: {  	s8 =	rddreg [dreg:$0xf];
	[sflag:s9] =	ssyncadd.s32 $0xFFFFE800  }
0x41: {  	[spmem:s8] =	stream.linear.scatter [tilespmem:s13], [sflag:$0x10], $0x1800, $0x38;
	[tilespmem:$0x16D00] =	vst v63  }
0x42: {  	_ =	swait.ge [sflag:s9], $0x1800  }
0x43: {  	[sflag:s9] =	ssyncset.done $0x0  }
0x44: {  	s15 =	rddreg [dreg:$0x10];
	[sflag:s9] =	ssyncadd.s32 $0xFFFFE800  }
0x45: {  	[spmem:s15] =	stream.linear.scatter [tilespmem:s13], [sflag:$0x10], $0x1800, $0x38;
	[tilespmem:$0x16D00] =	vst v63  }
0x46: {  	_ =	swait.ge [sflag:s9], $0x1800  }
0x47: {  	[sflag:s9] =	ssyncset.done $0x0  }
0x48: {  	s17 =	rddreg [dreg:$0x11];
	[sflag:s9] =	ssyncadd.s32 $0xFFFFE800  }
0x49: {  	[spmem:s17] =	stream.linear.scatter [tilespmem:s13], [sflag:$0x10], $0x1800, $0x38;
	[tilespmem:$0x16D00] =	vst v63  }
0x4a: {  	_ =	swait.ge [sflag:s9], $0x1800  }
0x4b: {  	[sflag:s9] =	ssyncset.done $0x0  }
0x4c: {  	s20 =	rddreg [dreg:$0x12];
	[sflag:s9] =	ssyncadd.s32 $0xFFFFE800  }
0x4d: {  	[spmem:s20] =	stream.linear.scatter [tilespmem:s13], [sflag:$0x10], $0x1800, $0x38;
	[tilespmem:$0x16D00] =	vst v63  }
0x4e: {  	_ =	swait.ge [sflag:s9], $0x1800  }
0x4f: {  	[sflag:s9] =	ssyncset.done $0x0  }
0x50: {  	s22 =	rddreg [dreg:$0x13];
	[sflag:s9] =	ssyncadd.s32 $0xFFFFE800  }
0x51: {  	[spmem:s22] =	stream.linear.scatter [tilespmem:s13], [sflag:$0x10], $0x1800, $0x38;
	[tilespmem:$0x16D00] =	vst v63  }
0x52: {  	_ =	swait.ge [sflag:s9], $0x1800  }
0x53: {  	[sflag:s9] =	ssyncset.done $0x0  }
0x54: {  	s7 =	rddreg [dreg:$0x14];
	[sflag:s9] =	ssyncadd.s32 $0xFFFFE800  }
0x55: {  	[spmem:s7] =	stream.linear.scatter [tilespmem:s13], [sflag:$0x10], $0x1800, $0x38;
	[tilespmem:$0x16D00] =	vst v63  }
0x56: {  	_ =	swait.ge [sflag:s9], $0x1800  }
0x57: {  	[sflag:s9] =	ssyncset.done $0x0  }
0x58: {  	[sflag:s9] =	ssyncadd.s32 $0xFFFFE800  }
0x59: {  	_ =	swait.ge [sflag:s10], $0x100  }
0x5a: {  	[sflag:s10] =	ssyncset.done $0x0  }
0x5b: {  	[sflag:s10] =	ssyncadd.s32 $0xFFFFFF00  }
0x5c: {  	[tilespmem:s13], [sflag:$0x6] =	stream.indirect.gather [hbm4b:s6+s11], $0x30, s4, s11, $0xb8;
	[tilespmem:$0x16D00] =	vst v63  }
0x5d: {  	_ =	swait.ge [sflag:s12], $0x100  }
0x5e: {  	[sflag:s12] =	ssyncset.done $0x0  }
0x5f: {  	s1 =	simm.s32 $0x100;
	s15 =	simm.s32 $0x1D00;
	[sflag:s12] =	ssyncadd.s32 $0xFFFFFF00  }
0x60: {  	[tilespmem:s15], [sflag:$0x7] =	stream.indirect.gather [hbm4b:s6+s11], $0x30, s1, s11, $0xb8;
	[tilespmem:$0x16D00] =	vst v63  }
0x61: {  	[bflag:$0x0] =	sbarrier.arrive $0xFFFF  }
0x62: {  	_ =	swait.ge [sflag:s14], $0x1800  }
0x63: {  	[sflag:s14] =	ssyncset.done $0x0  }
0x64: {  	[sflag:s14] =	ssyncadd.s32 $0xFFFFE800  }
0x65: {  	[spmem:s2] =	stream.indirect.scatter.add.bf16 [tilespmem:s13], [sflag:$0xB], $0x30, s11, s11, $0xb8;
	[tilespmem:$0x16D00] =	vst v63  }
0x66: {  	s17 =	simm.s32 $0x300;
	s8 =	rddreg [dreg:$0x18]  }
0x67: {  	[tilespmem:s17], [sflag:$0x4] =	stream.linear.gather [hbm4b:s8+s4], $0x100, $0x38;
	[tilespmem:$0x16D00] =	vst v63  }
0x68: {  	_ =	swait.ge [sflag:s16], $0x100  }
0x69: {  	[sflag:s16] =	ssyncset.done $0x0  }
0x6a: {  	s5 =	simm.s32 $0x200;
	s20 =	simm.s32 $0x3500;
	[sflag:s16] =	ssyncadd.s32 $0xFFFFFF00  }
0x6b: {  	[tilespmem:s20], [sflag:$0x8] =	stream.indirect.gather [hbm4b:s6+s11], $0x30, s5, s11, $0xb8;
	[tilespmem:$0x16D00] =	vst v63  }
0x6c: {  	_ =	swait.ge [sflag:s18], $0x1800  }
0x6d: {  	[sflag:s18] =	ssyncset.done $0x0  }
0x6e: {  	[sflag:s18] =	ssyncadd.s32 $0xFFFFE800  }
0x6f: {  	s9 =	simm.s32 $0x180;
	s22 =	rddreg [dreg:$0x3]  }
0x70: {  	[spmem:s22] =	stream.indirect.scatter.add.bf16 [tilespmem:s15], [sflag:$0xC], $0x30, s9, s11, $0xb8;
	[tilespmem:$0x16D00] =	vst v63  }
0x71: {  	s5 =	simm.s32 $0x400;
	s1 =	rddreg [dreg:$0x19]  }
0x72: {  	[tilespmem:s5], [sflag:$0x5] =	stream.linear.gather [hbm4b:s1+s4], $0x100, $0x38;
	[tilespmem:$0x16D00] =	vst v63  }
0x73: {  	_ =	swait.ge [sflag:s21], $0x100  }
0x74: {  	[sflag:s21] =	ssyncset.done $0x0  }
0x75: {  	s7 =	simm.s32 $0x4D00;
	[sflag:s21] =	ssyncadd.s32 $0xFFFFFF00  }
0x76: {  	[tilespmem:s7], [sflag:$0x9] =	stream.indirect.gather [hbm4b:s6+s11], $0x30, s17, s11, $0xb8;
	[tilespmem:$0x16D00] =	vst v63  }
0x77: {  	_ =	swait.ge [sflag:s23], $0x1800  }
0x78: {  	[sflag:s23] =	ssyncset.done $0x0  }
0x79: {  	s3 =	simm.s32 $0x280;
	[sflag:s23] =	ssyncadd.s32 $0xFFFFE800  }
0x7a: {  	[spmem:s2] =	stream.indirect.scatter.add.bf16 [tilespmem:s20], [sflag:$0xD], $0x30, s3, s11, $0xb8;
	[tilespmem:$0x16D00] =	vst v63  }
0x7b: {  	_ =	swait.ge [sflag:s25], $0x1800  }
0x7c: {  	[sflag:s25] =	ssyncset.done $0x0  }
0x7d: {  	s8 =	rddreg [dreg:$0x1a];
	[sflag:s25] =	ssyncadd.s32 $0xFFFFE800  }
0x7e: {  	[tilespmem:s4], [sflag:$0x1] =	stream.linear.gather [hbm4b:s8+s4], $0x100, $0x38;
	[tilespmem:$0x16D00] =	vst v63  }
0x7f: {  	_ =	swait.ge [sflag:s26], $0x100  }
0x80: {  	[sflag:s26] =	ssyncset.done $0x0  }
0x81: {  	s8 =	simm.s32 $0x6500;
	[sflag:s26] =	ssyncadd.s32 $0xFFFFFF00  }
0x82: {  	[tilespmem:s8], [sflag:$0xA] =	stream.indirect.gather [hbm4b:s6+s11], $0x30, s5, s11, $0xb8;
	[tilespmem:$0x16D00] =	vst v63  }
0x83: {  	_ =	swait.ge [sflag:s29], $0x1800  }
0x84: {  	[sflag:s29] =	ssyncset.done $0x0  }
0x85: {  	s9 =	simm.s32 $0x380;
	[sflag:s29] =	ssyncadd.s32 $0xFFFFE800  }
0x86: {  	[spmem:s22] =	stream.indirect.scatter.add.bf16 [tilespmem:s7], [sflag:$0xE], $0x30, s9, s11, $0xb8;
	[tilespmem:$0x16D00] =	vst v63  }
0x87: {  	_ =	swait.ge [sflag:s31], $0x1800  }
0x88: {  	[sflag:s31] =	ssyncset.done $0x0  }
0x89: {  	s9 =	simm.s32 $0x100;
	s1 =	rddreg [dreg:$0x1b];
	[sflag:s31] =	ssyncadd.s32 $0xFFFFE800  }
0x8a: {  	[tilespmem:s9], [sflag:$0x2] =	stream.linear.gather [hbm4b:s1+s4], $0x100, $0x38;
	[tilespmem:$0x16D00] =	vst v63  }
0x8b: {  	_ =	swait.ge [sflag:s10], $0x100  }
0x8c: {  	[sflag:s10] =	ssyncset.done $0x0  }
0x8d: {  	[sflag:s10] =	ssyncadd.s32 $0xFFFFFF00  }
0x8e: {  	[tilespmem:s13], [sflag:$0x6] =	stream.indirect.gather [hbm4b:s6+s11], $0x30, s4, s11, $0xb8;
	[tilespmem:$0x16D00] =	vst v63  }
0x8f: {  	_ =	swait.ge [sflag:s0], $0x1800  }
0x90: {  	[sflag:s0] =	ssyncset.done $0x0  }
0x91: {  	s3 =	simm.s32 $0x480;
	[sflag:s0] =	ssyncadd.s32 $0xFFFFE800  }
0x92: {  	[spmem:s2] =	stream.indirect.scatter.add.bf16 [tilespmem:s8], [sflag:$0xF], $0x30, s3, s11, $0xb8;
	[tilespmem:$0x16D00] =	vst v63  }
0x93: {  	_ =	swait.ge [sflag:s19], $0x1800  }
0x94: {  	[sflag:s19] =	ssyncset.done $0x0  }
0x95: {  	s1 =	simm.s32 $0x200;
	s3 =	rddreg [dreg:$0x1c];
	[sflag:s19] =	ssyncadd.s32 $0xFFFFE800  }
0x96: {  	[tilespmem:s1], [sflag:$0x3] =	stream.linear.gather [hbm4b:s3+s4], $0x100, $0x38;
	[tilespmem:$0x16D00] =	vst v63  }
0x97: {  	_ =	swait.ge [sflag:s12], $0x100  }
0x98: {  	[sflag:s12] =	ssyncset.done $0x0  }
0x99: {  	[sflag:s12] =	ssyncadd.s32 $0xFFFFFF00  }
0x9a: {  	[tilespmem:s15], [sflag:$0x7] =	stream.indirect.gather [hbm4b:s6+s11], $0x30, s9, s11, $0xb8;
	[tilespmem:$0x16D00] =	vst v63  }
0x9b: {  	_ =	swait.ge [sflag:s14], $0x1800  }
0x9c: {  	[sflag:s14] =	ssyncset.done $0x0  }
0x9d: {  	[sflag:s14] =	ssyncadd.s32 $0xFFFFE800  }
0x9e: {  	[spmem:s2] =	stream.indirect.scatter.add.bf16 [tilespmem:s13], [sflag:$0xB], $0x30, s11, s11, $0xb8;
	[tilespmem:$0x16D00] =	vst v63  }
0x9f: {  	_ =	swait.ge [sflag:s24], $0x1800  }
0xa0: {  	s3 =	sadd.s32 $0x0, s28;
	[sflag:s24] =	ssyncset.done $0x0  }
0xa1: {  	s9 =	sadd.s32 $0x100, s3;
	[sflag:s24] =	ssyncadd.s32 $0xFFFFE800  }
0xa2: {  	[tilespmem:s17], [sflag:$0x4] =	stream.linear.gather [hbm4b:s9+s4], $0x100, $0x38;
	[tilespmem:$0x16D00] =	vst v63  }
0xa3: {  	_ =	swait.ge [sflag:s16], $0x100  }
0xa4: {  	[sflag:s16] =	ssyncset.done $0x0  }
0xa5: {  	[sflag:s16] =	ssyncadd.s32 $0xFFFFFF00  }
0xa6: {  	[tilespmem:s20], [sflag:$0x8] =	stream.indirect.gather [hbm4b:s6+s11], $0x30, s1, s11, $0xb8;
	[tilespmem:$0x16D00] =	vst v63  }
0xa7: {  	_ =	swait.ge [sflag:s18], $0x1800  }
0xa8: {  	[sflag:s18] =	ssyncset.done $0x0  }
0xa9: {  	s9 =	simm.s32 $0x180;
	[sflag:s18] =	ssyncadd.s32 $0xFFFFE800  }
0xaa: {  	[spmem:s22] =	stream.indirect.scatter.add.bf16 [tilespmem:s15], [sflag:$0xC], $0x30, s9, s11, $0xb8;
	[tilespmem:$0x16D00] =	vst v63  }
0xab: {  	_ =	swait.ge [sflag:s30], $0x1800  }
0xac: {  	[sflag:s30] =	ssyncset.done $0x0  }
0xad: {  	s15 =	sadd.s32 $0x120, s3;
	[sflag:s30] =	ssyncadd.s32 $0xFFFFE800  }
0xae: {  	[tilespmem:s5], [sflag:$0x5] =	stream.linear.gather [hbm4b:s15+s4], $0x100, $0x38;
	[tilespmem:$0x16D00] =	vst v63  }
0xaf: {  	_ =	swait.ge [sflag:s21], $0x100  }
0xb0: {  	[sflag:s21] =	ssyncset.done $0x0  }
0xb1: {  	[sflag:s21] =	ssyncadd.s32 $0xFFFFFF00  }
0xb2: {  	[tilespmem:s7], [sflag:$0x9] =	stream.indirect.gather [hbm4b:s6+s11], $0x30, s17, s11, $0xb8;
	[tilespmem:$0x16D00] =	vst v63  }
0xb3: {  	_ =	swait.ge [sflag:s23], $0x1800  }
0xb4: {  	[sflag:s23] =	ssyncset.done $0x0  }
0xb5: {  	s17 =	simm.s32 $0x280;
	[sflag:s23] =	ssyncadd.s32 $0xFFFFE800  }
0xb6: {  	[spmem:s2] =	stream.indirect.scatter.add.bf16 [tilespmem:s20], [sflag:$0xD], $0x30, s17, s11, $0xb8;
	[tilespmem:$0x16D00] =	vst v63  }
0xb7: {  	_ =	swait.ge [sflag:s25], $0x1800  }
0xb8: {  	[sflag:s25] =	ssyncset.done $0x0  }
0xb9: {  	s20 =	sadd.s32 $0x140, s3;
	[sflag:s25] =	ssyncadd.s32 $0xFFFFE800  }
0xba: {  	[tilespmem:s4], [sflag:$0x1] =	stream.linear.gather [hbm4b:s20+s4], $0x100, $0x38;
	[tilespmem:$0x16D00] =	vst v63  }
0xbb: {  	_ =	swait.ge [sflag:s26], $0x100  }
0xbc: {  	[sflag:s26] =	ssyncset.done $0x0  }
0xbd: {  	[sflag:s26] =	ssyncadd.s32 $0xFFFFFF00  }
0xbe: {  	[tilespmem:s8], [sflag:$0xA] =	stream.indirect.gather [hbm4b:s6+s11], $0x30, s5, s11, $0xb8;
	[tilespmem:$0x16D00] =	vst v63  }
0xbf: {  	_ =	swait.ge [sflag:s29], $0x1800  }
0xc0: {  	[sflag:s29] =	ssyncset.done $0x0  }
0xc1: {  	s15 =	simm.s32 $0x380;
	[sflag:s29] =	ssyncadd.s32 $0xFFFFE800  }
0xc2: {  	[spmem:s22] =	stream.indirect.scatter.add.bf16 [tilespmem:s7], [sflag:$0xE], $0x30, s15, s11, $0xb8;
	[tilespmem:$0x16D00] =	vst v63  }
0xc3: {  	_ =	swait.ge [sflag:s31], $0x1800  }
0xc4: {  	[sflag:s31] =	ssyncset.done $0x0  }
0xc5: {  	s17 =	sadd.s32 $0x160, s3;
	s20 =	simm.s32 $0x100;
	[sflag:s31] =	ssyncadd.s32 $0xFFFFE800  }
0xc6: {  	[tilespmem:s20], [sflag:$0x2] =	stream.linear.gather [hbm4b:s17+s4], $0x100, $0x38;
	[tilespmem:$0x16D00] =	vst v63  }
0xc7: {  	_ =	swait.ge [sflag:s10], $0x100  }
0xc8: {  	[sflag:s10] =	ssyncset.done $0x0  }
0xc9: {  	[sflag:s10] =	ssyncadd.s32 $0xFFFFFF00  }
0xca: {  	[tilespmem:s13], [sflag:$0x6] =	stream.indirect.gather [hbm4b:s6+s11], $0x30, s4, s11, $0xb8;
	[tilespmem:$0x16D00] =	vst v63  }
0xcb: {  	_ =	swait.ge [sflag:s0], $0x1800  }
0xcc: {  	[sflag:s0] =	ssyncset.done $0x0  }
0xcd: {  	s22 =	simm.s32 $0x480;
	[sflag:s0] =	ssyncadd.s32 $0xFFFFE800  }
0xce: {  	[spmem:s2] =	stream.indirect.scatter.add.bf16 [tilespmem:s8], [sflag:$0xF], $0x30, s22, s11, $0xb8;
	[tilespmem:$0x16D00] =	vst v63  }
0xcf: {  	_ =	swait.ge [sflag:s19], $0x1800  }
0xd0: {  	[sflag:s19] =	ssyncset.done $0x0  }
0xd1: {  	s1 =	simm.s32 $0x200;
	s3 =	sadd.s32 $0x180, s3;
	[sflag:s19] =	ssyncadd.s32 $0xFFFFE800  }
0xd2: {  	[tilespmem:s1], [sflag:$0x3] =	stream.linear.gather [hbm4b:s3+s4], $0x100, $0x38;
	[tilespmem:$0x16D00] =	vst v63  }
0xd3: {  	_ =	swait.ge [sflag:s12], $0x100  }
0xd4: {  	[sflag:s12] =	ssyncset.done $0x0  }
0xd5: {  	s9 =	simm.s32 $0xA0;
	s5 =	smov.u32 s28;
	[sflag:s12] =	ssyncadd.s32 $0xFFFFFF00  }
.LBB2_2:
0xd6: {  	s8 =	simm.s32 $0x100;
	s17 =	simm.s32 $0x1D00  }
0xd7: {  	[tilespmem:s17], [sflag:$0x7] =	stream.indirect.gather [hbm4b:s6+s11], $0x30, s8, s11, $0xb8;
	[tilespmem:$0x16D00] =	vst v63  }
0xd8: {  	_ =	swait.ge [sflag:s14], $0x1800  }
0xd9: {  	[sflag:s14] =	ssyncset.done $0x0  }
0xda: {  	s15 =	simm.s32 $0x500;
	[sflag:s14] =	ssyncadd.s32 $0xFFFFE800  }
0xdb: {  	[spmem:s2] =	stream.indirect.scatter.add.bf16 [tilespmem:s15], [sflag:$0xB], $0x30, s11, s11, $0xb8;
	[tilespmem:$0x16D00] =	vst v63  }
0xdc: {  	s3 =	smov.u32 s9;
	_ =	swait.ge [sflag:s24], $0x1800  }
0xdd: {  	s3 =	sadd.s32 s3, s5;
	[sflag:s24] =	ssyncset.done $0x0  }
0xde: {  	s20 =	simm.s32 $0x300;
	s7 =	sadd.s32 $0x100, s3;
	[sflag:s24] =	ssyncadd.s32 $0xFFFFE800  }
0xdf: {  	[tilespmem:s20], [sflag:$0x4] =	stream.linear.gather [hbm4b:s7+s4], $0x100, $0x38;
	[tilespmem:$0x16D00] =	vst v63  }
0xe0: {  	_ =	swait.ge [sflag:s16], $0x100  }
0xe1: {  	[sflag:s16] =	ssyncset.done $0x0  }
0xe2: {  	s13 =	simm.s32 $0x200;
	s22 =	simm.s32 $0x3500;
	[sflag:s16] =	ssyncadd.s32 $0xFFFFFF00  }
0xe3: {  	[tilespmem:s22], [sflag:$0x8] =	stream.indirect.gather [hbm4b:s6+s11], $0x30, s13, s11, $0xb8;
	[tilespmem:$0x16D00] =	vst v63  }
0xe4: {  	_ =	swait.ge [sflag:s18], $0x1800  }
0xe5: {  	[sflag:s18] =	ssyncset.done $0x0  }
0xe6: {  	[sflag:s18] =	ssyncadd.s32 $0xFFFFE800  }
0xe7: {  	s28 =	simm.s32 $0x180;
	s1 =	rddreg [dreg:$0x3]  }
0xe8: {  	[spmem:s1] =	stream.indirect.scatter.add.bf16 [tilespmem:s17], [sflag:$0xC], $0x30, s28, s11, $0xb8;
	[tilespmem:$0x16D00] =	vst v63  }
0xe9: {  	_ =	swait.ge [sflag:s30], $0x1800  }
0xea: {  	[sflag:s30] =	ssyncset.done $0x0  }
0xeb: {  	s28 =	sadd.s32 $0x120, s3;
	s17 =	simm.s32 $0x400;
	[sflag:s30] =	ssyncadd.s32 $0xFFFFE800  }
0xec: {  	[tilespmem:s17], [sflag:$0x5] =	stream.linear.gather [hbm4b:s28+s4], $0x100, $0x38;
	[tilespmem:$0x16D00] =	vst v63  }
0xed: {  	_ =	swait.ge [sflag:s21], $0x100  }
0xee: {  	[sflag:s21] =	ssyncset.done $0x0  }
0xef: {  	s28 =	simm.s32 $0x4D00;
	[sflag:s21] =	ssyncadd.s32 $0xFFFFFF00  }
0xf0: {  	[tilespmem:s28], [sflag:$0x9] =	stream.indirect.gather [hbm4b:s6+s11], $0x30, s20, s11, $0xb8;
	[tilespmem:$0x16D00] =	vst v63  }
0xf1: {  	_ =	swait.ge [sflag:s23], $0x1800  }
0xf2: {  	[sflag:s23] =	ssyncset.done $0x0  }
0xf3: {  	s20 =	simm.s32 $0x280;
	[sflag:s23] =	ssyncadd.s32 $0xFFFFE800  }
0xf4: {  	[spmem:s2] =	stream.indirect.scatter.add.bf16 [tilespmem:s22], [sflag:$0xD], $0x30, s20, s11, $0xb8;
	[tilespmem:$0x16D00] =	vst v63  }
0xf5: {  	_ =	swait.ge [sflag:s25], $0x1800  }
0xf6: {  	[sflag:s25] =	ssyncset.done $0x0  }
0xf7: {  	s22 =	sadd.s32 $0x140, s3;
	[sflag:s25] =	ssyncadd.s32 $0xFFFFE800  }
0xf8: {  	[tilespmem:s4], [sflag:$0x1] =	stream.linear.gather [hbm4b:s22+s4], $0x100, $0x38;
	[tilespmem:$0x16D00] =	vst v63  }
0xf9: {  	_ =	swait.ge [sflag:s26], $0x100  }
0xfa: {  	[sflag:s26] =	ssyncset.done $0x0  }
0xfb: {  	s20 =	simm.s32 $0x6500;
	[sflag:s26] =	ssyncadd.s32 $0xFFFFFF00  }
0xfc: {  	[tilespmem:s20], [sflag:$0xA] =	stream.indirect.gather [hbm4b:s6+s11], $0x30, s17, s11, $0xb8;
	[tilespmem:$0x16D00] =	vst v63  }
0xfd: {  	_ =	swait.ge [sflag:s29], $0x1800  }
0xfe: {  	[sflag:s29] =	ssyncset.done $0x0  }
0xff: {  	s17 =	simm.s32 $0x380;
	[sflag:s29] =	ssyncadd.s32 $0xFFFFE800  }
0x100: {  	[spmem:s1] =	stream.indirect.scatter.add.bf16 [tilespmem:s28], [sflag:$0xE], $0x30, s17, s11, $0xb8;
	[tilespmem:$0x16D00] =	vst v63  }
0x101: {  	_ =	swait.ge [sflag:s31], $0x1800  }
0x102: {  	[sflag:s31] =	ssyncset.done $0x0  }
0x103: {  	s22 =	sadd.s32 $0x160, s3;
	[sflag:s31] =	ssyncadd.s32 $0xFFFFE800  }
0x104: {  	[tilespmem:s8], [sflag:$0x2] =	stream.linear.gather [hbm4b:s22+s4], $0x100, $0x38;
	[tilespmem:$0x16D00] =	vst v63  }
0x105: {  	_ =	swait.ge [sflag:s10], $0x100  }
0x106: {  	[sflag:s10] =	ssyncset.done $0x0  }
0x107: {  	[sflag:s10] =	ssyncadd.s32 $0xFFFFFF00  }
0x108: {  	[tilespmem:s15], [sflag:$0x6] =	stream.indirect.gather [hbm4b:s6+s11], $0x30, s4, s11, $0xb8;
	[tilespmem:$0x16D00] =	vst v63  }
0x109: {  	_ =	swait.ge [sflag:s0], $0x1800  }
0x10a: {  	[sflag:s0] =	ssyncset.done $0x0  }
0x10b: {  	s28 =	simm.s32 $0x480;
	[sflag:s0] =	ssyncadd.s32 $0xFFFFE800  }
0x10c: {  	[spmem:s2] =	stream.indirect.scatter.add.bf16 [tilespmem:s20], [sflag:$0xF], $0x30, s28, s11, $0xb8;
	[tilespmem:$0x16D00] =	vst v63  }
0x10d: {  	_ =	swait.ge [sflag:s19], $0x1800  }
0x10e: {  	p0 =	sne.s32 s9, $0x1220;
	[sflag:s19] =	ssyncset.done $0x0  }
.Ltmp0:
0x10f: {  	s3 =	sadd.s32 $0x180, s3;
	[sflag:s19] =	ssyncadd.s32 $0xFFFFE800;
	(pc) =	sbr.rel @p0 .LBB2_2-.Ltmp0, $4  }
0x110: {  	[tilespmem:s13], [sflag:$0x3] =	stream.linear.gather [hbm4b:s3+s4], $0x100, $0x38;
	[tilespmem:$0x16D00] =	vst v63  }
0x111: {  	_ =	swait.ge [sflag:s12], $0x100  }
0x112: {  	s9 =	sadd.s32 $0xA0, s9;
	s7 =	simm.s32 $0x200;
	[sflag:s12] =	ssyncset.done $0x0  }
0x113: {  	s1 =	simm.s32 $0x100;
	s8 =	simm.s32 $0x500;
	[sflag:s12] =	ssyncadd.s32 $0xFFFFFF00  }
0x114: {  	s9 =	simm.s32 $0x1D00  }
0x115: {  	[tilespmem:s9], [sflag:$0x7] =	stream.indirect.gather [hbm4b:s6+s11], $0x30, s1, s11, $0xb8;
	[tilespmem:$0x16D00] =	vst v63  }
0x116: {  	_ =	swait.ge [sflag:s14], $0x1800  }
0x117: {  	[sflag:s14] =	ssyncset.done $0x0  }
0x118: {  	[sflag:s14] =	ssyncadd.s32 $0xFFFFE800  }
0x119: {  	[spmem:s2] =	stream.indirect.scatter.add.bf16 [tilespmem:s8], [sflag:$0xB], $0x30, s11, s11, $0xb8;
	[tilespmem:$0x16D00] =	vst v63  }
0x11a: {  	_ =	swait.ge [sflag:s24], $0x1800  }
0x11b: {  	[sflag:s24] =	ssyncset.done $0x0  }
0x11c: {  	s22 =	simm.s32 $0x300;
	s20 =	rddreg [dreg:$0x6];
	[sflag:s24] =	ssyncadd.s32 $0xFFFFE800  }
0x11d: {  	[tilespmem:s22], [sflag:$0x4] =	stream.linear.gather [hbm4b:s20+s4], $0x100, $0x38;
	[tilespmem:$0x16D00] =	vst v63  }
0x11e: {  	_ =	swait.ge [sflag:s16], $0x100  }
0x11f: {  	[sflag:s16] =	ssyncset.done $0x0  }
0x120: {  	s13 =	simm.s32 $0x3500;
	[sflag:s16] =	ssyncadd.s32 $0xFFFFFF00  }
0x121: {  	[tilespmem:s13], [sflag:$0x8] =	stream.indirect.gather [hbm4b:s6+s11], $0x30, s7, s11, $0xb8;
	[tilespmem:$0x16D00] =	vst v63  }
0x122: {  	_ =	swait.ge [sflag:s18], $0x1800  }
0x123: {  	[sflag:s18] =	ssyncset.done $0x0  }
0x124: {  	[sflag:s18] =	ssyncadd.s32 $0xFFFFE800  }
0x125: {  	s3 =	simm.s32 $0x180;
	s1 =	rddreg [dreg:$0x3]  }
0x126: {  	[spmem:s1] =	stream.indirect.scatter.add.bf16 [tilespmem:s9], [sflag:$0xC], $0x30, s3, s11, $0xb8;
	[tilespmem:$0x16D00] =	vst v63  }
0x127: {  	_ =	swait.ge [sflag:s30], $0x1800  }
0x128: {  	[sflag:s30] =	ssyncset.done $0x0  }
0x129: {  	s9 =	simm.s32 $0x400;
	s7 =	rddreg [dreg:$0x7];
	[sflag:s30] =	ssyncadd.s32 $0xFFFFE800  }
0x12a: {  	[tilespmem:s9], [sflag:$0x5] =	stream.linear.gather [hbm4b:s7+s4], $0x100, $0x38;
	[tilespmem:$0x16D00] =	vst v63  }
0x12b: {  	_ =	swait.ge [sflag:s21], $0x100  }
0x12c: {  	[sflag:s21] =	ssyncset.done $0x0  }
0x12d: {  	s15 =	simm.s32 $0x4D00;
	[sflag:s21] =	ssyncadd.s32 $0xFFFFFF00  }
0x12e: {  	[tilespmem:s15], [sflag:$0x9] =	stream.indirect.gather [hbm4b:s6+s11], $0x30, s22, s11, $0xb8;
	[tilespmem:$0x16D00] =	vst v63  }
0x12f: {  	_ =	swait.ge [sflag:s23], $0x1800  }
0x130: {  	[sflag:s23] =	ssyncset.done $0x0  }
0x131: {  	s17 =	simm.s32 $0x280;
	[sflag:s23] =	ssyncadd.s32 $0xFFFFE800  }
0x132: {  	[spmem:s2] =	stream.indirect.scatter.add.bf16 [tilespmem:s13], [sflag:$0xD], $0x30, s17, s11, $0xb8;
	[tilespmem:$0x16D00] =	vst v63  }
0x133: {  	_ =	swait.ge [sflag:s26], $0x100  }
0x134: {  	[sflag:s26] =	ssyncset.done $0x0  }
0x135: {  	s20 =	simm.s32 $0x6500;
	[sflag:s26] =	ssyncadd.s32 $0xFFFFFF00  }
0x136: {  	[tilespmem:s20], [sflag:$0xA] =	stream.indirect.gather [hbm4b:s6+s11], $0x30, s9, s11, $0xb8;
	[tilespmem:$0x16D00] =	vst v63  }
0x137: {  	_ =	swait.ge [sflag:s29], $0x1800  }
0x138: {  	[sflag:s29] =	ssyncset.done $0x0  }
0x139: {  	s22 =	simm.s32 $0x380;
	[sflag:s29] =	ssyncadd.s32 $0xFFFFE800  }
0x13a: {  	[spmem:s1] =	stream.indirect.scatter.add.bf16 [tilespmem:s15], [sflag:$0xE], $0x30, s22, s11, $0xb8;
	[tilespmem:$0x16D00] =	vst v63  }
0x13b: {  	_ =	swait.ge [sflag:s0], $0x1800  }
0x13c: {  	[sflag:s0] =	ssyncset.done $0x0  }
0x13d: {  	s3 =	simm.s32 $0x480;
	[sflag:s0] =	ssyncadd.s32 $0xFFFFE800  }
0x13e: {  	[spmem:s2] =	stream.indirect.scatter.add.bf16 [tilespmem:s20], [sflag:$0xF], $0x30, s3, s11, $0xb8;
	[tilespmem:$0x16D00] =	vst v63  }
0x13f: {  	_ =	swait.ge [sflag:s25], $0x1800  }
0x140: {  	[sflag:s25] =	ssyncset.done $0x0  }
0x141: {  	[sflag:s25] =	ssyncadd.s32 $0xFFFFE800  }
0x142: {  	_ =	swait.ge [sflag:s31], $0x1800  }
0x143: {  	[sflag:s31] =	ssyncset.done $0x0  }
0x144: {  	[sflag:s31] =	ssyncadd.s32 $0xFFFFE800  }
0x145: {  	_ =	swait.ge [sflag:s19], $0x1800  }
0x146: {  	[sflag:s19] =	ssyncset.done $0x0  }
0x147: {  	[sflag:s19] =	ssyncadd.s32 $0xFFFFE800  }
0x148: {  	_ =	swait.ge [sflag:s24], $0x1800  }
0x149: {  	[sflag:s24] =	ssyncset.done $0x0  }
0x14a: {  	[sflag:s24] =	ssyncadd.s32 $0xFFFFE800  }
0x14b: {  	_ =	swait.ge [sflag:s30], $0x1800  }
0x14c: {  	[sflag:s30] =	ssyncset.done $0x0  }
0x14d: {  	[sflag:s30] =	ssyncadd.s32 $0xFFFFE800  }
0x14e: {  	s7 =	stileid.u32;
	[bflag:$0x0] =	sbarrier.arrive $0xFFFF  }
0x14f: {  	s8 =	sshll.u32 s7, $0x6;
	s9 =	rddreg [dreg:$0xd]  }
0x150: {  	s3 =	sor.u32 $0x1C10, s8;
	s13 =	rddreg [dreg:$0x15]  }
0x151: {  	[hbm:s9], [sflag:s3] =	dma.local [spmem:s13], $0xF00  }
0x152: {  	s9 =	simm.s32 $0x10  }
0x153: {  	_ =	swait.ge [sflag:s9], $0xF00  }
0x154: {  	[sflag:s9] =	ssyncset.done $0x0;
	s15 =	rddreg [dreg:$0xe]  }
0x155: {  	s17 =	rddreg [dreg:$0x16];
	[sflag:s9] =	ssyncadd.s32 $0xFFFFF100  }
0x156: {  	[hbm:s15], [sflag:s3] =	dma.local [spmem:s17], $0xF00  }
0x157: {  	_ =	swait.ge [sflag:s9], $0xF00  }
0x158: {  	s20 =	rddreg [dreg:$0x1d]  }
0x159: {  	s22 =	rddreg [dreg:$0x8];
	s3 =	sadd.s32 $0x1, s20  }
0x15a: {  	p0 =	sne.s32 s3, s22  }
.Ltmp1:
0x15b: {  	_ = 	snop;
	(pc) =	sbr.rel @p0 .LBB2_1-.Ltmp1, $3  }
0x15c: {  	_ =	sdelay $0x1  }
0x15d: {  	[sflag:s9] =	ssyncset.done $0x0  }
0x15e: {  	s28 =	smov.u32 s5;
	[sflag:s9] =	ssyncadd.s32 $0xFFFFF100  }
0x15f: {  	_ =	sfence.sel $0x180000  }
0x160: {  	[bflag:$0x0] =	sbarrier.arrive $0xFFFF  }
0x161: {  	_ =	strace $0x90000047  }
0x162: {  	s0 =	stileid.u32;
	[bflag:$0x2] =	sbarrier.arrive $0xFFFF  }
0x163: {  	p0 =	sne.s32 s0, $0x0;
	s0 =	rddreg [dreg:$0x4]  }
0x164: {  	s0 =	sadd.s32 @!p0 $0x100000, s0  }
0x165: {  	[sflag:s0] =	ssyncadd.tile.s32 @!p0 $0x1;
	_ =	shalt  }
.Lfunc_end2:
_tile_overlayer_lowered:
.L_overlay_start_2:
0x166: {  	(tag) =	ssettag $0x2  }
0x167: {  	s0 =	rddreg [dreg:$0x0];
	s2 =	stileid.u32  }
0x168: {  	s1 =	rddreg [dreg:$0x1];
	p0 =	sne.s32 s2, $0x0  }
0x169: {  	s3 =	rddreg [dreg:$0x2];
	[bflag:$0x3] =	sbarrier.arrive $0xFFFF;
	s2 =	simm.s32 @!p0 $0x1C10  }
0x16a: {  	[timem:s3], [sflag:s2] =	dma.local @!p0 [hbm:s0], s1  }
0x16b: {  	s0 =	simm.s32 @!p0 $0x10  }
0x16c: {  	_ =	swait.ge @!p0 [sflag:s0], s1  }
0x16d: {  	s1 =	ssub.s32 @!p0 $0x0, s1;
	[sflag:s0] =	ssyncset.done @!p0 $0x0  }
0x16e: {  	[sflag:s0] =	ssyncadd.s32 @!p0 s1  }
0x16f: {  	[bflag:$0x3] =	sbarrier.arrive $0xFFFF  }
0x170: {  	_ =	shalt  }

// kernel: kernel.9.cloned.1.call-start
scs
__scs_entry_jumppad:
0x0: {  	(pc) =	sbr.rel $0x88, $3  }
0x1: {  	(tag) =	ssettag $0x0;
	lr =	simm.s32 $0x1  }
0x2: {  	[smem:$0x3F99] =	sst lr;
	_ =	strace $0xD0000000  }
0x3: {  	_ = 	snop  }
0x4: {  	_ = 	snop  }
0x5: {  	_ = 	snop  }
0x6: {  	_ = 	snop  }
0x7: {  	_ = 	snop  }
__scs_overlays_trampoline_lowered:
0x8: {  	[smem:$0x3FA8] =	sst s0  }
0x9: {  	[smem:$0x3FA9] =	sst s1  }
0xa: {  	[smem:$0x3FAA] =	sst s2  }
0xb: {  	[smem:$0x3FAB] =	sst s3  }
0xc: {  	[smem:$0x3FAC] =	sst s4  }
0xd: {  	[smem:$0x3FAD] =	sst s5  }
0xe: {  	[smem:$0x3FAE] =	sst s6  }
0xf: {  	[smem:$0x3FAF] =	sst s7  }
0x10: {  	[smem:$0x3FB0] =	sst s8  }
0x11: {  	[smem:$0x3FB1] =	sst s9;
	s0 =	simm.s32 @!p0 $0x0  }
0x12: {  	s1 =	sld [smem:$0x3F97];
	s0 =	simm.s32 @p0 $0x1  }
0x13: {  	[smem:$0x3FB2] =	sst s0;
	s0 =	simm.s32 @!p1 $0x0  }
0x14: {  	s2 =	sld [smem:$0x3F96];
	s0 =	simm.s32 @p1 $0x1  }
0x15: {  	[smem:$0x3FB3] =	sst s0;
	s0 =	simm.s32 @!p2 $0x0  }
0x16: {  	s3 =	sld [smem:$0x3FDB];
	s0 =	simm.s32 @p2 $0x1  }
0x17: {  	s4 =	simm.s32 $0x1BF5;
	[smem:$0x3FB5] =	sst s0  }
0x18: {  	s0 =	sld [smem:$0x3F98];
	_ =	swait.ge [sflag:s4], $0x0  }
0x19: {  	s7 =	sld [smem:$0x3F99]  }
0x1a: {  	s8 =	sadd.s32 $0xFFFFE003, lr  }
0x1b: {  	s9 =	sadd.s32 $0xFFFFFEF7, lr;
	s5 =	simm.s32 $0xFFFFFFFF;
	p2 =	slt.u32 s8, $0xFFFFF086  }
0x1c: {  	p1 =	slt.u32 s9, $0xF7A;
	s5 =	simm.s32 @!p2 $0x0  }
0x1d: {  	s5 =	simm.s32 @p1 $0x1;
	p0 =	seq.s32 s7, s2  }
0x1e: {  	s7 =	smul.u32 @!p0 $0xF7A, s2;
	p2 =	seq.s32 @!p0 s5, $0x0  }
0x1f: {  	s9 =	smul.u32 $0xF7A, s1;
	s8 =	simm.s32 @!p0 $0x1BF5;
	p2 =	por !p2, p0  }
0x20: {  	[sflag:s8] =	ssyncset.s32 @!p0 $0xFFFFF086;
	s6 =	sadd.s32 @!p0 s3, s7;
	s7 =	simm.s32 @!p0 $0x108  }
0x21: {  	s3 =	sadd.s32 s3, s9;
	s6 =	sadd.s32 @!p0 $0x88, s6;
	s7 =	simm.s32 @p2 $0x1082  }
0x22: {  	[simem:s7], [sflag:s8] =	dma.local @!p0 [hbm:s6], $0xF7A  }
0x23: {  	s9 =	sor.u32 $0xD0000000, s2;
	s6 =	simm.s32 $0x108;
	_ =	swait.ge @!p0 [sflag:s8], $0x0  }
0x24: {  	s3 =	sadd.s32 $0x88, s3;
	s6 =	simm.s32 @!p1 $0x1082;
	[sflag:s4] =	ssyncset.s32 $0xFFFFF086  }
0x25: {  	[simem:s6], [sflag:s4] =	dma.local [hbm:s3], $0xF7A  }
0x26: {  	[smem:$0x3F99] =	sst s1;
	(tag) =	ssettag s2;
	_ =	strace s9  }
0x27: {  	s1 =	sld [smem:$0x3FA9]  }
0x28: {  	s2 =	sld [smem:$0x3FAA]  }
0x29: {  	s4 =	sld [smem:$0x3FAC]  }
0x2a: {  	p0 =	seq.s32 s5, $0x0;
	s5 =	sld [smem:$0x3FAD]  }
0x2b: {  	s6 =	sld [smem:$0x3FAE]  }
0x2c: {  	s7 =	sld [smem:$0x3FAF]  }
0x2d: {  	s3 =	simm.s32 $0x108;
	s8 =	sld [smem:$0x3FB0]  }
0x2e: {  	s3 =	simm.s32 @!p0 $0x1082;
	s9 =	sld [smem:$0x3FB1]  }
0x2f: {  	lr =	sadd.s32 s0, s3;
	s0 =	sld [smem:$0x3FA8]  }
0x30: {  	s3 =	sld [smem:$0x3FAB]  }
0x31: {  	[smem:$0x3FB4] =	sst s10  }
0x32: {  	s10 =	sld [smem:$0x3FB2];
	_ =	sdelay $0x3  }
0x33: {  	p0 =	seq.s32 s10, $0x1;
	s10 =	sld [smem:$0x3FB4];
	_ =	sdelay $0x3  }
0x34: {  	[smem:$0x3FB4] =	sst s10  }
0x35: {  	s10 =	sld [smem:$0x3FB3];
	_ =	sdelay $0x3  }
0x36: {  	p1 =	seq.s32 s10, $0x1;
	s10 =	sld [smem:$0x3FB4];
	_ =	sdelay $0x3  }
0x37: {  	[smem:$0x3FB4] =	sst s10  }
0x38: {  	s10 =	sld [smem:$0x3FB5]  }
0x39: {  	_ = 	snop;
	(pc) =	sbr.ind lr, $3  }
0x3a: {  	_ = 	snop  }
0x3b: {  	_ = 	snop  }
0x3c: {  	p2 =	seq.s32 s10, $0x1;
	s10 =	sld [smem:$0x3FB4]  }
0x3d: {  	_ =	shalt  }
0x3e: {  	_ =	shalt  }
0x3f: {  	_ =	shalt  }
0x40: {  	_ =	shalt  }
0x41: {  	_ =	shalt  }
0x42: {  	_ =	shalt  }
0x43: {  	_ =	shalt  }
0x44: {  	_ =	shalt  }
0x45: {  	_ =	shalt  }
0x46: {  	_ =	shalt  }
0x47: {  	_ =	shalt  }
0x48: {  	_ =	shalt  }
0x49: {  	_ =	shalt  }
0x4a: {  	_ =	shalt  }
0x4b: {  	_ =	shalt  }
0x4c: {  	_ =	shalt  }
0x4d: {  	_ =	shalt  }
0x4e: {  	_ =	shalt  }
0x4f: {  	_ =	shalt  }
0x50: {  	_ =	shalt  }
0x51: {  	_ =	shalt  }
0x52: {  	_ =	shalt  }
0x53: {  	_ =	shalt  }
0x54: {  	_ =	shalt  }
0x55: {  	_ =	shalt  }
0x56: {  	_ =	shalt  }
0x57: {  	_ =	shalt  }
0x58: {  	_ =	shalt  }
0x59: {  	_ =	shalt  }
0x5a: {  	_ =	shalt  }
0x5b: {  	_ =	shalt  }
0x5c: {  	_ =	shalt  }
0x5d: {  	_ =	shalt  }
0x5e: {  	_ =	shalt  }
0x5f: {  	_ =	shalt  }
0x60: {  	_ =	shalt  }
0x61: {  	_ =	shalt  }
0x62: {  	_ =	shalt  }
0x63: {  	_ =	shalt  }
0x64: {  	_ =	shalt  }
0x65: {  	_ =	shalt  }
0x66: {  	_ =	shalt  }
0x67: {  	_ =	shalt  }
0x68: {  	_ =	shalt  }
0x69: {  	_ =	shalt  }
0x6a: {  	_ =	shalt  }
0x6b: {  	_ =	shalt  }
0x6c: {  	_ =	shalt  }
0x6d: {  	_ =	shalt  }
0x6e: {  	_ =	shalt  }
0x6f: {  	_ =	shalt  }
0x70: {  	_ =	shalt  }
0x71: {  	_ =	shalt  }
0x72: {  	_ =	shalt  }
0x73: {  	_ =	shalt  }
0x74: {  	_ =	shalt  }
0x75: {  	_ =	shalt  }
0x76: {  	_ =	shalt  }
0x77: {  	_ =	shalt  }
0x78: {  	_ =	shalt  }
0x79: {  	_ =	shalt  }
0x7a: {  	_ =	shalt  }
0x7b: {  	_ =	shalt  }
0x7c: {  	_ =	shalt  }
0x7d: {  	_ =	shalt  }
0x7e: {  	_ =	shalt  }
0x7f: {  	_ =	shalt  }
0x80: {  	_ =	shalt  }
0x81: {  	_ =	shalt  }
0x82: {  	_ =	shalt  }
0x83: {  	_ =	shalt  }
0x84: {  	_ =	shalt  }
0x85: {  	_ =	shalt  }
0x86: {  	_ =	shalt  }
0x87: {  	_ =	shalt  }
.Lfunc_end0:
.L_simem_size_0:
called_computation.1_lowered:
.L_overlay_start_0:
0x88: {  	s2 =	sld [smem:$0x3FD9]  }
0x89: {  	s3 =	sld [smem:$0x3FFE];
	_ =	sdelay $0x1  }
0x8a: {  	s1 =	srdreg.scid  }
0x8b: {  	s0 =	sand.u32 $0x1, s1  }
0x8c: {  	s17 =	sshll.u32 s0, $0xA;
	s2 =	sadd.s32 s3, s2  }
0x8d: {  	s2 =	sadd.s32 s2, s17  }
0x8e: {  	[smem:$0x3FC0] =	sst s2  }
0x8f: {  	_ = 	snop  }
0x90: {  	s2 =	sld [smem:$0x3FD0];
	(tm) =	ssettm $0x1  }
0x91: {  	s18 =	sld [smem:$0x3FFB];
	_ =	sdelay $0x3  }
0x92: {  	_ =	strace s18  }
0x93: {  	s3 =	sld [smem:$0x3FFC];
	_ =	sdelay $0x3  }
0x94: {  	_ =	strace s3  }
0x95: {  	s3 =	sld [smem:$0x3FFD];
	_ =	sdelay $0x3  }
0x96: {  	_ =	strace s3  }
0x97: {  	_ =	strace $0x8FFFFFFF  }
0x98: {  	s19 =	sld [smem:$0x3FDB];
	_ =	sdelay $0x1  }
0x99: {  	s4 =	simm.s32 $_scs_section_size  }
0x9a: {  	s5 =	simm.s32 $_size__tile_overlayer_lowered;
	s6 =	simm.s32 $_tile_overlayer_lowered  }
0x9b: {  	s22 =	simm.s32 $0x1BFF;
	s21 =	sshll.u32 s6, $0x1;
	s3 =	sadd.s32 s4, s19  }
0x9c: {  	s7 =	simm.s32 $0x0;
	s20 =	sshll.u32 s5, $0x1;
	s5 =	sadd.s32 s21, s3  }
0x9d: {  	[timem:s7], [sflag:s22] =	dma.local [hbm:s5], s20  }
0x9e: {  	_ =	swait.ge [sflag:s22], s20  }
0x9f: {  	s4 =	ssub.s32 $0x0, s20;
	[sflag:s22] =	ssyncset.done $0x0  }
0xa0: {  	[sflag:s22] =	ssyncadd.s32 s4;
	_ =	sdelay $0x1  }
0xa1: {  	s23 =	simm.s32 $0x1B8B  }
0xa2: {  	_ =	swait.ge [sflag:s23], $0x1  }
0xa3: {  	[sflag:s23] =	ssyncset.done $0x0  }
0xa4: {  	s25 =	simm.s32 $0x1B8E;
	s24 =	sld [smem:$0x3FFE];
	[sflag:s23] =	ssyncadd.s32 $0xFFFFFFFF  }
0xa5: {  	s26 =	simm.s32 $execute0_lowered;
	[smem:$0x3FD2] =	sst s25  }
0xa6: {  	s5 =	sshll.u32 s26, $0x1;
	_ =	strace $0x80000049;
	[dreg:$0x1] =	wrdreg $0xFFFFFFFF  }
0xa7: {  	s28 =	simm.s32 $_size_execute0_lowered;
	s3 =	sadd.s32 s3, s5;
	[dreg:$0x0] =	wrdreg $0x0  }
0xa8: {  	s5 =	sshll.u32 s28, $0x1;
	[dreg:$0x2] =	wrdreg s3  }
0xa9: {  	[dreg:$0x3] =	wrdreg s5  }
0xaa: {  	[dreg:$0x4] =	wrdreg $0xC0  }
0xab: {  	_ =	task [dreg:s7], $0x5FFFF  }
0xac: {  	[dreg:$0x1] =	wrdreg $0xFFFFFFFF  }
0xad: {  	[dreg:$0x0] =	wrdreg $0x60  }
0xae: {  	[dreg:$0x2] =	wrdreg s24  }
0xaf: {  	[dreg:$0x3] =	wrdreg s2  }
0xb0: {  	[dreg:$0x4] =	wrdreg $0x2D000  }
0xb1: {  	[dreg:$0x5] =	wrdreg $0x9  }
0xb2: {  	_ =	task.clear_ibuf [dreg:s7], $0x6FFFF;
	_ =	strace $0x90000049  }
0xb3: {  	s29 =	simm.s32 $0x9;
	_ =	strace $0x8000004B  }
0xb4: {  	_ =	swait.ge [sflag:s29], $0x1  }
0xb5: {  	[sflag:s29] =	ssyncadd.s32 $0xFFFFFFFF  }
0xb6: {  	_ =	strace $0x9000004B  }
0xb7: {  	_ =	sfence  }
0xb8: {  	s30 =	sld [smem:$0x0];
	_ =	sdelay $0x2  }
0xb9: {  	s31 =	sshll.u32 s1, $0xD;
	s1 =	sshrl.u32 s1, $0x2  }
0xba: {  	s3 =	sand.u32 $0x4000, s31;
	s1 =	sadd.s32 s1, s30  }
0xbb: {  	s0 =	sor.u32 s3, s0;
	s1 =	sshll.u32 s1, $0x11  }
0xbc: {  	s0 =	sor.u32 s1, s0  }
0xbd: {  	s0 =	sadd.s32 $0x8F2B, s0  }
0xbe: {  	[sflag:s0] =	ssyncadd.remote.s32 $0x1  }
0xbf: {  	_ =	sfence.sel $0xFFFF  }
0xc0: {  	[dreg:$0x0] =	wrdreg $0xFFFFFFFF;
	(pc) =	sbr.abs _section_cstart, $3  }
0xc1: {  	[dreg:$0x1] =	wrdreg $0xFFFFFFFF  }
0xc2: {  	_ =	task.clear_ibuf [dreg:s7], $0x2FFFF;
	_ =	strace $0x9FFFFFFF  }
0xc3: {  	(tm) =	ssettm $0x7FFFFFFF  }
tec
execute0_lowered:
.L_overlay_start_1:
0x0: {  	(tag) =	ssettag $0x1  }
0x1: {  	s0 =	rddreg [dreg:$0x0];
	s1 =	srdreg.scid  }
0x2: {  	s3 =	rddreg [dreg:$0x2];
	s11 =	stileid.u32  }
0x3: {  	s4 =	simm.s32 $0x0;
	s29 =	simm.s32 $0x1;
	s30 =	simm.s32 $0x80  }
0x4: {  	s31 =	simm.s32 $0x2;
	s28 =	simm.s32 $0xE;
	s9 =	smul.u32 $0xA000, s11  }
0x5: {  	s1 =	sand.u32 $0x1, s1;
	[smem:$0x7FF] =	sst s4;
	s18 =	smul.u32 $0x2800, s11  }
0x6: {  	s5 =	sadd.s32 $0x2400, s0;
	s10 =	sadd.s32 $0x20400, s0;
	s20 =	smul.u32 $0x50, s11  }
0x7: {  	s2 =	sshll.u32 s1, $0x4;
	s6 =	ssub.s32 $0x2, s1;
	_ =	strace $0x8000004A  }
0x8: {  	p0 =	seq.s32 s1, $0x1;
	s1 =	smul.u32 $0x500, s1;
	s2 =	sor.u32 s11, s2  }
0x9: {  	s8 =	sshrl.u32 s6, $0x1;
	s23 =	sshrl.u32 s9, $0x2;
	s19 =	sshrl.u32 s18, $0x3  }
0xa: {  	s11 =	simm.s32 $0xF;
	s7 =	smul.u32 $0xA00, s2;
	s6 =	ssub.s32 s6, s8  }
0xb: {  	s2 =	smul.u32 $0x5000, s2;
	s26 =	sadd.s32 s23, s3;
	s1 =	sadd.s32 s20, s1  }
0xc: {  	s8 =	simm.s32 $0x1500;
	s6 =	smax.u32 s6, $0x1;
	[dreg:$0x8] =	wrdreg s26  }
0xd: {  	s20 =	simm.s32 $0x9;
	s21 =	sadd.s32 $0x800, s26;
	[dreg:$0x10] =	wrdreg s6  }
0xe: {  	s23 =	sadd.s32 $0x1800, s26;
	s1 =	sshll.u32 s1, $0x5;
	[dreg:$0x11] =	wrdreg s21  }
0xf: {  	s22 =	sadd.s32 s10, s7;
	s2 =	sshrl.u32 s2, $0x3;
	[dreg:$0x13] =	wrdreg s23  }
0x10: {  	s7 =	sadd.s32 s18, s3;
	s24 =	sadd.s32 $0x20, s22;
	[dreg:$0x5] =	wrdreg s22  }
0x11: {  	s6 =	simm.s32 $0x7400;
	s25 =	sadd.s32 $0x40, s22;
	[dreg:$0x6] =	wrdreg s24  }
0x12: {  	s23 =	simm.s32 $0x100;
	s12 =	sadd.s32 $0x60, s22;
	[dreg:$0x7] =	wrdreg s25  }
0x13: {  	s18 =	simm.s32 $0x5;
	s13 =	sadd.s32 $0x80, s22;
	[dreg:$0x9] =	wrdreg s12  }
0x14: {  	s21 =	simm.s32 $0x0;
	s14 =	sadd.s32 $0xA0, s22;
	[dreg:$0xa] =	wrdreg s13  }
0x15: {  	s15 =	sadd.s32 $0xC0, s22;
	s2 =	sadd.s32 s10, s2;
	[dreg:$0xb] =	wrdreg s14  }
0x16: {  	s16 =	sadd.s32 $0xE0, s22;
	s22 =	sadd.s32 $0x1000, s26;
	[dreg:$0xc] =	wrdreg s15  }
0x17: {  	s6 =	simm.s32 @!p0 $0xC400;
	[dreg:$0xd] =	wrdreg s16;
	s17 =	sadd.s32 $0x9C0, s2  }
0x18: {  	s2 =	sadd.s32 $0x9E0, s2;
	[dreg:$0x12] =	wrdreg s22;
	s0 =	sadd.s32 s6, s0  }
0x19: {  	s24 =	sadd.s32 $0x2000, s26;
	s25 =	sadd.s32 s1, s10;
	s26 =	sshrl.u32 s7, $0x3  }
0x1a: {  	s16 =	simm.s32 $0x10;
	s1 =	simm.s32 $0x300;
	s7 =	simm.s32 $0x3  }
0x1b: {  	s10 =	simm.s32 $0x7;
	s12 =	simm.s32 $0x400;
	[dreg:$0xe] =	wrdreg s17  }
0x1c: {  	s13 =	simm.s32 $0x4;
	s14 =	simm.s32 $0x1D00;
	[dreg:$0xf] =	wrdreg s2  }
0x1d: {  	s15 =	simm.s32 $0x8;
	s22 =	simm.s32 $0xC;
	[dreg:$0x15] =	wrdreg s24  }
0x1e: {  	s6 =	simm.s32 $0xD;
	s0 =	sadd.s32 s0, s19;
	[dreg:$0x4] =	wrdreg s25  }
0x1f: {  	s24 =	simm.s32 $0x200;
	[dreg:$0x16] =	wrdreg s26;
	s26 =	simm.s32 $0x500  }
0x20: {  	s2 =	simm.s32 $0x6;
	s17 =	simm.s32 $0xB;
	s19 =	simm.s32 $0x2500  }
0x21: {  	s25 =	simm.s32 $0xA;
	[dreg:$0x14] =	wrdreg s0;
	s0 =	simm.s32 $0xD00  }
.LBB2_1:
0x22: {  	[dreg:$0x17] =	wrdreg s21  }
0x23: {  	s9 =	rddreg [dreg:$0x5]  }
0x24: {  	[tilespmem:s4], [sflag:$0x1] =	stream.linear.gather [hbm4b:s9+s4], $0x100, $0x38;
	[tilespmem:$0x5500] =	vst v63  }
0x25: {  	s21 =	rddreg [dreg:$0x6]  }
0x26: {  	[tilespmem:s23], [sflag:$0x2] =	stream.linear.gather [hbm4b:s21+s4], $0x100, $0x38;
	[tilespmem:$0x5500] =	vst v63  }
0x27: {  	s21 =	rddreg [dreg:$0x7]  }
0x28: {  	[tilespmem:s24], [sflag:$0x3] =	stream.linear.gather [hbm4b:s21+s4], $0x100, $0x38;
	[tilespmem:$0x5500] =	vst v63  }
0x29: {  	s21 =	rddreg [dreg:$0x1]  }
0x2a: {  	[tilespmem:s26], [sflag:$0x10] =	stream.linear.gather [hbm4b:s21+s4], $0x800, $0x38;
	[tilespmem:$0x5500] =	vst v63  }
0x2b: {  	_ =	swait.ge [sflag:s16], $0x800  }
0x2c: {  	[sflag:s16] =	ssyncset.done $0x0  }
0x2d: {  	s21 =	rddreg [dreg:$0x8];
	[sflag:s16] =	ssyncadd.s32 $0xFFFFF800  }
0x2e: {  	[spmem:s21] =	stream.linear.scatter [tilespmem:s26], [sflag:$0x10], $0x800, $0x38;
	[tilespmem:$0x5500] =	vst v63  }
0x2f: {  	_ =	swait.ge [sflag:s16], $0x800  }
0x30: {  	[sflag:s16] =	ssyncset.done $0x0  }
0x31: {  	s21 =	rddreg [dreg:$0x11];
	[sflag:s16] =	ssyncadd.s32 $0xFFFFF800  }
0x32: {  	[spmem:s21] =	stream.linear.scatter [tilespmem:s26], [sflag:$0x10], $0x800, $0x38;
	[tilespmem:$0x5500] =	vst v63  }
0x33: {  	_ =	swait.ge [sflag:s16], $0x800  }
0x34: {  	[sflag:s16] =	ssyncset.done $0x0  }
0x35: {  	s21 =	rddreg [dreg:$0x12];
	[sflag:s16] =	ssyncadd.s32 $0xFFFFF800  }
0x36: {  	[spmem:s21] =	stream.linear.scatter [tilespmem:s26], [sflag:$0x10], $0x800, $0x38;
	[tilespmem:$0x5500] =	vst v63  }
0x37: {  	_ =	swait.ge [sflag:s16], $0x800  }
0x38: {  	[sflag:s16] =	ssyncset.done $0x0  }
0x39: {  	s21 =	rddreg [dreg:$0x13];
	[sflag:s16] =	ssyncadd.s32 $0xFFFFF800  }
0x3a: {  	[spmem:s21] =	stream.linear.scatter [tilespmem:s26], [sflag:$0x10], $0x800, $0x38;
	[tilespmem:$0x5500] =	vst v63  }
0x3b: {  	_ =	swait.ge [sflag:s16], $0x800  }
0x3c: {  	[sflag:s16] =	ssyncset.done $0x0  }
0x3d: {  	s21 =	rddreg [dreg:$0x15];
	[sflag:s16] =	ssyncadd.s32 $0xFFFFF800  }
0x3e: {  	[spmem:s21] =	stream.linear.scatter [tilespmem:s26], [sflag:$0x10], $0x800, $0x38;
	[tilespmem:$0x5500] =	vst v63  }
0x3f: {  	_ =	swait.ge [sflag:s16], $0x800  }
0x40: {  	[sflag:s16] =	ssyncset.done $0x0  }
0x41: {  	[sflag:s16] =	ssyncadd.s32 $0xFFFFF800  }
0x42: {  	_ =	swait.ge [sflag:s29], $0x100  }
0x43: {  	[sflag:s29] =	ssyncset.done $0x0  }
0x44: {  	[sflag:s29] =	ssyncadd.s32 $0xFFFFFF00  }
0x45: {  	[tilespmem:s26], [sflag:$0x6] =	stream.indirect.gather [hbm4b:s5+s30], $0x10, s4, s30, $0xb8;
	[tilespmem:$0x5500] =	vst v63  }
0x46: {  	_ =	swait.ge [sflag:s31], $0x100  }
0x47: {  	[sflag:s31] =	ssyncset.done $0x0  }
0x48: {  	[sflag:s31] =	ssyncadd.s32 $0xFFFFFF00  }
0x49: {  	[tilespmem:s0], [sflag:$0x7] =	stream.indirect.gather [hbm4b:s5+s30], $0x10, s23, s30, $0xb8;
	[tilespmem:$0x5500] =	vst v63  }
0x4a: {  	[bflag:$0x0] =	sbarrier.arrive $0xFFFF  }
0x4b: {  	_ =	swait.ge [sflag:s2], $0x800  }
0x4c: {  	[sflag:s2] =	ssyncset.done $0x0  }
0x4d: {  	[sflag:s2] =	ssyncadd.s32 $0xFFFFF800  }
0x4e: {  	[spmem:s3] =	stream.indirect.scatter.add.f32 [tilespmem:s26], [sflag:$0xB], $0x10, s30, s30, $0xb8;
	[tilespmem:$0x5500] =	vst v63  }
0x4f: {  	s16 =	rddreg [dreg:$0x9]  }
0x50: {  	[tilespmem:s1], [sflag:$0x4] =	stream.linear.gather [hbm4b:s16+s4], $0x100, $0x38;
	[tilespmem:$0x5500] =	vst v63  }
0x51: {  	_ =	swait.ge [sflag:s7], $0x100  }
0x52: {  	[sflag:s7] =	ssyncset.done $0x0  }
0x53: {  	[sflag:s7] =	ssyncadd.s32 $0xFFFFFF00  }
0x54: {  	[tilespmem:s8], [sflag:$0x8] =	stream.indirect.gather [hbm4b:s5+s30], $0x10, s24, s30, $0xb8;
	[tilespmem:$0x5500] =	vst v63  }
0x55: {  	_ =	swait.ge [sflag:s10], $0x800  }
0x56: {  	[sflag:s10] =	ssyncset.done $0x0  }
0x57: {  	s21 =	simm.s32 $0x180;
	[sflag:s10] =	ssyncadd.s32 $0xFFFFF800  }
0x58: {  	[spmem:s3] =	stream.indirect.scatter.add.f32 [tilespmem:s0], [sflag:$0xC], $0x10, s21, s30, $0xb8;
	[tilespmem:$0x5500] =	vst v63  }
0x59: {  	s16 =	rddreg [dreg:$0xa]  }
0x5a: {  	[tilespmem:s12], [sflag:$0x5] =	stream.linear.gather [hbm4b:s16+s4], $0x100, $0x38;
	[tilespmem:$0x5500] =	vst v63  }
0x5b: {  	_ =	swait.ge [sflag:s13], $0x100  }
0x5c: {  	[sflag:s13] =	ssyncset.done $0x0  }
0x5d: {  	[sflag:s13] =	ssyncadd.s32 $0xFFFFFF00  }
0x5e: {  	[tilespmem:s14], [sflag:$0x9] =	stream.indirect.gather [hbm4b:s5+s30], $0x10, s1, s30, $0xb8;
	[tilespmem:$0x5500] =	vst v63  }
0x5f: {  	_ =	swait.ge [sflag:s15], $0x800  }
0x60: {  	[sflag:s15] =	ssyncset.done $0x0  }
0x61: {  	s21 =	simm.s32 $0x280;
	[sflag:s15] =	ssyncadd.s32 $0xFFFFF800  }
0x62: {  	[spmem:s3] =	stream.indirect.scatter.add.f32 [tilespmem:s8], [sflag:$0xD], $0x10, s21, s30, $0xb8;
	[tilespmem:$0x5500] =	vst v63  }
0x63: {  	_ =	swait.ge [sflag:s17], $0x800  }
0x64: {  	[sflag:s17] =	ssyncset.done $0x0  }
0x65: {  	s16 =	rddreg [dreg:$0xb];
	[sflag:s17] =	ssyncadd.s32 $0xFFFFF800  }
0x66: {  	[tilespmem:s4], [sflag:$0x1] =	stream.linear.gather [hbm4b:s16+s4], $0x100, $0x38;
	[tilespmem:$0x5500] =	vst v63  }
0x67: {  	_ =	swait.ge [sflag:s18], $0x100  }
0x68: {  	[sflag:s18] =	ssyncset.done $0x0  }
0x69: {  	[sflag:s18] =	ssyncadd.s32 $0xFFFFFF00  }
0x6a: {  	[tilespmem:s19], [sflag:$0xA] =	stream.indirect.gather [hbm4b:s5+s30], $0x10, s12, s30, $0xb8;
	[tilespmem:$0x5500] =	vst v63  }
0x6b: {  	_ =	swait.ge [sflag:s20], $0x800  }
0x6c: {  	[sflag:s20] =	ssyncset.done $0x0  }
0x6d: {  	s21 =	simm.s32 $0x380;
	[sflag:s20] =	ssyncadd.s32 $0xFFFFF800  }
0x6e: {  	[spmem:s3] =	stream.indirect.scatter.add.f32 [tilespmem:s14], [sflag:$0xE], $0x10, s21, s30, $0xb8;
	[tilespmem:$0x5500] =	vst v63  }
0x6f: {  	_ =	swait.ge [sflag:s22], $0x800  }
0x70: {  	[sflag:s22] =	ssyncset.done $0x0  }
0x71: {  	s16 =	rddreg [dreg:$0xc];
	[sflag:s22] =	ssyncadd.s32 $0xFFFFF800  }
0x72: {  	[tilespmem:s23], [sflag:$0x2] =	stream.linear.gather [hbm4b:s16+s4], $0x100, $0x38;
	[tilespmem:$0x5500] =	vst v63  }
0x73: {  	_ =	swait.ge [sflag:s29], $0x100  }
0x74: {  	[sflag:s29] =	ssyncset.done $0x0  }
0x75: {  	[sflag:s29] =	ssyncadd.s32 $0xFFFFFF00  }
0x76: {  	[tilespmem:s26], [sflag:$0x6] =	stream.indirect.gather [hbm4b:s5+s30], $0x10, s4, s30, $0xb8;
	[tilespmem:$0x5500] =	vst v63  }
0x77: {  	_ =	swait.ge [sflag:s25], $0x800  }
0x78: {  	[sflag:s25] =	ssyncset.done $0x0  }
0x79: {  	s21 =	simm.s32 $0x480;
	[sflag:s25] =	ssyncadd.s32 $0xFFFFF800  }
0x7a: {  	[spmem:s3] =	stream.indirect.scatter.add.f32 [tilespmem:s19], [sflag:$0xF], $0x10, s21, s30, $0xb8;
	[tilespmem:$0x5500] =	vst v63  }
0x7b: {  	_ =	swait.ge [sflag:s6], $0x800  }
0x7c: {  	[sflag:s6] =	ssyncset.done $0x0  }
0x7d: {  	s16 =	rddreg [dreg:$0xd];
	[sflag:s6] =	ssyncadd.s32 $0xFFFFF800  }
0x7e: {  	[tilespmem:s24], [sflag:$0x3] =	stream.linear.gather [hbm4b:s16+s4], $0x100, $0x38;
	[tilespmem:$0x5500] =	vst v63  }
0x7f: {  	_ =	swait.ge [sflag:s31], $0x100  }
0x80: {  	[sflag:s31] =	ssyncset.done $0x0  }
0x81: {  	[sflag:s31] =	ssyncadd.s32 $0xFFFFFF00  }
0x82: {  	[tilespmem:s0], [sflag:$0x7] =	stream.indirect.gather [hbm4b:s5+s30], $0x10, s23, s30, $0xb8;
	[tilespmem:$0x5500] =	vst v63  }
0x83: {  	_ =	swait.ge [sflag:s2], $0x800  }
0x84: {  	[sflag:s2] =	ssyncset.done $0x0  }
0x85: {  	[sflag:s2] =	ssyncadd.s32 $0xFFFFF800  }
0x86: {  	[spmem:s3] =	stream.indirect.scatter.add.f32 [tilespmem:s26], [sflag:$0xB], $0x10, s30, s30, $0xb8;
	[tilespmem:$0x5500] =	vst v63  }
0x87: {  	_ =	swait.ge [sflag:s28], $0x800  }
0x88: {  	s21 =	rddreg [dreg:$0x4]  }
0x89: {  	[sflag:s28] =	ssyncset.done $0x0;
	s16 =	sadd.s32 $0x0, s21  }
0x8a: {  	[sflag:s28] =	ssyncadd.s32 $0xFFFFF800;
	s9 =	sadd.s32 $0x100, s16  }
0x8b: {  	[tilespmem:s1], [sflag:$0x4] =	stream.linear.gather [hbm4b:s9+s4], $0x100, $0x38;
	[tilespmem:$0x5500] =	vst v63  }
0x8c: {  	_ =	swait.ge [sflag:s7], $0x100  }
0x8d: {  	[sflag:s7] =	ssyncset.done $0x0  }
0x8e: {  	[sflag:s7] =	ssyncadd.s32 $0xFFFFFF00  }
0x8f: {  	[tilespmem:s8], [sflag:$0x8] =	stream.indirect.gather [hbm4b:s5+s30], $0x10, s24, s30, $0xb8;
	[tilespmem:$0x5500] =	vst v63  }
0x90: {  	_ =	swait.ge [sflag:s10], $0x800  }
0x91: {  	[sflag:s10] =	ssyncset.done $0x0  }
0x92: {  	s21 =	simm.s32 $0x180;
	[sflag:s10] =	ssyncadd.s32 $0xFFFFF800  }
0x93: {  	[spmem:s3] =	stream.indirect.scatter.add.f32 [tilespmem:s0], [sflag:$0xC], $0x10, s21, s30, $0xb8;
	[tilespmem:$0x5500] =	vst v63  }
0x94: {  	_ =	swait.ge [sflag:s11], $0x800  }
0x95: {  	[sflag:s11] =	ssyncset.done $0x0  }
0x96: {  	s9 =	sadd.s32 $0x120, s16;
	[sflag:s11] =	ssyncadd.s32 $0xFFFFF800  }
0x97: {  	[tilespmem:s12], [sflag:$0x5] =	stream.linear.gather [hbm4b:s9+s4], $0x100, $0x38;
	[tilespmem:$0x5500] =	vst v63  }
0x98: {  	_ =	swait.ge [sflag:s13], $0x100  }
0x99: {  	[sflag:s13] =	ssyncset.done $0x0  }
0x9a: {  	[sflag:s13] =	ssyncadd.s32 $0xFFFFFF00  }
0x9b: {  	[tilespmem:s14], [sflag:$0x9] =	stream.indirect.gather [hbm4b:s5+s30], $0x10, s1, s30, $0xb8;
	[tilespmem:$0x5500] =	vst v63  }
0x9c: {  	_ =	swait.ge [sflag:s15], $0x800  }
0x9d: {  	[sflag:s15] =	ssyncset.done $0x0  }
0x9e: {  	s21 =	simm.s32 $0x280;
	[sflag:s15] =	ssyncadd.s32 $0xFFFFF800  }
0x9f: {  	[spmem:s3] =	stream.indirect.scatter.add.f32 [tilespmem:s8], [sflag:$0xD], $0x10, s21, s30, $0xb8;
	[tilespmem:$0x5500] =	vst v63  }
0xa0: {  	_ =	swait.ge [sflag:s17], $0x800  }
0xa1: {  	[sflag:s17] =	ssyncset.done $0x0  }
0xa2: {  	s9 =	sadd.s32 $0x140, s16;
	[sflag:s17] =	ssyncadd.s32 $0xFFFFF800  }
0xa3: {  	[tilespmem:s4], [sflag:$0x1] =	stream.linear.gather [hbm4b:s9+s4], $0x100, $0x38;
	[tilespmem:$0x5500] =	vst v63  }
0xa4: {  	_ =	swait.ge [sflag:s18], $0x100  }
0xa5: {  	[sflag:s18] =	ssyncset.done $0x0  }
0xa6: {  	[sflag:s18] =	ssyncadd.s32 $0xFFFFFF00  }
0xa7: {  	[tilespmem:s19], [sflag:$0xA] =	stream.indirect.gather [hbm4b:s5+s30], $0x10, s12, s30, $0xb8;
	[tilespmem:$0x5500] =	vst v63  }
0xa8: {  	_ =	swait.ge [sflag:s20], $0x800  }
0xa9: {  	[sflag:s20] =	ssyncset.done $0x0  }
0xaa: {  	s21 =	simm.s32 $0x380;
	[sflag:s20] =	ssyncadd.s32 $0xFFFFF800  }
0xab: {  	[spmem:s3] =	stream.indirect.scatter.add.f32 [tilespmem:s14], [sflag:$0xE], $0x10, s21, s30, $0xb8;
	[tilespmem:$0x5500] =	vst v63  }
0xac: {  	_ =	swait.ge [sflag:s22], $0x800  }
0xad: {  	[sflag:s22] =	ssyncset.done $0x0  }
0xae: {  	s9 =	sadd.s32 $0x160, s16;
	[sflag:s22] =	ssyncadd.s32 $0xFFFFF800  }
0xaf: {  	[tilespmem:s23], [sflag:$0x2] =	stream.linear.gather [hbm4b:s9+s4], $0x100, $0x38;
	[tilespmem:$0x5500] =	vst v63  }
0xb0: {  	_ =	swait.ge [sflag:s29], $0x100  }
0xb1: {  	[sflag:s29] =	ssyncset.done $0x0  }
0xb2: {  	[sflag:s29] =	ssyncadd.s32 $0xFFFFFF00  }
0xb3: {  	[tilespmem:s26], [sflag:$0x6] =	stream.indirect.gather [hbm4b:s5+s30], $0x10, s4, s30, $0xb8;
	[tilespmem:$0x5500] =	vst v63  }
0xb4: {  	_ =	swait.ge [sflag:s25], $0x800  }
0xb5: {  	[sflag:s25] =	ssyncset.done $0x0  }
0xb6: {  	s21 =	simm.s32 $0x480;
	[sflag:s25] =	ssyncadd.s32 $0xFFFFF800  }
0xb7: {  	[spmem:s3] =	stream.indirect.scatter.add.f32 [tilespmem:s19], [sflag:$0xF], $0x10, s21, s30, $0xb8;
	[tilespmem:$0x5500] =	vst v63  }
0xb8: {  	_ =	swait.ge [sflag:s6], $0x800  }
0xb9: {  	[sflag:s6] =	ssyncset.done $0x0  }
0xba: {  	s16 =	sadd.s32 $0x180, s16;
	[sflag:s6] =	ssyncadd.s32 $0xFFFFF800  }
0xbb: {  	[tilespmem:s24], [sflag:$0x3] =	stream.linear.gather [hbm4b:s16+s4], $0x100, $0x38;
	[tilespmem:$0x5500] =	vst v63  }
0xbc: {  	_ =	swait.ge [sflag:s31], $0x100  }
0xbd: {  	[sflag:s31] =	ssyncset.done $0x0  }
0xbe: {  	s16 =	simm.s32 $0xA0;
	[sflag:s31] =	ssyncadd.s32 $0xFFFFFF00  }
.LBB2_2:
0xbf: {  	[tilespmem:s0], [sflag:$0x7] =	stream.indirect.gather [hbm4b:s5+s30], $0x10, s23, s30, $0xb8;
	[tilespmem:$0x5500] =	vst v63  }
0xc0: {  	_ =	swait.ge [sflag:s2], $0x800  }
0xc1: {  	[sflag:s2] =	ssyncset.done $0x0  }
0xc2: {  	[sflag:s2] =	ssyncadd.s32 $0xFFFFF800  }
0xc3: {  	[spmem:s3] =	stream.indirect.scatter.add.f32 [tilespmem:s26], [sflag:$0xB], $0x10, s30, s30, $0xb8;
	[tilespmem:$0x5500] =	vst v63  }
0xc4: {  	_ =	swait.ge [sflag:s28], $0x800  }
0xc5: {  	s21 =	smov.u32 s16;
	s9 =	rddreg [dreg:$0x4]  }
0xc6: {  	[sflag:s28] =	ssyncset.done $0x0;
	s21 =	sadd.s32 s21, s9  }
0xc7: {  	[sflag:s28] =	ssyncadd.s32 $0xFFFFF800;
	s9 =	sadd.s32 $0x100, s21  }
0xc8: {  	[tilespmem:s1], [sflag:$0x4] =	stream.linear.gather [hbm4b:s9+s4], $0x100, $0x38;
	[tilespmem:$0x5500] =	vst v63  }
0xc9: {  	_ =	swait.ge [sflag:s7], $0x100  }
0xca: {  	[sflag:s7] =	ssyncset.done $0x0  }
0xcb: {  	[sflag:s7] =	ssyncadd.s32 $0xFFFFFF00  }
0xcc: {  	[tilespmem:s8], [sflag:$0x8] =	stream.indirect.gather [hbm4b:s5+s30], $0x10, s24, s30, $0xb8;
	[tilespmem:$0x5500] =	vst v63  }
0xcd: {  	_ =	swait.ge [sflag:s10], $0x800  }
0xce: {  	[sflag:s10] =	ssyncset.done $0x0  }
0xcf: {  	s9 =	simm.s32 $0x180;
	[sflag:s10] =	ssyncadd.s32 $0xFFFFF800  }
0xd0: {  	[spmem:s3] =	stream.indirect.scatter.add.f32 [tilespmem:s0], [sflag:$0xC], $0x10, s9, s30, $0xb8;
	[tilespmem:$0x5500] =	vst v63  }
0xd1: {  	_ =	swait.ge [sflag:s11], $0x800  }
0xd2: {  	[sflag:s11] =	ssyncset.done $0x0  }
0xd3: {  	s9 =	sadd.s32 $0x120, s21;
	[sflag:s11] =	ssyncadd.s32 $0xFFFFF800  }
0xd4: {  	[tilespmem:s12], [sflag:$0x5] =	stream.linear.gather [hbm4b:s9+s4], $0x100, $0x38;
	[tilespmem:$0x5500] =	vst v63  }
0xd5: {  	_ =	swait.ge [sflag:s13], $0x100  }
0xd6: {  	[sflag:s13] =	ssyncset.done $0x0  }
0xd7: {  	[sflag:s13] =	ssyncadd.s32 $0xFFFFFF00  }
0xd8: {  	[tilespmem:s14], [sflag:$0x9] =	stream.indirect.gather [hbm4b:s5+s30], $0x10, s1, s30, $0xb8;
	[tilespmem:$0x5500] =	vst v63  }
0xd9: {  	_ =	swait.ge [sflag:s15], $0x800  }
0xda: {  	[sflag:s15] =	ssyncset.done $0x0  }
0xdb: {  	s9 =	simm.s32 $0x280;
	[sflag:s15] =	ssyncadd.s32 $0xFFFFF800  }
0xdc: {  	[spmem:s3] =	stream.indirect.scatter.add.f32 [tilespmem:s8], [sflag:$0xD], $0x10, s9, s30, $0xb8;
	[tilespmem:$0x5500] =	vst v63  }
0xdd: {  	_ =	swait.ge [sflag:s17], $0x800  }
0xde: {  	[sflag:s17] =	ssyncset.done $0x0  }
0xdf: {  	s9 =	sadd.s32 $0x140, s21;
	[sflag:s17] =	ssyncadd.s32 $0xFFFFF800  }
0xe0: {  	[tilespmem:s4], [sflag:$0x1] =	stream.linear.gather [hbm4b:s9+s4], $0x100, $0x38;
	[tilespmem:$0x5500] =	vst v63  }
0xe1: {  	_ =	swait.ge [sflag:s18], $0x100  }
0xe2: {  	[sflag:s18] =	ssyncset.done $0x0  }
0xe3: {  	[sflag:s18] =	ssyncadd.s32 $0xFFFFFF00  }
0xe4: {  	[tilespmem:s19], [sflag:$0xA] =	stream.indirect.gather [hbm4b:s5+s30], $0x10, s12, s30, $0xb8;
	[tilespmem:$0x5500] =	vst v63  }
0xe5: {  	_ =	swait.ge [sflag:s20], $0x800  }
0xe6: {  	[sflag:s20] =	ssyncset.done $0x0  }
0xe7: {  	s9 =	simm.s32 $0x380;
	[sflag:s20] =	ssyncadd.s32 $0xFFFFF800  }
0xe8: {  	[spmem:s3] =	stream.indirect.scatter.add.f32 [tilespmem:s14], [sflag:$0xE], $0x10, s9, s30, $0xb8;
	[tilespmem:$0x5500] =	vst v63  }
0xe9: {  	_ =	swait.ge [sflag:s22], $0x800  }
0xea: {  	[sflag:s22] =	ssyncset.done $0x0  }
0xeb: {  	s9 =	sadd.s32 $0x160, s21;
	[sflag:s22] =	ssyncadd.s32 $0xFFFFF800  }
0xec: {  	[tilespmem:s23], [sflag:$0x2] =	stream.linear.gather [hbm4b:s9+s4], $0x100, $0x38;
	[tilespmem:$0x5500] =	vst v63  }
0xed: {  	_ =	swait.ge [sflag:s29], $0x100  }
0xee: {  	[sflag:s29] =	ssyncset.done $0x0  }
0xef: {  	[sflag:s29] =	ssyncadd.s32 $0xFFFFFF00  }
0xf0: {  	[tilespmem:s26], [sflag:$0x6] =	stream.indirect.gather [hbm4b:s5+s30], $0x10, s4, s30, $0xb8;
	[tilespmem:$0x5500] =	vst v63  }
0xf1: {  	_ =	swait.ge [sflag:s25], $0x800  }
0xf2: {  	[sflag:s25] =	ssyncset.done $0x0  }
0xf3: {  	s9 =	simm.s32 $0x480;
	[sflag:s25] =	ssyncadd.s32 $0xFFFFF800  }
0xf4: {  	[spmem:s3] =	stream.indirect.scatter.add.f32 [tilespmem:s19], [sflag:$0xF], $0x10, s9, s30, $0xb8;
	[tilespmem:$0x5500] =	vst v63  }
0xf5: {  	_ =	swait.ge [sflag:s6], $0x800  }
0xf6: {  	p0 =	sne.s32 s16, $0x820;
	[sflag:s6] =	ssyncset.done $0x0  }
.Ltmp0:
0xf7: {  	s21 =	sadd.s32 $0x180, s21;
	[sflag:s6] =	ssyncadd.s32 $0xFFFFF800;
	(pc) =	sbr.rel @p0 .LBB2_2-.Ltmp0, $4  }
0xf8: {  	[tilespmem:s24], [sflag:$0x3] =	stream.linear.gather [hbm4b:s21+s4], $0x100, $0x38;
	[tilespmem:$0x5500] =	vst v63  }
0xf9: {  	_ =	swait.ge [sflag:s31], $0x100  }
0xfa: {  	[sflag:s31] =	ssyncset.done $0x0  }
0xfb: {  	s16 =	sadd.s32 $0xA0, s16;
	[sflag:s31] =	ssyncadd.s32 $0xFFFFFF00  }
0xfc: {  	[tilespmem:s0], [sflag:$0x7] =	stream.indirect.gather [hbm4b:s5+s30], $0x10, s23, s30, $0xb8;
	[tilespmem:$0x5500] =	vst v63  }
0xfd: {  	_ =	swait.ge [sflag:s2], $0x800  }
0xfe: {  	[sflag:s2] =	ssyncset.done $0x0  }
0xff: {  	[sflag:s2] =	ssyncadd.s32 $0xFFFFF800  }
0x100: {  	[spmem:s3] =	stream.indirect.scatter.add.f32 [tilespmem:s26], [sflag:$0xB], $0x10, s30, s30, $0xb8;
	[tilespmem:$0x5500] =	vst v63  }
0x101: {  	_ =	swait.ge [sflag:s28], $0x800  }
0x102: {  	[sflag:s28] =	ssyncset.done $0x0  }
0x103: {  	s9 =	rddreg [dreg:$0xe];
	[sflag:s28] =	ssyncadd.s32 $0xFFFFF800  }
0x104: {  	[tilespmem:s1], [sflag:$0x4] =	stream.linear.gather [hbm4b:s9+s4], $0x100, $0x38;
	[tilespmem:$0x5500] =	vst v63  }
0x105: {  	_ =	swait.ge [sflag:s7], $0x100  }
0x106: {  	[sflag:s7] =	ssyncset.done $0x0  }
0x107: {  	[sflag:s7] =	ssyncadd.s32 $0xFFFFFF00  }
0x108: {  	[tilespmem:s8], [sflag:$0x8] =	stream.indirect.gather [hbm4b:s5+s30], $0x10, s24, s30, $0xb8;
	[tilespmem:$0x5500] =	vst v63  }
0x109: {  	_ =	swait.ge [sflag:s10], $0x800  }
0x10a: {  	[sflag:s10] =	ssyncset.done $0x0  }
0x10b: {  	s16 =	simm.s32 $0x180;
	[sflag:s10] =	ssyncadd.s32 $0xFFFFF800  }
0x10c: {  	[spmem:s3] =	stream.indirect.scatter.add.f32 [tilespmem:s0], [sflag:$0xC], $0x10, s16, s30, $0xb8;
	[tilespmem:$0x5500] =	vst v63  }
0x10d: {  	_ =	swait.ge [sflag:s11], $0x800  }
0x10e: {  	[sflag:s11] =	ssyncset.done $0x0  }
0x10f: {  	s21 =	rddreg [dreg:$0xf];
	[sflag:s11] =	ssyncadd.s32 $0xFFFFF800  }
0x110: {  	[tilespmem:s12], [sflag:$0x5] =	stream.linear.gather [hbm4b:s21+s4], $0x100, $0x38;
	[tilespmem:$0x5500] =	vst v63  }
0x111: {  	_ =	swait.ge [sflag:s13], $0x100  }
0x112: {  	[sflag:s13] =	ssyncset.done $0x0  }
0x113: {  	[sflag:s13] =	ssyncadd.s32 $0xFFFFFF00  }
0x114: {  	[tilespmem:s14], [sflag:$0x9] =	stream.indirect.gather [hbm4b:s5+s30], $0x10, s1, s30, $0xb8;
	[tilespmem:$0x5500] =	vst v63  }
0x115: {  	_ =	swait.ge [sflag:s15], $0x800  }
0x116: {  	[sflag:s15] =	ssyncset.done $0x0  }
0x117: {  	s16 =	simm.s32 $0x280;
	[sflag:s15] =	ssyncadd.s32 $0xFFFFF800  }
0x118: {  	[spmem:s3] =	stream.indirect.scatter.add.f32 [tilespmem:s8], [sflag:$0xD], $0x10, s16, s30, $0xb8;
	[tilespmem:$0x5500] =	vst v63  }
0x119: {  	_ =	swait.ge [sflag:s18], $0x100  }
0x11a: {  	[sflag:s18] =	ssyncset.done $0x0  }
0x11b: {  	[sflag:s18] =	ssyncadd.s32 $0xFFFFFF00  }
0x11c: {  	[tilespmem:s19], [sflag:$0xA] =	stream.indirect.gather [hbm4b:s5+s30], $0x10, s12, s30, $0xb8;
	[tilespmem:$0x5500] =	vst v63  }
0x11d: {  	_ =	swait.ge [sflag:s20], $0x800  }
0x11e: {  	[sflag:s20] =	ssyncset.done $0x0  }
0x11f: {  	s21 =	simm.s32 $0x380;
	[sflag:s20] =	ssyncadd.s32 $0xFFFFF800  }
0x120: {  	[spmem:s3] =	stream.indirect.scatter.add.f32 [tilespmem:s14], [sflag:$0xE], $0x10, s21, s30, $0xb8;
	[tilespmem:$0x5500] =	vst v63  }
0x121: {  	_ =	swait.ge [sflag:s25], $0x800  }
0x122: {  	[sflag:s25] =	ssyncset.done $0x0  }
0x123: {  	s16 =	simm.s32 $0x480;
	[sflag:s25] =	ssyncadd.s32 $0xFFFFF800  }
0x124: {  	[spmem:s3] =	stream.indirect.scatter.add.f32 [tilespmem:s19], [sflag:$0xF], $0x10, s16, s30, $0xb8;
	[tilespmem:$0x5500] =	vst v63  }
0x125: {  	_ =	swait.ge [sflag:s17], $0x800  }
0x126: {  	[sflag:s17] =	ssyncset.done $0x0  }
0x127: {  	[sflag:s17] =	ssyncadd.s32 $0xFFFFF800  }
0x128: {  	_ =	swait.ge [sflag:s22], $0x800  }
0x129: {  	[sflag:s22] =	ssyncset.done $0x0  }
0x12a: {  	[sflag:s22] =	ssyncadd.s32 $0xFFFFF800  }
0x12b: {  	_ =	swait.ge [sflag:s6], $0x800  }
0x12c: {  	[sflag:s6] =	ssyncset.done $0x0  }
0x12d: {  	[sflag:s6] =	ssyncadd.s32 $0xFFFFF800  }
0x12e: {  	_ =	swait.ge [sflag:s28], $0x800  }
0x12f: {  	[sflag:s28] =	ssyncset.done $0x0  }
0x130: {  	[sflag:s28] =	ssyncadd.s32 $0xFFFFF800  }
0x131: {  	_ =	swait.ge [sflag:s11], $0x800  }
0x132: {  	[sflag:s11] =	ssyncset.done $0x0  }
0x133: {  	[sflag:s11] =	ssyncadd.s32 $0xFFFFF800  }
0x134: {  	s21 =	stileid.u32;
	[bflag:$0x0] =	sbarrier.arrive $0xFFFF  }
0x135: {  	s9 =	sshll.u32 s21, $0x6;
	s16 =	rddreg [dreg:$0x14]  }
0x136: {  	s9 =	sor.u32 $0x1C10, s9;
	s21 =	rddreg [dreg:$0x16]  }
0x137: {  	[hbm:s16], [sflag:s9] =	dma.local [spmem:s21], $0x500  }
0x138: {  	s16 =	simm.s32 $0x10  }
0x139: {  	_ =	swait.ge [sflag:s16], $0x500  }
0x13a: {  	s9 =	rddreg [dreg:$0x17]  }
0x13b: {  	s21 =	sadd.s32 $0x1, s9;
	s9 =	rddreg [dreg:$0x10]  }
0x13c: {  	p0 =	sne.s32 s21, s9  }
.Ltmp1:
0x13d: {  	_ = 	snop;
	(pc) =	sbr.rel @p0 .LBB2_1-.Ltmp1, $3  }
0x13e: {  	_ =	sdelay $0x1  }
0x13f: {  	[sflag:s16] =	ssyncset.done $0x0  }
0x140: {  	[sflag:s16] =	ssyncadd.s32 $0xFFFFFB00  }
0x141: {  	_ =	sfence.sel $0x180000  }
0x142: {  	[bflag:$0x0] =	sbarrier.arrive $0xFFFF  }
0x143: {  	_ =	strace $0x9000004A  }
0x144: {  	s0 =	stileid.u32;
	[bflag:$0x2] =	sbarrier.arrive $0xFFFF  }
0x145: {  	p0 =	sne.s32 s0, $0x0;
	s0 =	rddreg [dreg:$0x3]  }
0x146: {  	s0 =	sadd.s32 @!p0 $0x100000, s0  }
0x147: {  	[sflag:s0] =	ssyncadd.tile.s32 @!p0 $0x1;
	_ =	shalt  }
.Lfunc_end2:
_tile_overlayer_lowered:
.L_overlay_start_2:
0x148: {  	(tag) =	ssettag $0x2  }
0x149: {  	s0 =	rddreg [dreg:$0x0];
	s2 =	stileid.u32  }
0x14a: {  	s1 =	rddreg [dreg:$0x1];
	p0 =	sne.s32 s2, $0x0  }
0x14b: {  	s3 =	rddreg [dreg:$0x2];
	[bflag:$0x3] =	sbarrier.arrive $0xFFFF;
	s2 =	simm.s32 @!p0 $0x1C10  }
0x14c: {  	[timem:s3], [sflag:s2] =	dma.local @!p0 [hbm:s0], s1  }
0x14d: {  	s0 =	simm.s32 @!p0 $0x10  }
0x14e: {  	_ =	swait.ge @!p0 [sflag:s0], s1  }
0x14f: {  	s1 =	ssub.s32 @!p0 $0x0, s1;
	[sflag:s0] =	ssyncset.done @!p0 $0x0  }
0x150: {  	[sflag:s0] =	ssyncadd.s32 @!p0 s1  }
0x151: {  	[bflag:$0x3] =	sbarrier.arrive $0xFFFF  }
0x152: {  	_ =	shalt  }

</sc_bundles>
